<compile_context>
chip_gen: v7x
topology: tpu7x:2x2x1
jax: 0.10.2.dev20260603
libtpu: 0.0.44.dev20260713+nightly
codegen_flags: <defaults>
</compile_context>

<pallas_src>
import functools

import jax
import jax.numpy as jnp
from jax import lax
from jax.experimental import pallas as pl
from jax.experimental.pallas import tpu as pltpu
from jax.experimental.pallas import tpu_sc as plsc

B, T, D = 4, 8192, 768
K = max(1, T // 10)
EMPH = 1.5
TT = 4096
NT = T // TT


def _k1_body(x_ref, w_ref, b_ref, u_ref, s1_ref, stats_ref, uall_ref):
    bb = pl.program_id(0)
    t = pl.program_id(1)
    xb = x_ref[0]
    wv = w_ref[...]
    e = lax.dot_general(wv, xb, (((1,), (1,)), ((), ())),
                        preferred_element_type=jnp.float32)
    u = jnp.exp(jnp.tanh(e + b_ref[0]))
    u_ref[0] = u
    uall_ref[pl.ds(bb * NT + t, 1), :] = u
    s1 = lax.dot_general(u, xb, (((1,), (0,)), ((), ())),
                         preferred_element_type=jnp.float32)

    @pl.when(t == 0)
    def _():
        s1_ref[0] = s1

    @pl.when(t != 0)
    def _():
        s1_ref[0] = s1_ref[0] + s1

    @pl.when((bb == B - 1) & (t == NT - 1))
    def _():
        rows = uall_ref[...].reshape(B, NT, TT)
        bits = lax.bitcast_convert_type(rows, jnp.int32)
        z = jnp.sum(rows, axis=(1, 2), keepdims=True)

        def step(_, lohi):
            lo, hi = lohi
            mid = lo + (hi - lo) // 2
            c = jnp.sum(jnp.where(bits >= mid, 1, 0), axis=(1, 2),
                        keepdims=True)
            big = c >= K
            return jnp.where(big, mid, lo), jnp.where(big, hi, mid)

        lo0 = jnp.zeros((B, 1, 1), jnp.int32)
        hi0 = jnp.full((B, 1, 1), 0x7F800000, jnp.int32)
        lo, _ = lax.fori_loop(0, 31, step, (lo0, hi0))
        th = lax.bitcast_convert_type(lo, jnp.float32)
        for b in range(B):
            stats_ref[0, b] = th[b, 0, 0]
            stats_ref[1, b] = 1.0 / z[b, 0, 0]


def _k1(x, wrow, bvec):
    return pl.pallas_call(
        _k1_body,
        grid=(B, NT),
        in_specs=[
            pl.BlockSpec((1, TT, D), lambda b, t: (b, t, 0)),
            pl.BlockSpec((1, D), lambda b, t: (0, 0)),
            pl.BlockSpec(memory_space=pltpu.SMEM),
        ],
        out_specs=[
            pl.BlockSpec((1, 1, TT), lambda b, t: (b, 0, t)),
            pl.BlockSpec((1, 1, D), lambda b, t: (b, 0, 0)),
            pl.BlockSpec((2, B), lambda b, t: (0, 0),
                         memory_space=pltpu.SMEM),
        ],
        out_shape=[
            jax.ShapeDtypeStruct((B, 1, T), jnp.float32),
            jax.ShapeDtypeStruct((B, 1, D), jnp.float32),
            jax.ShapeDtypeStruct((2, B), jnp.float32),
        ],
        scratch_shapes=[pltpu.VMEM((B * NT, TT), jnp.float32)],
        compiler_params=pltpu.CompilerParams(
            dimension_semantics=("arbitrary", "arbitrary")),
    )(x, wrow, bvec)


NC, NS = 2, 16
NW = NC * NS
SPB = NW // B
CH = T // SPB
G = 8
NV = CH // 16


def _k3_sc_body(xf_hbm, uf_hbm, th_hbm, out_hbm,
                u_v, idx_v, w_v, acc_v, rows0_v, rows1_v, th_v,
                sem0, sem1):
    wid = lax.axis_index("c") * NS + lax.axis_index("s")
    b = wid // SPB
    base = b * T + (wid % SPB) * CH

    pltpu.sync_copy(uf_hbm.at[pl.ds(base, CH)], u_v)
    pltpu.sync_copy(th_hbm, th_v.at[pl.ds(0, 32)])
    thb = th_v[pl.ds(b, 16)][0]

    zf = jnp.zeros((16,), jnp.float32)
    zi = jnp.zeros((16,), jnp.int32)
    for j in range(NV + 1):
        idx_v[pl.ds(j * 16, 16)] = zi
        w_v[pl.ds(j * 16, 16)] = zf

    lane = lax.iota(jnp.int32, 16)

    def compact(i, pos):
        uv = u_v[pl.ds(i * 16, 16)]
        mask = uv >= thb
        pc = plsc.cumsum(jnp.where(mask, 1, 0).astype(jnp.int32))
        pos_lane = pos + pc - 1
        plsc.store_scatter(idx_v, [pos_lane], base + i * 16 + lane,
                           mask=mask)
        plsc.store_scatter(w_v, [pos_lane], uv, mask=mask)
        return pos + jnp.max(pc)

    n = lax.fori_loop(0, NV, compact, jnp.int32(0))
    nch = (n + G - 1) // G

    rows = (rows0_v, rows1_v)
    sems = (sem0, sem1)

    def fire(c, k):
        pltpu.async_copy(xf_hbm.at[idx_v.at[pl.ds(c * G, G)]], rows[k],
                         sems[k])

    @pl.when(nch > 0)
    def _():
        fire(0, 0)

    NJ = D // 16
    zacc = tuple(zf for _ in range(NJ))

    def chunk(c, accs):
        k = lax.rem(c, 2)
        @pl.when(c + 1 < nch)
        def _():
            lax.cond(k == 0,
                     lambda: fire(c + 1, 1),
                     lambda: fire(c + 1, 0))

        nrows = jnp.minimum(n - c * G, G)

        def accum(r, accs, rv):
            wq = w_v[pl.ds(c * G + r, 16)][0]
            return tuple(a + wq * rv[r, pl.ds(j * 16, 16)]
                         for j, a in enumerate(accs))

        def body(rv, sem):
            pltpu.make_async_copy(xf_hbm.at[idx_v.at[pl.ds(c * G, G)]],
                                  rv, sem).wait()
            return lax.fori_loop(
                0, nrows, lambda r, a: accum(r, a, rv), accs)

        return lax.cond(k == 0,
                        lambda: body(rows0_v, sem0),
                        lambda: body(rows1_v, sem1))

    accs = lax.fori_loop(0, nch, chunk, zacc)
    for j in range(NJ):
        acc_v[0, pl.ds(j * 16, 16)] = accs[j]
    pltpu.sync_copy(acc_v, out_hbm.at[pl.ds(wid, 1)])


def _k3_sc(stats, x, u):
    xf = x.reshape(B * T, D)
    uf = u.reshape(B * T)
    pad = jnp.zeros((16 - B,), jnp.float32)
    stats32 = jnp.concatenate([stats[0], pad, stats[1], pad])
    mesh = plsc.VectorSubcoreMesh(core_axis_name="c", subcore_axis_name="s")
    f = pl.kernel(
        _k3_sc_body,
        mesh=mesh,
        compiler_params=pltpu.CompilerParams(needs_layout_passes=False),
        out_type=jax.ShapeDtypeStruct((NW, D), jnp.float32),
        scratch_types=[
            pltpu.VMEM((CH,), jnp.float32),
            pltpu.VMEM((CH + 16,), jnp.int32),
            pltpu.VMEM((CH + 16,), jnp.float32),
            pltpu.VMEM((1, D), jnp.float32),
            pltpu.VMEM((G, D), jnp.float32),
            pltpu.VMEM((G, D), jnp.float32),
            pltpu.VMEM((48,), jnp.float32),
            pltpu.SemaphoreType.DMA,
            pltpu.SemaphoreType.DMA,
        ],
    )
    return f(xf, uf, stats32)


def _k4_body(stats_ref, s1_ref, p_ref, out_ref):
    for b in range(B):
        invz = stats_ref[1, b]
        s2 = jnp.sum(p_ref[b * SPB:(b + 1) * SPB], axis=0, keepdims=True)
        out_ref[b] = (s1_ref[b] + (EMPH - 1.0) * s2) * invz


def _k4(stats, s1, partials):
    return pl.pallas_call(
        _k4_body,
        in_specs=[
            pl.BlockSpec(memory_space=pltpu.SMEM),
            pl.BlockSpec(memory_space=pltpu.VMEM),
            pl.BlockSpec(memory_space=pltpu.VMEM),
        ],
        out_shape=jax.ShapeDtypeStruct((B, 1, D), jnp.float32),
    )(stats, s1, partials)


def kernel(x, W, b):
    wrow = W.reshape(1, D)
    u, s1, stats = _k1(x, wrow, b)
    partials = _k3_sc(stats, x, u)
    return _k4(stats, s1, partials)

# --- scband reference (transcript-rebuilt; emitter-appended) ---
"""Pipeline reference for scband-custom-attention-layer-14851996910072 (READ-ONLY COPY).

The authoritative reference and input builder live on the scoring server;
editing this copy changes nothing except your own understanding.
"""

import jax, jax.numpy as jnp
import numpy as np

B, T, D = 4, 8192, 768
EMPHASIS = 1.5

def setup_inputs(seed: int = 0) -> dict:
    key = jax.random.key(seed)
    k1, k2, k3 = jax.random.split(key, 3)
    x = jax.random.normal(k1, (B, T, D), dtype=jnp.float32)
    # glorot_uniform for W: shape (D, 1)
    limit = np.sqrt(6.0 / (D + 1))
    W = jax.random.uniform(k2, (D, 1), dtype=jnp.float32, minval=-limit, maxval=limit)
    b = jnp.zeros((1,), dtype=jnp.float32)
    return {"x": x, "W": W, "b": b}

def reference(x, W, b):
    # e = tanh(x @ W + b), shape [B, T, 1]
    e = jnp.tanh(jnp.einsum('btd,do->bto', x, W) + b)
    # softmax over time axis
    a = jax.nn.softmax(e, axis=1)
    a_flat = jnp.squeeze(a, axis=-1)  # [B, T]
    Tdim = x.shape[1]
    k = max(1, int(Tdim * 0.1))
    top_vals, top_idx = jax.lax.top_k(a_flat, k)  # [B, k]
    range_row = jnp.arange(Tdim).reshape(1, 1, Tdim)
    mask_flat = jnp.any(top_idx[:, :, None] == range_row, axis=1)  # [B, T]
    mask = mask_flat[:, :, None]  # [B, T, 1]
    a_emph = jnp.where(mask, a * EMPHASIS, a)
    output = jnp.sum(x * a_emph, axis=1, keepdims=True)  # [B, 1, D]
    return output

if __name__ == "__main__":
    import jax
    _d = setup_inputs()
    print(jax.jit(kernel)(*tuple(_d.values())))

</pallas_src>

<mosaic_0001>
#map = affine_map<(d0, d1) -> (0, 0)>
#map1 = affine_map<(d0, d1) -> (0)>
module attributes {stable_mosaic.version = 14 : i64} {
  func.func @_k3_sc_body(%arg0: i32, %arg1: i32, %arg2: memref<32768x768xf32, #tpu.memory_space<hbm>>, %arg3: memref<32768xf32, #tpu.memory_space<hbm>>, %arg4: memref<32xf32, #tpu.memory_space<hbm>>, %arg5: memref<32x768xf32, #tpu.memory_space<hbm>>, %arg6: memref<1024xf32, #tpu.memory_space<vmem>>, %arg7: memref<1040xi32, #tpu.memory_space<vmem>>, %arg8: memref<1040xf32, #tpu.memory_space<vmem>>, %arg9: memref<1x768xf32, #tpu.memory_space<vmem>>, %arg10: memref<8x768xf32, #tpu.memory_space<vmem>>, %arg11: memref<8x768xf32, #tpu.memory_space<vmem>>, %arg12: memref<48xf32, #tpu.memory_space<vmem>>, %arg13: memref<!tpu.dma_semaphore, #tpu.memory_space<semaphore_mem>>, %arg14: memref<!tpu.dma_semaphore, #tpu.memory_space<semaphore_mem>>) attributes {dimension_semantics = [#tpu.dimension_semantics<core_parallel>, #tpu.dimension_semantics<subcore_parallel>], iteration_bounds = array<i64: 2, 16>, scalar_prefetch = 0 : i64, scratch_operands = 9 : i64, tpu.core_type = #tpu.core_type<sc_vector_subcore>, window_params = [{transform_indices = #map}, {transform_indices = #map1}, {transform_indices = #map1}, {transform_indices = #map}]} {
    %mul3A = arith.constant 16 : i32
    %mul3A_0 = arith.muli %arg0, %mul3A : i32
    %add3A = arith.addi %mul3A_0, %arg1 : i32
    %jit3A = arith.constant 8 : i32
    %div3A = arith.divsi %add3A, %jit3A : i32
    %sign3A = arith.constant 0 : i32
    %sign3A_1 = arith.cmpi sgt, %add3A, %sign3A : i32
    %sign3A_2 = arith.extui %sign3A_1 : i1 to i32
    %sign3A_3 = arith.constant 0 : i32
    %sign3A_4 = arith.cmpi slt, %add3A, %sign3A_3 : i32
    %sign3A_5 = arith.extui %sign3A_4 : i1 to i32
    %sign3A_6 = arith.subi %sign3A_2, %sign3A_5 : i32
    %sign3A_7 = arith.constant 0 : i32
    %sign3A_8 = arith.cmpi sgt, %jit3A, %sign3A_7 : i32
    %sign3A_9 = arith.extui %sign3A_8 : i1 to i32
    %sign3A_10 = arith.constant 0 : i32
    %sign3A_11 = arith.cmpi slt, %jit3A, %sign3A_10 : i32
    %sign3A_12 = arith.extui %sign3A_11 : i1 to i32
    %sign3A_13 = arith.subi %sign3A_9, %sign3A_12 : i32
    %ne3A = arith.cmpi ne, %sign3A_6, %sign3A_13 : i32
    %rem3A = arith.remsi %add3A, %jit3A : i32
    %ne3A_14 = arith.constant 0 : i32
    %ne3A_15 = arith.cmpi ne, %rem3A, %ne3A_14 : i32
    %and3A = arith.andi %ne3A, %ne3A_15 : i1
    %sub3A = arith.constant 1 : i32
    %sub3A_16 = arith.subi %div3A, %sub3A : i32
    %select_n3A = arith.select %and3A, %sub3A_16, %div3A : i32
    %mul3A_17 = arith.constant 8192 : i32
    %mul3A_18 = arith.muli %select_n3A, %mul3A_17 : i32
    %jit3A_19 = arith.constant 8 : i32
    %eq3A = arith.constant 0 : i32
    %eq3A_20 = arith.cmpi eq, %jit3A_19, %eq3A : i32
    %jit3A_21 = arith.constant 1 : i32
    %select_n3A_22 = arith.select %eq3A_20, %jit3A_21, %jit3A_19 : i32
    %rem3A_23 = arith.remsi %add3A, %select_n3A_22 : i32
    %ne3A_24 = arith.constant 0 : i32
    %ne3A_25 = arith.cmpi ne, %rem3A_23, %ne3A_24 : i32
    %lt3A = arith.constant 0 : i32
    %lt3A_26 = arith.cmpi slt, %rem3A_23, %lt3A : i32
    %lt3A_27 = arith.constant 0 : i32
    %lt3A_28 = arith.cmpi slt, %select_n3A_22, %lt3A_27 : i32
    %ne3A_29 = arith.xori %lt3A_26, %lt3A_28 : i1
    %and3A_30 = arith.andi %ne3A_29, %ne3A_25 : i1
    %add3A_31 = arith.addi %rem3A_23, %select_n3A_22 : i32
    %select_n3A_32 = arith.select %and3A_30, %add3A_31, %rem3A_23 : i32
    %mul3A_33 = arith.constant 1024 : i32
    %mul3A_34 = arith.muli %select_n3A_32, %mul3A_33 : i32
    %add3A_35 = arith.addi %mul3A_18, %mul3A_34 : i32
    "tpu.region"() ({
      %run_scoped3A = tpu.sem_alloc : memref<!tpu.dma_semaphore, #tpu.memory_space<semaphore_mem>>
      %dma_start3A = tpu.memref_slice %arg3[%add3A_35] : memref<32768xf32, #tpu.memory_space<hbm>> -> memref<1024xf32, #tpu.memory_space<hbm>>
      %dma_start3A_537 = tpu.memref_slice %arg3[%add3A_35] : memref<32768xf32, #tpu.memory_space<hbm>> -> memref<1024xf32, #tpu.memory_space<hbm>>
      tpu.enqueue_dma source(%dma_start3A_537 : memref<1024xf32, #tpu.memory_space<hbm>>) target(%arg6 : memref<1024xf32, #tpu.memory_space<vmem>>) target_semaphore(%run_scoped3A : memref<!tpu.dma_semaphore, #tpu.memory_space<semaphore_mem>>)
      %dma_wait3A = tpu.memref_slice %arg3[%add3A_35] : memref<32768xf32, #tpu.memory_space<hbm>> -> memref<1024xf32, #tpu.memory_space<hbm>>
      %dma_wait3A_538 = tpu.memref_slice %arg3[%add3A_35] : memref<32768xf32, #tpu.memory_space<hbm>> -> memref<1024xf32, #tpu.memory_space<hbm>>
      tpu.wait_dma2 semaphore(%run_scoped3A : memref<!tpu.dma_semaphore, #tpu.memory_space<semaphore_mem>>) src(%dma_wait3A_538 : memref<1024xf32, #tpu.memory_space<hbm>>) dst(%arg6 : memref<1024xf32, #tpu.memory_space<vmem>>)
      tpu.yield
    }) : () -> ()
    "tpu.region"() ({
      %run_scoped3A = tpu.sem_alloc : memref<!tpu.dma_semaphore, #tpu.memory_space<semaphore_mem>>
      %dma_start3A = arith.constant 0 : i32
      %dma_start3A_537 = tpu.memref_slice %arg12[%dma_start3A] : memref<48xf32, #tpu.memory_space<vmem>> -> memref<32xf32, #tpu.memory_space<vmem>>
      %dma_start3A_538 = arith.constant 0 : i32
      %dma_start3A_539 = tpu.memref_slice %arg12[%dma_start3A_538] : memref<48xf32, #tpu.memory_space<vmem>> -> memref<32xf32, #tpu.memory_space<vmem>>
      tpu.enqueue_dma source(%arg4 : memref<32xf32, #tpu.memory_space<hbm>>) target(%dma_start3A_539 : memref<32xf32, #tpu.memory_space<vmem>>) target_semaphore(%run_scoped3A : memref<!tpu.dma_semaphore, #tpu.memory_space<semaphore_mem>>)
      %dma_wait3A = arith.constant 0 : i32
      %dma_wait3A_540 = tpu.memref_slice %arg12[%dma_wait3A] : memref<48xf32, #tpu.memory_space<vmem>> -> memref<32xf32, #tpu.memory_space<vmem>>
      %dma_wait3A_541 = arith.constant 0 : i32
      %dma_wait3A_542 = tpu.memref_slice %arg12[%dma_wait3A_541] : memref<48xf32, #tpu.memory_space<vmem>> -> memref<32xf32, #tpu.memory_space<vmem>>
      tpu.wait_dma2 semaphore(%run_scoped3A : memref<!tpu.dma_semaphore, #tpu.memory_space<semaphore_mem>>) src(%arg4 : memref<32xf32, #tpu.memory_space<hbm>>) dst(%dma_wait3A_542 : memref<32xf32, #tpu.memory_space<vmem>>)
      tpu.yield
    }) : () -> ()
    %get3A = arith.index_cast %select_n3A : i32 to index
    %get3A_36 = tpu.vector_load %arg12[%get3A] {strides = array<i32>} : memref<48xf32, #tpu.memory_space<vmem>>, vector<16xf32>,
    %slice3A = vector.extract_strided_slice %get3A_36 {offsets = [0], sizes = [1], strides = [1]} : vector<16xf32> to vector<1xf32>
    %squeeze3A = vector.extract %slice3A[0] : f32 from vector<1xf32>
    %broadcast_in_dim3A = arith.constant 0.000000e+00 : f32
    %broadcast_in_dim3A_37 = vector.broadcast %broadcast_in_dim3A : f32 to vector<16xf32>
    %broadcast_in_dim3A_38 = arith.constant 0 : i32
    %broadcast_in_dim3A_39 = vector.broadcast %broadcast_in_dim3A_38 : i32 to vector<16xi32>
    %swap3A = arith.constant 0 : index
    %swap3A_40 = tpu.vector_load %arg7[%swap3A] {strides = array<i32>} : memref<1040xi32, #tpu.memory_space<vmem>>, vector<16xi32>,
    tpu.vector_store %arg7[%swap3A], %broadcast_in_dim3A_39 {strides = array<i32>} : memref<1040xi32, #tpu.memory_space<vmem>>, vector<16xi32>,
    %swap3A_41 = arith.constant 0 : index
    %swap3A_42 = tpu.vector_load %arg8[%swap3A_41] {strides = array<i32>} : memref<1040xf32, #tpu.memory_space<vmem>>, vector<16xf32>,
    tpu.vector_store %arg8[%swap3A_41], %broadcast_in_dim3A_37 {strides = array<i32>} : memref<1040xf32, #tpu.memory_space<vmem>>, vector<16xf32>,
    %swap3A_43 = arith.constant 16 : index
    %swap3A_44 = tpu.vector_load %arg7[%swap3A_43] {strides = array<i32>} : memref<1040xi32, #tpu.memory_space<vmem>>, vector<16xi32>,
    tpu.vector_store %arg7[%swap3A_43], %broadcast_in_dim3A_39 {strides = array<i32>} : memref<1040xi32, #tpu.memory_space<vmem>>, vector<16xi32>,
    %swap3A_45 = arith.constant 16 : index
    %swap3A_46 = tpu.vector_load %arg8[%swap3A_45] {strides = array<i32>} : memref<1040xf32, #tpu.memory_space<vmem>>, vector<16xf32>,
    tpu.vector_store %arg8[%swap3A_45], %broadcast_in_dim3A_37 {strides = array<i32>} : memref<1040xf32, #tpu.memory_space<vmem>>, vector<16xf32>,
    %swap3A_47 = arith.constant 32 : index
    %swap3A_48 = tpu.vector_load %arg7[%swap3A_47] {strides = array<i32>} : memref<1040xi32, #tpu.memory_space<vmem>>, vector<16xi32>,
    tpu.vector_store %arg7[%swap3A_47], %broadcast_in_dim3A_39 {strides = array<i32>} : memref<1040xi32, #tpu.memory_space<vmem>>, vector<16xi32>,
    %swap3A_49 = arith.constant 32 : index
    %swap3A_50 = tpu.vector_load %arg8[%swap3A_49] {strides = array<i32>} : memref<1040xf32, #tpu.memory_space<vmem>>, vector<16xf32>,
    tpu.vector_store %arg8[%swap3A_49], %broadcast_in_dim3A_37 {strides = array<i32>} : memref<1040xf32, #tpu.memory_space<vmem>>, vector<16xf32>,
    %swap3A_51 = arith.constant 48 : index
    %swap3A_52 = tpu.vector_load %arg7[%swap3A_51] {strides = array<i32>} : memref<1040xi32, #tpu.memory_space<vmem>>, vector<16xi32>,
    tpu.vector_store %arg7[%swap3A_51], %broadcast_in_dim3A_39 {strides = array<i32>} : memref<1040xi32, #tpu.memory_space<vmem>>, vector<16xi32>,
    %swap3A_53 = arith.constant 48 : index
    %swap3A_54 = tpu.vector_load %arg8[%swap3A_53] {strides = array<i32>} : memref<1040xf32, #tpu.memory_space<vmem>>, vector<16xf32>,
    tpu.vector_store %arg8[%swap3A_53], %broadcast_in_dim3A_37 {strides = array<i32>} : memref<1040xf32, #tpu.memory_space<vmem>>, vector<16xf32>,
    %swap3A_55 = arith.constant 64 : index
    %swap3A_56 = tpu.vector_load %arg7[%swap3A_55] {strides = array<i32>} : memref<1040xi32, #tpu.memory_space<vmem>>, vector<16xi32>,
    tpu.vector_store %arg7[%swap3A_55], %broadcast_in_dim3A_39 {strides = array<i32>} : memref<1040xi32, #tpu.memory_space<vmem>>, vector<16xi32>,
    %swap3A_57 = arith.constant 64 : index
    %swap3A_58 = tpu.vector_load %arg8[%swap3A_57] {strides = array<i32>} : memref<1040xf32, #tpu.memory_space<vmem>>, vector<16xf32>,
    tpu.vector_store %arg8[%swap3A_57], %broadcast_in_dim3A_37 {strides = array<i32>} : memref<1040xf32, #tpu.memory_space<vmem>>, vector<16xf32>,
    %swap3A_59 = arith.constant 80 : index
    %swap3A_60 = tpu.vector_load %arg7[%swap3A_59] {strides = array<i32>} : memref<1040xi32, #tpu.memory_space<vmem>>, vector<16xi32>,
    tpu.vector_store %arg7[%swap3A_59], %broadcast_in_dim3A_39 {strides = array<i32>} : memref<1040xi32, #tpu.memory_space<vmem>>, vector<16xi32>,
    %swap3A_61 = arith.constant 80 : index
    %swap3A_62 = tpu.vector_load %arg8[%swap3A_61] {strides = array<i32>} : memref<1040xf32, #tpu.memory_space<vmem>>, vector<16xf32>,
    tpu.vector_store %arg8[%swap3A_61], %broadcast_in_dim3A_37 {strides = array<i32>} : memref<1040xf32, #tpu.memory_space<vmem>>, vector<16xf32>,
    %swap3A_63 = arith.constant 96 : index
    %swap3A_64 = tpu.vector_load %arg7[%swap3A_63] {strides = array<i32>} : memref<1040xi32, #tpu.memory_space<vmem>>, vector<16xi32>,
    tpu.vector_store %arg7[%swap3A_63], %broadcast_in_dim3A_39 {strides = array<i32>} : memref<1040xi32, #tpu.memory_space<vmem>>, vector<16xi32>,
    %swap3A_65 = arith.constant 96 : index
    %swap3A_66 = tpu.vector_load %arg8[%swap3A_65] {strides = array<i32>} : memref<1040xf32, #tpu.memory_space<vmem>>, vector<16xf32>,
    tpu.vector_store %arg8[%swap3A_65], %broadcast_in_dim3A_37 {strides = array<i32>} : memref<1040xf32, #tpu.memory_space<vmem>>, vector<16xf32>,
    %swap3A_67 = arith.constant 112 : index
    %swap3A_68 = tpu.vector_load %arg7[%swap3A_67] {strides = array<i32>} : memref<1040xi32, #tpu.memory_space<vmem>>, vector<16xi32>,
    tpu.vector_store %arg7[%swap3A_67], %broadcast_in_dim3A_39 {strides = array<i32>} : memref<1040xi32, #tpu.memory_space<vmem>>, vector<16xi32>,
    %swap3A_69 = arith.constant 112 : index
    %swap3A_70 = tpu.vector_load %arg8[%swap3A_69] {strides = array<i32>} : memref<1040xf32, #tpu.memory_space<vmem>>, vector<16xf32>,
    tpu.vector_store %arg8[%swap3A_69], %broadcast_in_dim3A_37 {strides = array<i32>} : memref<1040xf32, #tpu.memory_space<vmem>>, vector<16xf32>,
    %swap3A_71 = arith.constant 128 : index
    %swap3A_72 = tpu.vector_load %arg7[%swap3A_71] {strides = array<i32>} : memref<1040xi32, #tpu.memory_space<vmem>>, vector<16xi32>,
    tpu.vector_store %arg7[%swap3A_71], %broadcast_in_dim3A_39 {strides = array<i32>} : memref<1040xi32, #tpu.memory_space<vmem>>, vector<16xi32>,
    %swap3A_73 = arith.constant 128 : index
    %swap3A_74 = tpu.vector_load %arg8[%swap3A_73] {strides = array<i32>} : memref<1040xf32, #tpu.memory_space<vmem>>, vector<16xf32>,
    tpu.vector_store %arg8[%swap3A_73], %broadcast_in_dim3A_37 {strides = array<i32>} : memref<1040xf32, #tpu.memory_space<vmem>>, vector<16xf32>,
    %swap3A_75 = arith.constant 144 : index
    %swap3A_76 = tpu.vector_load %arg7[%swap3A_75] {strides = array<i32>} : memref<1040xi32, #tpu.memory_space<vmem>>, vector<16xi32>,
    tpu.vector_store %arg7[%swap3A_75], %broadcast_in_dim3A_39 {strides = array<i32>} : memref<1040xi32, #tpu.memory_space<vmem>>, vector<16xi32>,
    %swap3A_77 = arith.constant 144 : index
    %swap3A_78 = tpu.vector_load %arg8[%swap3A_77] {strides = array<i32>} : memref<1040xf32, #tpu.memory_space<vmem>>, vector<16xf32>,
    tpu.vector_store %arg8[%swap3A_77], %broadcast_in_dim3A_37 {strides = array<i32>} : memref<1040xf32, #tpu.memory_space<vmem>>, vector<16xf32>,
    %swap3A_79 = arith.constant 160 : index
    %swap3A_80 = tpu.vector_load %arg7[%swap3A_79] {strides = array<i32>} : memref<1040xi32, #tpu.memory_space<vmem>>, vector<16xi32>,
    tpu.vector_store %arg7[%swap3A_79], %broadcast_in_dim3A_39 {strides = array<i32>} : memref<1040xi32, #tpu.memory_space<vmem>>, vector<16xi32>,
    %swap3A_81 = arith.constant 160 : index
    %swap3A_82 = tpu.vector_load %arg8[%swap3A_81] {strides = array<i32>} : memref<1040xf32, #tpu.memory_space<vmem>>, vector<16xf32>,
    tpu.vector_store %arg8[%swap3A_81], %broadcast_in_dim3A_37 {strides = array<i32>} : memref<1040xf32, #tpu.memory_space<vmem>>, vector<16xf32>,
    %swap3A_83 = arith.constant 176 : index
    %swap3A_84 = tpu.vector_load %arg7[%swap3A_83] {strides = array<i32>} : memref<1040xi32, #tpu.memory_space<vmem>>, vector<16xi32>,
    tpu.vector_store %arg7[%swap3A_83], %broadcast_in_dim3A_39 {strides = array<i32>} : memref<1040xi32, #tpu.memory_space<vmem>>, vector<16xi32>,
    %swap3A_85 = arith.constant 176 : index
    %swap3A_86 = tpu.vector_load %arg8[%swap3A_85] {strides = array<i32>} : memref<1040xf32, #tpu.memory_space<vmem>>, vector<16xf32>,
    tpu.vector_store %arg8[%swap3A_85], %broadcast_in_dim3A_37 {strides = array<i32>} : memref<1040xf32, #tpu.memory_space<vmem>>, vector<16xf32>,
    %swap3A_87 = arith.constant 192 : index
    %swap3A_88 = tpu.vector_load %arg7[%swap3A_87] {strides = array<i32>} : memref<1040xi32, #tpu.memory_space<vmem>>, vector<16xi32>,
    tpu.vector_store %arg7[%swap3A_87], %broadcast_in_dim3A_39 {strides = array<i32>} : memref<1040xi32, #tpu.memory_space<vmem>>, vector<16xi32>,
    %swap3A_89 = arith.constant 192 : index
    %swap3A_90 = tpu.vector_load %arg8[%swap3A_89] {strides = array<i32>} : memref<1040xf32, #tpu.memory_space<vmem>>, vector<16xf32>,
    tpu.vector_store %arg8[%swap3A_89], %broadcast_in_dim3A_37 {strides = array<i32>} : memref<1040xf32, #tpu.memory_space<vmem>>, vector<16xf32>,
    %swap3A_91 = arith.constant 208 : index
    %swap3A_92 = tpu.vector_load %arg7[%swap3A_91] {strides = array<i32>} : memref<1040xi32, #tpu.memory_space<vmem>>, vector<16xi32>,
    tpu.vector_store %arg7[%swap3A_91], %broadcast_in_dim3A_39 {strides = array<i32>} : memref<1040xi32, #tpu.memory_space<vmem>>, vector<16xi32>,
    %swap3A_93 = arith.constant 208 : index
    %swap3A_94 = tpu.vector_load %arg8[%swap3A_93] {strides = array<i32>} : memref<1040xf32, #tpu.memory_space<vmem>>, vector<16xf32>,
    tpu.vector_store %arg8[%swap3A_93], %broadcast_in_dim3A_37 {strides = array<i32>} : memref<1040xf32, #tpu.memory_space<vmem>>, vector<16xf32>,
    %swap3A_95 = arith.constant 224 : index
    %swap3A_96 = tpu.vector_load %arg7[%swap3A_95] {strides = array<i32>} : memref<1040xi32, #tpu.memory_space<vmem>>, vector<16xi32>,
    tpu.vector_store %arg7[%swap3A_95], %broadcast_in_dim3A_39 {strides = array<i32>} : memref<1040xi32, #tpu.memory_space<vmem>>, vector<16xi32>,
    %swap3A_97 = arith.constant 224 : index
    %swap3A_98 = tpu.vector_load %arg8[%swap3A_97] {strides = array<i32>} : memref<1040xf32, #tpu.memory_space<vmem>>, vector<16xf32>,
    tpu.vector_store %arg8[%swap3A_97], %broadcast_in_dim3A_37 {strides = array<i32>} : memref<1040xf32, #tpu.memory_space<vmem>>, vector<16xf32>,
    %swap3A_99 = arith.constant 240 : index
    %swap3A_100 = tpu.vector_load %arg7[%swap3A_99] {strides = array<i32>} : memref<1040xi32, #tpu.memory_space<vmem>>, vector<16xi32>,
    tpu.vector_store %arg7[%swap3A_99], %broadcast_in_dim3A_39 {strides = array<i32>} : memref<1040xi32, #tpu.memory_space<vmem>>, vector<16xi32>,
    %swap3A_101 = arith.constant 240 : index
    %swap3A_102 = tpu.vector_load %arg8[%swap3A_101] {strides = array<i32>} : memref<1040xf32, #tpu.memory_space<vmem>>, vector<16xf32>,
    tpu.vector_store %arg8[%swap3A_101], %broadcast_in_dim3A_37 {strides = array<i32>} : memref<1040xf32, #tpu.memory_space<vmem>>, vector<16xf32>,
    %swap3A_103 = arith.constant 256 : index
    %swap3A_104 = tpu.vector_load %arg7[%swap3A_103] {strides = array<i32>} : memref<1040xi32, #tpu.memory_space<vmem>>, vector<16xi32>,
    tpu.vector_store %arg7[%swap3A_103], %broadcast_in_dim3A_39 {strides = array<i32>} : memref<1040xi32, #tpu.memory_space<vmem>>, vector<16xi32>,
    %swap3A_105 = arith.constant 256 : index
    %swap3A_106 = tpu.vector_load %arg8[%swap3A_105] {strides = array<i32>} : memref<1040xf32, #tpu.memory_space<vmem>>, vector<16xf32>,
    tpu.vector_store %arg8[%swap3A_105], %broadcast_in_dim3A_37 {strides = array<i32>} : memref<1040xf32, #tpu.memory_space<vmem>>, vector<16xf32>,
    %swap3A_107 = arith.constant 272 : index
    %swap3A_108 = tpu.vector_load %arg7[%swap3A_107] {strides = array<i32>} : memref<1040xi32, #tpu.memory_space<vmem>>, vector<16xi32>,
    tpu.vector_store %arg7[%swap3A_107], %broadcast_in_dim3A_39 {strides = array<i32>} : memref<1040xi32, #tpu.memory_space<vmem>>, vector<16xi32>,
    %swap3A_109 = arith.constant 272 : index
    %swap3A_110 = tpu.vector_load %arg8[%swap3A_109] {strides = array<i32>} : memref<1040xf32, #tpu.memory_space<vmem>>, vector<16xf32>,
    tpu.vector_store %arg8[%swap3A_109], %broadcast_in_dim3A_37 {strides = array<i32>} : memref<1040xf32, #tpu.memory_space<vmem>>, vector<16xf32>,
    %swap3A_111 = arith.constant 288 : index
    %swap3A_112 = tpu.vector_load %arg7[%swap3A_111] {strides = array<i32>} : memref<1040xi32, #tpu.memory_space<vmem>>, vector<16xi32>,
    tpu.vector_store %arg7[%swap3A_111], %broadcast_in_dim3A_39 {strides = array<i32>} : memref<1040xi32, #tpu.memory_space<vmem>>, vector<16xi32>,
    %swap3A_113 = arith.constant 288 : index
    %swap3A_114 = tpu.vector_load %arg8[%swap3A_113] {strides = array<i32>} : memref<1040xf32, #tpu.memory_space<vmem>>, vector<16xf32>,
    tpu.vector_store %arg8[%swap3A_113], %broadcast_in_dim3A_37 {strides = array<i32>} : memref<1040xf32, #tpu.memory_space<vmem>>, vector<16xf32>,
    %swap3A_115 = arith.constant 304 : index
    %swap3A_116 = tpu.vector_load %arg7[%swap3A_115] {strides = array<i32>} : memref<1040xi32, #tpu.memory_space<vmem>>, vector<16xi32>,
    tpu.vector_store %arg7[%swap3A_115], %broadcast_in_dim3A_39 {strides = array<i32>} : memref<1040xi32, #tpu.memory_space<vmem>>, vector<16xi32>,
    %swap3A_117 = arith.constant 304 : index
    %swap3A_118 = tpu.vector_load %arg8[%swap3A_117] {strides = array<i32>} : memref<1040xf32, #tpu.memory_space<vmem>>, vector<16xf32>,
    tpu.vector_store %arg8[%swap3A_117], %broadcast_in_dim3A_37 {strides = array<i32>} : memref<1040xf32, #tpu.memory_space<vmem>>, vector<16xf32>,
    %swap3A_119 = arith.constant 320 : index
    %swap3A_120 = tpu.vector_load %arg7[%swap3A_119] {strides = array<i32>} : memref<1040xi32, #tpu.memory_space<vmem>>, vector<16xi32>,
    tpu.vector_store %arg7[%swap3A_119], %broadcast_in_dim3A_39 {strides = array<i32>} : memref<1040xi32, #tpu.memory_space<vmem>>, vector<16xi32>,
    %swap3A_121 = arith.constant 320 : index
    %swap3A_122 = tpu.vector_load %arg8[%swap3A_121] {strides = array<i32>} : memref<1040xf32, #tpu.memory_space<vmem>>, vector<16xf32>,
    tpu.vector_store %arg8[%swap3A_121], %broadcast_in_dim3A_37 {strides = array<i32>} : memref<1040xf32, #tpu.memory_space<vmem>>, vector<16xf32>,
    %swap3A_123 = arith.constant 336 : index
    %swap3A_124 = tpu.vector_load %arg7[%swap3A_123] {strides = array<i32>} : memref<1040xi32, #tpu.memory_space<vmem>>, vector<16xi32>,
    tpu.vector_store %arg7[%swap3A_123], %broadcast_in_dim3A_39 {strides = array<i32>} : memref<1040xi32, #tpu.memory_space<vmem>>, vector<16xi32>,
    %swap3A_125 = arith.constant 336 : index
    %swap3A_126 = tpu.vector_load %arg8[%swap3A_125] {strides = array<i32>} : memref<1040xf32, #tpu.memory_space<vmem>>, vector<16xf32>,
    tpu.vector_store %arg8[%swap3A_125], %broadcast_in_dim3A_37 {strides = array<i32>} : memref<1040xf32, #tpu.memory_space<vmem>>, vector<16xf32>,
    %swap3A_127 = arith.constant 352 : index
    %swap3A_128 = tpu.vector_load %arg7[%swap3A_127] {strides = array<i32>} : memref<1040xi32, #tpu.memory_space<vmem>>, vector<16xi32>,
    tpu.vector_store %arg7[%swap3A_127], %broadcast_in_dim3A_39 {strides = array<i32>} : memref<1040xi32, #tpu.memory_space<vmem>>, vector<16xi32>,
    %swap3A_129 = arith.constant 352 : index
    %swap3A_130 = tpu.vector_load %arg8[%swap3A_129] {strides = array<i32>} : memref<1040xf32, #tpu.memory_space<vmem>>, vector<16xf32>,
    tpu.vector_store %arg8[%swap3A_129], %broadcast_in_dim3A_37 {strides = array<i32>} : memref<1040xf32, #tpu.memory_space<vmem>>, vector<16xf32>,
    %swap3A_131 = arith.constant 368 : index
    %swap3A_132 = tpu.vector_load %arg7[%swap3A_131] {strides = array<i32>} : memref<1040xi32, #tpu.memory_space<vmem>>, vector<16xi32>,
    tpu.vector_store %arg7[%swap3A_131], %broadcast_in_dim3A_39 {strides = array<i32>} : memref<1040xi32, #tpu.memory_space<vmem>>, vector<16xi32>,
    %swap3A_133 = arith.constant 368 : index
    %swap3A_134 = tpu.vector_load %arg8[%swap3A_133] {strides = array<i32>} : memref<1040xf32, #tpu.memory_space<vmem>>, vector<16xf32>,
    tpu.vector_store %arg8[%swap3A_133], %broadcast_in_dim3A_37 {strides = array<i32>} : memref<1040xf32, #tpu.memory_space<vmem>>, vector<16xf32>,
    %swap3A_135 = arith.constant 384 : index
    %swap3A_136 = tpu.vector_load %arg7[%swap3A_135] {strides = array<i32>} : memref<1040xi32, #tpu.memory_space<vmem>>, vector<16xi32>,
    tpu.vector_store %arg7[%swap3A_135], %broadcast_in_dim3A_39 {strides = array<i32>} : memref<1040xi32, #tpu.memory_space<vmem>>, vector<16xi32>,
    %swap3A_137 = arith.constant 384 : index
    %swap3A_138 = tpu.vector_load %arg8[%swap3A_137] {strides = array<i32>} : memref<1040xf32, #tpu.memory_space<vmem>>, vector<16xf32>,
    tpu.vector_store %arg8[%swap3A_137], %broadcast_in_dim3A_37 {strides = array<i32>} : memref<1040xf32, #tpu.memory_space<vmem>>, vector<16xf32>,
    %swap3A_139 = arith.constant 400 : index
    %swap3A_140 = tpu.vector_load %arg7[%swap3A_139] {strides = array<i32>} : memref<1040xi32, #tpu.memory_space<vmem>>, vector<16xi32>,
    tpu.vector_store %arg7[%swap3A_139], %broadcast_in_dim3A_39 {strides = array<i32>} : memref<1040xi32, #tpu.memory_space<vmem>>, vector<16xi32>,
    %swap3A_141 = arith.constant 400 : index
    %swap3A_142 = tpu.vector_load %arg8[%swap3A_141] {strides = array<i32>} : memref<1040xf32, #tpu.memory_space<vmem>>, vector<16xf32>,
    tpu.vector_store %arg8[%swap3A_141], %broadcast_in_dim3A_37 {strides = array<i32>} : memref<1040xf32, #tpu.memory_space<vmem>>, vector<16xf32>,
    %swap3A_143 = arith.constant 416 : index
    %swap3A_144 = tpu.vector_load %arg7[%swap3A_143] {strides = array<i32>} : memref<1040xi32, #tpu.memory_space<vmem>>, vector<16xi32>,
    tpu.vector_store %arg7[%swap3A_143], %broadcast_in_dim3A_39 {strides = array<i32>} : memref<1040xi32, #tpu.memory_space<vmem>>, vector<16xi32>,
    %swap3A_145 = arith.constant 416 : index
    %swap3A_146 = tpu.vector_load %arg8[%swap3A_145] {strides = array<i32>} : memref<1040xf32, #tpu.memory_space<vmem>>, vector<16xf32>,
    tpu.vector_store %arg8[%swap3A_145], %broadcast_in_dim3A_37 {strides = array<i32>} : memref<1040xf32, #tpu.memory_space<vmem>>, vector<16xf32>,
    %swap3A_147 = arith.constant 432 : index
    %swap3A_148 = tpu.vector_load %arg7[%swap3A_147] {strides = array<i32>} : memref<1040xi32, #tpu.memory_space<vmem>>, vector<16xi32>,
    tpu.vector_store %arg7[%swap3A_147], %broadcast_in_dim3A_39 {strides = array<i32>} : memref<1040xi32, #tpu.memory_space<vmem>>, vector<16xi32>,
    %swap3A_149 = arith.constant 432 : index
    %swap3A_150 = tpu.vector_load %arg8[%swap3A_149] {strides = array<i32>} : memref<1040xf32, #tpu.memory_space<vmem>>, vector<16xf32>,
    tpu.vector_store %arg8[%swap3A_149], %broadcast_in_dim3A_37 {strides = array<i32>} : memref<1040xf32, #tpu.memory_space<vmem>>, vector<16xf32>,
    %swap3A_151 = arith.constant 448 : index
    %swap3A_152 = tpu.vector_load %arg7[%swap3A_151] {strides = array<i32>} : memref<1040xi32, #tpu.memory_space<vmem>>, vector<16xi32>,
    tpu.vector_store %arg7[%swap3A_151], %broadcast_in_dim3A_39 {strides = array<i32>} : memref<1040xi32, #tpu.memory_space<vmem>>, vector<16xi32>,
    %swap3A_153 = arith.constant 448 : index
    %swap3A_154 = tpu.vector_load %arg8[%swap3A_153] {strides = array<i32>} : memref<1040xf32, #tpu.memory_space<vmem>>, vector<16xf32>,
    tpu.vector_store %arg8[%swap3A_153], %broadcast_in_dim3A_37 {strides = array<i32>} : memref<1040xf32, #tpu.memory_space<vmem>>, vector<16xf32>,
    %swap3A_155 = arith.constant 464 : index
    %swap3A_156 = tpu.vector_load %arg7[%swap3A_155] {strides = array<i32>} : memref<1040xi32, #tpu.memory_space<vmem>>, vector<16xi32>,
    tpu.vector_store %arg7[%swap3A_155], %broadcast_in_dim3A_39 {strides = array<i32>} : memref<1040xi32, #tpu.memory_space<vmem>>, vector<16xi32>,
    %swap3A_157 = arith.constant 464 : index
    %swap3A_158 = tpu.vector_load %arg8[%swap3A_157] {strides = array<i32>} : memref<1040xf32, #tpu.memory_space<vmem>>, vector<16xf32>,
    tpu.vector_store %arg8[%swap3A_157], %broadcast_in_dim3A_37 {strides = array<i32>} : memref<1040xf32, #tpu.memory_space<vmem>>, vector<16xf32>,
    %swap3A_159 = arith.constant 480 : index
    %swap3A_160 = tpu.vector_load %arg7[%swap3A_159] {strides = array<i32>} : memref<1040xi32, #tpu.memory_space<vmem>>, vector<16xi32>,
    tpu.vector_store %arg7[%swap3A_159], %broadcast_in_dim3A_39 {strides = array<i32>} : memref<1040xi32, #tpu.memory_space<vmem>>, vector<16xi32>,
    %swap3A_161 = arith.constant 480 : index
    %swap3A_162 = tpu.vector_load %arg8[%swap3A_161] {strides = array<i32>} : memref<1040xf32, #tpu.memory_space<vmem>>, vector<16xf32>,
    tpu.vector_store %arg8[%swap3A_161], %broadcast_in_dim3A_37 {strides = array<i32>} : memref<1040xf32, #tpu.memory_space<vmem>>, vector<16xf32>,
    %swap3A_163 = arith.constant 496 : index
    %swap3A_164 = tpu.vector_load %arg7[%swap3A_163] {strides = array<i32>} : memref<1040xi32, #tpu.memory_space<vmem>>, vector<16xi32>,
    tpu.vector_store %arg7[%swap3A_163], %broadcast_in_dim3A_39 {strides = array<i32>} : memref<1040xi32, #tpu.memory_space<vmem>>, vector<16xi32>,
    %swap3A_165 = arith.constant 496 : index
    %swap3A_166 = tpu.vector_load %arg8[%swap3A_165] {strides = array<i32>} : memref<1040xf32, #tpu.memory_space<vmem>>, vector<16xf32>,
    tpu.vector_store %arg8[%swap3A_165], %broadcast_in_dim3A_37 {strides = array<i32>} : memref<1040xf32, #tpu.memory_space<vmem>>, vector<16xf32>,
    %swap3A_167 = arith.constant 512 : index
    %swap3A_168 = tpu.vector_load %arg7[%swap3A_167] {strides = array<i32>} : memref<1040xi32, #tpu.memory_space<vmem>>, vector<16xi32>,
    tpu.vector_store %arg7[%swap3A_167], %broadcast_in_dim3A_39 {strides = array<i32>} : memref<1040xi32, #tpu.memory_space<vmem>>, vector<16xi32>,
    %swap3A_169 = arith.constant 512 : index
    %swap3A_170 = tpu.vector_load %arg8[%swap3A_169] {strides = array<i32>} : memref<1040xf32, #tpu.memory_space<vmem>>, vector<16xf32>,
    tpu.vector_store %arg8[%swap3A_169], %broadcast_in_dim3A_37 {strides = array<i32>} : memref<1040xf32, #tpu.memory_space<vmem>>, vector<16xf32>,
    %swap3A_171 = arith.constant 528 : index
    %swap3A_172 = tpu.vector_load %arg7[%swap3A_171] {strides = array<i32>} : memref<1040xi32, #tpu.memory_space<vmem>>, vector<16xi32>,
    tpu.vector_store %arg7[%swap3A_171], %broadcast_in_dim3A_39 {strides = array<i32>} : memref<1040xi32, #tpu.memory_space<vmem>>, vector<16xi32>,
    %swap3A_173 = arith.constant 528 : index
    %swap3A_174 = tpu.vector_load %arg8[%swap3A_173] {strides = array<i32>} : memref<1040xf32, #tpu.memory_space<vmem>>, vector<16xf32>,
    tpu.vector_store %arg8[%swap3A_173], %broadcast_in_dim3A_37 {strides = array<i32>} : memref<1040xf32, #tpu.memory_space<vmem>>, vector<16xf32>,
    %swap3A_175 = arith.constant 544 : index
    %swap3A_176 = tpu.vector_load %arg7[%swap3A_175] {strides = array<i32>} : memref<1040xi32, #tpu.memory_space<vmem>>, vector<16xi32>,
    tpu.vector_store %arg7[%swap3A_175], %broadcast_in_dim3A_39 {strides = array<i32>} : memref<1040xi32, #tpu.memory_space<vmem>>, vector<16xi32>,
    %swap3A_177 = arith.constant 544 : index
    %swap3A_178 = tpu.vector_load %arg8[%swap3A_177] {strides = array<i32>} : memref<1040xf32, #tpu.memory_space<vmem>>, vector<16xf32>,
    tpu.vector_store %arg8[%swap3A_177], %broadcast_in_dim3A_37 {strides = array<i32>} : memref<1040xf32, #tpu.memory_space<vmem>>, vector<16xf32>,
    %swap3A_179 = arith.constant 560 : index
    %swap3A_180 = tpu.vector_load %arg7[%swap3A_179] {strides = array<i32>} : memref<1040xi32, #tpu.memory_space<vmem>>, vector<16xi32>,
    tpu.vector_store %arg7[%swap3A_179], %broadcast_in_dim3A_39 {strides = array<i32>} : memref<1040xi32, #tpu.memory_space<vmem>>, vector<16xi32>,
    %swap3A_181 = arith.constant 560 : index
    %swap3A_182 = tpu.vector_load %arg8[%swap3A_181] {strides = array<i32>} : memref<1040xf32, #tpu.memory_space<vmem>>, vector<16xf32>,
    tpu.vector_store %arg8[%swap3A_181], %broadcast_in_dim3A_37 {strides = array<i32>} : memref<1040xf32, #tpu.memory_space<vmem>>, vector<16xf32>,
    %swap3A_183 = arith.constant 576 : index
    %swap3A_184 = tpu.vector_load %arg7[%swap3A_183] {strides = array<i32>} : memref<1040xi32, #tpu.memory_space<vmem>>, vector<16xi32>,
    tpu.vector_store %arg7[%swap3A_183], %broadcast_in_dim3A_39 {strides = array<i32>} : memref<1040xi32, #tpu.memory_space<vmem>>, vector<16xi32>,
    %swap3A_185 = arith.constant 576 : index
    %swap3A_186 = tpu.vector_load %arg8[%swap3A_185] {strides = array<i32>} : memref<1040xf32, #tpu.memory_space<vmem>>, vector<16xf32>,
    tpu.vector_store %arg8[%swap3A_185], %broadcast_in_dim3A_37 {strides = array<i32>} : memref<1040xf32, #tpu.memory_space<vmem>>, vector<16xf32>,
    %swap3A_187 = arith.constant 592 : index
    %swap3A_188 = tpu.vector_load %arg7[%swap3A_187] {strides = array<i32>} : memref<1040xi32, #tpu.memory_space<vmem>>, vector<16xi32>,
    tpu.vector_store %arg7[%swap3A_187], %broadcast_in_dim3A_39 {strides = array<i32>} : memref<1040xi32, #tpu.memory_space<vmem>>, vector<16xi32>,
    %swap3A_189 = arith.constant 592 : index
    %swap3A_190 = tpu.vector_load %arg8[%swap3A_189] {strides = array<i32>} : memref<1040xf32, #tpu.memory_space<vmem>>, vector<16xf32>,
    tpu.vector_store %arg8[%swap3A_189], %broadcast_in_dim3A_37 {strides = array<i32>} : memref<1040xf32, #tpu.memory_space<vmem>>, vector<16xf32>,
    %swap3A_191 = arith.constant 608 : index
    %swap3A_192 = tpu.vector_load %arg7[%swap3A_191] {strides = array<i32>} : memref<1040xi32, #tpu.memory_space<vmem>>, vector<16xi32>,
    tpu.vector_store %arg7[%swap3A_191], %broadcast_in_dim3A_39 {strides = array<i32>} : memref<1040xi32, #tpu.memory_space<vmem>>, vector<16xi32>,
    %swap3A_193 = arith.constant 608 : index
    %swap3A_194 = tpu.vector_load %arg8[%swap3A_193] {strides = array<i32>} : memref<1040xf32, #tpu.memory_space<vmem>>, vector<16xf32>,
    tpu.vector_store %arg8[%swap3A_193], %broadcast_in_dim3A_37 {strides = array<i32>} : memref<1040xf32, #tpu.memory_space<vmem>>, vector<16xf32>,
    %swap3A_195 = arith.constant 624 : index
    %swap3A_196 = tpu.vector_load %arg7[%swap3A_195] {strides = array<i32>} : memref<1040xi32, #tpu.memory_space<vmem>>, vector<16xi32>,
    tpu.vector_store %arg7[%swap3A_195], %broadcast_in_dim3A_39 {strides = array<i32>} : memref<1040xi32, #tpu.memory_space<vmem>>, vector<16xi32>,
    %swap3A_197 = arith.constant 624 : index
    %swap3A_198 = tpu.vector_load %arg8[%swap3A_197] {strides = array<i32>} : memref<1040xf32, #tpu.memory_space<vmem>>, vector<16xf32>,
    tpu.vector_store %arg8[%swap3A_197], %broadcast_in_dim3A_37 {strides = array<i32>} : memref<1040xf32, #tpu.memory_space<vmem>>, vector<16xf32>,
    %swap3A_199 = arith.constant 640 : index
    %swap3A_200 = tpu.vector_load %arg7[%swap3A_199] {strides = array<i32>} : memref<1040xi32, #tpu.memory_space<vmem>>, vector<16xi32>,
    tpu.vector_store %arg7[%swap3A_199], %broadcast_in_dim3A_39 {strides = array<i32>} : memref<1040xi32, #tpu.memory_space<vmem>>, vector<16xi32>,
    %swap3A_201 = arith.constant 640 : index
    %swap3A_202 = tpu.vector_load %arg8[%swap3A_201] {strides = array<i32>} : memref<1040xf32, #tpu.memory_space<vmem>>, vector<16xf32>,
    tpu.vector_store %arg8[%swap3A_201], %broadcast_in_dim3A_37 {strides = array<i32>} : memref<1040xf32, #tpu.memory_space<vmem>>, vector<16xf32>,
    %swap3A_203 = arith.constant 656 : index
    %swap3A_204 = tpu.vector_load %arg7[%swap3A_203] {strides = array<i32>} : memref<1040xi32, #tpu.memory_space<vmem>>, vector<16xi32>,
    tpu.vector_store %arg7[%swap3A_203], %broadcast_in_dim3A_39 {strides = array<i32>} : memref<1040xi32, #tpu.memory_space<vmem>>, vector<16xi32>,
    %swap3A_205 = arith.constant 656 : index
    %swap3A_206 = tpu.vector_load %arg8[%swap3A_205] {strides = array<i32>} : memref<1040xf32, #tpu.memory_space<vmem>>, vector<16xf32>,
    tpu.vector_store %arg8[%swap3A_205], %broadcast_in_dim3A_37 {strides = array<i32>} : memref<1040xf32, #tpu.memory_space<vmem>>, vector<16xf32>,
    %swap3A_207 = arith.constant 672 : index
    %swap3A_208 = tpu.vector_load %arg7[%swap3A_207] {strides = array<i32>} : memref<1040xi32, #tpu.memory_space<vmem>>, vector<16xi32>,
    tpu.vector_store %arg7[%swap3A_207], %broadcast_in_dim3A_39 {strides = array<i32>} : memref<1040xi32, #tpu.memory_space<vmem>>, vector<16xi32>,
    %swap3A_209 = arith.constant 672 : index
    %swap3A_210 = tpu.vector_load %arg8[%swap3A_209] {strides = array<i32>} : memref<1040xf32, #tpu.memory_space<vmem>>, vector<16xf32>,
    tpu.vector_store %arg8[%swap3A_209], %broadcast_in_dim3A_37 {strides = array<i32>} : memref<1040xf32, #tpu.memory_space<vmem>>, vector<16xf32>,
    %swap3A_211 = arith.constant 688 : index
    %swap3A_212 = tpu.vector_load %arg7[%swap3A_211] {strides = array<i32>} : memref<1040xi32, #tpu.memory_space<vmem>>, vector<16xi32>,
    tpu.vector_store %arg7[%swap3A_211], %broadcast_in_dim3A_39 {strides = array<i32>} : memref<1040xi32, #tpu.memory_space<vmem>>, vector<16xi32>,
    %swap3A_213 = arith.constant 688 : index
    %swap3A_214 = tpu.vector_load %arg8[%swap3A_213] {strides = array<i32>} : memref<1040xf32, #tpu.memory_space<vmem>>, vector<16xf32>,
    tpu.vector_store %arg8[%swap3A_213], %broadcast_in_dim3A_37 {strides = array<i32>} : memref<1040xf32, #tpu.memory_space<vmem>>, vector<16xf32>,
    %swap3A_215 = arith.constant 704 : index
    %swap3A_216 = tpu.vector_load %arg7[%swap3A_215] {strides = array<i32>} : memref<1040xi32, #tpu.memory_space<vmem>>, vector<16xi32>,
    tpu.vector_store %arg7[%swap3A_215], %broadcast_in_dim3A_39 {strides = array<i32>} : memref<1040xi32, #tpu.memory_space<vmem>>, vector<16xi32>,
    %swap3A_217 = arith.constant 704 : index
    %swap3A_218 = tpu.vector_load %arg8[%swap3A_217] {strides = array<i32>} : memref<1040xf32, #tpu.memory_space<vmem>>, vector<16xf32>,
    tpu.vector_store %arg8[%swap3A_217], %broadcast_in_dim3A_37 {strides = array<i32>} : memref<1040xf32, #tpu.memory_space<vmem>>, vector<16xf32>,
    %swap3A_219 = arith.constant 720 : index
    %swap3A_220 = tpu.vector_load %arg7[%swap3A_219] {strides = array<i32>} : memref<1040xi32, #tpu.memory_space<vmem>>, vector<16xi32>,
    tpu.vector_store %arg7[%swap3A_219], %broadcast_in_dim3A_39 {strides = array<i32>} : memref<1040xi32, #tpu.memory_space<vmem>>, vector<16xi32>,
    %swap3A_221 = arith.constant 720 : index
    %swap3A_222 = tpu.vector_load %arg8[%swap3A_221] {strides = array<i32>} : memref<1040xf32, #tpu.memory_space<vmem>>, vector<16xf32>,
    tpu.vector_store %arg8[%swap3A_221], %broadcast_in_dim3A_37 {strides = array<i32>} : memref<1040xf32, #tpu.memory_space<vmem>>, vector<16xf32>,
    %swap3A_223 = arith.constant 736 : index
    %swap3A_224 = tpu.vector_load %arg7[%swap3A_223] {strides = array<i32>} : memref<1040xi32, #tpu.memory_space<vmem>>, vector<16xi32>,
    tpu.vector_store %arg7[%swap3A_223], %broadcast_in_dim3A_39 {strides = array<i32>} : memref<1040xi32, #tpu.memory_space<vmem>>, vector<16xi32>,
    %swap3A_225 = arith.constant 736 : index
    %swap3A_226 = tpu.vector_load %arg8[%swap3A_225] {strides = array<i32>} : memref<1040xf32, #tpu.memory_space<vmem>>, vector<16xf32>,
    tpu.vector_store %arg8[%swap3A_225], %broadcast_in_dim3A_37 {strides = array<i32>} : memref<1040xf32, #tpu.memory_space<vmem>>, vector<16xf32>,
    %swap3A_227 = arith.constant 752 : index
    %swap3A_228 = tpu.vector_load %arg7[%swap3A_227] {strides = array<i32>} : memref<1040xi32, #tpu.memory_space<vmem>>, vector<16xi32>,
    tpu.vector_store %arg7[%swap3A_227], %broadcast_in_dim3A_39 {strides = array<i32>} : memref<1040xi32, #tpu.memory_space<vmem>>, vector<16xi32>,
    %swap3A_229 = arith.constant 752 : index
    %swap3A_230 = tpu.vector_load %arg8[%swap3A_229] {strides = array<i32>} : memref<1040xf32, #tpu.memory_space<vmem>>, vector<16xf32>,
    tpu.vector_store %arg8[%swap3A_229], %broadcast_in_dim3A_37 {strides = array<i32>} : memref<1040xf32, #tpu.memory_space<vmem>>, vector<16xf32>,
    %swap3A_231 = arith.constant 768 : index
    %swap3A_232 = tpu.vector_load %arg7[%swap3A_231] {strides = array<i32>} : memref<1040xi32, #tpu.memory_space<vmem>>, vector<16xi32>,
    tpu.vector_store %arg7[%swap3A_231], %broadcast_in_dim3A_39 {strides = array<i32>} : memref<1040xi32, #tpu.memory_space<vmem>>, vector<16xi32>,
    %swap3A_233 = arith.constant 768 : index
    %swap3A_234 = tpu.vector_load %arg8[%swap3A_233] {strides = array<i32>} : memref<1040xf32, #tpu.memory_space<vmem>>, vector<16xf32>,
    tpu.vector_store %arg8[%swap3A_233], %broadcast_in_dim3A_37 {strides = array<i32>} : memref<1040xf32, #tpu.memory_space<vmem>>, vector<16xf32>,
    %swap3A_235 = arith.constant 784 : index
    %swap3A_236 = tpu.vector_load %arg7[%swap3A_235] {strides = array<i32>} : memref<1040xi32, #tpu.memory_space<vmem>>, vector<16xi32>,
    tpu.vector_store %arg7[%swap3A_235], %broadcast_in_dim3A_39 {strides = array<i32>} : memref<1040xi32, #tpu.memory_space<vmem>>, vector<16xi32>,
    %swap3A_237 = arith.constant 784 : index
    %swap3A_238 = tpu.vector_load %arg8[%swap3A_237] {strides = array<i32>} : memref<1040xf32, #tpu.memory_space<vmem>>, vector<16xf32>,
    tpu.vector_store %arg8[%swap3A_237], %broadcast_in_dim3A_37 {strides = array<i32>} : memref<1040xf32, #tpu.memory_space<vmem>>, vector<16xf32>,
    %swap3A_239 = arith.constant 800 : index
    %swap3A_240 = tpu.vector_load %arg7[%swap3A_239] {strides = array<i32>} : memref<1040xi32, #tpu.memory_space<vmem>>, vector<16xi32>,
    tpu.vector_store %arg7[%swap3A_239], %broadcast_in_dim3A_39 {strides = array<i32>} : memref<1040xi32, #tpu.memory_space<vmem>>, vector<16xi32>,
    %swap3A_241 = arith.constant 800 : index
    %swap3A_242 = tpu.vector_load %arg8[%swap3A_241] {strides = array<i32>} : memref<1040xf32, #tpu.memory_space<vmem>>, vector<16xf32>,
    tpu.vector_store %arg8[%swap3A_241], %broadcast_in_dim3A_37 {strides = array<i32>} : memref<1040xf32, #tpu.memory_space<vmem>>, vector<16xf32>,
    %swap3A_243 = arith.constant 816 : index
    %swap3A_244 = tpu.vector_load %arg7[%swap3A_243] {strides = array<i32>} : memref<1040xi32, #tpu.memory_space<vmem>>, vector<16xi32>,
    tpu.vector_store %arg7[%swap3A_243], %broadcast_in_dim3A_39 {strides = array<i32>} : memref<1040xi32, #tpu.memory_space<vmem>>, vector<16xi32>,
    %swap3A_245 = arith.constant 816 : index
    %swap3A_246 = tpu.vector_load %arg8[%swap3A_245] {strides = array<i32>} : memref<1040xf32, #tpu.memory_space<vmem>>, vector<16xf32>,
    tpu.vector_store %arg8[%swap3A_245], %broadcast_in_dim3A_37 {strides = array<i32>} : memref<1040xf32, #tpu.memory_space<vmem>>, vector<16xf32>,
    %swap3A_247 = arith.constant 832 : index
    %swap3A_248 = tpu.vector_load %arg7[%swap3A_247] {strides = array<i32>} : memref<1040xi32, #tpu.memory_space<vmem>>, vector<16xi32>,
    tpu.vector_store %arg7[%swap3A_247], %broadcast_in_dim3A_39 {strides = array<i32>} : memref<1040xi32, #tpu.memory_space<vmem>>, vector<16xi32>,
    %swap3A_249 = arith.constant 832 : index
    %swap3A_250 = tpu.vector_load %arg8[%swap3A_249] {strides = array<i32>} : memref<1040xf32, #tpu.memory_space<vmem>>, vector<16xf32>,
    tpu.vector_store %arg8[%swap3A_249], %broadcast_in_dim3A_37 {strides = array<i32>} : memref<1040xf32, #tpu.memory_space<vmem>>, vector<16xf32>,
    %swap3A_251 = arith.constant 848 : index
    %swap3A_252 = tpu.vector_load %arg7[%swap3A_251] {strides = array<i32>} : memref<1040xi32, #tpu.memory_space<vmem>>, vector<16xi32>,
    tpu.vector_store %arg7[%swap3A_251], %broadcast_in_dim3A_39 {strides = array<i32>} : memref<1040xi32, #tpu.memory_space<vmem>>, vector<16xi32>,
    %swap3A_253 = arith.constant 848 : index
    %swap3A_254 = tpu.vector_load %arg8[%swap3A_253] {strides = array<i32>} : memref<1040xf32, #tpu.memory_space<vmem>>, vector<16xf32>,
    tpu.vector_store %arg8[%swap3A_253], %broadcast_in_dim3A_37 {strides = array<i32>} : memref<1040xf32, #tpu.memory_space<vmem>>, vector<16xf32>,
    %swap3A_255 = arith.constant 864 : index
    %swap3A_256 = tpu.vector_load %arg7[%swap3A_255] {strides = array<i32>} : memref<1040xi32, #tpu.memory_space<vmem>>, vector<16xi32>,
    tpu.vector_store %arg7[%swap3A_255], %broadcast_in_dim3A_39 {strides = array<i32>} : memref<1040xi32, #tpu.memory_space<vmem>>, vector<16xi32>,
    %swap3A_257 = arith.constant 864 : index
    %swap3A_258 = tpu.vector_load %arg8[%swap3A_257] {strides = array<i32>} : memref<1040xf32, #tpu.memory_space<vmem>>, vector<16xf32>,
    tpu.vector_store %arg8[%swap3A_257], %broadcast_in_dim3A_37 {strides = array<i32>} : memref<1040xf32, #tpu.memory_space<vmem>>, vector<16xf32>,
    %swap3A_259 = arith.constant 880 : index
    %swap3A_260 = tpu.vector_load %arg7[%swap3A_259] {strides = array<i32>} : memref<1040xi32, #tpu.memory_space<vmem>>, vector<16xi32>,
    tpu.vector_store %arg7[%swap3A_259], %broadcast_in_dim3A_39 {strides = array<i32>} : memref<1040xi32, #tpu.memory_space<vmem>>, vector<16xi32>,
    %swap3A_261 = arith.constant 880 : index
    %swap3A_262 = tpu.vector_load %arg8[%swap3A_261] {strides = array<i32>} : memref<1040xf32, #tpu.memory_space<vmem>>, vector<16xf32>,
    tpu.vector_store %arg8[%swap3A_261], %broadcast_in_dim3A_37 {strides = array<i32>} : memref<1040xf32, #tpu.memory_space<vmem>>, vector<16xf32>,
    %swap3A_263 = arith.constant 896 : index
    %swap3A_264 = tpu.vector_load %arg7[%swap3A_263] {strides = array<i32>} : memref<1040xi32, #tpu.memory_space<vmem>>, vector<16xi32>,
    tpu.vector_store %arg7[%swap3A_263], %broadcast_in_dim3A_39 {strides = array<i32>} : memref<1040xi32, #tpu.memory_space<vmem>>, vector<16xi32>,
    %swap3A_265 = arith.constant 896 : index
    %swap3A_266 = tpu.vector_load %arg8[%swap3A_265] {strides = array<i32>} : memref<1040xf32, #tpu.memory_space<vmem>>, vector<16xf32>,
    tpu.vector_store %arg8[%swap3A_265], %broadcast_in_dim3A_37 {strides = array<i32>} : memref<1040xf32, #tpu.memory_space<vmem>>, vector<16xf32>,
    %swap3A_267 = arith.constant 912 : index
    %swap3A_268 = tpu.vector_load %arg7[%swap3A_267] {strides = array<i32>} : memref<1040xi32, #tpu.memory_space<vmem>>, vector<16xi32>,
    tpu.vector_store %arg7[%swap3A_267], %broadcast_in_dim3A_39 {strides = array<i32>} : memref<1040xi32, #tpu.memory_space<vmem>>, vector<16xi32>,
    %swap3A_269 = arith.constant 912 : index
    %swap3A_270 = tpu.vector_load %arg8[%swap3A_269] {strides = array<i32>} : memref<1040xf32, #tpu.memory_space<vmem>>, vector<16xf32>,
    tpu.vector_store %arg8[%swap3A_269], %broadcast_in_dim3A_37 {strides = array<i32>} : memref<1040xf32, #tpu.memory_space<vmem>>, vector<16xf32>,
    %swap3A_271 = arith.constant 928 : index
    %swap3A_272 = tpu.vector_load %arg7[%swap3A_271] {strides = array<i32>} : memref<1040xi32, #tpu.memory_space<vmem>>, vector<16xi32>,
    tpu.vector_store %arg7[%swap3A_271], %broadcast_in_dim3A_39 {strides = array<i32>} : memref<1040xi32, #tpu.memory_space<vmem>>, vector<16xi32>,
    %swap3A_273 = arith.constant 928 : index
    %swap3A_274 = tpu.vector_load %arg8[%swap3A_273] {strides = array<i32>} : memref<1040xf32, #tpu.memory_space<vmem>>, vector<16xf32>,
    tpu.vector_store %arg8[%swap3A_273], %broadcast_in_dim3A_37 {strides = array<i32>} : memref<1040xf32, #tpu.memory_space<vmem>>, vector<16xf32>,
    %swap3A_275 = arith.constant 944 : index
    %swap3A_276 = tpu.vector_load %arg7[%swap3A_275] {strides = array<i32>} : memref<1040xi32, #tpu.memory_space<vmem>>, vector<16xi32>,
    tpu.vector_store %arg7[%swap3A_275], %broadcast_in_dim3A_39 {strides = array<i32>} : memref<1040xi32, #tpu.memory_space<vmem>>, vector<16xi32>,
    %swap3A_277 = arith.constant 944 : index
    %swap3A_278 = tpu.vector_load %arg8[%swap3A_277] {strides = array<i32>} : memref<1040xf32, #tpu.memory_space<vmem>>, vector<16xf32>,
    tpu.vector_store %arg8[%swap3A_277], %broadcast_in_dim3A_37 {strides = array<i32>} : memref<1040xf32, #tpu.memory_space<vmem>>, vector<16xf32>,
    %swap3A_279 = arith.constant 960 : index
    %swap3A_280 = tpu.vector_load %arg7[%swap3A_279] {strides = array<i32>} : memref<1040xi32, #tpu.memory_space<vmem>>, vector<16xi32>,
    tpu.vector_store %arg7[%swap3A_279], %broadcast_in_dim3A_39 {strides = array<i32>} : memref<1040xi32, #tpu.memory_space<vmem>>, vector<16xi32>,
    %swap3A_281 = arith.constant 960 : index
    %swap3A_282 = tpu.vector_load %arg8[%swap3A_281] {strides = array<i32>} : memref<1040xf32, #tpu.memory_space<vmem>>, vector<16xf32>,
    tpu.vector_store %arg8[%swap3A_281], %broadcast_in_dim3A_37 {strides = array<i32>} : memref<1040xf32, #tpu.memory_space<vmem>>, vector<16xf32>,
    %swap3A_283 = arith.constant 976 : index
    %swap3A_284 = tpu.vector_load %arg7[%swap3A_283] {strides = array<i32>} : memref<1040xi32, #tpu.memory_space<vmem>>, vector<16xi32>,
    tpu.vector_store %arg7[%swap3A_283], %broadcast_in_dim3A_39 {strides = array<i32>} : memref<1040xi32, #tpu.memory_space<vmem>>, vector<16xi32>,
    %swap3A_285 = arith.constant 976 : index
    %swap3A_286 = tpu.vector_load %arg8[%swap3A_285] {strides = array<i32>} : memref<1040xf32, #tpu.memory_space<vmem>>, vector<16xf32>,
    tpu.vector_store %arg8[%swap3A_285], %broadcast_in_dim3A_37 {strides = array<i32>} : memref<1040xf32, #tpu.memory_space<vmem>>, vector<16xf32>,
    %swap3A_287 = arith.constant 992 : index
    %swap3A_288 = tpu.vector_load %arg7[%swap3A_287] {strides = array<i32>} : memref<1040xi32, #tpu.memory_space<vmem>>, vector<16xi32>,
    tpu.vector_store %arg7[%swap3A_287], %broadcast_in_dim3A_39 {strides = array<i32>} : memref<1040xi32, #tpu.memory_space<vmem>>, vector<16xi32>,
    %swap3A_289 = arith.constant 992 : index
    %swap3A_290 = tpu.vector_load %arg8[%swap3A_289] {strides = array<i32>} : memref<1040xf32, #tpu.memory_space<vmem>>, vector<16xf32>,
    tpu.vector_store %arg8[%swap3A_289], %broadcast_in_dim3A_37 {strides = array<i32>} : memref<1040xf32, #tpu.memory_space<vmem>>, vector<16xf32>,
    %swap3A_291 = arith.constant 1008 : index
    %swap3A_292 = tpu.vector_load %arg7[%swap3A_291] {strides = array<i32>} : memref<1040xi32, #tpu.memory_space<vmem>>, vector<16xi32>,
    tpu.vector_store %arg7[%swap3A_291], %broadcast_in_dim3A_39 {strides = array<i32>} : memref<1040xi32, #tpu.memory_space<vmem>>, vector<16xi32>,
    %swap3A_293 = arith.constant 1008 : index
    %swap3A_294 = tpu.vector_load %arg8[%swap3A_293] {strides = array<i32>} : memref<1040xf32, #tpu.memory_space<vmem>>, vector<16xf32>,
    tpu.vector_store %arg8[%swap3A_293], %broadcast_in_dim3A_37 {strides = array<i32>} : memref<1040xf32, #tpu.memory_space<vmem>>, vector<16xf32>,
    %swap3A_295 = arith.constant 1024 : index
    %swap3A_296 = tpu.vector_load %arg7[%swap3A_295] {strides = array<i32>} : memref<1040xi32, #tpu.memory_space<vmem>>, vector<16xi32>,
    tpu.vector_store %arg7[%swap3A_295], %broadcast_in_dim3A_39 {strides = array<i32>} : memref<1040xi32, #tpu.memory_space<vmem>>, vector<16xi32>,
    %swap3A_297 = arith.constant 1024 : index
    %swap3A_298 = tpu.vector_load %arg8[%swap3A_297] {strides = array<i32>} : memref<1040xf32, #tpu.memory_space<vmem>>, vector<16xf32>,
    tpu.vector_store %arg8[%swap3A_297], %broadcast_in_dim3A_37 {strides = array<i32>} : memref<1040xf32, #tpu.memory_space<vmem>>, vector<16xf32>,
    %iota3A = tpu.iota {dimensions = array<i32: 0>} : vector<16xi32>
    %scan3A = arith.constant 0 : i32
    %scan3A_299 = arith.constant 0 : i32
    %scan3A_300 = arith.constant 64 : i32
    %scan3A_301 = arith.addi %scan3A_299, %scan3A_300 : i32
    %scan3A_302 = arith.constant 1 : i32
    %scan3A_303 = scf.for %scan3A_537 = %scan3A_299 to %scan3A_301 step %scan3A_302 iter_args(%scan3A_538 = %scan3A) -> (i32)  : i32 {
      %mul3A_539 = arith.constant 16 : i32
      %mul3A_540 = arith.muli %scan3A_537, %mul3A_539 : i32
      %get3A_541 = arith.index_cast %mul3A_540 : i32 to index
      %get3A_542 = tpu.vector_load %arg6[%get3A_541] {strides = array<i32>} : memref<1024xf32, #tpu.memory_space<vmem>>, vector<16xf32>,
      %ge3A = vector.broadcast %squeeze3A : f32 to vector<16xf32>
      %ge3A_543 = arith.cmpf oge, %get3A_542, %ge3A : vector<16xf32>
      %jit3A_544 = arith.constant 1 : i32
      %jit3A_545 = arith.constant 0 : i32
      %broadcast_in_dim3A_546 = vector.broadcast %jit3A_544 : i32 to vector<16xi32>
      %broadcast_in_dim3A_547 = vector.broadcast %jit3A_545 : i32 to vector<16xi32>
      %select_n3A_548 = arith.select %ge3A_543, %broadcast_in_dim3A_546, %broadcast_in_dim3A_547 : vector<16xi1>, vector<16xi32>
      %broadcast_in_dim3A_549 = arith.constant true
      %broadcast_in_dim3A_550 = vector.broadcast %broadcast_in_dim3A_549 : i1 to vector<16xi1>
      %masked_cumsum3A = tpu.scan <sum>, %select_n3A_548 masked %broadcast_in_dim3A_550 : vector<16xi32>, vector<16xi1> -> vector<16xi32>
      %add3A_551 = vector.broadcast %scan3A_538 : i32 to vector<16xi32>
      %add3A_552 = arith.addi %add3A_551, %masked_cumsum3A : vector<16xi32>
      %sub3A_553 = arith.constant 1 : i32
      %sub3A_554 = vector.broadcast %sub3A_553 : i32 to vector<16xi32>
      %sub3A_555 = arith.subi %add3A_552, %sub3A_554 : vector<16xi32>
      %mul3A_556 = arith.constant 16 : i32
      %mul3A_557 = arith.muli %scan3A_537, %mul3A_556 : i32
      %add3A_558 = arith.addi %add3A_35, %mul3A_557 : i32
      %add3A_559 = vector.broadcast %add3A_558 : i32 to vector<16xi32>
      %add3A_560 = arith.addi %add3A_559, %iota3A : vector<16xi32>
      tpu.vector_store_idx %arg7[%sub3A_555], %add3A_560 masked %ge3A_543 : memref<1040xi32, #tpu.memory_space<vmem>>[vector<16xi32>], vector<16xi32>, vector<16xi1>
      tpu.vector_store_idx %arg8[%sub3A_555], %get3A_542 masked %ge3A_543 : memref<1040xf32, #tpu.memory_space<vmem>>[vector<16xi32>], vector<16xf32>, vector<16xi1>
      %reduce_max3A = arith.constant true
      %reduce_max3A_561 = vector.broadcast %reduce_max3A : i1 to vector<16xi1>
      %reduce_max3A_562 = arith.constant -2147483648 : i32
      %reduce_max3A_563 = vector.broadcast %reduce_max3A_562 : i32 to vector<16xi32>
      %reduce_max3A_564 = arith.xori %masked_cumsum3A, %reduce_max3A_563 : vector<16xi32>
      %reduce_max3A_565 = tpu.scan <max>, %reduce_max3A_564 masked %reduce_max3A_561 : vector<16xi32>, vector<16xi1> -> vector<16xi32>
      %reduce_max3A_566 = arith.xori %reduce_max3A_565, %reduce_max3A_563 : vector<16xi32>
      %reduce_max3A_567 = vector.extract %reduce_max3A_566[15] : i32 from vector<16xi32>
      %add3A_568 = arith.addi %scan3A_538, %reduce_max3A_567 : i32
      scf.yield %add3A_568 : i32
    }
    %scan3A_304 = arith.constant 64 : i32
    %add3A_305 = arith.constant 8 : i32
    %add3A_306 = arith.addi %scan3A_303, %add3A_305 : i32
    %sub3A_307 = arith.constant 1 : i32
    %sub3A_308 = arith.subi %add3A_306, %sub3A_307 : i32
    %jit3A_309 = arith.constant 8 : i32
    %div3A_310 = arith.divsi %sub3A_308, %jit3A_309 : i32
    %sign3A_311 = arith.constant 0 : i32
    %sign3A_312 = arith.cmpi sgt, %sub3A_308, %sign3A_311 : i32
    %sign3A_313 = arith.extui %sign3A_312 : i1 to i32
    %sign3A_314 = arith.constant 0 : i32
    %sign3A_315 = arith.cmpi slt, %sub3A_308, %sign3A_314 : i32
    %sign3A_316 = arith.extui %sign3A_315 : i1 to i32
    %sign3A_317 = arith.subi %sign3A_313, %sign3A_316 : i32
    %sign3A_318 = arith.constant 0 : i32
    %sign3A_319 = arith.cmpi sgt, %jit3A_309, %sign3A_318 : i32
    %sign3A_320 = arith.extui %sign3A_319 : i1 to i32
    %sign3A_321 = arith.constant 0 : i32
    %sign3A_322 = arith.cmpi slt, %jit3A_309, %sign3A_321 : i32
    %sign3A_323 = arith.extui %sign3A_322 : i1 to i32
    %sign3A_324 = arith.subi %sign3A_320, %sign3A_323 : i32
    %ne3A_325 = arith.cmpi ne, %sign3A_317, %sign3A_324 : i32
    %rem3A_326 = arith.remsi %sub3A_308, %jit3A_309 : i32
    %ne3A_327 = arith.constant 0 : i32
    %ne3A_328 = arith.cmpi ne, %rem3A_326, %ne3A_327 : i32
    %and3A_329 = arith.andi %ne3A_325, %ne3A_328 : i1
    %sub3A_330 = arith.constant 1 : i32
    %sub3A_331 = arith.subi %div3A_310, %sub3A_330 : i32
    %select_n3A_332 = arith.select %and3A_329, %sub3A_331, %div3A_310 : i32
    %gt3A = arith.constant 0 : i32
    %gt3A_333 = arith.cmpi sgt, %select_n3A_332, %gt3A : i32
    %convert_element_type3A = arith.extui %gt3A_333 : i1 to i32
    %cond3A = arith.constant 0 : i32
    %cond3A_334 = arith.cmpi ne, %convert_element_type3A, %cond3A : i32
    scf.if %cond3A_334 {
      %dma_start3A = arith.constant 0 : i32
      %dma_start3A_537 = tpu.memref_slice %arg7[%dma_start3A] : memref<1040xi32, #tpu.memory_space<vmem>> -> memref<8xi32, #tpu.memory_space<vmem>>
      %dma_start3A_538 = arith.constant 0 : i32
      %dma_start3A_539 = arith.constant 0 : i32
      %dma_start3A_540 = tpu.memref_slice %arg2[%dma_start3A_538, %dma_start3A_539] : memref<32768x768xf32, #tpu.memory_space<hbm>> -> memref<32768x768xf32, #tpu.memory_space<hbm>>
      tpu.enqueue_indirect_dma source(%dma_start3A_540 : memref<32768x768xf32, #tpu.memory_space<hbm>>) target(%arg10 : memref<8x768xf32, #tpu.memory_space<vmem>>) offsets(%dma_start3A_537 : memref<8xi32, #tpu.memory_space<vmem>>) semaphore(%arg13 : memref<!tpu.dma_semaphore, #tpu.memory_space<semaphore_mem>>)
    } else {
    }
    %while3A = arith.constant 0 : i32
    %while3A_335 = arith.subi %select_n3A_332, %while3A : i32
    %while3A_336 = arith.addi %while3A, %while3A_335 : i32
    %while3A_337 = arith.constant 1 : i32
    %while3A_338 = arith.divsi %while3A_335, %while3A_337 : i32
    %while3A_339 = arith.muli %while3A_338, %while3A_337 : i32
    %while3A_340 = arith.addi %while3A, %while3A_339 : i32
    %while3A_341 = arith.constant 1 : i32
    %while3A_342:48 = scf.for %while3A_537 = %while3A to %while3A_340 step %while3A_341 iter_args(%while3A_538 = %broadcast_in_dim3A_37, %while3A_539 = %broadcast_in_dim3A_37, %while3A_540 = %broadcast_in_dim3A_37, %while3A_541 = %broadcast_in_dim3A_37, %while3A_542 = %broadcast_in_dim3A_37, %while3A_543 = %broadcast_in_dim3A_37, %while3A_544 = %broadcast_in_dim3A_37, %while3A_545 = %broadcast_in_dim3A_37, %while3A_546 = %broadcast_in_dim3A_37, %while3A_547 = %broadcast_in_dim3A_37, %while3A_548 = %broadcast_in_dim3A_37, %while3A_549 = %broadcast_in_dim3A_37, %while3A_550 = %broadcast_in_dim3A_37, %while3A_551 = %broadcast_in_dim3A_37, %while3A_552 = %broadcast_in_dim3A_37, %while3A_553 = %broadcast_in_dim3A_37, %while3A_554 = %broadcast_in_dim3A_37, %while3A_555 = %broadcast_in_dim3A_37, %while3A_556 = %broadcast_in_dim3A_37, %while3A_557 = %broadcast_in_dim3A_37, %while3A_558 = %broadcast_in_dim3A_37, %while3A_559 = %broadcast_in_dim3A_37, %while3A_560 = %broadcast_in_dim3A_37, %while3A_561 = %broadcast_in_dim3A_37, %while3A_562 = %broadcast_in_dim3A_37, %while3A_563 = %broadcast_in_dim3A_37, %while3A_564 = %broadcast_in_dim3A_37, %while3A_565 = %broadcast_in_dim3A_37, %while3A_566 = %broadcast_in_dim3A_37, %while3A_567 = %broadcast_in_dim3A_37, %while3A_568 = %broadcast_in_dim3A_37, %while3A_569 = %broadcast_in_dim3A_37, %while3A_570 = %broadcast_in_dim3A_37, %while3A_571 = %broadcast_in_dim3A_37, %while3A_572 = %broadcast_in_dim3A_37, %while3A_573 = %broadcast_in_dim3A_37, %while3A_574 = %broadcast_in_dim3A_37, %while3A_575 = %broadcast_in_dim3A_37, %while3A_576 = %broadcast_in_dim3A_37, %while3A_577 = %broadcast_in_dim3A_37, %while3A_578 = %broadcast_in_dim3A_37, %while3A_579 = %broadcast_in_dim3A_37, %while3A_580 = %broadcast_in_dim3A_37, %while3A_581 = %broadcast_in_dim3A_37, %while3A_582 = %broadcast_in_dim3A_37, %while3A_583 = %broadcast_in_dim3A_37, %while3A_584 = %broadcast_in_dim3A_37, %while3A_585 = %broadcast_in_dim3A_37) -> (vector<16xf32>, vector<16xf32>, vector<16xf32>, vector<16xf32>, vector<16xf32>, vector<16xf32>, vector<16xf32>, vector<16xf32>, vector<16xf32>, vector<16xf32>, vector<16xf32>, vector<16xf32>, vector<16xf32>, vector<16xf32>, vector<16xf32>, vector<16xf32>, vector<16xf32>, vector<16xf32>, vector<16xf32>, vector<16xf32>, vector<16xf32>, vector<16xf32>, vector<16xf32>, vector<16xf32>, vector<16xf32>, vector<16xf32>, vector<16xf32>, vector<16xf32>, vector<16xf32>, vector<16xf32>, vector<16xf32>, vector<16xf32>, vector<16xf32>, vector<16xf32>, vector<16xf32>, vector<16xf32>, vector<16xf32>, vector<16xf32>, vector<16xf32>, vector<16xf32>, vector<16xf32>, vector<16xf32>, vector<16xf32>, vector<16xf32>, vector<16xf32>, vector<16xf32>, vector<16xf32>, vector<16xf32>)  : i32 {
      %rem3A_586 = arith.constant 2 : i32
      %rem3A_587 = arith.remsi %while3A_537, %rem3A_586 : i32
      %add3A_588 = arith.constant 1 : i32
      %add3A_589 = arith.addi %while3A_537, %add3A_588 : i32
      %lt3A_590 = arith.cmpi slt, %add3A_589, %select_n3A_332 : i32
      %convert_element_type3A_591 = arith.extui %lt3A_590 : i1 to i32
      %cond3A_592 = arith.constant 0 : i32
      %cond3A_593 = arith.cmpi ne, %convert_element_type3A_591, %cond3A_592 : i32
      scf.if %cond3A_593 {
        %eq3A_604 = arith.constant 0 : i32
        %eq3A_605 = arith.cmpi eq, %rem3A_587, %eq3A_604 : i32
        %convert_element_type3A_606 = arith.extui %eq3A_605 : i1 to i32
        %cond3A_607 = arith.constant 0 : i32
        %cond3A_608 = arith.cmpi ne, %convert_element_type3A_606, %cond3A_607 : i32
        scf.if %cond3A_608 {
          %add3A_609 = arith.constant 1 : i32
          %add3A_610 = arith.addi %while3A_537, %add3A_609 : i32
          %mul3A_611 = arith.constant 8 : i32
          %mul3A_612 = arith.muli %add3A_610, %mul3A_611 : i32
          %dma_start3A = tpu.memref_slice %arg7[%mul3A_612] : memref<1040xi32, #tpu.memory_space<vmem>> -> memref<8xi32, #tpu.memory_space<vmem>>
          %dma_start3A_613 = arith.constant 0 : i32
          %dma_start3A_614 = arith.constant 0 : i32
          %dma_start3A_615 = tpu.memref_slice %arg2[%dma_start3A_613, %dma_start3A_614] : memref<32768x768xf32, #tpu.memory_space<hbm>> -> memref<32768x768xf32, #tpu.memory_space<hbm>>
          tpu.enqueue_indirect_dma source(%dma_start3A_615 : memref<32768x768xf32, #tpu.memory_space<hbm>>) target(%arg11 : memref<8x768xf32, #tpu.memory_space<vmem>>) offsets(%dma_start3A : memref<8xi32, #tpu.memory_space<vmem>>) semaphore(%arg14 : memref<!tpu.dma_semaphore, #tpu.memory_space<semaphore_mem>>)
        } else {
          %add3A_609 = arith.constant 1 : i32
          %add3A_610 = arith.addi %while3A_537, %add3A_609 : i32
          %mul3A_611 = arith.constant 8 : i32
          %mul3A_612 = arith.muli %add3A_610, %mul3A_611 : i32
          %dma_start3A = tpu.memref_slice %arg7[%mul3A_612] : memref<1040xi32, #tpu.memory_space<vmem>> -> memref<8xi32, #tpu.memory_space<vmem>>
          %dma_start3A_613 = arith.constant 0 : i32
          %dma_start3A_614 = arith.constant 0 : i32
          %dma_start3A_615 = tpu.memref_slice %arg2[%dma_start3A_613, %dma_start3A_614] : memref<32768x768xf32, #tpu.memory_space<hbm>> -> memref<32768x768xf32, #tpu.memory_space<hbm>>
          tpu.enqueue_indirect_dma source(%dma_start3A_615 : memref<32768x768xf32, #tpu.memory_space<hbm>>) target(%arg10 : memref<8x768xf32, #tpu.memory_space<vmem>>) offsets(%dma_start3A : memref<8xi32, #tpu.memory_space<vmem>>) semaphore(%arg13 : memref<!tpu.dma_semaphore, #tpu.memory_space<semaphore_mem>>)
        }
      } else {
      }
      %mul3A_594 = arith.constant 8 : i32
      %mul3A_595 = arith.muli %while3A_537, %mul3A_594 : i32
      %sub3A_596 = arith.subi %scan3A_303, %mul3A_595 : i32
      %min3A = arith.constant 8 : i32
      %min3A_597 = arith.minsi %sub3A_596, %min3A : i32
      %eq3A_598 = arith.constant 0 : i32
      %eq3A_599 = arith.cmpi eq, %rem3A_587, %eq3A_598 : i32
      %convert_element_type3A_600 = arith.extui %eq3A_599 : i1 to i32
      %cond3A_601 = arith.constant 0 : i32
      %cond3A_602 = arith.cmpi ne, %convert_element_type3A_600, %cond3A_601 : i32
      %cond3A_603:48 = scf.if %cond3A_602 -> (vector<16xf32>, vector<16xf32>, vector<16xf32>, vector<16xf32>, vector<16xf32>, vector<16xf32>, vector<16xf32>, vector<16xf32>, vector<16xf32>, vector<16xf32>, vector<16xf32>, vector<16xf32>, vector<16xf32>, vector<16xf32>, vector<16xf32>, vector<16xf32>, vector<16xf32>, vector<16xf32>, vector<16xf32>, vector<16xf32>, vector<16xf32>, vector<16xf32>, vector<16xf32>, vector<16xf32>, vector<16xf32>, vector<16xf32>, vector<16xf32>, vector<16xf32>, vector<16xf32>, vector<16xf32>, vector<16xf32>, vector<16xf32>, vector<16xf32>, vector<16xf32>, vector<16xf32>, vector<16xf32>, vector<16xf32>, vector<16xf32>, vector<16xf32>, vector<16xf32>, vector<16xf32>, vector<16xf32>, vector<16xf32>, vector<16xf32>, vector<16xf32>, vector<16xf32>, vector<16xf32>, vector<16xf32>) {
        %mul3A_604 = arith.constant 8 : i32
        %mul3A_605 = arith.muli %while3A_537, %mul3A_604 : i32
        %dma_wait3A = tpu.memref_slice %arg7[%mul3A_605] : memref<1040xi32, #tpu.memory_space<vmem>> -> memref<8xi32, #tpu.memory_space<vmem>>
        %dma_wait3A_606 = arith.constant 0 : i32
        %dma_wait3A_607 = arith.constant 0 : i32
        %dma_wait3A_608 = tpu.memref_slice %arg2[%dma_wait3A_606, %dma_wait3A_607] : memref<32768x768xf32, #tpu.memory_space<hbm>> -> memref<32768x768xf32, #tpu.memory_space<hbm>>
        tpu.wait_indirect_dma semaphore(%arg13 : memref<!tpu.dma_semaphore, #tpu.memory_space<semaphore_mem>>) src(%dma_wait3A_608 : memref<32768x768xf32, #tpu.memory_space<hbm>>) dst(%arg10 : memref<8x768xf32, #tpu.memory_space<vmem>>)
        %while3A_609 = arith.constant 0 : i32
        %while3A_610 = arith.subi %min3A_597, %while3A_609 : i32
        %while3A_611 = arith.addi %while3A_609, %while3A_610 : i32
        %while3A_612 = arith.constant 1 : i32
        %while3A_613 = arith.divsi %while3A_610, %while3A_612 : i32
        %while3A_614 = arith.muli %while3A_613, %while3A_612 : i32
        %while3A_615 = arith.addi %while3A_609, %while3A_614 : i32
        %while3A_616 = arith.constant 1 : i32
        %while3A_617:48 = scf.for %while3A_620 = %while3A_609 to %while3A_615 step %while3A_616 iter_args(%while3A_621 = %while3A_538, %while3A_622 = %while3A_539, %while3A_623 = %while3A_540, %while3A_624 = %while3A_541, %while3A_625 = %while3A_542, %while3A_626 = %while3A_543, %while3A_627 = %while3A_544, %while3A_628 = %while3A_545, %while3A_629 = %while3A_546, %while3A_630 = %while3A_547, %while3A_631 = %while3A_548, %while3A_632 = %while3A_549, %while3A_633 = %while3A_550, %while3A_634 = %while3A_551, %while3A_635 = %while3A_552, %while3A_636 = %while3A_553, %while3A_637 = %while3A_554, %while3A_638 = %while3A_555, %while3A_639 = %while3A_556, %while3A_640 = %while3A_557, %while3A_641 = %while3A_558, %while3A_642 = %while3A_559, %while3A_643 = %while3A_560, %while3A_644 = %while3A_561, %while3A_645 = %while3A_562, %while3A_646 = %while3A_563, %while3A_647 = %while3A_564, %while3A_648 = %while3A_565, %while3A_649 = %while3A_566, %while3A_650 = %while3A_567, %while3A_651 = %while3A_568, %while3A_652 = %while3A_569, %while3A_653 = %while3A_570, %while3A_654 = %while3A_571, %while3A_655 = %while3A_572, %while3A_656 = %while3A_573, %while3A_657 = %while3A_574, %while3A_658 = %while3A_575, %while3A_659 = %while3A_576, %while3A_660 = %while3A_577, %while3A_661 = %while3A_578, %while3A_662 = %while3A_579, %while3A_663 = %while3A_580, %while3A_664 = %while3A_581, %while3A_665 = %while3A_582, %while3A_666 = %while3A_583, %while3A_667 = %while3A_584, %while3A_668 = %while3A_585) -> (vector<16xf32>, vector<16xf32>, vector<16xf32>, vector<16xf32>, vector<16xf32>, vector<16xf32>, vector<16xf32>, vector<16xf32>, vector<16xf32>, vector<16xf32>, vector<16xf32>, vector<16xf32>, vector<16xf32>, vector<16xf32>, vector<16xf32>, vector<16xf32>, vector<16xf32>, vector<16xf32>, vector<16xf32>, vector<16xf32>, vector<16xf32>, vector<16xf32>, vector<16xf32>, vector<16xf32>, vector<16xf32>, vector<16xf32>, vector<16xf32>, vector<16xf32>, vector<16xf32>, vector<16xf32>, vector<16xf32>, vector<16xf32>, vector<16xf32>, vector<16xf32>, vector<16xf32>, vector<16xf32>, vector<16xf32>, vector<16xf32>, vector<16xf32>, vector<16xf32>, vector<16xf32>, vector<16xf32>, vector<16xf32>, vector<16xf32>, vector<16xf32>, vector<16xf32>, vector<16xf32>, vector<16xf32>)  : i32 {
          %mul3A_669 = arith.constant 8 : i32
          %mul3A_670 = arith.muli %while3A_537, %mul3A_669 : i32
          %add3A_671 = arith.addi %mul3A_670, %while3A_620 : i32
          %get3A_672 = arith.index_cast %add3A_671 : i32 to index
          %get3A_673 = tpu.vector_load %arg8[%get3A_672] {strides = array<i32>} : memref<1040xf32, #tpu.memory_space<vmem>>, vector<16xf32>,
          %slice3A_674 = vector.extract_strided_slice %get3A_673 {offsets = [0], sizes = [1], strides = [1]} : vector<16xf32> to vector<1xf32>
          %squeeze3A_675 = vector.extract %slice3A_674[0] : f32 from vector<1xf32>
          %get3A_676 = arith.index_cast %while3A_620 : i32 to index
          %get3A_677 = arith.constant 0 : index
          %get3A_678 = tpu.vector_load %arg10[%get3A_676, %get3A_677] {strides = array<i32>} : memref<8x768xf32, #tpu.memory_space<vmem>>, vector<16xf32>,
          %mul3A_679 = vector.broadcast %squeeze3A_675 : f32 to vector<16xf32>
          %mul3A_680 = arith.mulf %mul3A_679, %get3A_678 : vector<16xf32>
          %add3A_681 = arith.addf %while3A_621, %mul3A_680 : vector<16xf32>
          %get3A_682 = arith.index_cast %while3A_620 : i32 to index
          %get3A_683 = arith.constant 16 : index
          %get3A_684 = tpu.vector_load %arg10[%get3A_682, %get3A_683] {strides = array<i32>} : memref<8x768xf32, #tpu.memory_space<vmem>>, vector<16xf32>,
          %mul3A_685 = vector.broadcast %squeeze3A_675 : f32 to vector<16xf32>
          %mul3A_686 = arith.mulf %mul3A_685, %get3A_684 : vector<16xf32>
          %add3A_687 = arith.addf %while3A_622, %mul3A_686 : vector<16xf32>
          %get3A_688 = arith.index_cast %while3A_620 : i32 to index
          %get3A_689 = arith.constant 32 : index
          %get3A_690 = tpu.vector_load %arg10[%get3A_688, %get3A_689] {strides = array<i32>} : memref<8x768xf32, #tpu.memory_space<vmem>>, vector<16xf32>,
          %mul3A_691 = vector.broadcast %squeeze3A_675 : f32 to vector<16xf32>
          %mul3A_692 = arith.mulf %mul3A_691, %get3A_690 : vector<16xf32>
          %add3A_693 = arith.addf %while3A_623, %mul3A_692 : vector<16xf32>
          %get3A_694 = arith.index_cast %while3A_620 : i32 to index
          %get3A_695 = arith.constant 48 : index
          %get3A_696 = tpu.vector_load %arg10[%get3A_694, %get3A_695] {strides = array<i32>} : memref<8x768xf32, #tpu.memory_space<vmem>>, vector<16xf32>,
          %mul3A_697 = vector.broadcast %squeeze3A_675 : f32 to vector<16xf32>
          %mul3A_698 = arith.mulf %mul3A_697, %get3A_696 : vector<16xf32>
          %add3A_699 = arith.addf %while3A_624, %mul3A_698 : vector<16xf32>
          %get3A_700 = arith.index_cast %while3A_620 : i32 to index
          %get3A_701 = arith.constant 64 : index
          %get3A_702 = tpu.vector_load %arg10[%get3A_700, %get3A_701] {strides = array<i32>} : memref<8x768xf32, #tpu.memory_space<vmem>>, vector<16xf32>,
          %mul3A_703 = vector.broadcast %squeeze3A_675 : f32 to vector<16xf32>
          %mul3A_704 = arith.mulf %mul3A_703, %get3A_702 : vector<16xf32>
          %add3A_705 = arith.addf %while3A_625, %mul3A_704 : vector<16xf32>
          %get3A_706 = arith.index_cast %while3A_620 : i32 to index
          %get3A_707 = arith.constant 80 : index
          %get3A_708 = tpu.vector_load %arg10[%get3A_706, %get3A_707] {strides = array<i32>} : memref<8x768xf32, #tpu.memory_space<vmem>>, vector<16xf32>,
          %mul3A_709 = vector.broadcast %squeeze3A_675 : f32 to vector<16xf32>
          %mul3A_710 = arith.mulf %mul3A_709, %get3A_708 : vector<16xf32>
          %add3A_711 = arith.addf %while3A_626, %mul3A_710 : vector<16xf32>
          %get3A_712 = arith.index_cast %while3A_620 : i32 to index
          %get3A_713 = arith.constant 96 : index
          %get3A_714 = tpu.vector_load %arg10[%get3A_712, %get3A_713] {strides = array<i32>} : memref<8x768xf32, #tpu.memory_space<vmem>>, vector<16xf32>,
          %mul3A_715 = vector.broadcast %squeeze3A_675 : f32 to vector<16xf32>
          %mul3A_716 = arith.mulf %mul3A_715, %get3A_714 : vector<16xf32>
          %add3A_717 = arith.addf %while3A_627, %mul3A_716 : vector<16xf32>
          %get3A_718 = arith.index_cast %while3A_620 : i32 to index
          %get3A_719 = arith.constant 112 : index
          %get3A_720 = tpu.vector_load %arg10[%get3A_718, %get3A_719] {strides = array<i32>} : memref<8x768xf32, #tpu.memory_space<vmem>>, vector<16xf32>,
          %mul3A_721 = vector.broadcast %squeeze3A_675 : f32 to vector<16xf32>
          %mul3A_722 = arith.mulf %mul3A_721, %get3A_720 : vector<16xf32>
          %add3A_723 = arith.addf %while3A_628, %mul3A_722 : vector<16xf32>
          %get3A_724 = arith.index_cast %while3A_620 : i32 to index
          %get3A_725 = arith.constant 128 : index
          %get3A_726 = tpu.vector_load %arg10[%get3A_724, %get3A_725] {strides = array<i32>} : memref<8x768xf32, #tpu.memory_space<vmem>>, vector<16xf32>,
          %mul3A_727 = vector.broadcast %squeeze3A_675 : f32 to vector<16xf32>
          %mul3A_728 = arith.mulf %mul3A_727, %get3A_726 : vector<16xf32>
          %add3A_729 = arith.addf %while3A_629, %mul3A_728 : vector<16xf32>
          %get3A_730 = arith.index_cast %while3A_620 : i32 to index
          %get3A_731 = arith.constant 144 : index
          %get3A_732 = tpu.vector_load %arg10[%get3A_730, %get3A_731] {strides = array<i32>} : memref<8x768xf32, #tpu.memory_space<vmem>>, vector<16xf32>,
          %mul3A_733 = vector.broadcast %squeeze3A_675 : f32 to vector<16xf32>
          %mul3A_734 = arith.mulf %mul3A_733, %get3A_732 : vector<16xf32>
          %add3A_735 = arith.addf %while3A_630, %mul3A_734 : vector<16xf32>
          %get3A_736 = arith.index_cast %while3A_620 : i32 to index
          %get3A_737 = arith.constant 160 : index
          %get3A_738 = tpu.vector_load %arg10[%get3A_736, %get3A_737] {strides = array<i32>} : memref<8x768xf32, #tpu.memory_space<vmem>>, vector<16xf32>,
          %mul3A_739 = vector.broadcast %squeeze3A_675 : f32 to vector<16xf32>
          %mul3A_740 = arith.mulf %mul3A_739, %get3A_738 : vector<16xf32>
          %add3A_741 = arith.addf %while3A_631, %mul3A_740 : vector<16xf32>
          %get3A_742 = arith.index_cast %while3A_620 : i32 to index
          %get3A_743 = arith.constant 176 : index
          %get3A_744 = tpu.vector_load %arg10[%get3A_742, %get3A_743] {strides = array<i32>} : memref<8x768xf32, #tpu.memory_space<vmem>>, vector<16xf32>,
          %mul3A_745 = vector.broadcast %squeeze3A_675 : f32 to vector<16xf32>
          %mul3A_746 = arith.mulf %mul3A_745, %get3A_744 : vector<16xf32>
          %add3A_747 = arith.addf %while3A_632, %mul3A_746 : vector<16xf32>
          %get3A_748 = arith.index_cast %while3A_620 : i32 to index
          %get3A_749 = arith.constant 192 : index
          %get3A_750 = tpu.vector_load %arg10[%get3A_748, %get3A_749] {strides = array<i32>} : memref<8x768xf32, #tpu.memory_space<vmem>>, vector<16xf32>,
          %mul3A_751 = vector.broadcast %squeeze3A_675 : f32 to vector<16xf32>
          %mul3A_752 = arith.mulf %mul3A_751, %get3A_750 : vector<16xf32>
          %add3A_753 = arith.addf %while3A_633, %mul3A_752 : vector<16xf32>
          %get3A_754 = arith.index_cast %while3A_620 : i32 to index
          %get3A_755 = arith.constant 208 : index
          %get3A_756 = tpu.vector_load %arg10[%get3A_754, %get3A_755] {strides = array<i32>} : memref<8x768xf32, #tpu.memory_space<vmem>>, vector<16xf32>,
          %mul3A_757 = vector.broadcast %squeeze3A_675 : f32 to vector<16xf32>
          %mul3A_758 = arith.mulf %mul3A_757, %get3A_756 : vector<16xf32>
          %add3A_759 = arith.addf %while3A_634, %mul3A_758 : vector<16xf32>
          %get3A_760 = arith.index_cast %while3A_620 : i32 to index
          %get3A_761 = arith.constant 224 : index
          %get3A_762 = tpu.vector_load %arg10[%get3A_760, %get3A_761] {strides = array<i32>} : memref<8x768xf32, #tpu.memory_space<vmem>>, vector<16xf32>,
          %mul3A_763 = vector.broadcast %squeeze3A_675 : f32 to vector<16xf32>
          %mul3A_764 = arith.mulf %mul3A_763, %get3A_762 : vector<16xf32>
          %add3A_765 = arith.addf %while3A_635, %mul3A_764 : vector<16xf32>
          %get3A_766 = arith.index_cast %while3A_620 : i32 to index
          %get3A_767 = arith.constant 240 : index
          %get3A_768 = tpu.vector_load %arg10[%get3A_766, %get3A_767] {strides = array<i32>} : memref<8x768xf32, #tpu.memory_space<vmem>>, vector<16xf32>,
          %mul3A_769 = vector.broadcast %squeeze3A_675 : f32 to vector<16xf32>
          %mul3A_770 = arith.mulf %mul3A_769, %get3A_768 : vector<16xf32>
          %add3A_771 = arith.addf %while3A_636, %mul3A_770 : vector<16xf32>
          %get3A_772 = arith.index_cast %while3A_620 : i32 to index
          %get3A_773 = arith.constant 256 : index
          %get3A_774 = tpu.vector_load %arg10[%get3A_772, %get3A_773] {strides = array<i32>} : memref<8x768xf32, #tpu.memory_space<vmem>>, vector<16xf32>,
          %mul3A_775 = vector.broadcast %squeeze3A_675 : f32 to vector<16xf32>
          %mul3A_776 = arith.mulf %mul3A_775, %get3A_774 : vector<16xf32>
          %add3A_777 = arith.addf %while3A_637, %mul3A_776 : vector<16xf32>
          %get3A_778 = arith.index_cast %while3A_620 : i32 to index
          %get3A_779 = arith.constant 272 : index
          %get3A_780 = tpu.vector_load %arg10[%get3A_778, %get3A_779] {strides = array<i32>} : memref<8x768xf32, #tpu.memory_space<vmem>>, vector<16xf32>,
          %mul3A_781 = vector.broadcast %squeeze3A_675 : f32 to vector<16xf32>
          %mul3A_782 = arith.mulf %mul3A_781, %get3A_780 : vector<16xf32>
          %add3A_783 = arith.addf %while3A_638, %mul3A_782 : vector<16xf32>
          %get3A_784 = arith.index_cast %while3A_620 : i32 to index
          %get3A_785 = arith.constant 288 : index
          %get3A_786 = tpu.vector_load %arg10[%get3A_784, %get3A_785] {strides = array<i32>} : memref<8x768xf32, #tpu.memory_space<vmem>>, vector<16xf32>,
          %mul3A_787 = vector.broadcast %squeeze3A_675 : f32 to vector<16xf32>
          %mul3A_788 = arith.mulf %mul3A_787, %get3A_786 : vector<16xf32>
          %add3A_789 = arith.addf %while3A_639, %mul3A_788 : vector<16xf32>
          %get3A_790 = arith.index_cast %while3A_620 : i32 to index
          %get3A_791 = arith.constant 304 : index
          %get3A_792 = tpu.vector_load %arg10[%get3A_790, %get3A_791] {strides = array<i32>} : memref<8x768xf32, #tpu.memory_space<vmem>>, vector<16xf32>,
          %mul3A_793 = vector.broadcast %squeeze3A_675 : f32 to vector<16xf32>
          %mul3A_794 = arith.mulf %mul3A_793, %get3A_792 : vector<16xf32>
          %add3A_795 = arith.addf %while3A_640, %mul3A_794 : vector<16xf32>
          %get3A_796 = arith.index_cast %while3A_620 : i32 to index
          %get3A_797 = arith.constant 320 : index
          %get3A_798 = tpu.vector_load %arg10[%get3A_796, %get3A_797] {strides = array<i32>} : memref<8x768xf32, #tpu.memory_space<vmem>>, vector<16xf32>,
          %mul3A_799 = vector.broadcast %squeeze3A_675 : f32 to vector<16xf32>
          %mul3A_800 = arith.mulf %mul3A_799, %get3A_798 : vector<16xf32>
          %add3A_801 = arith.addf %while3A_641, %mul3A_800 : vector<16xf32>
          %get3A_802 = arith.index_cast %while3A_620 : i32 to index
          %get3A_803 = arith.constant 336 : index
          %get3A_804 = tpu.vector_load %arg10[%get3A_802, %get3A_803] {strides = array<i32>} : memref<8x768xf32, #tpu.memory_space<vmem>>, vector<16xf32>,
          %mul3A_805 = vector.broadcast %squeeze3A_675 : f32 to vector<16xf32>
          %mul3A_806 = arith.mulf %mul3A_805, %get3A_804 : vector<16xf32>
          %add3A_807 = arith.addf %while3A_642, %mul3A_806 : vector<16xf32>
          %get3A_808 = arith.index_cast %while3A_620 : i32 to index
          %get3A_809 = arith.constant 352 : index
          %get3A_810 = tpu.vector_load %arg10[%get3A_808, %get3A_809] {strides = array<i32>} : memref<8x768xf32, #tpu.memory_space<vmem>>, vector<16xf32>,
          %mul3A_811 = vector.broadcast %squeeze3A_675 : f32 to vector<16xf32>
          %mul3A_812 = arith.mulf %mul3A_811, %get3A_810 : vector<16xf32>
          %add3A_813 = arith.addf %while3A_643, %mul3A_812 : vector<16xf32>
          %get3A_814 = arith.index_cast %while3A_620 : i32 to index
          %get3A_815 = arith.constant 368 : index
          %get3A_816 = tpu.vector_load %arg10[%get3A_814, %get3A_815] {strides = array<i32>} : memref<8x768xf32, #tpu.memory_space<vmem>>, vector<16xf32>,
          %mul3A_817 = vector.broadcast %squeeze3A_675 : f32 to vector<16xf32>
          %mul3A_818 = arith.mulf %mul3A_817, %get3A_816 : vector<16xf32>
          %add3A_819 = arith.addf %while3A_644, %mul3A_818 : vector<16xf32>
          %get3A_820 = arith.index_cast %while3A_620 : i32 to index
          %get3A_821 = arith.constant 384 : index
          %get3A_822 = tpu.vector_load %arg10[%get3A_820, %get3A_821] {strides = array<i32>} : memref<8x768xf32, #tpu.memory_space<vmem>>, vector<16xf32>,
          %mul3A_823 = vector.broadcast %squeeze3A_675 : f32 to vector<16xf32>
          %mul3A_824 = arith.mulf %mul3A_823, %get3A_822 : vector<16xf32>
          %add3A_825 = arith.addf %while3A_645, %mul3A_824 : vector<16xf32>
          %get3A_826 = arith.index_cast %while3A_620 : i32 to index
          %get3A_827 = arith.constant 400 : index
          %get3A_828 = tpu.vector_load %arg10[%get3A_826, %get3A_827] {strides = array<i32>} : memref<8x768xf32, #tpu.memory_space<vmem>>, vector<16xf32>,
          %mul3A_829 = vector.broadcast %squeeze3A_675 : f32 to vector<16xf32>
          %mul3A_830 = arith.mulf %mul3A_829, %get3A_828 : vector<16xf32>
          %add3A_831 = arith.addf %while3A_646, %mul3A_830 : vector<16xf32>
          %get3A_832 = arith.index_cast %while3A_620 : i32 to index
          %get3A_833 = arith.constant 416 : index
          %get3A_834 = tpu.vector_load %arg10[%get3A_832, %get3A_833] {strides = array<i32>} : memref<8x768xf32, #tpu.memory_space<vmem>>, vector<16xf32>,
          %mul3A_835 = vector.broadcast %squeeze3A_675 : f32 to vector<16xf32>
          %mul3A_836 = arith.mulf %mul3A_835, %get3A_834 : vector<16xf32>
          %add3A_837 = arith.addf %while3A_647, %mul3A_836 : vector<16xf32>
          %get3A_838 = arith.index_cast %while3A_620 : i32 to index
          %get3A_839 = arith.constant 432 : index
          %get3A_840 = tpu.vector_load %arg10[%get3A_838, %get3A_839] {strides = array<i32>} : memref<8x768xf32, #tpu.memory_space<vmem>>, vector<16xf32>,
          %mul3A_841 = vector.broadcast %squeeze3A_675 : f32 to vector<16xf32>
          %mul3A_842 = arith.mulf %mul3A_841, %get3A_840 : vector<16xf32>
          %add3A_843 = arith.addf %while3A_648, %mul3A_842 : vector<16xf32>
          %get3A_844 = arith.index_cast %while3A_620 : i32 to index
          %get3A_845 = arith.constant 448 : index
          %get3A_846 = tpu.vector_load %arg10[%get3A_844, %get3A_845] {strides = array<i32>} : memref<8x768xf32, #tpu.memory_space<vmem>>, vector<16xf32>,
          %mul3A_847 = vector.broadcast %squeeze3A_675 : f32 to vector<16xf32>
          %mul3A_848 = arith.mulf %mul3A_847, %get3A_846 : vector<16xf32>
          %add3A_849 = arith.addf %while3A_649, %mul3A_848 : vector<16xf32>
          %get3A_850 = arith.index_cast %while3A_620 : i32 to index
          %get3A_851 = arith.constant 464 : index
          %get3A_852 = tpu.vector_load %arg10[%get3A_850, %get3A_851] {strides = array<i32>} : memref<8x768xf32, #tpu.memory_space<vmem>>, vector<16xf32>,
          %mul3A_853 = vector.broadcast %squeeze3A_675 : f32 to vector<16xf32>
          %mul3A_854 = arith.mulf %mul3A_853, %get3A_852 : vector<16xf32>
          %add3A_855 = arith.addf %while3A_650, %mul3A_854 : vector<16xf32>
          %get3A_856 = arith.index_cast %while3A_620 : i32 to index
          %get3A_857 = arith.constant 480 : index
          %get3A_858 = tpu.vector_load %arg10[%get3A_856, %get3A_857] {strides = array<i32>} : memref<8x768xf32, #tpu.memory_space<vmem>>, vector<16xf32>,
          %mul3A_859 = vector.broadcast %squeeze3A_675 : f32 to vector<16xf32>
          %mul3A_860 = arith.mulf %mul3A_859, %get3A_858 : vector<16xf32>
          %add3A_861 = arith.addf %while3A_651, %mul3A_860 : vector<16xf32>
          %get3A_862 = arith.index_cast %while3A_620 : i32 to index
          %get3A_863 = arith.constant 496 : index
          %get3A_864 = tpu.vector_load %arg10[%get3A_862, %get3A_863] {strides = array<i32>} : memref<8x768xf32, #tpu.memory_space<vmem>>, vector<16xf32>,
          %mul3A_865 = vector.broadcast %squeeze3A_675 : f32 to vector<16xf32>
          %mul3A_866 = arith.mulf %mul3A_865, %get3A_864 : vector<16xf32>
          %add3A_867 = arith.addf %while3A_652, %mul3A_866 : vector<16xf32>
          %get3A_868 = arith.index_cast %while3A_620 : i32 to index
          %get3A_869 = arith.constant 512 : index
          %get3A_870 = tpu.vector_load %arg10[%get3A_868, %get3A_869] {strides = array<i32>} : memref<8x768xf32, #tpu.memory_space<vmem>>, vector<16xf32>,
          %mul3A_871 = vector.broadcast %squeeze3A_675 : f32 to vector<16xf32>
          %mul3A_872 = arith.mulf %mul3A_871, %get3A_870 : vector<16xf32>
          %add3A_873 = arith.addf %while3A_653, %mul3A_872 : vector<16xf32>
          %get3A_874 = arith.index_cast %while3A_620 : i32 to index
          %get3A_875 = arith.constant 528 : index
          %get3A_876 = tpu.vector_load %arg10[%get3A_874, %get3A_875] {strides = array<i32>} : memref<8x768xf32, #tpu.memory_space<vmem>>, vector<16xf32>,
          %mul3A_877 = vector.broadcast %squeeze3A_675 : f32 to vector<16xf32>
          %mul3A_878 = arith.mulf %mul3A_877, %get3A_876 : vector<16xf32>
          %add3A_879 = arith.addf %while3A_654, %mul3A_878 : vector<16xf32>
          %get3A_880 = arith.index_cast %while3A_620 : i32 to index
          %get3A_881 = arith.constant 544 : index
          %get3A_882 = tpu.vector_load %arg10[%get3A_880, %get3A_881] {strides = array<i32>} : memref<8x768xf32, #tpu.memory_space<vmem>>, vector<16xf32>,
          %mul3A_883 = vector.broadcast %squeeze3A_675 : f32 to vector<16xf32>
          %mul3A_884 = arith.mulf %mul3A_883, %get3A_882 : vector<16xf32>
          %add3A_885 = arith.addf %while3A_655, %mul3A_884 : vector<16xf32>
          %get3A_886 = arith.index_cast %while3A_620 : i32 to index
          %get3A_887 = arith.constant 560 : index
          %get3A_888 = tpu.vector_load %arg10[%get3A_886, %get3A_887] {strides = array<i32>} : memref<8x768xf32, #tpu.memory_space<vmem>>, vector<16xf32>,
          %mul3A_889 = vector.broadcast %squeeze3A_675 : f32 to vector<16xf32>
          %mul3A_890 = arith.mulf %mul3A_889, %get3A_888 : vector<16xf32>
          %add3A_891 = arith.addf %while3A_656, %mul3A_890 : vector<16xf32>
          %get3A_892 = arith.index_cast %while3A_620 : i32 to index
          %get3A_893 = arith.constant 576 : index
          %get3A_894 = tpu.vector_load %arg10[%get3A_892, %get3A_893] {strides = array<i32>} : memref<8x768xf32, #tpu.memory_space<vmem>>, vector<16xf32>,
          %mul3A_895 = vector.broadcast %squeeze3A_675 : f32 to vector<16xf32>
          %mul3A_896 = arith.mulf %mul3A_895, %get3A_894 : vector<16xf32>
          %add3A_897 = arith.addf %while3A_657, %mul3A_896 : vector<16xf32>
          %get3A_898 = arith.index_cast %while3A_620 : i32 to index
          %get3A_899 = arith.constant 592 : index
          %get3A_900 = tpu.vector_load %arg10[%get3A_898, %get3A_899] {strides = array<i32>} : memref<8x768xf32, #tpu.memory_space<vmem>>, vector<16xf32>,
          %mul3A_901 = vector.broadcast %squeeze3A_675 : f32 to vector<16xf32>
          %mul3A_902 = arith.mulf %mul3A_901, %get3A_900 : vector<16xf32>
          %add3A_903 = arith.addf %while3A_658, %mul3A_902 : vector<16xf32>
          %get3A_904 = arith.index_cast %while3A_620 : i32 to index
          %get3A_905 = arith.constant 608 : index
          %get3A_906 = tpu.vector_load %arg10[%get3A_904, %get3A_905] {strides = array<i32>} : memref<8x768xf32, #tpu.memory_space<vmem>>, vector<16xf32>,
          %mul3A_907 = vector.broadcast %squeeze3A_675 : f32 to vector<16xf32>
          %mul3A_908 = arith.mulf %mul3A_907, %get3A_906 : vector<16xf32>
          %add3A_909 = arith.addf %while3A_659, %mul3A_908 : vector<16xf32>
          %get3A_910 = arith.index_cast %while3A_620 : i32 to index
          %get3A_911 = arith.constant 624 : index
          %get3A_912 = tpu.vector_load %arg10[%get3A_910, %get3A_911] {strides = array<i32>} : memref<8x768xf32, #tpu.memory_space<vmem>>, vector<16xf32>,
          %mul3A_913 = vector.broadcast %squeeze3A_675 : f32 to vector<16xf32>
          %mul3A_914 = arith.mulf %mul3A_913, %get3A_912 : vector<16xf32>
          %add3A_915 = arith.addf %while3A_660, %mul3A_914 : vector<16xf32>
          %get3A_916 = arith.index_cast %while3A_620 : i32 to index
          %get3A_917 = arith.constant 640 : index
          %get3A_918 = tpu.vector_load %arg10[%get3A_916, %get3A_917] {strides = array<i32>} : memref<8x768xf32, #tpu.memory_space<vmem>>, vector<16xf32>,
          %mul3A_919 = vector.broadcast %squeeze3A_675 : f32 to vector<16xf32>
          %mul3A_920 = arith.mulf %mul3A_919, %get3A_918 : vector<16xf32>
          %add3A_921 = arith.addf %while3A_661, %mul3A_920 : vector<16xf32>
          %get3A_922 = arith.index_cast %while3A_620 : i32 to index
          %get3A_923 = arith.constant 656 : index
          %get3A_924 = tpu.vector_load %arg10[%get3A_922, %get3A_923] {strides = array<i32>} : memref<8x768xf32, #tpu.memory_space<vmem>>, vector<16xf32>,
          %mul3A_925 = vector.broadcast %squeeze3A_675 : f32 to vector<16xf32>
          %mul3A_926 = arith.mulf %mul3A_925, %get3A_924 : vector<16xf32>
          %add3A_927 = arith.addf %while3A_662, %mul3A_926 : vector<16xf32>
          %get3A_928 = arith.index_cast %while3A_620 : i32 to index
          %get3A_929 = arith.constant 672 : index
          %get3A_930 = tpu.vector_load %arg10[%get3A_928, %get3A_929] {strides = array<i32>} : memref<8x768xf32, #tpu.memory_space<vmem>>, vector<16xf32>,
          %mul3A_931 = vector.broadcast %squeeze3A_675 : f32 to vector<16xf32>
          %mul3A_932 = arith.mulf %mul3A_931, %get3A_930 : vector<16xf32>
          %add3A_933 = arith.addf %while3A_663, %mul3A_932 : vector<16xf32>
          %get3A_934 = arith.index_cast %while3A_620 : i32 to index
          %get3A_935 = arith.constant 688 : index
          %get3A_936 = tpu.vector_load %arg10[%get3A_934, %get3A_935] {strides = array<i32>} : memref<8x768xf32, #tpu.memory_space<vmem>>, vector<16xf32>,
          %mul3A_937 = vector.broadcast %squeeze3A_675 : f32 to vector<16xf32>
          %mul3A_938 = arith.mulf %mul3A_937, %get3A_936 : vector<16xf32>
          %add3A_939 = arith.addf %while3A_664, %mul3A_938 : vector<16xf32>
          %get3A_940 = arith.index_cast %while3A_620 : i32 to index
          %get3A_941 = arith.constant 704 : index
          %get3A_942 = tpu.vector_load %arg10[%get3A_940, %get3A_941] {strides = array<i32>} : memref<8x768xf32, #tpu.memory_space<vmem>>, vector<16xf32>,
          %mul3A_943 = vector.broadcast %squeeze3A_675 : f32 to vector<16xf32>
          %mul3A_944 = arith.mulf %mul3A_943, %get3A_942 : vector<16xf32>
          %add3A_945 = arith.addf %while3A_665, %mul3A_944 : vector<16xf32>
          %get3A_946 = arith.index_cast %while3A_620 : i32 to index
          %get3A_947 = arith.constant 720 : index
          %get3A_948 = tpu.vector_load %arg10[%get3A_946, %get3A_947] {strides = array<i32>} : memref<8x768xf32, #tpu.memory_space<vmem>>, vector<16xf32>,
          %mul3A_949 = vector.broadcast %squeeze3A_675 : f32 to vector<16xf32>
          %mul3A_950 = arith.mulf %mul3A_949, %get3A_948 : vector<16xf32>
          %add3A_951 = arith.addf %while3A_666, %mul3A_950 : vector<16xf32>
          %get3A_952 = arith.index_cast %while3A_620 : i32 to index
          %get3A_953 = arith.constant 736 : index
          %get3A_954 = tpu.vector_load %arg10[%get3A_952, %get3A_953] {strides = array<i32>} : memref<8x768xf32, #tpu.memory_space<vmem>>, vector<16xf32>,
          %mul3A_955 = vector.broadcast %squeeze3A_675 : f32 to vector<16xf32>
          %mul3A_956 = arith.mulf %mul3A_955, %get3A_954 : vector<16xf32>
          %add3A_957 = arith.addf %while3A_667, %mul3A_956 : vector<16xf32>
          %get3A_958 = arith.index_cast %while3A_620 : i32 to index
          %get3A_959 = arith.constant 752 : index
          %get3A_960 = tpu.vector_load %arg10[%get3A_958, %get3A_959] {strides = array<i32>} : memref<8x768xf32, #tpu.memory_space<vmem>>, vector<16xf32>,
          %mul3A_961 = vector.broadcast %squeeze3A_675 : f32 to vector<16xf32>
          %mul3A_962 = arith.mulf %mul3A_961, %get3A_960 : vector<16xf32>
          %add3A_963 = arith.addf %while3A_668, %mul3A_962 : vector<16xf32>
          scf.yield %add3A_681, %add3A_687, %add3A_693, %add3A_699, %add3A_705, %add3A_711, %add3A_717, %add3A_723, %add3A_729, %add3A_735, %add3A_741, %add3A_747, %add3A_753, %add3A_759, %add3A_765, %add3A_771, %add3A_777, %add3A_783, %add3A_789, %add3A_795, %add3A_801, %add3A_807, %add3A_813, %add3A_819, %add3A_825, %add3A_831, %add3A_837, %add3A_843, %add3A_849, %add3A_855, %add3A_861, %add3A_867, %add3A_873, %add3A_879, %add3A_885, %add3A_891, %add3A_897, %add3A_903, %add3A_909, %add3A_915, %add3A_921, %add3A_927, %add3A_933, %add3A_939, %add3A_945, %add3A_951, %add3A_957, %add3A_963 : vector<16xf32>, vector<16xf32>, vector<16xf32>, vector<16xf32>, vector<16xf32>, vector<16xf32>, vector<16xf32>, vector<16xf32>, vector<16xf32>, vector<16xf32>, vector<16xf32>, vector<16xf32>, vector<16xf32>, vector<16xf32>, vector<16xf32>, vector<16xf32>, vector<16xf32>, vector<16xf32>, vector<16xf32>, vector<16xf32>, vector<16xf32>, vector<16xf32>, vector<16xf32>, vector<16xf32>, vector<16xf32>, vector<16xf32>, vector<16xf32>, vector<16xf32>, vector<16xf32>, vector<16xf32>, vector<16xf32>, vector<16xf32>, vector<16xf32>, vector<16xf32>, vector<16xf32>, vector<16xf32>, vector<16xf32>, vector<16xf32>, vector<16xf32>, vector<16xf32>, vector<16xf32>, vector<16xf32>, vector<16xf32>, vector<16xf32>, vector<16xf32>, vector<16xf32>, vector<16xf32>, vector<16xf32>
        }
        %while3A_618 = arith.constant 1 : i32
        %while3A_619:48 = scf.for %while3A_620 = %while3A_615 to %while3A_611 step %while3A_618 iter_args(%while3A_621 = %while3A_617#0, %while3A_622 = %while3A_617#1, %while3A_623 = %while3A_617#2, %while3A_624 = %while3A_617#3, %while3A_625 = %while3A_617#4, %while3A_626 = %while3A_617#5, %while3A_627 = %while3A_617#6, %while3A_628 = %while3A_617#7, %while3A_629 = %while3A_617#8, %while3A_630 = %while3A_617#9, %while3A_631 = %while3A_617#10, %while3A_632 = %while3A_617#11, %while3A_633 = %while3A_617#12, %while3A_634 = %while3A_617#13, %while3A_635 = %while3A_617#14, %while3A_636 = %while3A_617#15, %while3A_637 = %while3A_617#16, %while3A_638 = %while3A_617#17, %while3A_639 = %while3A_617#18, %while3A_640 = %while3A_617#19, %while3A_641 = %while3A_617#20, %while3A_642 = %while3A_617#21, %while3A_643 = %while3A_617#22, %while3A_644 = %while3A_617#23, %while3A_645 = %while3A_617#24, %while3A_646 = %while3A_617#25, %while3A_647 = %while3A_617#26, %while3A_648 = %while3A_617#27, %while3A_649 = %while3A_617#28, %while3A_650 = %while3A_617#29, %while3A_651 = %while3A_617#30, %while3A_652 = %while3A_617#31, %while3A_653 = %while3A_617#32, %while3A_654 = %while3A_617#33, %while3A_655 = %while3A_617#34, %while3A_656 = %while3A_617#35, %while3A_657 = %while3A_617#36, %while3A_658 = %while3A_617#37, %while3A_659 = %while3A_617#38, %while3A_660 = %while3A_617#39, %while3A_661 = %while3A_617#40, %while3A_662 = %while3A_617#41, %while3A_663 = %while3A_617#42, %while3A_664 = %while3A_617#43, %while3A_665 = %while3A_617#44, %while3A_666 = %while3A_617#45, %while3A_667 = %while3A_617#46, %while3A_668 = %while3A_617#47) -> (vector<16xf32>, vector<16xf32>, vector<16xf32>, vector<16xf32>, vector<16xf32>, vector<16xf32>, vector<16xf32>, vector<16xf32>, vector<16xf32>, vector<16xf32>, vector<16xf32>, vector<16xf32>, vector<16xf32>, vector<16xf32>, vector<16xf32>, vector<16xf32>, vector<16xf32>, vector<16xf32>, vector<16xf32>, vector<16xf32>, vector<16xf32>, vector<16xf32>, vector<16xf32>, vector<16xf32>, vector<16xf32>, vector<16xf32>, vector<16xf32>, vector<16xf32>, vector<16xf32>, vector<16xf32>, vector<16xf32>, vector<16xf32>, vector<16xf32>, vector<16xf32>, vector<16xf32>, vector<16xf32>, vector<16xf32>, vector<16xf32>, vector<16xf32>, vector<16xf32>, vector<16xf32>, vector<16xf32>, vector<16xf32>, vector<16xf32>, vector<16xf32>, vector<16xf32>, vector<16xf32>, vector<16xf32>)  : i32 {
          %mul3A_669 = arith.constant 8 : i32
          %mul3A_670 = arith.muli %while3A_537, %mul3A_669 : i32
          %add3A_671 = arith.addi %mul3A_670, %while3A_620 : i32
          %get3A_672 = arith.index_cast %add3A_671 : i32 to index
          %get3A_673 = tpu.vector_load %arg8[%get3A_672] {strides = array<i32>} : memref<1040xf32, #tpu.memory_space<vmem>>, vector<16xf32>,
          %slice3A_674 = vector.extract_strided_slice %get3A_673 {offsets = [0], sizes = [1], strides = [1]} : vector<16xf32> to vector<1xf32>
          %squeeze3A_675 = vector.extract %slice3A_674[0] : f32 from vector<1xf32>
          %get3A_676 = arith.index_cast %while3A_620 : i32 to index
          %get3A_677 = arith.constant 0 : index
          %get3A_678 = tpu.vector_load %arg10[%get3A_676, %get3A_677] {strides = array<i32>} : memref<8x768xf32, #tpu.memory_space<vmem>>, vector<16xf32>,
          %mul3A_679 = vector.broadcast %squeeze3A_675 : f32 to vector<16xf32>
          %mul3A_680 = arith.mulf %mul3A_679, %get3A_678 : vector<16xf32>
          %add3A_681 = arith.addf %while3A_621, %mul3A_680 : vector<16xf32>
          %get3A_682 = arith.index_cast %while3A_620 : i32 to index
          %get3A_683 = arith.constant 16 : index
          %get3A_684 = tpu.vector_load %arg10[%get3A_682, %get3A_683] {strides = array<i32>} : memref<8x768xf32, #tpu.memory_space<vmem>>, vector<16xf32>,
          %mul3A_685 = vector.broadcast %squeeze3A_675 : f32 to vector<16xf32>
          %mul3A_686 = arith.mulf %mul3A_685, %get3A_684 : vector<16xf32>
          %add3A_687 = arith.addf %while3A_622, %mul3A_686 : vector<16xf32>
          %get3A_688 = arith.index_cast %while3A_620 : i32 to index
          %get3A_689 = arith.constant 32 : index
          %get3A_690 = tpu.vector_load %arg10[%get3A_688, %get3A_689] {strides = array<i32>} : memref<8x768xf32, #tpu.memory_space<vmem>>, vector<16xf32>,
          %mul3A_691 = vector.broadcast %squeeze3A_675 : f32 to vector<16xf32>
          %mul3A_692 = arith.mulf %mul3A_691, %get3A_690 : vector<16xf32>
          %add3A_693 = arith.addf %while3A_623, %mul3A_692 : vector<16xf32>
          %get3A_694 = arith.index_cast %while3A_620 : i32 to index
          %get3A_695 = arith.constant 48 : index
          %get3A_696 = tpu.vector_load %arg10[%get3A_694, %get3A_695] {strides = array<i32>} : memref<8x768xf32, #tpu.memory_space<vmem>>, vector<16xf32>,
          %mul3A_697 = vector.broadcast %squeeze3A_675 : f32 to vector<16xf32>
          %mul3A_698 = arith.mulf %mul3A_697, %get3A_696 : vector<16xf32>
          %add3A_699 = arith.addf %while3A_624, %mul3A_698 : vector<16xf32>
          %get3A_700 = arith.index_cast %while3A_620 : i32 to index
          %get3A_701 = arith.constant 64 : index
          %get3A_702 = tpu.vector_load %arg10[%get3A_700, %get3A_701] {strides = array<i32>} : memref<8x768xf32, #tpu.memory_space<vmem>>, vector<16xf32>,
          %mul3A_703 = vector.broadcast %squeeze3A_675 : f32 to vector<16xf32>
          %mul3A_704 = arith.mulf %mul3A_703, %get3A_702 : vector<16xf32>
          %add3A_705 = arith.addf %while3A_625, %mul3A_704 : vector<16xf32>
          %get3A_706 = arith.index_cast %while3A_620 : i32 to index
          %get3A_707 = arith.constant 80 : index
          %get3A_708 = tpu.vector_load %arg10[%get3A_706, %get3A_707] {strides = array<i32>} : memref<8x768xf32, #tpu.memory_space<vmem>>, vector<16xf32>,
          %mul3A_709 = vector.broadcast %squeeze3A_675 : f32 to vector<16xf32>
          %mul3A_710 = arith.mulf %mul3A_709, %get3A_708 : vector<16xf32>
          %add3A_711 = arith.addf %while3A_626, %mul3A_710 : vector<16xf32>
          %get3A_712 = arith.index_cast %while3A_620 : i32 to index
          %get3A_713 = arith.constant 96 : index
          %get3A_714 = tpu.vector_load %arg10[%get3A_712, %get3A_713] {strides = array<i32>} : memref<8x768xf32, #tpu.memory_space<vmem>>, vector<16xf32>,
          %mul3A_715 = vector.broadcast %squeeze3A_675 : f32 to vector<16xf32>
          %mul3A_716 = arith.mulf %mul3A_715, %get3A_714 : vector<16xf32>
          %add3A_717 = arith.addf %while3A_627, %mul3A_716 : vector<16xf32>
          %get3A_718 = arith.index_cast %while3A_620 : i32 to index
          %get3A_719 = arith.constant 112 : index
          %get3A_720 = tpu.vector_load %arg10[%get3A_718, %get3A_719] {strides = array<i32>} : memref<8x768xf32, #tpu.memory_space<vmem>>, vector<16xf32>,
          %mul3A_721 = vector.broadcast %squeeze3A_675 : f32 to vector<16xf32>
          %mul3A_722 = arith.mulf %mul3A_721, %get3A_720 : vector<16xf32>
          %add3A_723 = arith.addf %while3A_628, %mul3A_722 : vector<16xf32>
          %get3A_724 = arith.index_cast %while3A_620 : i32 to index
          %get3A_725 = arith.constant 128 : index
          %get3A_726 = tpu.vector_load %arg10[%get3A_724, %get3A_725] {strides = array<i32>} : memref<8x768xf32, #tpu.memory_space<vmem>>, vector<16xf32>,
          %mul3A_727 = vector.broadcast %squeeze3A_675 : f32 to vector<16xf32>
          %mul3A_728 = arith.mulf %mul3A_727, %get3A_726 : vector<16xf32>
          %add3A_729 = arith.addf %while3A_629, %mul3A_728 : vector<16xf32>
          %get3A_730 = arith.index_cast %while3A_620 : i32 to index
          %get3A_731 = arith.constant 144 : index
          %get3A_732 = tpu.vector_load %arg10[%get3A_730, %get3A_731] {strides = array<i32>} : memref<8x768xf32, #tpu.memory_space<vmem>>, vector<16xf32>,
          %mul3A_733 = vector.broadcast %squeeze3A_675 : f32 to vector<16xf32>
          %mul3A_734 = arith.mulf %mul3A_733, %get3A_732 : vector<16xf32>
          %add3A_735 = arith.addf %while3A_630, %mul3A_734 : vector<16xf32>
          %get3A_736 = arith.index_cast %while3A_620 : i32 to index
          %get3A_737 = arith.constant 160 : index
          %get3A_738 = tpu.vector_load %arg10[%get3A_736, %get3A_737] {strides = array<i32>} : memref<8x768xf32, #tpu.memory_space<vmem>>, vector<16xf32>,
          %mul3A_739 = vector.broadcast %squeeze3A_675 : f32 to vector<16xf32>
          %mul3A_740 = arith.mulf %mul3A_739, %get3A_738 : vector<16xf32>
          %add3A_741 = arith.addf %while3A_631, %mul3A_740 : vector<16xf32>
          %get3A_742 = arith.index_cast %while3A_620 : i32 to index
          %get3A_743 = arith.constant 176 : index
          %get3A_744 = tpu.vector_load %arg10[%get3A_742, %get3A_743] {strides = array<i32>} : memref<8x768xf32, #tpu.memory_space<vmem>>, vector<16xf32>,
          %mul3A_745 = vector.broadcast %squeeze3A_675 : f32 to vector<16xf32>
          %mul3A_746 = arith.mulf %mul3A_745, %get3A_744 : vector<16xf32>
          %add3A_747 = arith.addf %while3A_632, %mul3A_746 : vector<16xf32>
          %get3A_748 = arith.index_cast %while3A_620 : i32 to index
          %get3A_749 = arith.constant 192 : index
          %get3A_750 = tpu.vector_load %arg10[%get3A_748, %get3A_749] {strides = array<i32>} : memref<8x768xf32, #tpu.memory_space<vmem>>, vector<16xf32>,
          %mul3A_751 = vector.broadcast %squeeze3A_675 : f32 to vector<16xf32>
          %mul3A_752 = arith.mulf %mul3A_751, %get3A_750 : vector<16xf32>
          %add3A_753 = arith.addf %while3A_633, %mul3A_752 : vector<16xf32>
          %get3A_754 = arith.index_cast %while3A_620 : i32 to index
          %get3A_755 = arith.constant 208 : index
          %get3A_756 = tpu.vector_load %arg10[%get3A_754, %get3A_755] {strides = array<i32>} : memref<8x768xf32, #tpu.memory_space<vmem>>, vector<16xf32>,
          %mul3A_757 = vector.broadcast %squeeze3A_675 : f32 to vector<16xf32>
          %mul3A_758 = arith.mulf %mul3A_757, %get3A_756 : vector<16xf32>
          %add3A_759 = arith.addf %while3A_634, %mul3A_758 : vector<16xf32>
          %get3A_760 = arith.index_cast %while3A_620 : i32 to index
          %get3A_761 = arith.constant 224 : index
          %get3A_762 = tpu.vector_load %arg10[%get3A_760, %get3A_761] {strides = array<i32>} : memref<8x768xf32, #tpu.memory_space<vmem>>, vector<16xf32>,
          %mul3A_763 = vector.broadcast %squeeze3A_675 : f32 to vector<16xf32>
          %mul3A_764 = arith.mulf %mul3A_763, %get3A_762 : vector<16xf32>
          %add3A_765 = arith.addf %while3A_635, %mul3A_764 : vector<16xf32>
          %get3A_766 = arith.index_cast %while3A_620 : i32 to index
          %get3A_767 = arith.constant 240 : index
          %get3A_768 = tpu.vector_load %arg10[%get3A_766, %get3A_767] {strides = array<i32>} : memref<8x768xf32, #tpu.memory_space<vmem>>, vector<16xf32>,
          %mul3A_769 = vector.broadcast %squeeze3A_675 : f32 to vector<16xf32>
          %mul3A_770 = arith.mulf %mul3A_769, %get3A_768 : vector<16xf32>
          %add3A_771 = arith.addf %while3A_636, %mul3A_770 : vector<16xf32>
          %get3A_772 = arith.index_cast %while3A_620 : i32 to index
          %get3A_773 = arith.constant 256 : index
          %get3A_774 = tpu.vector_load %arg10[%get3A_772, %get3A_773] {strides = array<i32>} : memref<8x768xf32, #tpu.memory_space<vmem>>, vector<16xf32>,
          %mul3A_775 = vector.broadcast %squeeze3A_675 : f32 to vector<16xf32>
          %mul3A_776 = arith.mulf %mul3A_775, %get3A_774 : vector<16xf32>
          %add3A_777 = arith.addf %while3A_637, %mul3A_776 : vector<16xf32>
          %get3A_778 = arith.index_cast %while3A_620 : i32 to index
          %get3A_779 = arith.constant 272 : index
          %get3A_780 = tpu.vector_load %arg10[%get3A_778, %get3A_779] {strides = array<i32>} : memref<8x768xf32, #tpu.memory_space<vmem>>, vector<16xf32>,
          %mul3A_781 = vector.broadcast %squeeze3A_675 : f32 to vector<16xf32>
          %mul3A_782 = arith.mulf %mul3A_781, %get3A_780 : vector<16xf32>
          %add3A_783 = arith.addf %while3A_638, %mul3A_782 : vector<16xf32>
          %get3A_784 = arith.index_cast %while3A_620 : i32 to index
          %get3A_785 = arith.constant 288 : index
          %get3A_786 = tpu.vector_load %arg10[%get3A_784, %get3A_785] {strides = array<i32>} : memref<8x768xf32, #tpu.memory_space<vmem>>, vector<16xf32>,
          %mul3A_787 = vector.broadcast %squeeze3A_675 : f32 to vector<16xf32>
          %mul3A_788 = arith.mulf %mul3A_787, %get3A_786 : vector<16xf32>
          %add3A_789 = arith.addf %while3A_639, %mul3A_788 : vector<16xf32>
          %get3A_790 = arith.index_cast %while3A_620 : i32 to index
          %get3A_791 = arith.constant 304 : index
          %get3A_792 = tpu.vector_load %arg10[%get3A_790, %get3A_791] {strides = array<i32>} : memref<8x768xf32, #tpu.memory_space<vmem>>, vector<16xf32>,
          %mul3A_793 = vector.broadcast %squeeze3A_675 : f32 to vector<16xf32>
          %mul3A_794 = arith.mulf %mul3A_793, %get3A_792 : vector<16xf32>
          %add3A_795 = arith.addf %while3A_640, %mul3A_794 : vector<16xf32>
          %get3A_796 = arith.index_cast %while3A_620 : i32 to index
          %get3A_797 = arith.constant 320 : index
          %get3A_798 = tpu.vector_load %arg10[%get3A_796, %get3A_797] {strides = array<i32>} : memref<8x768xf32, #tpu.memory_space<vmem>>, vector<16xf32>,
          %mul3A_799 = vector.broadcast %squeeze3A_675 : f32 to vector<16xf32>
          %mul3A_800 = arith.mulf %mul3A_799, %get3A_798 : vector<16xf32>
          %add3A_801 = arith.addf %while3A_641, %mul3A_800 : vector<16xf32>
          %get3A_802 = arith.index_cast %while3A_620 : i32 to index
          %get3A_803 = arith.constant 336 : index
          %get3A_804 = tpu.vector_load %arg10[%get3A_802, %get3A_803] {strides = array<i32>} : memref<8x768xf32, #tpu.memory_space<vmem>>, vector<16xf32>,
          %mul3A_805 = vector.broadcast %squeeze3A_675 : f32 to vector<16xf32>
          %mul3A_806 = arith.mulf %mul3A_805, %get3A_804 : vector<16xf32>
          %add3A_807 = arith.addf %while3A_642, %mul3A_806 : vector<16xf32>
          %get3A_808 = arith.index_cast %while3A_620 : i32 to index
          %get3A_809 = arith.constant 352 : index
          %get3A_810 = tpu.vector_load %arg10[%get3A_808, %get3A_809] {strides = array<i32>} : memref<8x768xf32, #tpu.memory_space<vmem>>, vector<16xf32>,
          %mul3A_811 = vector.broadcast %squeeze3A_675 : f32 to vector<16xf32>
          %mul3A_812 = arith.mulf %mul3A_811, %get3A_810 : vector<16xf32>
          %add3A_813 = arith.addf %while3A_643, %mul3A_812 : vector<16xf32>
          %get3A_814 = arith.index_cast %while3A_620 : i32 to index
          %get3A_815 = arith.constant 368 : index
          %get3A_816 = tpu.vector_load %arg10[%get3A_814, %get3A_815] {strides = array<i32>} : memref<8x768xf32, #tpu.memory_space<vmem>>, vector<16xf32>,
          %mul3A_817 = vector.broadcast %squeeze3A_675 : f32 to vector<16xf32>
          %mul3A_818 = arith.mulf %mul3A_817, %get3A_816 : vector<16xf32>
          %add3A_819 = arith.addf %while3A_644, %mul3A_818 : vector<16xf32>
          %get3A_820 = arith.index_cast %while3A_620 : i32 to index
          %get3A_821 = arith.constant 384 : index
          %get3A_822 = tpu.vector_load %arg10[%get3A_820, %get3A_821] {strides = array<i32>} : memref<8x768xf32, #tpu.memory_space<vmem>>, vector<16xf32>,
          %mul3A_823 = vector.broadcast %squeeze3A_675 : f32 to vector<16xf32>
          %mul3A_824 = arith.mulf %mul3A_823, %get3A_822 : vector<16xf32>
          %add3A_825 = arith.addf %while3A_645, %mul3A_824 : vector<16xf32>
          %get3A_826 = arith.index_cast %while3A_620 : i32 to index
          %get3A_827 = arith.constant 400 : index
          %get3A_828 = tpu.vector_load %arg10[%get3A_826, %get3A_827] {strides = array<i32>} : memref<8x768xf32, #tpu.memory_space<vmem>>, vector<16xf32>,
          %mul3A_829 = vector.broadcast %squeeze3A_675 : f32 to vector<16xf32>
          %mul3A_830 = arith.mulf %mul3A_829, %get3A_828 : vector<16xf32>
          %add3A_831 = arith.addf %while3A_646, %mul3A_830 : vector<16xf32>
          %get3A_832 = arith.index_cast %while3A_620 : i32 to index
          %get3A_833 = arith.constant 416 : index
          %get3A_834 = tpu.vector_load %arg10[%get3A_832, %get3A_833] {strides = array<i32>} : memref<8x768xf32, #tpu.memory_space<vmem>>, vector<16xf32>,
          %mul3A_835 = vector.broadcast %squeeze3A_675 : f32 to vector<16xf32>
          %mul3A_836 = arith.mulf %mul3A_835, %get3A_834 : vector<16xf32>
          %add3A_837 = arith.addf %while3A_647, %mul3A_836 : vector<16xf32>
          %get3A_838 = arith.index_cast %while3A_620 : i32 to index
          %get3A_839 = arith.constant 432 : index
          %get3A_840 = tpu.vector_load %arg10[%get3A_838, %get3A_839] {strides = array<i32>} : memref<8x768xf32, #tpu.memory_space<vmem>>, vector<16xf32>,
          %mul3A_841 = vector.broadcast %squeeze3A_675 : f32 to vector<16xf32>
          %mul3A_842 = arith.mulf %mul3A_841, %get3A_840 : vector<16xf32>
          %add3A_843 = arith.addf %while3A_648, %mul3A_842 : vector<16xf32>
          %get3A_844 = arith.index_cast %while3A_620 : i32 to index
          %get3A_845 = arith.constant 448 : index
          %get3A_846 = tpu.vector_load %arg10[%get3A_844, %get3A_845] {strides = array<i32>} : memref<8x768xf32, #tpu.memory_space<vmem>>, vector<16xf32>,
          %mul3A_847 = vector.broadcast %squeeze3A_675 : f32 to vector<16xf32>
          %mul3A_848 = arith.mulf %mul3A_847, %get3A_846 : vector<16xf32>
          %add3A_849 = arith.addf %while3A_649, %mul3A_848 : vector<16xf32>
          %get3A_850 = arith.index_cast %while3A_620 : i32 to index
          %get3A_851 = arith.constant 464 : index
          %get3A_852 = tpu.vector_load %arg10[%get3A_850, %get3A_851] {strides = array<i32>} : memref<8x768xf32, #tpu.memory_space<vmem>>, vector<16xf32>,
          %mul3A_853 = vector.broadcast %squeeze3A_675 : f32 to vector<16xf32>
          %mul3A_854 = arith.mulf %mul3A_853, %get3A_852 : vector<16xf32>
          %add3A_855 = arith.addf %while3A_650, %mul3A_854 : vector<16xf32>
          %get3A_856 = arith.index_cast %while3A_620 : i32 to index
          %get3A_857 = arith.constant 480 : index
          %get3A_858 = tpu.vector_load %arg10[%get3A_856, %get3A_857] {strides = array<i32>} : memref<8x768xf32, #tpu.memory_space<vmem>>, vector<16xf32>,
          %mul3A_859 = vector.broadcast %squeeze3A_675 : f32 to vector<16xf32>
          %mul3A_860 = arith.mulf %mul3A_859, %get3A_858 : vector<16xf32>
          %add3A_861 = arith.addf %while3A_651, %mul3A_860 : vector<16xf32>
          %get3A_862 = arith.index_cast %while3A_620 : i32 to index
          %get3A_863 = arith.constant 496 : index
          %get3A_864 = tpu.vector_load %arg10[%get3A_862, %get3A_863] {strides = array<i32>} : memref<8x768xf32, #tpu.memory_space<vmem>>, vector<16xf32>,
          %mul3A_865 = vector.broadcast %squeeze3A_675 : f32 to vector<16xf32>
          %mul3A_866 = arith.mulf %mul3A_865, %get3A_864 : vector<16xf32>
          %add3A_867 = arith.addf %while3A_652, %mul3A_866 : vector<16xf32>
          %get3A_868 = arith.index_cast %while3A_620 : i32 to index
          %get3A_869 = arith.constant 512 : index
          %get3A_870 = tpu.vector_load %arg10[%get3A_868, %get3A_869] {strides = array<i32>} : memref<8x768xf32, #tpu.memory_space<vmem>>, vector<16xf32>,
          %mul3A_871 = vector.broadcast %squeeze3A_675 : f32 to vector<16xf32>
          %mul3A_872 = arith.mulf %mul3A_871, %get3A_870 : vector<16xf32>
          %add3A_873 = arith.addf %while3A_653, %mul3A_872 : vector<16xf32>
          %get3A_874 = arith.index_cast %while3A_620 : i32 to index
          %get3A_875 = arith.constant 528 : index
          %get3A_876 = tpu.vector_load %arg10[%get3A_874, %get3A_875] {strides = array<i32>} : memref<8x768xf32, #tpu.memory_space<vmem>>, vector<16xf32>,
          %mul3A_877 = vector.broadcast %squeeze3A_675 : f32 to vector<16xf32>
          %mul3A_878 = arith.mulf %mul3A_877, %get3A_876 : vector<16xf32>
          %add3A_879 = arith.addf %while3A_654, %mul3A_878 : vector<16xf32>
          %get3A_880 = arith.index_cast %while3A_620 : i32 to index
          %get3A_881 = arith.constant 544 : index
          %get3A_882 = tpu.vector_load %arg10[%get3A_880, %get3A_881] {strides = array<i32>} : memref<8x768xf32, #tpu.memory_space<vmem>>, vector<16xf32>,
          %mul3A_883 = vector.broadcast %squeeze3A_675 : f32 to vector<16xf32>
          %mul3A_884 = arith.mulf %mul3A_883, %get3A_882 : vector<16xf32>
          %add3A_885 = arith.addf %while3A_655, %mul3A_884 : vector<16xf32>
          %get3A_886 = arith.index_cast %while3A_620 : i32 to index
          %get3A_887 = arith.constant 560 : index
          %get3A_888 = tpu.vector_load %arg10[%get3A_886, %get3A_887] {strides = array<i32>} : memref<8x768xf32, #tpu.memory_space<vmem>>, vector<16xf32>,
          %mul3A_889 = vector.broadcast %squeeze3A_675 : f32 to vector<16xf32>
          %mul3A_890 = arith.mulf %mul3A_889, %get3A_888 : vector<16xf32>
          %add3A_891 = arith.addf %while3A_656, %mul3A_890 : vector<16xf32>
          %get3A_892 = arith.index_cast %while3A_620 : i32 to index
          %get3A_893 = arith.constant 576 : index
          %get3A_894 = tpu.vector_load %arg10[%get3A_892, %get3A_893] {strides = array<i32>} : memref<8x768xf32, #tpu.memory_space<vmem>>, vector<16xf32>,
          %mul3A_895 = vector.broadcast %squeeze3A_675 : f32 to vector<16xf32>
          %mul3A_896 = arith.mulf %mul3A_895, %get3A_894 : vector<16xf32>
          %add3A_897 = arith.addf %while3A_657, %mul3A_896 : vector<16xf32>
          %get3A_898 = arith.index_cast %while3A_620 : i32 to index
          %get3A_899 = arith.constant 592 : index
          %get3A_900 = tpu.vector_load %arg10[%get3A_898, %get3A_899] {strides = array<i32>} : memref<8x768xf32, #tpu.memory_space<vmem>>, vector<16xf32>,
          %mul3A_901 = vector.broadcast %squeeze3A_675 : f32 to vector<16xf32>
          %mul3A_902 = arith.mulf %mul3A_901, %get3A_900 : vector<16xf32>
          %add3A_903 = arith.addf %while3A_658, %mul3A_902 : vector<16xf32>
          %get3A_904 = arith.index_cast %while3A_620 : i32 to index
          %get3A_905 = arith.constant 608 : index
          %get3A_906 = tpu.vector_load %arg10[%get3A_904, %get3A_905] {strides = array<i32>} : memref<8x768xf32, #tpu.memory_space<vmem>>, vector<16xf32>,
          %mul3A_907 = vector.broadcast %squeeze3A_675 : f32 to vector<16xf32>
          %mul3A_908 = arith.mulf %mul3A_907, %get3A_906 : vector<16xf32>
          %add3A_909 = arith.addf %while3A_659, %mul3A_908 : vector<16xf32>
          %get3A_910 = arith.index_cast %while3A_620 : i32 to index
          %get3A_911 = arith.constant 624 : index
          %get3A_912 = tpu.vector_load %arg10[%get3A_910, %get3A_911] {strides = array<i32>} : memref<8x768xf32, #tpu.memory_space<vmem>>, vector<16xf32>,
          %mul3A_913 = vector.broadcast %squeeze3A_675 : f32 to vector<16xf32>
          %mul3A_914 = arith.mulf %mul3A_913, %get3A_912 : vector<16xf32>
          %add3A_915 = arith.addf %while3A_660, %mul3A_914 : vector<16xf32>
          %get3A_916 = arith.index_cast %while3A_620 : i32 to index
          %get3A_917 = arith.constant 640 : index
          %get3A_918 = tpu.vector_load %arg10[%get3A_916, %get3A_917] {strides = array<i32>} : memref<8x768xf32, #tpu.memory_space<vmem>>, vector<16xf32>,
          %mul3A_919 = vector.broadcast %squeeze3A_675 : f32 to vector<16xf32>
          %mul3A_920 = arith.mulf %mul3A_919, %get3A_918 : vector<16xf32>
          %add3A_921 = arith.addf %while3A_661, %mul3A_920 : vector<16xf32>
          %get3A_922 = arith.index_cast %while3A_620 : i32 to index
          %get3A_923 = arith.constant 656 : index
          %get3A_924 = tpu.vector_load %arg10[%get3A_922, %get3A_923] {strides = array<i32>} : memref<8x768xf32, #tpu.memory_space<vmem>>, vector<16xf32>,
          %mul3A_925 = vector.broadcast %squeeze3A_675 : f32 to vector<16xf32>
          %mul3A_926 = arith.mulf %mul3A_925, %get3A_924 : vector<16xf32>
          %add3A_927 = arith.addf %while3A_662, %mul3A_926 : vector<16xf32>
          %get3A_928 = arith.index_cast %while3A_620 : i32 to index
          %get3A_929 = arith.constant 672 : index
          %get3A_930 = tpu.vector_load %arg10[%get3A_928, %get3A_929] {strides = array<i32>} : memref<8x768xf32, #tpu.memory_space<vmem>>, vector<16xf32>,
          %mul3A_931 = vector.broadcast %squeeze3A_675 : f32 to vector<16xf32>
          %mul3A_932 = arith.mulf %mul3A_931, %get3A_930 : vector<16xf32>
          %add3A_933 = arith.addf %while3A_663, %mul3A_932 : vector<16xf32>
          %get3A_934 = arith.index_cast %while3A_620 : i32 to index
          %get3A_935 = arith.constant 688 : index
          %get3A_936 = tpu.vector_load %arg10[%get3A_934, %get3A_935] {strides = array<i32>} : memref<8x768xf32, #tpu.memory_space<vmem>>, vector<16xf32>,
          %mul3A_937 = vector.broadcast %squeeze3A_675 : f32 to vector<16xf32>
          %mul3A_938 = arith.mulf %mul3A_937, %get3A_936 : vector<16xf32>
          %add3A_939 = arith.addf %while3A_664, %mul3A_938 : vector<16xf32>
          %get3A_940 = arith.index_cast %while3A_620 : i32 to index
          %get3A_941 = arith.constant 704 : index
          %get3A_942 = tpu.vector_load %arg10[%get3A_940, %get3A_941] {strides = array<i32>} : memref<8x768xf32, #tpu.memory_space<vmem>>, vector<16xf32>,
          %mul3A_943 = vector.broadcast %squeeze3A_675 : f32 to vector<16xf32>
          %mul3A_944 = arith.mulf %mul3A_943, %get3A_942 : vector<16xf32>
          %add3A_945 = arith.addf %while3A_665, %mul3A_944 : vector<16xf32>
          %get3A_946 = arith.index_cast %while3A_620 : i32 to index
          %get3A_947 = arith.constant 720 : index
          %get3A_948 = tpu.vector_load %arg10[%get3A_946, %get3A_947] {strides = array<i32>} : memref<8x768xf32, #tpu.memory_space<vmem>>, vector<16xf32>,
          %mul3A_949 = vector.broadcast %squeeze3A_675 : f32 to vector<16xf32>
          %mul3A_950 = arith.mulf %mul3A_949, %get3A_948 : vector<16xf32>
          %add3A_951 = arith.addf %while3A_666, %mul3A_950 : vector<16xf32>
          %get3A_952 = arith.index_cast %while3A_620 : i32 to index
          %get3A_953 = arith.constant 736 : index
          %get3A_954 = tpu.vector_load %arg10[%get3A_952, %get3A_953] {strides = array<i32>} : memref<8x768xf32, #tpu.memory_space<vmem>>, vector<16xf32>,
          %mul3A_955 = vector.broadcast %squeeze3A_675 : f32 to vector<16xf32>
          %mul3A_956 = arith.mulf %mul3A_955, %get3A_954 : vector<16xf32>
          %add3A_957 = arith.addf %while3A_667, %mul3A_956 : vector<16xf32>
          %get3A_958 = arith.index_cast %while3A_620 : i32 to index
          %get3A_959 = arith.constant 752 : index
          %get3A_960 = tpu.vector_load %arg10[%get3A_958, %get3A_959] {strides = array<i32>} : memref<8x768xf32, #tpu.memory_space<vmem>>, vector<16xf32>,
          %mul3A_961 = vector.broadcast %squeeze3A_675 : f32 to vector<16xf32>
          %mul3A_962 = arith.mulf %mul3A_961, %get3A_960 : vector<16xf32>
          %add3A_963 = arith.addf %while3A_668, %mul3A_962 : vector<16xf32>
          scf.yield %add3A_681, %add3A_687, %add3A_693, %add3A_699, %add3A_705, %add3A_711, %add3A_717, %add3A_723, %add3A_729, %add3A_735, %add3A_741, %add3A_747, %add3A_753, %add3A_759, %add3A_765, %add3A_771, %add3A_777, %add3A_783, %add3A_789, %add3A_795, %add3A_801, %add3A_807, %add3A_813, %add3A_819, %add3A_825, %add3A_831, %add3A_837, %add3A_843, %add3A_849, %add3A_855, %add3A_861, %add3A_867, %add3A_873, %add3A_879, %add3A_885, %add3A_891, %add3A_897, %add3A_903, %add3A_909, %add3A_915, %add3A_921, %add3A_927, %add3A_933, %add3A_939, %add3A_945, %add3A_951, %add3A_957, %add3A_963 : vector<16xf32>, vector<16xf32>, vector<16xf32>, vector<16xf32>, vector<16xf32>, vector<16xf32>, vector<16xf32>, vector<16xf32>, vector<16xf32>, vector<16xf32>, vector<16xf32>, vector<16xf32>, vector<16xf32>, vector<16xf32>, vector<16xf32>, vector<16xf32>, vector<16xf32>, vector<16xf32>, vector<16xf32>, vector<16xf32>, vector<16xf32>, vector<16xf32>, vector<16xf32>, vector<16xf32>, vector<16xf32>, vector<16xf32>, vector<16xf32>, vector<16xf32>, vector<16xf32>, vector<16xf32>, vector<16xf32>, vector<16xf32>, vector<16xf32>, vector<16xf32>, vector<16xf32>, vector<16xf32>, vector<16xf32>, vector<16xf32>, vector<16xf32>, vector<16xf32>, vector<16xf32>, vector<16xf32>, vector<16xf32>, vector<16xf32>, vector<16xf32>, vector<16xf32>, vector<16xf32>, vector<16xf32>
        }
        scf.yield %while3A_619#0, %while3A_619#1, %while3A_619#2, %while3A_619#3, %while3A_619#4, %while3A_619#5, %while3A_619#6, %while3A_619#7, %while3A_619#8, %while3A_619#9, %while3A_619#10, %while3A_619#11, %while3A_619#12, %while3A_619#13, %while3A_619#14, %while3A_619#15, %while3A_619#16, %while3A_619#17, %while3A_619#18, %while3A_619#19, %while3A_619#20, %while3A_619#21, %while3A_619#22, %while3A_619#23, %while3A_619#24, %while3A_619#25, %while3A_619#26, %while3A_619#27, %while3A_619#28, %while3A_619#29, %while3A_619#30, %while3A_619#31, %while3A_619#32, %while3A_619#33, %while3A_619#34, %while3A_619#35, %while3A_619#36, %while3A_619#37, %while3A_619#38, %while3A_619#39, %while3A_619#40, %while3A_619#41, %while3A_619#42, %while3A_619#43, %while3A_619#44, %while3A_619#45, %while3A_619#46, %while3A_619#47 : vector<16xf32>, vector<16xf32>, vector<16xf32>, vector<16xf32>, vector<16xf32>, vector<16xf32>, vector<16xf32>, vector<16xf32>, vector<16xf32>, vector<16xf32>, vector<16xf32>, vector<16xf32>, vector<16xf32>, vector<16xf32>, vector<16xf32>, vector<16xf32>, vector<16xf32>, vector<16xf32>, vector<16xf32>, vector<16xf32>, vector<16xf32>, vector<16xf32>, vector<16xf32>, vector<16xf32>, vector<16xf32>, vector<16xf32>, vector<16xf32>, vector<16xf32>, vector<16xf32>, vector<16xf32>, vector<16xf32>, vector<16xf32>, vector<16xf32>, vector<16xf32>, vector<16xf32>, vector<16xf32>, vector<16xf32>, vector<16xf32>, vector<16xf32>, vector<16xf32>, vector<16xf32>, vector<16xf32>, vector<16xf32>, vector<16xf32>, vector<16xf32>, vector<16xf32>, vector<16xf32>, vector<16xf32>
      } else {
        %mul3A_604 = arith.constant 8 : i32
        %mul3A_605 = arith.muli %while3A_537, %mul3A_604 : i32
        %dma_wait3A = tpu.memref_slice %arg7[%mul3A_605] : memref<1040xi32, #tpu.memory_space<vmem>> -> memref<8xi32, #tpu.memory_space<vmem>>
        %dma_wait3A_606 = arith.constant 0 : i32
        %dma_wait3A_607 = arith.constant 0 : i32
        %dma_wait3A_608 = tpu.memref_slice %arg2[%dma_wait3A_606, %dma_wait3A_607] : memref<32768x768xf32, #tpu.memory_space<hbm>> -> memref<32768x768xf32, #tpu.memory_space<hbm>>
        tpu.wait_indirect_dma semaphore(%arg14 : memref<!tpu.dma_semaphore, #tpu.memory_space<semaphore_mem>>) src(%dma_wait3A_608 : memref<32768x768xf32, #tpu.memory_space<hbm>>) dst(%arg11 : memref<8x768xf32, #tpu.memory_space<vmem>>)
        %while3A_609 = arith.constant 0 : i32
        %while3A_610 = arith.subi %min3A_597, %while3A_609 : i32
        %while3A_611 = arith.addi %while3A_609, %while3A_610 : i32
        %while3A_612 = arith.constant 1 : i32
        %while3A_613 = arith.divsi %while3A_610, %while3A_612 : i32
        %while3A_614 = arith.muli %while3A_613, %while3A_612 : i32
        %while3A_615 = arith.addi %while3A_609, %while3A_614 : i32
        %while3A_616 = arith.constant 1 : i32
        %while3A_617:48 = scf.for %while3A_620 = %while3A_609 to %while3A_615 step %while3A_616 iter_args(%while3A_621 = %while3A_538, %while3A_622 = %while3A_539, %while3A_623 = %while3A_540, %while3A_624 = %while3A_541, %while3A_625 = %while3A_542, %while3A_626 = %while3A_543, %while3A_627 = %while3A_544, %while3A_628 = %while3A_545, %while3A_629 = %while3A_546, %while3A_630 = %while3A_547, %while3A_631 = %while3A_548, %while3A_632 = %while3A_549, %while3A_633 = %while3A_550, %while3A_634 = %while3A_551, %while3A_635 = %while3A_552, %while3A_636 = %while3A_553, %while3A_637 = %while3A_554, %while3A_638 = %while3A_555, %while3A_639 = %while3A_556, %while3A_640 = %while3A_557, %while3A_641 = %while3A_558, %while3A_642 = %while3A_559, %while3A_643 = %while3A_560, %while3A_644 = %while3A_561, %while3A_645 = %while3A_562, %while3A_646 = %while3A_563, %while3A_647 = %while3A_564, %while3A_648 = %while3A_565, %while3A_649 = %while3A_566, %while3A_650 = %while3A_567, %while3A_651 = %while3A_568, %while3A_652 = %while3A_569, %while3A_653 = %while3A_570, %while3A_654 = %while3A_571, %while3A_655 = %while3A_572, %while3A_656 = %while3A_573, %while3A_657 = %while3A_574, %while3A_658 = %while3A_575, %while3A_659 = %while3A_576, %while3A_660 = %while3A_577, %while3A_661 = %while3A_578, %while3A_662 = %while3A_579, %while3A_663 = %while3A_580, %while3A_664 = %while3A_581, %while3A_665 = %while3A_582, %while3A_666 = %while3A_583, %while3A_667 = %while3A_584, %while3A_668 = %while3A_585) -> (vector<16xf32>, vector<16xf32>, vector<16xf32>, vector<16xf32>, vector<16xf32>, vector<16xf32>, vector<16xf32>, vector<16xf32>, vector<16xf32>, vector<16xf32>, vector<16xf32>, vector<16xf32>, vector<16xf32>, vector<16xf32>, vector<16xf32>, vector<16xf32>, vector<16xf32>, vector<16xf32>, vector<16xf32>, vector<16xf32>, vector<16xf32>, vector<16xf32>, vector<16xf32>, vector<16xf32>, vector<16xf32>, vector<16xf32>, vector<16xf32>, vector<16xf32>, vector<16xf32>, vector<16xf32>, vector<16xf32>, vector<16xf32>, vector<16xf32>, vector<16xf32>, vector<16xf32>, vector<16xf32>, vector<16xf32>, vector<16xf32>, vector<16xf32>, vector<16xf32>, vector<16xf32>, vector<16xf32>, vector<16xf32>, vector<16xf32>, vector<16xf32>, vector<16xf32>, vector<16xf32>, vector<16xf32>)  : i32 {
          %mul3A_669 = arith.constant 8 : i32
          %mul3A_670 = arith.muli %while3A_537, %mul3A_669 : i32
          %add3A_671 = arith.addi %mul3A_670, %while3A_620 : i32
          %get3A_672 = arith.index_cast %add3A_671 : i32 to index
          %get3A_673 = tpu.vector_load %arg8[%get3A_672] {strides = array<i32>} : memref<1040xf32, #tpu.memory_space<vmem>>, vector<16xf32>,
          %slice3A_674 = vector.extract_strided_slice %get3A_673 {offsets = [0], sizes = [1], strides = [1]} : vector<16xf32> to vector<1xf32>
          %squeeze3A_675 = vector.extract %slice3A_674[0] : f32 from vector<1xf32>
          %get3A_676 = arith.index_cast %while3A_620 : i32 to index
          %get3A_677 = arith.constant 0 : index
          %get3A_678 = tpu.vector_load %arg11[%get3A_676, %get3A_677] {strides = array<i32>} : memref<8x768xf32, #tpu.memory_space<vmem>>, vector<16xf32>,
          %mul3A_679 = vector.broadcast %squeeze3A_675 : f32 to vector<16xf32>
          %mul3A_680 = arith.mulf %mul3A_679, %get3A_678 : vector<16xf32>
          %add3A_681 = arith.addf %while3A_621, %mul3A_680 : vector<16xf32>
          %get3A_682 = arith.index_cast %while3A_620 : i32 to index
          %get3A_683 = arith.constant 16 : index
          %get3A_684 = tpu.vector_load %arg11[%get3A_682, %get3A_683] {strides = array<i32>} : memref<8x768xf32, #tpu.memory_space<vmem>>, vector<16xf32>,
          %mul3A_685 = vector.broadcast %squeeze3A_675 : f32 to vector<16xf32>
          %mul3A_686 = arith.mulf %mul3A_685, %get3A_684 : vector<16xf32>
          %add3A_687 = arith.addf %while3A_622, %mul3A_686 : vector<16xf32>
          %get3A_688 = arith.index_cast %while3A_620 : i32 to index
          %get3A_689 = arith.constant 32 : index
          %get3A_690 = tpu.vector_load %arg11[%get3A_688, %get3A_689] {strides = array<i32>} : memref<8x768xf32, #tpu.memory_space<vmem>>, vector<16xf32>,
          %mul3A_691 = vector.broadcast %squeeze3A_675 : f32 to vector<16xf32>
          %mul3A_692 = arith.mulf %mul3A_691, %get3A_690 : vector<16xf32>
          %add3A_693 = arith.addf %while3A_623, %mul3A_692 : vector<16xf32>
          %get3A_694 = arith.index_cast %while3A_620 : i32 to index
          %get3A_695 = arith.constant 48 : index
          %get3A_696 = tpu.vector_load %arg11[%get3A_694, %get3A_695] {strides = array<i32>} : memref<8x768xf32, #tpu.memory_space<vmem>>, vector<16xf32>,
          %mul3A_697 = vector.broadcast %squeeze3A_675 : f32 to vector<16xf32>
          %mul3A_698 = arith.mulf %mul3A_697, %get3A_696 : vector<16xf32>
          %add3A_699 = arith.addf %while3A_624, %mul3A_698 : vector<16xf32>
          %get3A_700 = arith.index_cast %while3A_620 : i32 to index
          %get3A_701 = arith.constant 64 : index
          %get3A_702 = tpu.vector_load %arg11[%get3A_700, %get3A_701] {strides = array<i32>} : memref<8x768xf32, #tpu.memory_space<vmem>>, vector<16xf32>,
          %mul3A_703 = vector.broadcast %squeeze3A_675 : f32 to vector<16xf32>
          %mul3A_704 = arith.mulf %mul3A_703, %get3A_702 : vector<16xf32>
          %add3A_705 = arith.addf %while3A_625, %mul3A_704 : vector<16xf32>
          %get3A_706 = arith.index_cast %while3A_620 : i32 to index
          %get3A_707 = arith.constant 80 : index
          %get3A_708 = tpu.vector_load %arg11[%get3A_706, %get3A_707] {strides = array<i32>} : memref<8x768xf32, #tpu.memory_space<vmem>>, vector<16xf32>,
          %mul3A_709 = vector.broadcast %squeeze3A_675 : f32 to vector<16xf32>
          %mul3A_710 = arith.mulf %mul3A_709, %get3A_708 : vector<16xf32>
          %add3A_711 = arith.addf %while3A_626, %mul3A_710 : vector<16xf32>
          %get3A_712 = arith.index_cast %while3A_620 : i32 to index
          %get3A_713 = arith.constant 96 : index
          %get3A_714 = tpu.vector_load %arg11[%get3A_712, %get3A_713] {strides = array<i32>} : memref<8x768xf32, #tpu.memory_space<vmem>>, vector<16xf32>,
          %mul3A_715 = vector.broadcast %squeeze3A_675 : f32 to vector<16xf32>
          %mul3A_716 = arith.mulf %mul3A_715, %get3A_714 : vector<16xf32>
          %add3A_717 = arith.addf %while3A_627, %mul3A_716 : vector<16xf32>
          %get3A_718 = arith.index_cast %while3A_620 : i32 to index
          %get3A_719 = arith.constant 112 : index
          %get3A_720 = tpu.vector_load %arg11[%get3A_718, %get3A_719] {strides = array<i32>} : memref<8x768xf32, #tpu.memory_space<vmem>>, vector<16xf32>,
          %mul3A_721 = vector.broadcast %squeeze3A_675 : f32 to vector<16xf32>
          %mul3A_722 = arith.mulf %mul3A_721, %get3A_720 : vector<16xf32>
          %add3A_723 = arith.addf %while3A_628, %mul3A_722 : vector<16xf32>
          %get3A_724 = arith.index_cast %while3A_620 : i32 to index
          %get3A_725 = arith.constant 128 : index
          %get3A_726 = tpu.vector_load %arg11[%get3A_724, %get3A_725] {strides = array<i32>} : memref<8x768xf32, #tpu.memory_space<vmem>>, vector<16xf32>,
          %mul3A_727 = vector.broadcast %squeeze3A_675 : f32 to vector<16xf32>
          %mul3A_728 = arith.mulf %mul3A_727, %get3A_726 : vector<16xf32>
          %add3A_729 = arith.addf %while3A_629, %mul3A_728 : vector<16xf32>
          %get3A_730 = arith.index_cast %while3A_620 : i32 to index
          %get3A_731 = arith.constant 144 : index
          %get3A_732 = tpu.vector_load %arg11[%get3A_730, %get3A_731] {strides = array<i32>} : memref<8x768xf32, #tpu.memory_space<vmem>>, vector<16xf32>,
          %mul3A_733 = vector.broadcast %squeeze3A_675 : f32 to vector<16xf32>
          %mul3A_734 = arith.mulf %mul3A_733, %get3A_732 : vector<16xf32>
          %add3A_735 = arith.addf %while3A_630, %mul3A_734 : vector<16xf32>
          %get3A_736 = arith.index_cast %while3A_620 : i32 to index
          %get3A_737 = arith.constant 160 : index
          %get3A_738 = tpu.vector_load %arg11[%get3A_736, %get3A_737] {strides = array<i32>} : memref<8x768xf32, #tpu.memory_space<vmem>>, vector<16xf32>,
          %mul3A_739 = vector.broadcast %squeeze3A_675 : f32 to vector<16xf32>
          %mul3A_740 = arith.mulf %mul3A_739, %get3A_738 : vector<16xf32>
          %add3A_741 = arith.addf %while3A_631, %mul3A_740 : vector<16xf32>
          %get3A_742 = arith.index_cast %while3A_620 : i32 to index
          %get3A_743 = arith.constant 176 : index
          %get3A_744 = tpu.vector_load %arg11[%get3A_742, %get3A_743] {strides = array<i32>} : memref<8x768xf32, #tpu.memory_space<vmem>>, vector<16xf32>,
          %mul3A_745 = vector.broadcast %squeeze3A_675 : f32 to vector<16xf32>
          %mul3A_746 = arith.mulf %mul3A_745, %get3A_744 : vector<16xf32>
          %add3A_747 = arith.addf %while3A_632, %mul3A_746 : vector<16xf32>
          %get3A_748 = arith.index_cast %while3A_620 : i32 to index
          %get3A_749 = arith.constant 192 : index
          %get3A_750 = tpu.vector_load %arg11[%get3A_748, %get3A_749] {strides = array<i32>} : memref<8x768xf32, #tpu.memory_space<vmem>>, vector<16xf32>,
          %mul3A_751 = vector.broadcast %squeeze3A_675 : f32 to vector<16xf32>
          %mul3A_752 = arith.mulf %mul3A_751, %get3A_750 : vector<16xf32>
          %add3A_753 = arith.addf %while3A_633, %mul3A_752 : vector<16xf32>
          %get3A_754 = arith.index_cast %while3A_620 : i32 to index
          %get3A_755 = arith.constant 208 : index
          %get3A_756 = tpu.vector_load %arg11[%get3A_754, %get3A_755] {strides = array<i32>} : memref<8x768xf32, #tpu.memory_space<vmem>>, vector<16xf32>,
          %mul3A_757 = vector.broadcast %squeeze3A_675 : f32 to vector<16xf32>
          %mul3A_758 = arith.mulf %mul3A_757, %get3A_756 : vector<16xf32>
          %add3A_759 = arith.addf %while3A_634, %mul3A_758 : vector<16xf32>
          %get3A_760 = arith.index_cast %while3A_620 : i32 to index
          %get3A_761 = arith.constant 224 : index
          %get3A_762 = tpu.vector_load %arg11[%get3A_760, %get3A_761] {strides = array<i32>} : memref<8x768xf32, #tpu.memory_space<vmem>>, vector<16xf32>,
          %mul3A_763 = vector.broadcast %squeeze3A_675 : f32 to vector<16xf32>
          %mul3A_764 = arith.mulf %mul3A_763, %get3A_762 : vector<16xf32>
          %add3A_765 = arith.addf %while3A_635, %mul3A_764 : vector<16xf32>
          %get3A_766 = arith.index_cast %while3A_620 : i32 to index
          %get3A_767 = arith.constant 240 : index
          %get3A_768 = tpu.vector_load %arg11[%get3A_766, %get3A_767] {strides = array<i32>} : memref<8x768xf32, #tpu.memory_space<vmem>>, vector<16xf32>,
          %mul3A_769 = vector.broadcast %squeeze3A_675 : f32 to vector<16xf32>
          %mul3A_770 = arith.mulf %mul3A_769, %get3A_768 : vector<16xf32>
          %add3A_771 = arith.addf %while3A_636, %mul3A_770 : vector<16xf32>
          %get3A_772 = arith.index_cast %while3A_620 : i32 to index
          %get3A_773 = arith.constant 256 : index
          %get3A_774 = tpu.vector_load %arg11[%get3A_772, %get3A_773] {strides = array<i32>} : memref<8x768xf32, #tpu.memory_space<vmem>>, vector<16xf32>,
          %mul3A_775 = vector.broadcast %squeeze3A_675 : f32 to vector<16xf32>
          %mul3A_776 = arith.mulf %mul3A_775, %get3A_774 : vector<16xf32>
          %add3A_777 = arith.addf %while3A_637, %mul3A_776 : vector<16xf32>
          %get3A_778 = arith.index_cast %while3A_620 : i32 to index
          %get3A_779 = arith.constant 272 : index
          %get3A_780 = tpu.vector_load %arg11[%get3A_778, %get3A_779] {strides = array<i32>} : memref<8x768xf32, #tpu.memory_space<vmem>>, vector<16xf32>,
          %mul3A_781 = vector.broadcast %squeeze3A_675 : f32 to vector<16xf32>
          %mul3A_782 = arith.mulf %mul3A_781, %get3A_780 : vector<16xf32>
          %add3A_783 = arith.addf %while3A_638, %mul3A_782 : vector<16xf32>
          %get3A_784 = arith.index_cast %while3A_620 : i32 to index
          %get3A_785 = arith.constant 288 : index
          %get3A_786 = tpu.vector_load %arg11[%get3A_784, %get3A_785] {strides = array<i32>} : memref<8x768xf32, #tpu.memory_space<vmem>>, vector<16xf32>,
          %mul3A_787 = vector.broadcast %squeeze3A_675 : f32 to vector<16xf32>
          %mul3A_788 = arith.mulf %mul3A_787, %get3A_786 : vector<16xf32>
          %add3A_789 = arith.addf %while3A_639, %mul3A_788 : vector<16xf32>
          %get3A_790 = arith.index_cast %while3A_620 : i32 to index
          %get3A_791 = arith.constant 304 : index
          %get3A_792 = tpu.vector_load %arg11[%get3A_790, %get3A_791] {strides = array<i32>} : memref<8x768xf32, #tpu.memory_space<vmem>>, vector<16xf32>,
          %mul3A_793 = vector.broadcast %squeeze3A_675 : f32 to vector<16xf32>
          %mul3A_794 = arith.mulf %mul3A_793, %get3A_792 : vector<16xf32>
          %add3A_795 = arith.addf %while3A_640, %mul3A_794 : vector<16xf32>
          %get3A_796 = arith.index_cast %while3A_620 : i32 to index
          %get3A_797 = arith.constant 320 : index
          %get3A_798 = tpu.vector_load %arg11[%get3A_796, %get3A_797] {strides = array<i32>} : memref<8x768xf32, #tpu.memory_space<vmem>>, vector<16xf32>,
          %mul3A_799 = vector.broadcast %squeeze3A_675 : f32 to vector<16xf32>
          %mul3A_800 = arith.mulf %mul3A_799, %get3A_798 : vector<16xf32>
          %add3A_801 = arith.addf %while3A_641, %mul3A_800 : vector<16xf32>
          %get3A_802 = arith.index_cast %while3A_620 : i32 to index
          %get3A_803 = arith.constant 336 : index
          %get3A_804 = tpu.vector_load %arg11[%get3A_802, %get3A_803] {strides = array<i32>} : memref<8x768xf32, #tpu.memory_space<vmem>>, vector<16xf32>,
          %mul3A_805 = vector.broadcast %squeeze3A_675 : f32 to vector<16xf32>
          %mul3A_806 = arith.mulf %mul3A_805, %get3A_804 : vector<16xf32>
          %add3A_807 = arith.addf %while3A_642, %mul3A_806 : vector<16xf32>
          %get3A_808 = arith.index_cast %while3A_620 : i32 to index
          %get3A_809 = arith.constant 352 : index
          %get3A_810 = tpu.vector_load %arg11[%get3A_808, %get3A_809] {strides = array<i32>} : memref<8x768xf32, #tpu.memory_space<vmem>>, vector<16xf32>,
          %mul3A_811 = vector.broadcast %squeeze3A_675 : f32 to vector<16xf32>
          %mul3A_812 = arith.mulf %mul3A_811, %get3A_810 : vector<16xf32>
          %add3A_813 = arith.addf %while3A_643, %mul3A_812 : vector<16xf32>
          %get3A_814 = arith.index_cast %while3A_620 : i32 to index
          %get3A_815 = arith.constant 368 : index
          %get3A_816 = tpu.vector_load %arg11[%get3A_814, %get3A_815] {strides = array<i32>} : memref<8x768xf32, #tpu.memory_space<vmem>>, vector<16xf32>,
          %mul3A_817 = vector.broadcast %squeeze3A_675 : f32 to vector<16xf32>
          %mul3A_818 = arith.mulf %mul3A_817, %get3A_816 : vector<16xf32>
          %add3A_819 = arith.addf %while3A_644, %mul3A_818 : vector<16xf32>
          %get3A_820 = arith.index_cast %while3A_620 : i32 to index
          %get3A_821 = arith.constant 384 : index
          %get3A_822 = tpu.vector_load %arg11[%get3A_820, %get3A_821] {strides = array<i32>} : memref<8x768xf32, #tpu.memory_space<vmem>>, vector<16xf32>,
          %mul3A_823 = vector.broadcast %squeeze3A_675 : f32 to vector<16xf32>
          %mul3A_824 = arith.mulf %mul3A_823, %get3A_822 : vector<16xf32>
          %add3A_825 = arith.addf %while3A_645, %mul3A_824 : vector<16xf32>
          %get3A_826 = arith.index_cast %while3A_620 : i32 to index
          %get3A_827 = arith.constant 400 : index
          %get3A_828 = tpu.vector_load %arg11[%get3A_826, %get3A_827] {strides = array<i32>} : memref<8x768xf32, #tpu.memory_space<vmem>>, vector<16xf32>,
          %mul3A_829 = vector.broadcast %squeeze3A_675 : f32 to vector<16xf32>
          %mul3A_830 = arith.mulf %mul3A_829, %get3A_828 : vector<16xf32>
          %add3A_831 = arith.addf %while3A_646, %mul3A_830 : vector<16xf32>
          %get3A_832 = arith.index_cast %while3A_620 : i32 to index
          %get3A_833 = arith.constant 416 : index
          %get3A_834 = tpu.vector_load %arg11[%get3A_832, %get3A_833] {strides = array<i32>} : memref<8x768xf32, #tpu.memory_space<vmem>>, vector<16xf32>,
          %mul3A_835 = vector.broadcast %squeeze3A_675 : f32 to vector<16xf32>
          %mul3A_836 = arith.mulf %mul3A_835, %get3A_834 : vector<16xf32>
          %add3A_837 = arith.addf %while3A_647, %mul3A_836 : vector<16xf32>
          %get3A_838 = arith.index_cast %while3A_620 : i32 to index
          %get3A_839 = arith.constant 432 : index
          %get3A_840 = tpu.vector_load %arg11[%get3A_838, %get3A_839] {strides = array<i32>} : memref<8x768xf32, #tpu.memory_space<vmem>>, vector<16xf32>,
          %mul3A_841 = vector.broadcast %squeeze3A_675 : f32 to vector<16xf32>
          %mul3A_842 = arith.mulf %mul3A_841, %get3A_840 : vector<16xf32>
          %add3A_843 = arith.addf %while3A_648, %mul3A_842 : vector<16xf32>
          %get3A_844 = arith.index_cast %while3A_620 : i32 to index
          %get3A_845 = arith.constant 448 : index
          %get3A_846 = tpu.vector_load %arg11[%get3A_844, %get3A_845] {strides = array<i32>} : memref<8x768xf32, #tpu.memory_space<vmem>>, vector<16xf32>,
          %mul3A_847 = vector.broadcast %squeeze3A_675 : f32 to vector<16xf32>
          %mul3A_848 = arith.mulf %mul3A_847, %get3A_846 : vector<16xf32>
          %add3A_849 = arith.addf %while3A_649, %mul3A_848 : vector<16xf32>
          %get3A_850 = arith.index_cast %while3A_620 : i32 to index
          %get3A_851 = arith.constant 464 : index
          %get3A_852 = tpu.vector_load %arg11[%get3A_850, %get3A_851] {strides = array<i32>} : memref<8x768xf32, #tpu.memory_space<vmem>>, vector<16xf32>,
          %mul3A_853 = vector.broadcast %squeeze3A_675 : f32 to vector<16xf32>
          %mul3A_854 = arith.mulf %mul3A_853, %get3A_852 : vector<16xf32>
          %add3A_855 = arith.addf %while3A_650, %mul3A_854 : vector<16xf32>
          %get3A_856 = arith.index_cast %while3A_620 : i32 to index
          %get3A_857 = arith.constant 480 : index
          %get3A_858 = tpu.vector_load %arg11[%get3A_856, %get3A_857] {strides = array<i32>} : memref<8x768xf32, #tpu.memory_space<vmem>>, vector<16xf32>,
          %mul3A_859 = vector.broadcast %squeeze3A_675 : f32 to vector<16xf32>
          %mul3A_860 = arith.mulf %mul3A_859, %get3A_858 : vector<16xf32>
          %add3A_861 = arith.addf %while3A_651, %mul3A_860 : vector<16xf32>
          %get3A_862 = arith.index_cast %while3A_620 : i32 to index
          %get3A_863 = arith.constant 496 : index
          %get3A_864 = tpu.vector_load %arg11[%get3A_862, %get3A_863] {strides = array<i32>} : memref<8x768xf32, #tpu.memory_space<vmem>>, vector<16xf32>,
          %mul3A_865 = vector.broadcast %squeeze3A_675 : f32 to vector<16xf32>
          %mul3A_866 = arith.mulf %mul3A_865, %get3A_864 : vector<16xf32>
          %add3A_867 = arith.addf %while3A_652, %mul3A_866 : vector<16xf32>
          %get3A_868 = arith.index_cast %while3A_620 : i32 to index
          %get3A_869 = arith.constant 512 : index
          %get3A_870 = tpu.vector_load %arg11[%get3A_868, %get3A_869] {strides = array<i32>} : memref<8x768xf32, #tpu.memory_space<vmem>>, vector<16xf32>,
          %mul3A_871 = vector.broadcast %squeeze3A_675 : f32 to vector<16xf32>
          %mul3A_872 = arith.mulf %mul3A_871, %get3A_870 : vector<16xf32>
          %add3A_873 = arith.addf %while3A_653, %mul3A_872 : vector<16xf32>
          %get3A_874 = arith.index_cast %while3A_620 : i32 to index
          %get3A_875 = arith.constant 528 : index
          %get3A_876 = tpu.vector_load %arg11[%get3A_874, %get3A_875] {strides = array<i32>} : memref<8x768xf32, #tpu.memory_space<vmem>>, vector<16xf32>,
          %mul3A_877 = vector.broadcast %squeeze3A_675 : f32 to vector<16xf32>
          %mul3A_878 = arith.mulf %mul3A_877, %get3A_876 : vector<16xf32>
          %add3A_879 = arith.addf %while3A_654, %mul3A_878 : vector<16xf32>
          %get3A_880 = arith.index_cast %while3A_620 : i32 to index
          %get3A_881 = arith.constant 544 : index
          %get3A_882 = tpu.vector_load %arg11[%get3A_880, %get3A_881] {strides = array<i32>} : memref<8x768xf32, #tpu.memory_space<vmem>>, vector<16xf32>,
          %mul3A_883 = vector.broadcast %squeeze3A_675 : f32 to vector<16xf32>
          %mul3A_884 = arith.mulf %mul3A_883, %get3A_882 : vector<16xf32>
          %add3A_885 = arith.addf %while3A_655, %mul3A_884 : vector<16xf32>
          %get3A_886 = arith.index_cast %while3A_620 : i32 to index
          %get3A_887 = arith.constant 560 : index
          %get3A_888 = tpu.vector_load %arg11[%get3A_886, %get3A_887] {strides = array<i32>} : memref<8x768xf32, #tpu.memory_space<vmem>>, vector<16xf32>,
          %mul3A_889 = vector.broadcast %squeeze3A_675 : f32 to vector<16xf32>
          %mul3A_890 = arith.mulf %mul3A_889, %get3A_888 : vector<16xf32>
          %add3A_891 = arith.addf %while3A_656, %mul3A_890 : vector<16xf32>
          %get3A_892 = arith.index_cast %while3A_620 : i32 to index
          %get3A_893 = arith.constant 576 : index
          %get3A_894 = tpu.vector_load %arg11[%get3A_892, %get3A_893] {strides = array<i32>} : memref<8x768xf32, #tpu.memory_space<vmem>>, vector<16xf32>,
          %mul3A_895 = vector.broadcast %squeeze3A_675 : f32 to vector<16xf32>
          %mul3A_896 = arith.mulf %mul3A_895, %get3A_894 : vector<16xf32>
          %add3A_897 = arith.addf %while3A_657, %mul3A_896 : vector<16xf32>
          %get3A_898 = arith.index_cast %while3A_620 : i32 to index
          %get3A_899 = arith.constant 592 : index
          %get3A_900 = tpu.vector_load %arg11[%get3A_898, %get3A_899] {strides = array<i32>} : memref<8x768xf32, #tpu.memory_space<vmem>>, vector<16xf32>,
          %mul3A_901 = vector.broadcast %squeeze3A_675 : f32 to vector<16xf32>
          %mul3A_902 = arith.mulf %mul3A_901, %get3A_900 : vector<16xf32>
          %add3A_903 = arith.addf %while3A_658, %mul3A_902 : vector<16xf32>
          %get3A_904 = arith.index_cast %while3A_620 : i32 to index
          %get3A_905 = arith.constant 608 : index
          %get3A_906 = tpu.vector_load %arg11[%get3A_904, %get3A_905] {strides = array<i32>} : memref<8x768xf32, #tpu.memory_space<vmem>>, vector<16xf32>,
          %mul3A_907 = vector.broadcast %squeeze3A_675 : f32 to vector<16xf32>
          %mul3A_908 = arith.mulf %mul3A_907, %get3A_906 : vector<16xf32>
          %add3A_909 = arith.addf %while3A_659, %mul3A_908 : vector<16xf32>
          %get3A_910 = arith.index_cast %while3A_620 : i32 to index
          %get3A_911 = arith.constant 624 : index
          %get3A_912 = tpu.vector_load %arg11[%get3A_910, %get3A_911] {strides = array<i32>} : memref<8x768xf32, #tpu.memory_space<vmem>>, vector<16xf32>,
          %mul3A_913 = vector.broadcast %squeeze3A_675 : f32 to vector<16xf32>
          %mul3A_914 = arith.mulf %mul3A_913, %get3A_912 : vector<16xf32>
          %add3A_915 = arith.addf %while3A_660, %mul3A_914 : vector<16xf32>
          %get3A_916 = arith.index_cast %while3A_620 : i32 to index
          %get3A_917 = arith.constant 640 : index
          %get3A_918 = tpu.vector_load %arg11[%get3A_916, %get3A_917] {strides = array<i32>} : memref<8x768xf32, #tpu.memory_space<vmem>>, vector<16xf32>,
          %mul3A_919 = vector.broadcast %squeeze3A_675 : f32 to vector<16xf32>
          %mul3A_920 = arith.mulf %mul3A_919, %get3A_918 : vector<16xf32>
          %add3A_921 = arith.addf %while3A_661, %mul3A_920 : vector<16xf32>
          %get3A_922 = arith.index_cast %while3A_620 : i32 to index
          %get3A_923 = arith.constant 656 : index
          %get3A_924 = tpu.vector_load %arg11[%get3A_922, %get3A_923] {strides = array<i32>} : memref<8x768xf32, #tpu.memory_space<vmem>>, vector<16xf32>,
          %mul3A_925 = vector.broadcast %squeeze3A_675 : f32 to vector<16xf32>
          %mul3A_926 = arith.mulf %mul3A_925, %get3A_924 : vector<16xf32>
          %add3A_927 = arith.addf %while3A_662, %mul3A_926 : vector<16xf32>
          %get3A_928 = arith.index_cast %while3A_620 : i32 to index
          %get3A_929 = arith.constant 672 : index
          %get3A_930 = tpu.vector_load %arg11[%get3A_928, %get3A_929] {strides = array<i32>} : memref<8x768xf32, #tpu.memory_space<vmem>>, vector<16xf32>,
          %mul3A_931 = vector.broadcast %squeeze3A_675 : f32 to vector<16xf32>
          %mul3A_932 = arith.mulf %mul3A_931, %get3A_930 : vector<16xf32>
          %add3A_933 = arith.addf %while3A_663, %mul3A_932 : vector<16xf32>
          %get3A_934 = arith.index_cast %while3A_620 : i32 to index
          %get3A_935 = arith.constant 688 : index
          %get3A_936 = tpu.vector_load %arg11[%get3A_934, %get3A_935] {strides = array<i32>} : memref<8x768xf32, #tpu.memory_space<vmem>>, vector<16xf32>,
          %mul3A_937 = vector.broadcast %squeeze3A_675 : f32 to vector<16xf32>
          %mul3A_938 = arith.mulf %mul3A_937, %get3A_936 : vector<16xf32>
          %add3A_939 = arith.addf %while3A_664, %mul3A_938 : vector<16xf32>
          %get3A_940 = arith.index_cast %while3A_620 : i32 to index
          %get3A_941 = arith.constant 704 : index
          %get3A_942 = tpu.vector_load %arg11[%get3A_940, %get3A_941] {strides = array<i32>} : memref<8x768xf32, #tpu.memory_space<vmem>>, vector<16xf32>,
          %mul3A_943 = vector.broadcast %squeeze3A_675 : f32 to vector<16xf32>
          %mul3A_944 = arith.mulf %mul3A_943, %get3A_942 : vector<16xf32>
          %add3A_945 = arith.addf %while3A_665, %mul3A_944 : vector<16xf32>
          %get3A_946 = arith.index_cast %while3A_620 : i32 to index
          %get3A_947 = arith.constant 720 : index
          %get3A_948 = tpu.vector_load %arg11[%get3A_946, %get3A_947] {strides = array<i32>} : memref<8x768xf32, #tpu.memory_space<vmem>>, vector<16xf32>,
          %mul3A_949 = vector.broadcast %squeeze3A_675 : f32 to vector<16xf32>
          %mul3A_950 = arith.mulf %mul3A_949, %get3A_948 : vector<16xf32>
          %add3A_951 = arith.addf %while3A_666, %mul3A_950 : vector<16xf32>
          %get3A_952 = arith.index_cast %while3A_620 : i32 to index
          %get3A_953 = arith.constant 736 : index
          %get3A_954 = tpu.vector_load %arg11[%get3A_952, %get3A_953] {strides = array<i32>} : memref<8x768xf32, #tpu.memory_space<vmem>>, vector<16xf32>,
          %mul3A_955 = vector.broadcast %squeeze3A_675 : f32 to vector<16xf32>
          %mul3A_956 = arith.mulf %mul3A_955, %get3A_954 : vector<16xf32>
          %add3A_957 = arith.addf %while3A_667, %mul3A_956 : vector<16xf32>
          %get3A_958 = arith.index_cast %while3A_620 : i32 to index
          %get3A_959 = arith.constant 752 : index
          %get3A_960 = tpu.vector_load %arg11[%get3A_958, %get3A_959] {strides = array<i32>} : memref<8x768xf32, #tpu.memory_space<vmem>>, vector<16xf32>,
          %mul3A_961 = vector.broadcast %squeeze3A_675 : f32 to vector<16xf32>
          %mul3A_962 = arith.mulf %mul3A_961, %get3A_960 : vector<16xf32>
          %add3A_963 = arith.addf %while3A_668, %mul3A_962 : vector<16xf32>
          scf.yield %add3A_681, %add3A_687, %add3A_693, %add3A_699, %add3A_705, %add3A_711, %add3A_717, %add3A_723, %add3A_729, %add3A_735, %add3A_741, %add3A_747, %add3A_753, %add3A_759, %add3A_765, %add3A_771, %add3A_777, %add3A_783, %add3A_789, %add3A_795, %add3A_801, %add3A_807, %add3A_813, %add3A_819, %add3A_825, %add3A_831, %add3A_837, %add3A_843, %add3A_849, %add3A_855, %add3A_861, %add3A_867, %add3A_873, %add3A_879, %add3A_885, %add3A_891, %add3A_897, %add3A_903, %add3A_909, %add3A_915, %add3A_921, %add3A_927, %add3A_933, %add3A_939, %add3A_945, %add3A_951, %add3A_957, %add3A_963 : vector<16xf32>, vector<16xf32>, vector<16xf32>, vector<16xf32>, vector<16xf32>, vector<16xf32>, vector<16xf32>, vector<16xf32>, vector<16xf32>, vector<16xf32>, vector<16xf32>, vector<16xf32>, vector<16xf32>, vector<16xf32>, vector<16xf32>, vector<16xf32>, vector<16xf32>, vector<16xf32>, vector<16xf32>, vector<16xf32>, vector<16xf32>, vector<16xf32>, vector<16xf32>, vector<16xf32>, vector<16xf32>, vector<16xf32>, vector<16xf32>, vector<16xf32>, vector<16xf32>, vector<16xf32>, vector<16xf32>, vector<16xf32>, vector<16xf32>, vector<16xf32>, vector<16xf32>, vector<16xf32>, vector<16xf32>, vector<16xf32>, vector<16xf32>, vector<16xf32>, vector<16xf32>, vector<16xf32>, vector<16xf32>, vector<16xf32>, vector<16xf32>, vector<16xf32>, vector<16xf32>, vector<16xf32>
        }
        %while3A_618 = arith.constant 1 : i32
        %while3A_619:48 = scf.for %while3A_620 = %while3A_615 to %while3A_611 step %while3A_618 iter_args(%while3A_621 = %while3A_617#0, %while3A_622 = %while3A_617#1, %while3A_623 = %while3A_617#2, %while3A_624 = %while3A_617#3, %while3A_625 = %while3A_617#4, %while3A_626 = %while3A_617#5, %while3A_627 = %while3A_617#6, %while3A_628 = %while3A_617#7, %while3A_629 = %while3A_617#8, %while3A_630 = %while3A_617#9, %while3A_631 = %while3A_617#10, %while3A_632 = %while3A_617#11, %while3A_633 = %while3A_617#12, %while3A_634 = %while3A_617#13, %while3A_635 = %while3A_617#14, %while3A_636 = %while3A_617#15, %while3A_637 = %while3A_617#16, %while3A_638 = %while3A_617#17, %while3A_639 = %while3A_617#18, %while3A_640 = %while3A_617#19, %while3A_641 = %while3A_617#20, %while3A_642 = %while3A_617#21, %while3A_643 = %while3A_617#22, %while3A_644 = %while3A_617#23, %while3A_645 = %while3A_617#24, %while3A_646 = %while3A_617#25, %while3A_647 = %while3A_617#26, %while3A_648 = %while3A_617#27, %while3A_649 = %while3A_617#28, %while3A_650 = %while3A_617#29, %while3A_651 = %while3A_617#30, %while3A_652 = %while3A_617#31, %while3A_653 = %while3A_617#32, %while3A_654 = %while3A_617#33, %while3A_655 = %while3A_617#34, %while3A_656 = %while3A_617#35, %while3A_657 = %while3A_617#36, %while3A_658 = %while3A_617#37, %while3A_659 = %while3A_617#38, %while3A_660 = %while3A_617#39, %while3A_661 = %while3A_617#40, %while3A_662 = %while3A_617#41, %while3A_663 = %while3A_617#42, %while3A_664 = %while3A_617#43, %while3A_665 = %while3A_617#44, %while3A_666 = %while3A_617#45, %while3A_667 = %while3A_617#46, %while3A_668 = %while3A_617#47) -> (vector<16xf32>, vector<16xf32>, vector<16xf32>, vector<16xf32>, vector<16xf32>, vector<16xf32>, vector<16xf32>, vector<16xf32>, vector<16xf32>, vector<16xf32>, vector<16xf32>, vector<16xf32>, vector<16xf32>, vector<16xf32>, vector<16xf32>, vector<16xf32>, vector<16xf32>, vector<16xf32>, vector<16xf32>, vector<16xf32>, vector<16xf32>, vector<16xf32>, vector<16xf32>, vector<16xf32>, vector<16xf32>, vector<16xf32>, vector<16xf32>, vector<16xf32>, vector<16xf32>, vector<16xf32>, vector<16xf32>, vector<16xf32>, vector<16xf32>, vector<16xf32>, vector<16xf32>, vector<16xf32>, vector<16xf32>, vector<16xf32>, vector<16xf32>, vector<16xf32>, vector<16xf32>, vector<16xf32>, vector<16xf32>, vector<16xf32>, vector<16xf32>, vector<16xf32>, vector<16xf32>, vector<16xf32>)  : i32 {
          %mul3A_669 = arith.constant 8 : i32
          %mul3A_670 = arith.muli %while3A_537, %mul3A_669 : i32
          %add3A_671 = arith.addi %mul3A_670, %while3A_620 : i32
          %get3A_672 = arith.index_cast %add3A_671 : i32 to index
          %get3A_673 = tpu.vector_load %arg8[%get3A_672] {strides = array<i32>} : memref<1040xf32, #tpu.memory_space<vmem>>, vector<16xf32>,
          %slice3A_674 = vector.extract_strided_slice %get3A_673 {offsets = [0], sizes = [1], strides = [1]} : vector<16xf32> to vector<1xf32>
          %squeeze3A_675 = vector.extract %slice3A_674[0] : f32 from vector<1xf32>
          %get3A_676 = arith.index_cast %while3A_620 : i32 to index
          %get3A_677 = arith.constant 0 : index
          %get3A_678 = tpu.vector_load %arg11[%get3A_676, %get3A_677] {strides = array<i32>} : memref<8x768xf32, #tpu.memory_space<vmem>>, vector<16xf32>,
          %mul3A_679 = vector.broadcast %squeeze3A_675 : f32 to vector<16xf32>
          %mul3A_680 = arith.mulf %mul3A_679, %get3A_678 : vector<16xf32>
          %add3A_681 = arith.addf %while3A_621, %mul3A_680 : vector<16xf32>
          %get3A_682 = arith.index_cast %while3A_620 : i32 to index
          %get3A_683 = arith.constant 16 : index
          %get3A_684 = tpu.vector_load %arg11[%get3A_682, %get3A_683] {strides = array<i32>} : memref<8x768xf32, #tpu.memory_space<vmem>>, vector<16xf32>,
          %mul3A_685 = vector.broadcast %squeeze3A_675 : f32 to vector<16xf32>
          %mul3A_686 = arith.mulf %mul3A_685, %get3A_684 : vector<16xf32>
          %add3A_687 = arith.addf %while3A_622, %mul3A_686 : vector<16xf32>
          %get3A_688 = arith.index_cast %while3A_620 : i32 to index
          %get3A_689 = arith.constant 32 : index
          %get3A_690 = tpu.vector_load %arg11[%get3A_688, %get3A_689] {strides = array<i32>} : memref<8x768xf32, #tpu.memory_space<vmem>>, vector<16xf32>,
          %mul3A_691 = vector.broadcast %squeeze3A_675 : f32 to vector<16xf32>
          %mul3A_692 = arith.mulf %mul3A_691, %get3A_690 : vector<16xf32>
          %add3A_693 = arith.addf %while3A_623, %mul3A_692 : vector<16xf32>
          %get3A_694 = arith.index_cast %while3A_620 : i32 to index
          %get3A_695 = arith.constant 48 : index
          %get3A_696 = tpu.vector_load %arg11[%get3A_694, %get3A_695] {strides = array<i32>} : memref<8x768xf32, #tpu.memory_space<vmem>>, vector<16xf32>,
          %mul3A_697 = vector.broadcast %squeeze3A_675 : f32 to vector<16xf32>
          %mul3A_698 = arith.mulf %mul3A_697, %get3A_696 : vector<16xf32>
          %add3A_699 = arith.addf %while3A_624, %mul3A_698 : vector<16xf32>
          %get3A_700 = arith.index_cast %while3A_620 : i32 to index
          %get3A_701 = arith.constant 64 : index
          %get3A_702 = tpu.vector_load %arg11[%get3A_700, %get3A_701] {strides = array<i32>} : memref<8x768xf32, #tpu.memory_space<vmem>>, vector<16xf32>,
          %mul3A_703 = vector.broadcast %squeeze3A_675 : f32 to vector<16xf32>
          %mul3A_704 = arith.mulf %mul3A_703, %get3A_702 : vector<16xf32>
          %add3A_705 = arith.addf %while3A_625, %mul3A_704 : vector<16xf32>
          %get3A_706 = arith.index_cast %while3A_620 : i32 to index
          %get3A_707 = arith.constant 80 : index
          %get3A_708 = tpu.vector_load %arg11[%get3A_706, %get3A_707] {strides = array<i32>} : memref<8x768xf32, #tpu.memory_space<vmem>>, vector<16xf32>,
          %mul3A_709 = vector.broadcast %squeeze3A_675 : f32 to vector<16xf32>
          %mul3A_710 = arith.mulf %mul3A_709, %get3A_708 : vector<16xf32>
          %add3A_711 = arith.addf %while3A_626, %mul3A_710 : vector<16xf32>
          %get3A_712 = arith.index_cast %while3A_620 : i32 to index
          %get3A_713 = arith.constant 96 : index
          %get3A_714 = tpu.vector_load %arg11[%get3A_712, %get3A_713] {strides = array<i32>} : memref<8x768xf32, #tpu.memory_space<vmem>>, vector<16xf32>,
          %mul3A_715 = vector.broadcast %squeeze3A_675 : f32 to vector<16xf32>
          %mul3A_716 = arith.mulf %mul3A_715, %get3A_714 : vector<16xf32>
          %add3A_717 = arith.addf %while3A_627, %mul3A_716 : vector<16xf32>
          %get3A_718 = arith.index_cast %while3A_620 : i32 to index
          %get3A_719 = arith.constant 112 : index
          %get3A_720 = tpu.vector_load %arg11[%get3A_718, %get3A_719] {strides = array<i32>} : memref<8x768xf32, #tpu.memory_space<vmem>>, vector<16xf32>,
          %mul3A_721 = vector.broadcast %squeeze3A_675 : f32 to vector<16xf32>
          %mul3A_722 = arith.mulf %mul3A_721, %get3A_720 : vector<16xf32>
          %add3A_723 = arith.addf %while3A_628, %mul3A_722 : vector<16xf32>
          %get3A_724 = arith.index_cast %while3A_620 : i32 to index
          %get3A_725 = arith.constant 128 : index
          %get3A_726 = tpu.vector_load %arg11[%get3A_724, %get3A_725] {strides = array<i32>} : memref<8x768xf32, #tpu.memory_space<vmem>>, vector<16xf32>,
          %mul3A_727 = vector.broadcast %squeeze3A_675 : f32 to vector<16xf32>
          %mul3A_728 = arith.mulf %mul3A_727, %get3A_726 : vector<16xf32>
          %add3A_729 = arith.addf %while3A_629, %mul3A_728 : vector<16xf32>
          %get3A_730 = arith.index_cast %while3A_620 : i32 to index
          %get3A_731 = arith.constant 144 : index
          %get3A_732 = tpu.vector_load %arg11[%get3A_730, %get3A_731] {strides = array<i32>} : memref<8x768xf32, #tpu.memory_space<vmem>>, vector<16xf32>,
          %mul3A_733 = vector.broadcast %squeeze3A_675 : f32 to vector<16xf32>
          %mul3A_734 = arith.mulf %mul3A_733, %get3A_732 : vector<16xf32>
          %add3A_735 = arith.addf %while3A_630, %mul3A_734 : vector<16xf32>
          %get3A_736 = arith.index_cast %while3A_620 : i32 to index
          %get3A_737 = arith.constant 160 : index
          %get3A_738 = tpu.vector_load %arg11[%get3A_736, %get3A_737] {strides = array<i32>} : memref<8x768xf32, #tpu.memory_space<vmem>>, vector<16xf32>,
          %mul3A_739 = vector.broadcast %squeeze3A_675 : f32 to vector<16xf32>
          %mul3A_740 = arith.mulf %mul3A_739, %get3A_738 : vector<16xf32>
          %add3A_741 = arith.addf %while3A_631, %mul3A_740 : vector<16xf32>
          %get3A_742 = arith.index_cast %while3A_620 : i32 to index
          %get3A_743 = arith.constant 176 : index
          %get3A_744 = tpu.vector_load %arg11[%get3A_742, %get3A_743] {strides = array<i32>} : memref<8x768xf32, #tpu.memory_space<vmem>>, vector<16xf32>,
          %mul3A_745 = vector.broadcast %squeeze3A_675 : f32 to vector<16xf32>
          %mul3A_746 = arith.mulf %mul3A_745, %get3A_744 : vector<16xf32>
          %add3A_747 = arith.addf %while3A_632, %mul3A_746 : vector<16xf32>
          %get3A_748 = arith.index_cast %while3A_620 : i32 to index
          %get3A_749 = arith.constant 192 : index
          %get3A_750 = tpu.vector_load %arg11[%get3A_748, %get3A_749] {strides = array<i32>} : memref<8x768xf32, #tpu.memory_space<vmem>>, vector<16xf32>,
          %mul3A_751 = vector.broadcast %squeeze3A_675 : f32 to vector<16xf32>
          %mul3A_752 = arith.mulf %mul3A_751, %get3A_750 : vector<16xf32>
          %add3A_753 = arith.addf %while3A_633, %mul3A_752 : vector<16xf32>
          %get3A_754 = arith.index_cast %while3A_620 : i32 to index
          %get3A_755 = arith.constant 208 : index
          %get3A_756 = tpu.vector_load %arg11[%get3A_754, %get3A_755] {strides = array<i32>} : memref<8x768xf32, #tpu.memory_space<vmem>>, vector<16xf32>,
          %mul3A_757 = vector.broadcast %squeeze3A_675 : f32 to vector<16xf32>
          %mul3A_758 = arith.mulf %mul3A_757, %get3A_756 : vector<16xf32>
          %add3A_759 = arith.addf %while3A_634, %mul3A_758 : vector<16xf32>
          %get3A_760 = arith.index_cast %while3A_620 : i32 to index
          %get3A_761 = arith.constant 224 : index
          %get3A_762 = tpu.vector_load %arg11[%get3A_760, %get3A_761] {strides = array<i32>} : memref<8x768xf32, #tpu.memory_space<vmem>>, vector<16xf32>,
          %mul3A_763 = vector.broadcast %squeeze3A_675 : f32 to vector<16xf32>
          %mul3A_764 = arith.mulf %mul3A_763, %get3A_762 : vector<16xf32>
          %add3A_765 = arith.addf %while3A_635, %mul3A_764 : vector<16xf32>
          %get3A_766 = arith.index_cast %while3A_620 : i32 to index
          %get3A_767 = arith.constant 240 : index
          %get3A_768 = tpu.vector_load %arg11[%get3A_766, %get3A_767] {strides = array<i32>} : memref<8x768xf32, #tpu.memory_space<vmem>>, vector<16xf32>,
          %mul3A_769 = vector.broadcast %squeeze3A_675 : f32 to vector<16xf32>
          %mul3A_770 = arith.mulf %mul3A_769, %get3A_768 : vector<16xf32>
          %add3A_771 = arith.addf %while3A_636, %mul3A_770 : vector<16xf32>
          %get3A_772 = arith.index_cast %while3A_620 : i32 to index
          %get3A_773 = arith.constant 256 : index
          %get3A_774 = tpu.vector_load %arg11[%get3A_772, %get3A_773] {strides = array<i32>} : memref<8x768xf32, #tpu.memory_space<vmem>>, vector<16xf32>,
          %mul3A_775 = vector.broadcast %squeeze3A_675 : f32 to vector<16xf32>
          %mul3A_776 = arith.mulf %mul3A_775, %get3A_774 : vector<16xf32>
          %add3A_777 = arith.addf %while3A_637, %mul3A_776 : vector<16xf32>
          %get3A_778 = arith.index_cast %while3A_620 : i32 to index
          %get3A_779 = arith.constant 272 : index
          %get3A_780 = tpu.vector_load %arg11[%get3A_778, %get3A_779] {strides = array<i32>} : memref<8x768xf32, #tpu.memory_space<vmem>>, vector<16xf32>,
          %mul3A_781 = vector.broadcast %squeeze3A_675 : f32 to vector<16xf32>
          %mul3A_782 = arith.mulf %mul3A_781, %get3A_780 : vector<16xf32>
          %add3A_783 = arith.addf %while3A_638, %mul3A_782 : vector<16xf32>
          %get3A_784 = arith.index_cast %while3A_620 : i32 to index
          %get3A_785 = arith.constant 288 : index
          %get3A_786 = tpu.vector_load %arg11[%get3A_784, %get3A_785] {strides = array<i32>} : memref<8x768xf32, #tpu.memory_space<vmem>>, vector<16xf32>,
          %mul3A_787 = vector.broadcast %squeeze3A_675 : f32 to vector<16xf32>
          %mul3A_788 = arith.mulf %mul3A_787, %get3A_786 : vector<16xf32>
          %add3A_789 = arith.addf %while3A_639, %mul3A_788 : vector<16xf32>
          %get3A_790 = arith.index_cast %while3A_620 : i32 to index
          %get3A_791 = arith.constant 304 : index
          %get3A_792 = tpu.vector_load %arg11[%get3A_790, %get3A_791] {strides = array<i32>} : memref<8x768xf32, #tpu.memory_space<vmem>>, vector<16xf32>,
          %mul3A_793 = vector.broadcast %squeeze3A_675 : f32 to vector<16xf32>
          %mul3A_794 = arith.mulf %mul3A_793, %get3A_792 : vector<16xf32>
          %add3A_795 = arith.addf %while3A_640, %mul3A_794 : vector<16xf32>
          %get3A_796 = arith.index_cast %while3A_620 : i32 to index
          %get3A_797 = arith.constant 320 : index
          %get3A_798 = tpu.vector_load %arg11[%get3A_796, %get3A_797] {strides = array<i32>} : memref<8x768xf32, #tpu.memory_space<vmem>>, vector<16xf32>,
          %mul3A_799 = vector.broadcast %squeeze3A_675 : f32 to vector<16xf32>
          %mul3A_800 = arith.mulf %mul3A_799, %get3A_798 : vector<16xf32>
          %add3A_801 = arith.addf %while3A_641, %mul3A_800 : vector<16xf32>
          %get3A_802 = arith.index_cast %while3A_620 : i32 to index
          %get3A_803 = arith.constant 336 : index
          %get3A_804 = tpu.vector_load %arg11[%get3A_802, %get3A_803] {strides = array<i32>} : memref<8x768xf32, #tpu.memory_space<vmem>>, vector<16xf32>,
          %mul3A_805 = vector.broadcast %squeeze3A_675 : f32 to vector<16xf32>
          %mul3A_806 = arith.mulf %mul3A_805, %get3A_804 : vector<16xf32>
          %add3A_807 = arith.addf %while3A_642, %mul3A_806 : vector<16xf32>
          %get3A_808 = arith.index_cast %while3A_620 : i32 to index
          %get3A_809 = arith.constant 352 : index
          %get3A_810 = tpu.vector_load %arg11[%get3A_808, %get3A_809] {strides = array<i32>} : memref<8x768xf32, #tpu.memory_space<vmem>>, vector<16xf32>,
          %mul3A_811 = vector.broadcast %squeeze3A_675 : f32 to vector<16xf32>
          %mul3A_812 = arith.mulf %mul3A_811, %get3A_810 : vector<16xf32>
          %add3A_813 = arith.addf %while3A_643, %mul3A_812 : vector<16xf32>
          %get3A_814 = arith.index_cast %while3A_620 : i32 to index
          %get3A_815 = arith.constant 368 : index
          %get3A_816 = tpu.vector_load %arg11[%get3A_814, %get3A_815] {strides = array<i32>} : memref<8x768xf32, #tpu.memory_space<vmem>>, vector<16xf32>,
          %mul3A_817 = vector.broadcast %squeeze3A_675 : f32 to vector<16xf32>
          %mul3A_818 = arith.mulf %mul3A_817, %get3A_816 : vector<16xf32>
          %add3A_819 = arith.addf %while3A_644, %mul3A_818 : vector<16xf32>
          %get3A_820 = arith.index_cast %while3A_620 : i32 to index
          %get3A_821 = arith.constant 384 : index
          %get3A_822 = tpu.vector_load %arg11[%get3A_820, %get3A_821] {strides = array<i32>} : memref<8x768xf32, #tpu.memory_space<vmem>>, vector<16xf32>,
          %mul3A_823 = vector.broadcast %squeeze3A_675 : f32 to vector<16xf32>
          %mul3A_824 = arith.mulf %mul3A_823, %get3A_822 : vector<16xf32>
          %add3A_825 = arith.addf %while3A_645, %mul3A_824 : vector<16xf32>
          %get3A_826 = arith.index_cast %while3A_620 : i32 to index
          %get3A_827 = arith.constant 400 : index
          %get3A_828 = tpu.vector_load %arg11[%get3A_826, %get3A_827] {strides = array<i32>} : memref<8x768xf32, #tpu.memory_space<vmem>>, vector<16xf32>,
          %mul3A_829 = vector.broadcast %squeeze3A_675 : f32 to vector<16xf32>
          %mul3A_830 = arith.mulf %mul3A_829, %get3A_828 : vector<16xf32>
          %add3A_831 = arith.addf %while3A_646, %mul3A_830 : vector<16xf32>
          %get3A_832 = arith.index_cast %while3A_620 : i32 to index
          %get3A_833 = arith.constant 416 : index
          %get3A_834 = tpu.vector_load %arg11[%get3A_832, %get3A_833] {strides = array<i32>} : memref<8x768xf32, #tpu.memory_space<vmem>>, vector<16xf32>,
          %mul3A_835 = vector.broadcast %squeeze3A_675 : f32 to vector<16xf32>
          %mul3A_836 = arith.mulf %mul3A_835, %get3A_834 : vector<16xf32>
          %add3A_837 = arith.addf %while3A_647, %mul3A_836 : vector<16xf32>
          %get3A_838 = arith.index_cast %while3A_620 : i32 to index
          %get3A_839 = arith.constant 432 : index
          %get3A_840 = tpu.vector_load %arg11[%get3A_838, %get3A_839] {strides = array<i32>} : memref<8x768xf32, #tpu.memory_space<vmem>>, vector<16xf32>,
          %mul3A_841 = vector.broadcast %squeeze3A_675 : f32 to vector<16xf32>
          %mul3A_842 = arith.mulf %mul3A_841, %get3A_840 : vector<16xf32>
          %add3A_843 = arith.addf %while3A_648, %mul3A_842 : vector<16xf32>
          %get3A_844 = arith.index_cast %while3A_620 : i32 to index
          %get3A_845 = arith.constant 448 : index
          %get3A_846 = tpu.vector_load %arg11[%get3A_844, %get3A_845] {strides = array<i32>} : memref<8x768xf32, #tpu.memory_space<vmem>>, vector<16xf32>,
          %mul3A_847 = vector.broadcast %squeeze3A_675 : f32 to vector<16xf32>
          %mul3A_848 = arith.mulf %mul3A_847, %get3A_846 : vector<16xf32>
          %add3A_849 = arith.addf %while3A_649, %mul3A_848 : vector<16xf32>
          %get3A_850 = arith.index_cast %while3A_620 : i32 to index
          %get3A_851 = arith.constant 464 : index
          %get3A_852 = tpu.vector_load %arg11[%get3A_850, %get3A_851] {strides = array<i32>} : memref<8x768xf32, #tpu.memory_space<vmem>>, vector<16xf32>,
          %mul3A_853 = vector.broadcast %squeeze3A_675 : f32 to vector<16xf32>
          %mul3A_854 = arith.mulf %mul3A_853, %get3A_852 : vector<16xf32>
          %add3A_855 = arith.addf %while3A_650, %mul3A_854 : vector<16xf32>
          %get3A_856 = arith.index_cast %while3A_620 : i32 to index
          %get3A_857 = arith.constant 480 : index
          %get3A_858 = tpu.vector_load %arg11[%get3A_856, %get3A_857] {strides = array<i32>} : memref<8x768xf32, #tpu.memory_space<vmem>>, vector<16xf32>,
          %mul3A_859 = vector.broadcast %squeeze3A_675 : f32 to vector<16xf32>
          %mul3A_860 = arith.mulf %mul3A_859, %get3A_858 : vector<16xf32>
          %add3A_861 = arith.addf %while3A_651, %mul3A_860 : vector<16xf32>
          %get3A_862 = arith.index_cast %while3A_620 : i32 to index
          %get3A_863 = arith.constant 496 : index
          %get3A_864 = tpu.vector_load %arg11[%get3A_862, %get3A_863] {strides = array<i32>} : memref<8x768xf32, #tpu.memory_space<vmem>>, vector<16xf32>,
          %mul3A_865 = vector.broadcast %squeeze3A_675 : f32 to vector<16xf32>
          %mul3A_866 = arith.mulf %mul3A_865, %get3A_864 : vector<16xf32>
          %add3A_867 = arith.addf %while3A_652, %mul3A_866 : vector<16xf32>
          %get3A_868 = arith.index_cast %while3A_620 : i32 to index
          %get3A_869 = arith.constant 512 : index
          %get3A_870 = tpu.vector_load %arg11[%get3A_868, %get3A_869] {strides = array<i32>} : memref<8x768xf32, #tpu.memory_space<vmem>>, vector<16xf32>,
          %mul3A_871 = vector.broadcast %squeeze3A_675 : f32 to vector<16xf32>
          %mul3A_872 = arith.mulf %mul3A_871, %get3A_870 : vector<16xf32>
          %add3A_873 = arith.addf %while3A_653, %mul3A_872 : vector<16xf32>
          %get3A_874 = arith.index_cast %while3A_620 : i32 to index
          %get3A_875 = arith.constant 528 : index
          %get3A_876 = tpu.vector_load %arg11[%get3A_874, %get3A_875] {strides = array<i32>} : memref<8x768xf32, #tpu.memory_space<vmem>>, vector<16xf32>,
          %mul3A_877 = vector.broadcast %squeeze3A_675 : f32 to vector<16xf32>
          %mul3A_878 = arith.mulf %mul3A_877, %get3A_876 : vector<16xf32>
          %add3A_879 = arith.addf %while3A_654, %mul3A_878 : vector<16xf32>
          %get3A_880 = arith.index_cast %while3A_620 : i32 to index
          %get3A_881 = arith.constant 544 : index
          %get3A_882 = tpu.vector_load %arg11[%get3A_880, %get3A_881] {strides = array<i32>} : memref<8x768xf32, #tpu.memory_space<vmem>>, vector<16xf32>,
          %mul3A_883 = vector.broadcast %squeeze3A_675 : f32 to vector<16xf32>
          %mul3A_884 = arith.mulf %mul3A_883, %get3A_882 : vector<16xf32>
          %add3A_885 = arith.addf %while3A_655, %mul3A_884 : vector<16xf32>
          %get3A_886 = arith.index_cast %while3A_620 : i32 to index
          %get3A_887 = arith.constant 560 : index
          %get3A_888 = tpu.vector_load %arg11[%get3A_886, %get3A_887] {strides = array<i32>} : memref<8x768xf32, #tpu.memory_space<vmem>>, vector<16xf32>,
          %mul3A_889 = vector.broadcast %squeeze3A_675 : f32 to vector<16xf32>
          %mul3A_890 = arith.mulf %mul3A_889, %get3A_888 : vector<16xf32>
          %add3A_891 = arith.addf %while3A_656, %mul3A_890 : vector<16xf32>
          %get3A_892 = arith.index_cast %while3A_620 : i32 to index
          %get3A_893 = arith.constant 576 : index
          %get3A_894 = tpu.vector_load %arg11[%get3A_892, %get3A_893] {strides = array<i32>} : memref<8x768xf32, #tpu.memory_space<vmem>>, vector<16xf32>,
          %mul3A_895 = vector.broadcast %squeeze3A_675 : f32 to vector<16xf32>
          %mul3A_896 = arith.mulf %mul3A_895, %get3A_894 : vector<16xf32>
          %add3A_897 = arith.addf %while3A_657, %mul3A_896 : vector<16xf32>
          %get3A_898 = arith.index_cast %while3A_620 : i32 to index
          %get3A_899 = arith.constant 592 : index
          %get3A_900 = tpu.vector_load %arg11[%get3A_898, %get3A_899] {strides = array<i32>} : memref<8x768xf32, #tpu.memory_space<vmem>>, vector<16xf32>,
          %mul3A_901 = vector.broadcast %squeeze3A_675 : f32 to vector<16xf32>
          %mul3A_902 = arith.mulf %mul3A_901, %get3A_900 : vector<16xf32>
          %add3A_903 = arith.addf %while3A_658, %mul3A_902 : vector<16xf32>
          %get3A_904 = arith.index_cast %while3A_620 : i32 to index
          %get3A_905 = arith.constant 608 : index
          %get3A_906 = tpu.vector_load %arg11[%get3A_904, %get3A_905] {strides = array<i32>} : memref<8x768xf32, #tpu.memory_space<vmem>>, vector<16xf32>,
          %mul3A_907 = vector.broadcast %squeeze3A_675 : f32 to vector<16xf32>
          %mul3A_908 = arith.mulf %mul3A_907, %get3A_906 : vector<16xf32>
          %add3A_909 = arith.addf %while3A_659, %mul3A_908 : vector<16xf32>
          %get3A_910 = arith.index_cast %while3A_620 : i32 to index
          %get3A_911 = arith.constant 624 : index
          %get3A_912 = tpu.vector_load %arg11[%get3A_910, %get3A_911] {strides = array<i32>} : memref<8x768xf32, #tpu.memory_space<vmem>>, vector<16xf32>,
          %mul3A_913 = vector.broadcast %squeeze3A_675 : f32 to vector<16xf32>
          %mul3A_914 = arith.mulf %mul3A_913, %get3A_912 : vector<16xf32>
          %add3A_915 = arith.addf %while3A_660, %mul3A_914 : vector<16xf32>
          %get3A_916 = arith.index_cast %while3A_620 : i32 to index
          %get3A_917 = arith.constant 640 : index
          %get3A_918 = tpu.vector_load %arg11[%get3A_916, %get3A_917] {strides = array<i32>} : memref<8x768xf32, #tpu.memory_space<vmem>>, vector<16xf32>,
          %mul3A_919 = vector.broadcast %squeeze3A_675 : f32 to vector<16xf32>
          %mul3A_920 = arith.mulf %mul3A_919, %get3A_918 : vector<16xf32>
          %add3A_921 = arith.addf %while3A_661, %mul3A_920 : vector<16xf32>
          %get3A_922 = arith.index_cast %while3A_620 : i32 to index
          %get3A_923 = arith.constant 656 : index
          %get3A_924 = tpu.vector_load %arg11[%get3A_922, %get3A_923] {strides = array<i32>} : memref<8x768xf32, #tpu.memory_space<vmem>>, vector<16xf32>,
          %mul3A_925 = vector.broadcast %squeeze3A_675 : f32 to vector<16xf32>
          %mul3A_926 = arith.mulf %mul3A_925, %get3A_924 : vector<16xf32>
          %add3A_927 = arith.addf %while3A_662, %mul3A_926 : vector<16xf32>
          %get3A_928 = arith.index_cast %while3A_620 : i32 to index
          %get3A_929 = arith.constant 672 : index
          %get3A_930 = tpu.vector_load %arg11[%get3A_928, %get3A_929] {strides = array<i32>} : memref<8x768xf32, #tpu.memory_space<vmem>>, vector<16xf32>,
          %mul3A_931 = vector.broadcast %squeeze3A_675 : f32 to vector<16xf32>
          %mul3A_932 = arith.mulf %mul3A_931, %get3A_930 : vector<16xf32>
          %add3A_933 = arith.addf %while3A_663, %mul3A_932 : vector<16xf32>
          %get3A_934 = arith.index_cast %while3A_620 : i32 to index
          %get3A_935 = arith.constant 688 : index
          %get3A_936 = tpu.vector_load %arg11[%get3A_934, %get3A_935] {strides = array<i32>} : memref<8x768xf32, #tpu.memory_space<vmem>>, vector<16xf32>,
          %mul3A_937 = vector.broadcast %squeeze3A_675 : f32 to vector<16xf32>
          %mul3A_938 = arith.mulf %mul3A_937, %get3A_936 : vector<16xf32>
          %add3A_939 = arith.addf %while3A_664, %mul3A_938 : vector<16xf32>
          %get3A_940 = arith.index_cast %while3A_620 : i32 to index
          %get3A_941 = arith.constant 704 : index
          %get3A_942 = tpu.vector_load %arg11[%get3A_940, %get3A_941] {strides = array<i32>} : memref<8x768xf32, #tpu.memory_space<vmem>>, vector<16xf32>,
          %mul3A_943 = vector.broadcast %squeeze3A_675 : f32 to vector<16xf32>
          %mul3A_944 = arith.mulf %mul3A_943, %get3A_942 : vector<16xf32>
          %add3A_945 = arith.addf %while3A_665, %mul3A_944 : vector<16xf32>
          %get3A_946 = arith.index_cast %while3A_620 : i32 to index
          %get3A_947 = arith.constant 720 : index
          %get3A_948 = tpu.vector_load %arg11[%get3A_946, %get3A_947] {strides = array<i32>} : memref<8x768xf32, #tpu.memory_space<vmem>>, vector<16xf32>,
          %mul3A_949 = vector.broadcast %squeeze3A_675 : f32 to vector<16xf32>
          %mul3A_950 = arith.mulf %mul3A_949, %get3A_948 : vector<16xf32>
          %add3A_951 = arith.addf %while3A_666, %mul3A_950 : vector<16xf32>
          %get3A_952 = arith.index_cast %while3A_620 : i32 to index
          %get3A_953 = arith.constant 736 : index
          %get3A_954 = tpu.vector_load %arg11[%get3A_952, %get3A_953] {strides = array<i32>} : memref<8x768xf32, #tpu.memory_space<vmem>>, vector<16xf32>,
          %mul3A_955 = vector.broadcast %squeeze3A_675 : f32 to vector<16xf32>
          %mul3A_956 = arith.mulf %mul3A_955, %get3A_954 : vector<16xf32>
          %add3A_957 = arith.addf %while3A_667, %mul3A_956 : vector<16xf32>
          %get3A_958 = arith.index_cast %while3A_620 : i32 to index
          %get3A_959 = arith.constant 752 : index
          %get3A_960 = tpu.vector_load %arg11[%get3A_958, %get3A_959] {strides = array<i32>} : memref<8x768xf32, #tpu.memory_space<vmem>>, vector<16xf32>,
          %mul3A_961 = vector.broadcast %squeeze3A_675 : f32 to vector<16xf32>
          %mul3A_962 = arith.mulf %mul3A_961, %get3A_960 : vector<16xf32>
          %add3A_963 = arith.addf %while3A_668, %mul3A_962 : vector<16xf32>
          scf.yield %add3A_681, %add3A_687, %add3A_693, %add3A_699, %add3A_705, %add3A_711, %add3A_717, %add3A_723, %add3A_729, %add3A_735, %add3A_741, %add3A_747, %add3A_753, %add3A_759, %add3A_765, %add3A_771, %add3A_777, %add3A_783, %add3A_789, %add3A_795, %add3A_801, %add3A_807, %add3A_813, %add3A_819, %add3A_825, %add3A_831, %add3A_837, %add3A_843, %add3A_849, %add3A_855, %add3A_861, %add3A_867, %add3A_873, %add3A_879, %add3A_885, %add3A_891, %add3A_897, %add3A_903, %add3A_909, %add3A_915, %add3A_921, %add3A_927, %add3A_933, %add3A_939, %add3A_945, %add3A_951, %add3A_957, %add3A_963 : vector<16xf32>, vector<16xf32>, vector<16xf32>, vector<16xf32>, vector<16xf32>, vector<16xf32>, vector<16xf32>, vector<16xf32>, vector<16xf32>, vector<16xf32>, vector<16xf32>, vector<16xf32>, vector<16xf32>, vector<16xf32>, vector<16xf32>, vector<16xf32>, vector<16xf32>, vector<16xf32>, vector<16xf32>, vector<16xf32>, vector<16xf32>, vector<16xf32>, vector<16xf32>, vector<16xf32>, vector<16xf32>, vector<16xf32>, vector<16xf32>, vector<16xf32>, vector<16xf32>, vector<16xf32>, vector<16xf32>, vector<16xf32>, vector<16xf32>, vector<16xf32>, vector<16xf32>, vector<16xf32>, vector<16xf32>, vector<16xf32>, vector<16xf32>, vector<16xf32>, vector<16xf32>, vector<16xf32>, vector<16xf32>, vector<16xf32>, vector<16xf32>, vector<16xf32>, vector<16xf32>, vector<16xf32>
        }
        scf.yield %while3A_619#0, %while3A_619#1, %while3A_619#2, %while3A_619#3, %while3A_619#4, %while3A_619#5, %while3A_619#6, %while3A_619#7, %while3A_619#8, %while3A_619#9, %while3A_619#10, %while3A_619#11, %while3A_619#12, %while3A_619#13, %while3A_619#14, %while3A_619#15, %while3A_619#16, %while3A_619#17, %while3A_619#18, %while3A_619#19, %while3A_619#20, %while3A_619#21, %while3A_619#22, %while3A_619#23, %while3A_619#24, %while3A_619#25, %while3A_619#26, %while3A_619#27, %while3A_619#28, %while3A_619#29, %while3A_619#30, %while3A_619#31, %while3A_619#32, %while3A_619#33, %while3A_619#34, %while3A_619#35, %while3A_619#36, %while3A_619#37, %while3A_619#38, %while3A_619#39, %while3A_619#40, %while3A_619#41, %while3A_619#42, %while3A_619#43, %while3A_619#44, %while3A_619#45, %while3A_619#46, %while3A_619#47 : vector<16xf32>, vector<16xf32>, vector<16xf32>, vector<16xf32>, vector<16xf32>, vector<16xf32>, vector<16xf32>, vector<16xf32>, vector<16xf32>, vector<16xf32>, vector<16xf32>, vector<16xf32>, vector<16xf32>, vector<16xf32>, vector<16xf32>, vector<16xf32>, vector<16xf32>, vector<16xf32>, vector<16xf32>, vector<16xf32>, vector<16xf32>, vector<16xf32>, vector<16xf32>, vector<16xf32>, vector<16xf32>, vector<16xf32>, vector<16xf32>, vector<16xf32>, vector<16xf32>, vector<16xf32>, vector<16xf32>, vector<16xf32>, vector<16xf32>, vector<16xf32>, vector<16xf32>, vector<16xf32>, vector<16xf32>, vector<16xf32>, vector<16xf32>, vector<16xf32>, vector<16xf32>, vector<16xf32>, vector<16xf32>, vector<16xf32>, vector<16xf32>, vector<16xf32>, vector<16xf32>, vector<16xf32>
      }
      scf.yield %cond3A_603#0, %cond3A_603#1, %cond3A_603#2, %cond3A_603#3, %cond3A_603#4, %cond3A_603#5, %cond3A_603#6, %cond3A_603#7, %cond3A_603#8, %cond3A_603#9, %cond3A_603#10, %cond3A_603#11, %cond3A_603#12, %cond3A_603#13, %cond3A_603#14, %cond3A_603#15, %cond3A_603#16, %cond3A_603#17, %cond3A_603#18, %cond3A_603#19, %cond3A_603#20, %cond3A_603#21, %cond3A_603#22, %cond3A_603#23, %cond3A_603#24, %cond3A_603#25, %cond3A_603#26, %cond3A_603#27, %cond3A_603#28, %cond3A_603#29, %cond3A_603#30, %cond3A_603#31, %cond3A_603#32, %cond3A_603#33, %cond3A_603#34, %cond3A_603#35, %cond3A_603#36, %cond3A_603#37, %cond3A_603#38, %cond3A_603#39, %cond3A_603#40, %cond3A_603#41, %cond3A_603#42, %cond3A_603#43, %cond3A_603#44, %cond3A_603#45, %cond3A_603#46, %cond3A_603#47 : vector<16xf32>, vector<16xf32>, vector<16xf32>, vector<16xf32>, vector<16xf32>, vector<16xf32>, vector<16xf32>, vector<16xf32>, vector<16xf32>, vector<16xf32>, vector<16xf32>, vector<16xf32>, vector<16xf32>, vector<16xf32>, vector<16xf32>, vector<16xf32>, vector<16xf32>, vector<16xf32>, vector<16xf32>, vector<16xf32>, vector<16xf32>, vector<16xf32>, vector<16xf32>, vector<16xf32>, vector<16xf32>, vector<16xf32>, vector<16xf32>, vector<16xf32>, vector<16xf32>, vector<16xf32>, vector<16xf32>, vector<16xf32>, vector<16xf32>, vector<16xf32>, vector<16xf32>, vector<16xf32>, vector<16xf32>, vector<16xf32>, vector<16xf32>, vector<16xf32>, vector<16xf32>, vector<16xf32>, vector<16xf32>, vector<16xf32>, vector<16xf32>, vector<16xf32>, vector<16xf32>, vector<16xf32>
    }
    %while3A_343 = arith.constant 1 : i32
    %while3A_344:48 = scf.for %while3A_537 = %while3A_340 to %while3A_336 step %while3A_343 iter_args(%while3A_538 = %while3A_342#0, %while3A_539 = %while3A_342#1, %while3A_540 = %while3A_342#2, %while3A_541 = %while3A_342#3, %while3A_542 = %while3A_342#4, %while3A_543 = %while3A_342#5, %while3A_544 = %while3A_342#6, %while3A_545 = %while3A_342#7, %while3A_546 = %while3A_342#8, %while3A_547 = %while3A_342#9, %while3A_548 = %while3A_342#10, %while3A_549 = %while3A_342#11, %while3A_550 = %while3A_342#12, %while3A_551 = %while3A_342#13, %while3A_552 = %while3A_342#14, %while3A_553 = %while3A_342#15, %while3A_554 = %while3A_342#16, %while3A_555 = %while3A_342#17, %while3A_556 = %while3A_342#18, %while3A_557 = %while3A_342#19, %while3A_558 = %while3A_342#20, %while3A_559 = %while3A_342#21, %while3A_560 = %while3A_342#22, %while3A_561 = %while3A_342#23, %while3A_562 = %while3A_342#24, %while3A_563 = %while3A_342#25, %while3A_564 = %while3A_342#26, %while3A_565 = %while3A_342#27, %while3A_566 = %while3A_342#28, %while3A_567 = %while3A_342#29, %while3A_568 = %while3A_342#30, %while3A_569 = %while3A_342#31, %while3A_570 = %while3A_342#32, %while3A_571 = %while3A_342#33, %while3A_572 = %while3A_342#34, %while3A_573 = %while3A_342#35, %while3A_574 = %while3A_342#36, %while3A_575 = %while3A_342#37, %while3A_576 = %while3A_342#38, %while3A_577 = %while3A_342#39, %while3A_578 = %while3A_342#40, %while3A_579 = %while3A_342#41, %while3A_580 = %while3A_342#42, %while3A_581 = %while3A_342#43, %while3A_582 = %while3A_342#44, %while3A_583 = %while3A_342#45, %while3A_584 = %while3A_342#46, %while3A_585 = %while3A_342#47) -> (vector<16xf32>, vector<16xf32>, vector<16xf32>, vector<16xf32>, vector<16xf32>, vector<16xf32>, vector<16xf32>, vector<16xf32>, vector<16xf32>, vector<16xf32>, vector<16xf32>, vector<16xf32>, vector<16xf32>, vector<16xf32>, vector<16xf32>, vector<16xf32>, vector<16xf32>, vector<16xf32>, vector<16xf32>, vector<16xf32>, vector<16xf32>, vector<16xf32>, vector<16xf32>, vector<16xf32>, vector<16xf32>, vector<16xf32>, vector<16xf32>, vector<16xf32>, vector<16xf32>, vector<16xf32>, vector<16xf32>, vector<16xf32>, vector<16xf32>, vector<16xf32>, vector<16xf32>, vector<16xf32>, vector<16xf32>, vector<16xf32>, vector<16xf32>, vector<16xf32>, vector<16xf32>, vector<16xf32>, vector<16xf32>, vector<16xf32>, vector<16xf32>, vector<16xf32>, vector<16xf32>, vector<16xf32>)  : i32 {
      %rem3A_586 = arith.constant 2 : i32
      %rem3A_587 = arith.remsi %while3A_537, %rem3A_586 : i32
      %add3A_588 = arith.constant 1 : i32
      %add3A_589 = arith.addi %while3A_537, %add3A_588 : i32
      %lt3A_590 = arith.cmpi slt, %add3A_589, %select_n3A_332 : i32
      %convert_element_type3A_591 = arith.extui %lt3A_590 : i1 to i32
      %cond3A_592 = arith.constant 0 : i32
      %cond3A_593 = arith.cmpi ne, %convert_element_type3A_591, %cond3A_592 : i32
      scf.if %cond3A_593 {
        %eq3A_604 = arith.constant 0 : i32
        %eq3A_605 = arith.cmpi eq, %rem3A_587, %eq3A_604 : i32
        %convert_element_type3A_606 = arith.extui %eq3A_605 : i1 to i32
        %cond3A_607 = arith.constant 0 : i32
        %cond3A_608 = arith.cmpi ne, %convert_element_type3A_606, %cond3A_607 : i32
        scf.if %cond3A_608 {
          %add3A_609 = arith.constant 1 : i32
          %add3A_610 = arith.addi %while3A_537, %add3A_609 : i32
          %mul3A_611 = arith.constant 8 : i32
          %mul3A_612 = arith.muli %add3A_610, %mul3A_611 : i32
          %dma_start3A = tpu.memref_slice %arg7[%mul3A_612] : memref<1040xi32, #tpu.memory_space<vmem>> -> memref<8xi32, #tpu.memory_space<vmem>>
          %dma_start3A_613 = arith.constant 0 : i32
          %dma_start3A_614 = arith.constant 0 : i32
          %dma_start3A_615 = tpu.memref_slice %arg2[%dma_start3A_613, %dma_start3A_614] : memref<32768x768xf32, #tpu.memory_space<hbm>> -> memref<32768x768xf32, #tpu.memory_space<hbm>>
          tpu.enqueue_indirect_dma source(%dma_start3A_615 : memref<32768x768xf32, #tpu.memory_space<hbm>>) target(%arg11 : memref<8x768xf32, #tpu.memory_space<vmem>>) offsets(%dma_start3A : memref<8xi32, #tpu.memory_space<vmem>>) semaphore(%arg14 : memref<!tpu.dma_semaphore, #tpu.memory_space<semaphore_mem>>)
        } else {
          %add3A_609 = arith.constant 1 : i32
          %add3A_610 = arith.addi %while3A_537, %add3A_609 : i32
          %mul3A_611 = arith.constant 8 : i32
          %mul3A_612 = arith.muli %add3A_610, %mul3A_611 : i32
          %dma_start3A = tpu.memref_slice %arg7[%mul3A_612] : memref<1040xi32, #tpu.memory_space<vmem>> -> memref<8xi32, #tpu.memory_space<vmem>>
          %dma_start3A_613 = arith.constant 0 : i32
          %dma_start3A_614 = arith.constant 0 : i32
          %dma_start3A_615 = tpu.memref_slice %arg2[%dma_start3A_613, %dma_start3A_614] : memref<32768x768xf32, #tpu.memory_space<hbm>> -> memref<32768x768xf32, #tpu.memory_space<hbm>>
          tpu.enqueue_indirect_dma source(%dma_start3A_615 : memref<32768x768xf32, #tpu.memory_space<hbm>>) target(%arg10 : memref<8x768xf32, #tpu.memory_space<vmem>>) offsets(%dma_start3A : memref<8xi32, #tpu.memory_space<vmem>>) semaphore(%arg13 : memref<!tpu.dma_semaphore, #tpu.memory_space<semaphore_mem>>)
        }
      } else {
      }
      %mul3A_594 = arith.constant 8 : i32
      %mul3A_595 = arith.muli %while3A_537, %mul3A_594 : i32
      %sub3A_596 = arith.subi %scan3A_303, %mul3A_595 : i32
      %min3A = arith.constant 8 : i32
      %min3A_597 = arith.minsi %sub3A_596, %min3A : i32
      %eq3A_598 = arith.constant 0 : i32
      %eq3A_599 = arith.cmpi eq, %rem3A_587, %eq3A_598 : i32
      %convert_element_type3A_600 = arith.extui %eq3A_599 : i1 to i32
      %cond3A_601 = arith.constant 0 : i32
      %cond3A_602 = arith.cmpi ne, %convert_element_type3A_600, %cond3A_601 : i32
      %cond3A_603:48 = scf.if %cond3A_602 -> (vector<16xf32>, vector<16xf32>, vector<16xf32>, vector<16xf32>, vector<16xf32>, vector<16xf32>, vector<16xf32>, vector<16xf32>, vector<16xf32>, vector<16xf32>, vector<16xf32>, vector<16xf32>, vector<16xf32>, vector<16xf32>, vector<16xf32>, vector<16xf32>, vector<16xf32>, vector<16xf32>, vector<16xf32>, vector<16xf32>, vector<16xf32>, vector<16xf32>, vector<16xf32>, vector<16xf32>, vector<16xf32>, vector<16xf32>, vector<16xf32>, vector<16xf32>, vector<16xf32>, vector<16xf32>, vector<16xf32>, vector<16xf32>, vector<16xf32>, vector<16xf32>, vector<16xf32>, vector<16xf32>, vector<16xf32>, vector<16xf32>, vector<16xf32>, vector<16xf32>, vector<16xf32>, vector<16xf32>, vector<16xf32>, vector<16xf32>, vector<16xf32>, vector<16xf32>, vector<16xf32>, vector<16xf32>) {
        %mul3A_604 = arith.constant 8 : i32
        %mul3A_605 = arith.muli %while3A_537, %mul3A_604 : i32
        %dma_wait3A = tpu.memref_slice %arg7[%mul3A_605] : memref<1040xi32, #tpu.memory_space<vmem>> -> memref<8xi32, #tpu.memory_space<vmem>>
        %dma_wait3A_606 = arith.constant 0 : i32
        %dma_wait3A_607 = arith.constant 0 : i32
        %dma_wait3A_608 = tpu.memref_slice %arg2[%dma_wait3A_606, %dma_wait3A_607] : memref<32768x768xf32, #tpu.memory_space<hbm>> -> memref<32768x768xf32, #tpu.memory_space<hbm>>
        tpu.wait_indirect_dma semaphore(%arg13 : memref<!tpu.dma_semaphore, #tpu.memory_space<semaphore_mem>>) src(%dma_wait3A_608 : memref<32768x768xf32, #tpu.memory_space<hbm>>) dst(%arg10 : memref<8x768xf32, #tpu.memory_space<vmem>>)
        %while3A_609 = arith.constant 0 : i32
        %while3A_610 = arith.subi %min3A_597, %while3A_609 : i32
        %while3A_611 = arith.addi %while3A_609, %while3A_610 : i32
        %while3A_612 = arith.constant 1 : i32
        %while3A_613 = arith.divsi %while3A_610, %while3A_612 : i32
        %while3A_614 = arith.muli %while3A_613, %while3A_612 : i32
        %while3A_615 = arith.addi %while3A_609, %while3A_614 : i32
        %while3A_616 = arith.constant 1 : i32
        %while3A_617:48 = scf.for %while3A_620 = %while3A_609 to %while3A_615 step %while3A_616 iter_args(%while3A_621 = %while3A_538, %while3A_622 = %while3A_539, %while3A_623 = %while3A_540, %while3A_624 = %while3A_541, %while3A_625 = %while3A_542, %while3A_626 = %while3A_543, %while3A_627 = %while3A_544, %while3A_628 = %while3A_545, %while3A_629 = %while3A_546, %while3A_630 = %while3A_547, %while3A_631 = %while3A_548, %while3A_632 = %while3A_549, %while3A_633 = %while3A_550, %while3A_634 = %while3A_551, %while3A_635 = %while3A_552, %while3A_636 = %while3A_553, %while3A_637 = %while3A_554, %while3A_638 = %while3A_555, %while3A_639 = %while3A_556, %while3A_640 = %while3A_557, %while3A_641 = %while3A_558, %while3A_642 = %while3A_559, %while3A_643 = %while3A_560, %while3A_644 = %while3A_561, %while3A_645 = %while3A_562, %while3A_646 = %while3A_563, %while3A_647 = %while3A_564, %while3A_648 = %while3A_565, %while3A_649 = %while3A_566, %while3A_650 = %while3A_567, %while3A_651 = %while3A_568, %while3A_652 = %while3A_569, %while3A_653 = %while3A_570, %while3A_654 = %while3A_571, %while3A_655 = %while3A_572, %while3A_656 = %while3A_573, %while3A_657 = %while3A_574, %while3A_658 = %while3A_575, %while3A_659 = %while3A_576, %while3A_660 = %while3A_577, %while3A_661 = %while3A_578, %while3A_662 = %while3A_579, %while3A_663 = %while3A_580, %while3A_664 = %while3A_581, %while3A_665 = %while3A_582, %while3A_666 = %while3A_583, %while3A_667 = %while3A_584, %while3A_668 = %while3A_585) -> (vector<16xf32>, vector<16xf32>, vector<16xf32>, vector<16xf32>, vector<16xf32>, vector<16xf32>, vector<16xf32>, vector<16xf32>, vector<16xf32>, vector<16xf32>, vector<16xf32>, vector<16xf32>, vector<16xf32>, vector<16xf32>, vector<16xf32>, vector<16xf32>, vector<16xf32>, vector<16xf32>, vector<16xf32>, vector<16xf32>, vector<16xf32>, vector<16xf32>, vector<16xf32>, vector<16xf32>, vector<16xf32>, vector<16xf32>, vector<16xf32>, vector<16xf32>, vector<16xf32>, vector<16xf32>, vector<16xf32>, vector<16xf32>, vector<16xf32>, vector<16xf32>, vector<16xf32>, vector<16xf32>, vector<16xf32>, vector<16xf32>, vector<16xf32>, vector<16xf32>, vector<16xf32>, vector<16xf32>, vector<16xf32>, vector<16xf32>, vector<16xf32>, vector<16xf32>, vector<16xf32>, vector<16xf32>)  : i32 {
          %mul3A_669 = arith.constant 8 : i32
          %mul3A_670 = arith.muli %while3A_537, %mul3A_669 : i32
          %add3A_671 = arith.addi %mul3A_670, %while3A_620 : i32
          %get3A_672 = arith.index_cast %add3A_671 : i32 to index
          %get3A_673 = tpu.vector_load %arg8[%get3A_672] {strides = array<i32>} : memref<1040xf32, #tpu.memory_space<vmem>>, vector<16xf32>,
          %slice3A_674 = vector.extract_strided_slice %get3A_673 {offsets = [0], sizes = [1], strides = [1]} : vector<16xf32> to vector<1xf32>
          %squeeze3A_675 = vector.extract %slice3A_674[0] : f32 from vector<1xf32>
          %get3A_676 = arith.index_cast %while3A_620 : i32 to index
          %get3A_677 = arith.constant 0 : index
          %get3A_678 = tpu.vector_load %arg10[%get3A_676, %get3A_677] {strides = array<i32>} : memref<8x768xf32, #tpu.memory_space<vmem>>, vector<16xf32>,
          %mul3A_679 = vector.broadcast %squeeze3A_675 : f32 to vector<16xf32>
          %mul3A_680 = arith.mulf %mul3A_679, %get3A_678 : vector<16xf32>
          %add3A_681 = arith.addf %while3A_621, %mul3A_680 : vector<16xf32>
          %get3A_682 = arith.index_cast %while3A_620 : i32 to index
          %get3A_683 = arith.constant 16 : index
          %get3A_684 = tpu.vector_load %arg10[%get3A_682, %get3A_683] {strides = array<i32>} : memref<8x768xf32, #tpu.memory_space<vmem>>, vector<16xf32>,
          %mul3A_685 = vector.broadcast %squeeze3A_675 : f32 to vector<16xf32>
          %mul3A_686 = arith.mulf %mul3A_685, %get3A_684 : vector<16xf32>
          %add3A_687 = arith.addf %while3A_622, %mul3A_686 : vector<16xf32>
          %get3A_688 = arith.index_cast %while3A_620 : i32 to index
          %get3A_689 = arith.constant 32 : index
          %get3A_690 = tpu.vector_load %arg10[%get3A_688, %get3A_689] {strides = array<i32>} : memref<8x768xf32, #tpu.memory_space<vmem>>, vector<16xf32>,
          %mul3A_691 = vector.broadcast %squeeze3A_675 : f32 to vector<16xf32>
          %mul3A_692 = arith.mulf %mul3A_691, %get3A_690 : vector<16xf32>
          %add3A_693 = arith.addf %while3A_623, %mul3A_692 : vector<16xf32>
          %get3A_694 = arith.index_cast %while3A_620 : i32 to index
          %get3A_695 = arith.constant 48 : index
          %get3A_696 = tpu.vector_load %arg10[%get3A_694, %get3A_695] {strides = array<i32>} : memref<8x768xf32, #tpu.memory_space<vmem>>, vector<16xf32>,
          %mul3A_697 = vector.broadcast %squeeze3A_675 : f32 to vector<16xf32>
          %mul3A_698 = arith.mulf %mul3A_697, %get3A_696 : vector<16xf32>
          %add3A_699 = arith.addf %while3A_624, %mul3A_698 : vector<16xf32>
          %get3A_700 = arith.index_cast %while3A_620 : i32 to index
          %get3A_701 = arith.constant 64 : index
          %get3A_702 = tpu.vector_load %arg10[%get3A_700, %get3A_701] {strides = array<i32>} : memref<8x768xf32, #tpu.memory_space<vmem>>, vector<16xf32>,
          %mul3A_703 = vector.broadcast %squeeze3A_675 : f32 to vector<16xf32>
          %mul3A_704 = arith.mulf %mul3A_703, %get3A_702 : vector<16xf32>
          %add3A_705 = arith.addf %while3A_625, %mul3A_704 : vector<16xf32>
          %get3A_706 = arith.index_cast %while3A_620 : i32 to index
          %get3A_707 = arith.constant 80 : index
          %get3A_708 = tpu.vector_load %arg10[%get3A_706, %get3A_707] {strides = array<i32>} : memref<8x768xf32, #tpu.memory_space<vmem>>, vector<16xf32>,
          %mul3A_709 = vector.broadcast %squeeze3A_675 : f32 to vector<16xf32>
          %mul3A_710 = arith.mulf %mul3A_709, %get3A_708 : vector<16xf32>
          %add3A_711 = arith.addf %while3A_626, %mul3A_710 : vector<16xf32>
          %get3A_712 = arith.index_cast %while3A_620 : i32 to index
          %get3A_713 = arith.constant 96 : index
          %get3A_714 = tpu.vector_load %arg10[%get3A_712, %get3A_713] {strides = array<i32>} : memref<8x768xf32, #tpu.memory_space<vmem>>, vector<16xf32>,
          %mul3A_715 = vector.broadcast %squeeze3A_675 : f32 to vector<16xf32>
          %mul3A_716 = arith.mulf %mul3A_715, %get3A_714 : vector<16xf32>
          %add3A_717 = arith.addf %while3A_627, %mul3A_716 : vector<16xf32>
          %get3A_718 = arith.index_cast %while3A_620 : i32 to index
          %get3A_719 = arith.constant 112 : index
          %get3A_720 = tpu.vector_load %arg10[%get3A_718, %get3A_719] {strides = array<i32>} : memref<8x768xf32, #tpu.memory_space<vmem>>, vector<16xf32>,
          %mul3A_721 = vector.broadcast %squeeze3A_675 : f32 to vector<16xf32>
          %mul3A_722 = arith.mulf %mul3A_721, %get3A_720 : vector<16xf32>
          %add3A_723 = arith.addf %while3A_628, %mul3A_722 : vector<16xf32>
          %get3A_724 = arith.index_cast %while3A_620 : i32 to index
          %get3A_725 = arith.constant 128 : index
          %get3A_726 = tpu.vector_load %arg10[%get3A_724, %get3A_725] {strides = array<i32>} : memref<8x768xf32, #tpu.memory_space<vmem>>, vector<16xf32>,
          %mul3A_727 = vector.broadcast %squeeze3A_675 : f32 to vector<16xf32>
          %mul3A_728 = arith.mulf %mul3A_727, %get3A_726 : vector<16xf32>
          %add3A_729 = arith.addf %while3A_629, %mul3A_728 : vector<16xf32>
          %get3A_730 = arith.index_cast %while3A_620 : i32 to index
          %get3A_731 = arith.constant 144 : index
          %get3A_732 = tpu.vector_load %arg10[%get3A_730, %get3A_731] {strides = array<i32>} : memref<8x768xf32, #tpu.memory_space<vmem>>, vector<16xf32>,
          %mul3A_733 = vector.broadcast %squeeze3A_675 : f32 to vector<16xf32>
          %mul3A_734 = arith.mulf %mul3A_733, %get3A_732 : vector<16xf32>
          %add3A_735 = arith.addf %while3A_630, %mul3A_734 : vector<16xf32>
          %get3A_736 = arith.index_cast %while3A_620 : i32 to index
          %get3A_737 = arith.constant 160 : index
          %get3A_738 = tpu.vector_load %arg10[%get3A_736, %get3A_737] {strides = array<i32>} : memref<8x768xf32, #tpu.memory_space<vmem>>, vector<16xf32>,
          %mul3A_739 = vector.broadcast %squeeze3A_675 : f32 to vector<16xf32>
          %mul3A_740 = arith.mulf %mul3A_739, %get3A_738 : vector<16xf32>
          %add3A_741 = arith.addf %while3A_631, %mul3A_740 : vector<16xf32>
          %get3A_742 = arith.index_cast %while3A_620 : i32 to index
          %get3A_743 = arith.constant 176 : index
          %get3A_744 = tpu.vector_load %arg10[%get3A_742, %get3A_743] {strides = array<i32>} : memref<8x768xf32, #tpu.memory_space<vmem>>, vector<16xf32>,
          %mul3A_745 = vector.broadcast %squeeze3A_675 : f32 to vector<16xf32>
          %mul3A_746 = arith.mulf %mul3A_745, %get3A_744 : vector<16xf32>
          %add3A_747 = arith.addf %while3A_632, %mul3A_746 : vector<16xf32>
          %get3A_748 = arith.index_cast %while3A_620 : i32 to index
          %get3A_749 = arith.constant 192 : index
          %get3A_750 = tpu.vector_load %arg10[%get3A_748, %get3A_749] {strides = array<i32>} : memref<8x768xf32, #tpu.memory_space<vmem>>, vector<16xf32>,
          %mul3A_751 = vector.broadcast %squeeze3A_675 : f32 to vector<16xf32>
          %mul3A_752 = arith.mulf %mul3A_751, %get3A_750 : vector<16xf32>
          %add3A_753 = arith.addf %while3A_633, %mul3A_752 : vector<16xf32>
          %get3A_754 = arith.index_cast %while3A_620 : i32 to index
          %get3A_755 = arith.constant 208 : index
          %get3A_756 = tpu.vector_load %arg10[%get3A_754, %get3A_755] {strides = array<i32>} : memref<8x768xf32, #tpu.memory_space<vmem>>, vector<16xf32>,
          %mul3A_757 = vector.broadcast %squeeze3A_675 : f32 to vector<16xf32>
          %mul3A_758 = arith.mulf %mul3A_757, %get3A_756 : vector<16xf32>
          %add3A_759 = arith.addf %while3A_634, %mul3A_758 : vector<16xf32>
          %get3A_760 = arith.index_cast %while3A_620 : i32 to index
          %get3A_761 = arith.constant 224 : index
          %get3A_762 = tpu.vector_load %arg10[%get3A_760, %get3A_761] {strides = array<i32>} : memref<8x768xf32, #tpu.memory_space<vmem>>, vector<16xf32>,
          %mul3A_763 = vector.broadcast %squeeze3A_675 : f32 to vector<16xf32>
          %mul3A_764 = arith.mulf %mul3A_763, %get3A_762 : vector<16xf32>
          %add3A_765 = arith.addf %while3A_635, %mul3A_764 : vector<16xf32>
          %get3A_766 = arith.index_cast %while3A_620 : i32 to index
          %get3A_767 = arith.constant 240 : index
          %get3A_768 = tpu.vector_load %arg10[%get3A_766, %get3A_767] {strides = array<i32>} : memref<8x768xf32, #tpu.memory_space<vmem>>, vector<16xf32>,
          %mul3A_769 = vector.broadcast %squeeze3A_675 : f32 to vector<16xf32>
          %mul3A_770 = arith.mulf %mul3A_769, %get3A_768 : vector<16xf32>
          %add3A_771 = arith.addf %while3A_636, %mul3A_770 : vector<16xf32>
          %get3A_772 = arith.index_cast %while3A_620 : i32 to index
          %get3A_773 = arith.constant 256 : index
          %get3A_774 = tpu.vector_load %arg10[%get3A_772, %get3A_773] {strides = array<i32>} : memref<8x768xf32, #tpu.memory_space<vmem>>, vector<16xf32>,
          %mul3A_775 = vector.broadcast %squeeze3A_675 : f32 to vector<16xf32>
          %mul3A_776 = arith.mulf %mul3A_775, %get3A_774 : vector<16xf32>
          %add3A_777 = arith.addf %while3A_637, %mul3A_776 : vector<16xf32>
          %get3A_778 = arith.index_cast %while3A_620 : i32 to index
          %get3A_779 = arith.constant 272 : index
          %get3A_780 = tpu.vector_load %arg10[%get3A_778, %get3A_779] {strides = array<i32>} : memref<8x768xf32, #tpu.memory_space<vmem>>, vector<16xf32>,
          %mul3A_781 = vector.broadcast %squeeze3A_675 : f32 to vector<16xf32>
          %mul3A_782 = arith.mulf %mul3A_781, %get3A_780 : vector<16xf32>
          %add3A_783 = arith.addf %while3A_638, %mul3A_782 : vector<16xf32>
          %get3A_784 = arith.index_cast %while3A_620 : i32 to index
          %get3A_785 = arith.constant 288 : index
          %get3A_786 = tpu.vector_load %arg10[%get3A_784, %get3A_785] {strides = array<i32>} : memref<8x768xf32, #tpu.memory_space<vmem>>, vector<16xf32>,
          %mul3A_787 = vector.broadcast %squeeze3A_675 : f32 to vector<16xf32>
          %mul3A_788 = arith.mulf %mul3A_787, %get3A_786 : vector<16xf32>
          %add3A_789 = arith.addf %while3A_639, %mul3A_788 : vector<16xf32>
          %get3A_790 = arith.index_cast %while3A_620 : i32 to index
          %get3A_791 = arith.constant 304 : index
          %get3A_792 = tpu.vector_load %arg10[%get3A_790, %get3A_791] {strides = array<i32>} : memref<8x768xf32, #tpu.memory_space<vmem>>, vector<16xf32>,
          %mul3A_793 = vector.broadcast %squeeze3A_675 : f32 to vector<16xf32>
          %mul3A_794 = arith.mulf %mul3A_793, %get3A_792 : vector<16xf32>
          %add3A_795 = arith.addf %while3A_640, %mul3A_794 : vector<16xf32>
          %get3A_796 = arith.index_cast %while3A_620 : i32 to index
          %get3A_797 = arith.constant 320 : index
          %get3A_798 = tpu.vector_load %arg10[%get3A_796, %get3A_797] {strides = array<i32>} : memref<8x768xf32, #tpu.memory_space<vmem>>, vector<16xf32>,
          %mul3A_799 = vector.broadcast %squeeze3A_675 : f32 to vector<16xf32>
          %mul3A_800 = arith.mulf %mul3A_799, %get3A_798 : vector<16xf32>
          %add3A_801 = arith.addf %while3A_641, %mul3A_800 : vector<16xf32>
          %get3A_802 = arith.index_cast %while3A_620 : i32 to index
          %get3A_803 = arith.constant 336 : index
          %get3A_804 = tpu.vector_load %arg10[%get3A_802, %get3A_803] {strides = array<i32>} : memref<8x768xf32, #tpu.memory_space<vmem>>, vector<16xf32>,
          %mul3A_805 = vector.broadcast %squeeze3A_675 : f32 to vector<16xf32>
          %mul3A_806 = arith.mulf %mul3A_805, %get3A_804 : vector<16xf32>
          %add3A_807 = arith.addf %while3A_642, %mul3A_806 : vector<16xf32>
          %get3A_808 = arith.index_cast %while3A_620 : i32 to index
          %get3A_809 = arith.constant 352 : index
          %get3A_810 = tpu.vector_load %arg10[%get3A_808, %get3A_809] {strides = array<i32>} : memref<8x768xf32, #tpu.memory_space<vmem>>, vector<16xf32>,
          %mul3A_811 = vector.broadcast %squeeze3A_675 : f32 to vector<16xf32>
          %mul3A_812 = arith.mulf %mul3A_811, %get3A_810 : vector<16xf32>
          %add3A_813 = arith.addf %while3A_643, %mul3A_812 : vector<16xf32>
          %get3A_814 = arith.index_cast %while3A_620 : i32 to index
          %get3A_815 = arith.constant 368 : index
          %get3A_816 = tpu.vector_load %arg10[%get3A_814, %get3A_815] {strides = array<i32>} : memref<8x768xf32, #tpu.memory_space<vmem>>, vector<16xf32>,
          %mul3A_817 = vector.broadcast %squeeze3A_675 : f32 to vector<16xf32>
          %mul3A_818 = arith.mulf %mul3A_817, %get3A_816 : vector<16xf32>
          %add3A_819 = arith.addf %while3A_644, %mul3A_818 : vector<16xf32>
          %get3A_820 = arith.index_cast %while3A_620 : i32 to index
          %get3A_821 = arith.constant 384 : index
          %get3A_822 = tpu.vector_load %arg10[%get3A_820, %get3A_821] {strides = array<i32>} : memref<8x768xf32, #tpu.memory_space<vmem>>, vector<16xf32>,
          %mul3A_823 = vector.broadcast %squeeze3A_675 : f32 to vector<16xf32>
          %mul3A_824 = arith.mulf %mul3A_823, %get3A_822 : vector<16xf32>
          %add3A_825 = arith.addf %while3A_645, %mul3A_824 : vector<16xf32>
          %get3A_826 = arith.index_cast %while3A_620 : i32 to index
          %get3A_827 = arith.constant 400 : index
          %get3A_828 = tpu.vector_load %arg10[%get3A_826, %get3A_827] {strides = array<i32>} : memref<8x768xf32, #tpu.memory_space<vmem>>, vector<16xf32>,
          %mul3A_829 = vector.broadcast %squeeze3A_675 : f32 to vector<16xf32>
          %mul3A_830 = arith.mulf %mul3A_829, %get3A_828 : vector<16xf32>
          %add3A_831 = arith.addf %while3A_646, %mul3A_830 : vector<16xf32>
          %get3A_832 = arith.index_cast %while3A_620 : i32 to index
          %get3A_833 = arith.constant 416 : index
          %get3A_834 = tpu.vector_load %arg10[%get3A_832, %get3A_833] {strides = array<i32>} : memref<8x768xf32, #tpu.memory_space<vmem>>, vector<16xf32>,
          %mul3A_835 = vector.broadcast %squeeze3A_675 : f32 to vector<16xf32>
          %mul3A_836 = arith.mulf %mul3A_835, %get3A_834 : vector<16xf32>
          %add3A_837 = arith.addf %while3A_647, %mul3A_836 : vector<16xf32>
          %get3A_838 = arith.index_cast %while3A_620 : i32 to index
          %get3A_839 = arith.constant 432 : index
          %get3A_840 = tpu.vector_load %arg10[%get3A_838, %get3A_839] {strides = array<i32>} : memref<8x768xf32, #tpu.memory_space<vmem>>, vector<16xf32>,
          %mul3A_841 = vector.broadcast %squeeze3A_675 : f32 to vector<16xf32>
          %mul3A_842 = arith.mulf %mul3A_841, %get3A_840 : vector<16xf32>
          %add3A_843 = arith.addf %while3A_648, %mul3A_842 : vector<16xf32>
          %get3A_844 = arith.index_cast %while3A_620 : i32 to index
          %get3A_845 = arith.constant 448 : index
          %get3A_846 = tpu.vector_load %arg10[%get3A_844, %get3A_845] {strides = array<i32>} : memref<8x768xf32, #tpu.memory_space<vmem>>, vector<16xf32>,
          %mul3A_847 = vector.broadcast %squeeze3A_675 : f32 to vector<16xf32>
          %mul3A_848 = arith.mulf %mul3A_847, %get3A_846 : vector<16xf32>
          %add3A_849 = arith.addf %while3A_649, %mul3A_848 : vector<16xf32>
          %get3A_850 = arith.index_cast %while3A_620 : i32 to index
          %get3A_851 = arith.constant 464 : index
          %get3A_852 = tpu.vector_load %arg10[%get3A_850, %get3A_851] {strides = array<i32>} : memref<8x768xf32, #tpu.memory_space<vmem>>, vector<16xf32>,
          %mul3A_853 = vector.broadcast %squeeze3A_675 : f32 to vector<16xf32>
          %mul3A_854 = arith.mulf %mul3A_853, %get3A_852 : vector<16xf32>
          %add3A_855 = arith.addf %while3A_650, %mul3A_854 : vector<16xf32>
          %get3A_856 = arith.index_cast %while3A_620 : i32 to index
          %get3A_857 = arith.constant 480 : index
          %get3A_858 = tpu.vector_load %arg10[%get3A_856, %get3A_857] {strides = array<i32>} : memref<8x768xf32, #tpu.memory_space<vmem>>, vector<16xf32>,
          %mul3A_859 = vector.broadcast %squeeze3A_675 : f32 to vector<16xf32>
          %mul3A_860 = arith.mulf %mul3A_859, %get3A_858 : vector<16xf32>
          %add3A_861 = arith.addf %while3A_651, %mul3A_860 : vector<16xf32>
          %get3A_862 = arith.index_cast %while3A_620 : i32 to index
          %get3A_863 = arith.constant 496 : index
          %get3A_864 = tpu.vector_load %arg10[%get3A_862, %get3A_863] {strides = array<i32>} : memref<8x768xf32, #tpu.memory_space<vmem>>, vector<16xf32>,
          %mul3A_865 = vector.broadcast %squeeze3A_675 : f32 to vector<16xf32>
          %mul3A_866 = arith.mulf %mul3A_865, %get3A_864 : vector<16xf32>
          %add3A_867 = arith.addf %while3A_652, %mul3A_866 : vector<16xf32>
          %get3A_868 = arith.index_cast %while3A_620 : i32 to index
          %get3A_869 = arith.constant 512 : index
          %get3A_870 = tpu.vector_load %arg10[%get3A_868, %get3A_869] {strides = array<i32>} : memref<8x768xf32, #tpu.memory_space<vmem>>, vector<16xf32>,
          %mul3A_871 = vector.broadcast %squeeze3A_675 : f32 to vector<16xf32>
          %mul3A_872 = arith.mulf %mul3A_871, %get3A_870 : vector<16xf32>
          %add3A_873 = arith.addf %while3A_653, %mul3A_872 : vector<16xf32>
          %get3A_874 = arith.index_cast %while3A_620 : i32 to index
          %get3A_875 = arith.constant 528 : index
          %get3A_876 = tpu.vector_load %arg10[%get3A_874, %get3A_875] {strides = array<i32>} : memref<8x768xf32, #tpu.memory_space<vmem>>, vector<16xf32>,
          %mul3A_877 = vector.broadcast %squeeze3A_675 : f32 to vector<16xf32>
          %mul3A_878 = arith.mulf %mul3A_877, %get3A_876 : vector<16xf32>
          %add3A_879 = arith.addf %while3A_654, %mul3A_878 : vector<16xf32>
          %get3A_880 = arith.index_cast %while3A_620 : i32 to index
          %get3A_881 = arith.constant 544 : index
          %get3A_882 = tpu.vector_load %arg10[%get3A_880, %get3A_881] {strides = array<i32>} : memref<8x768xf32, #tpu.memory_space<vmem>>, vector<16xf32>,
          %mul3A_883 = vector.broadcast %squeeze3A_675 : f32 to vector<16xf32>
          %mul3A_884 = arith.mulf %mul3A_883, %get3A_882 : vector<16xf32>
          %add3A_885 = arith.addf %while3A_655, %mul3A_884 : vector<16xf32>
          %get3A_886 = arith.index_cast %while3A_620 : i32 to index
          %get3A_887 = arith.constant 560 : index
          %get3A_888 = tpu.vector_load %arg10[%get3A_886, %get3A_887] {strides = array<i32>} : memref<8x768xf32, #tpu.memory_space<vmem>>, vector<16xf32>,
          %mul3A_889 = vector.broadcast %squeeze3A_675 : f32 to vector<16xf32>
          %mul3A_890 = arith.mulf %mul3A_889, %get3A_888 : vector<16xf32>
          %add3A_891 = arith.addf %while3A_656, %mul3A_890 : vector<16xf32>
          %get3A_892 = arith.index_cast %while3A_620 : i32 to index
          %get3A_893 = arith.constant 576 : index
          %get3A_894 = tpu.vector_load %arg10[%get3A_892, %get3A_893] {strides = array<i32>} : memref<8x768xf32, #tpu.memory_space<vmem>>, vector<16xf32>,
          %mul3A_895 = vector.broadcast %squeeze3A_675 : f32 to vector<16xf32>
          %mul3A_896 = arith.mulf %mul3A_895, %get3A_894 : vector<16xf32>
          %add3A_897 = arith.addf %while3A_657, %mul3A_896 : vector<16xf32>
          %get3A_898 = arith.index_cast %while3A_620 : i32 to index
          %get3A_899 = arith.constant 592 : index
          %get3A_900 = tpu.vector_load %arg10[%get3A_898, %get3A_899] {strides = array<i32>} : memref<8x768xf32, #tpu.memory_space<vmem>>, vector<16xf32>,
          %mul3A_901 = vector.broadcast %squeeze3A_675 : f32 to vector<16xf32>
          %mul3A_902 = arith.mulf %mul3A_901, %get3A_900 : vector<16xf32>
          %add3A_903 = arith.addf %while3A_658, %mul3A_902 : vector<16xf32>
          %get3A_904 = arith.index_cast %while3A_620 : i32 to index
          %get3A_905 = arith.constant 608 : index
          %get3A_906 = tpu.vector_load %arg10[%get3A_904, %get3A_905] {strides = array<i32>} : memref<8x768xf32, #tpu.memory_space<vmem>>, vector<16xf32>,
          %mul3A_907 = vector.broadcast %squeeze3A_675 : f32 to vector<16xf32>
          %mul3A_908 = arith.mulf %mul3A_907, %get3A_906 : vector<16xf32>
          %add3A_909 = arith.addf %while3A_659, %mul3A_908 : vector<16xf32>
          %get3A_910 = arith.index_cast %while3A_620 : i32 to index
          %get3A_911 = arith.constant 624 : index
          %get3A_912 = tpu.vector_load %arg10[%get3A_910, %get3A_911] {strides = array<i32>} : memref<8x768xf32, #tpu.memory_space<vmem>>, vector<16xf32>,
          %mul3A_913 = vector.broadcast %squeeze3A_675 : f32 to vector<16xf32>
          %mul3A_914 = arith.mulf %mul3A_913, %get3A_912 : vector<16xf32>
          %add3A_915 = arith.addf %while3A_660, %mul3A_914 : vector<16xf32>
          %get3A_916 = arith.index_cast %while3A_620 : i32 to index
          %get3A_917 = arith.constant 640 : index
          %get3A_918 = tpu.vector_load %arg10[%get3A_916, %get3A_917] {strides = array<i32>} : memref<8x768xf32, #tpu.memory_space<vmem>>, vector<16xf32>,
          %mul3A_919 = vector.broadcast %squeeze3A_675 : f32 to vector<16xf32>
          %mul3A_920 = arith.mulf %mul3A_919, %get3A_918 : vector<16xf32>
          %add3A_921 = arith.addf %while3A_661, %mul3A_920 : vector<16xf32>
          %get3A_922 = arith.index_cast %while3A_620 : i32 to index
          %get3A_923 = arith.constant 656 : index
          %get3A_924 = tpu.vector_load %arg10[%get3A_922, %get3A_923] {strides = array<i32>} : memref<8x768xf32, #tpu.memory_space<vmem>>, vector<16xf32>,
          %mul3A_925 = vector.broadcast %squeeze3A_675 : f32 to vector<16xf32>
          %mul3A_926 = arith.mulf %mul3A_925, %get3A_924 : vector<16xf32>
          %add3A_927 = arith.addf %while3A_662, %mul3A_926 : vector<16xf32>
          %get3A_928 = arith.index_cast %while3A_620 : i32 to index
          %get3A_929 = arith.constant 672 : index
          %get3A_930 = tpu.vector_load %arg10[%get3A_928, %get3A_929] {strides = array<i32>} : memref<8x768xf32, #tpu.memory_space<vmem>>, vector<16xf32>,
          %mul3A_931 = vector.broadcast %squeeze3A_675 : f32 to vector<16xf32>
          %mul3A_932 = arith.mulf %mul3A_931, %get3A_930 : vector<16xf32>
          %add3A_933 = arith.addf %while3A_663, %mul3A_932 : vector<16xf32>
          %get3A_934 = arith.index_cast %while3A_620 : i32 to index
          %get3A_935 = arith.constant 688 : index
          %get3A_936 = tpu.vector_load %arg10[%get3A_934, %get3A_935] {strides = array<i32>} : memref<8x768xf32, #tpu.memory_space<vmem>>, vector<16xf32>,
          %mul3A_937 = vector.broadcast %squeeze3A_675 : f32 to vector<16xf32>
          %mul3A_938 = arith.mulf %mul3A_937, %get3A_936 : vector<16xf32>
          %add3A_939 = arith.addf %while3A_664, %mul3A_938 : vector<16xf32>
          %get3A_940 = arith.index_cast %while3A_620 : i32 to index
          %get3A_941 = arith.constant 704 : index
          %get3A_942 = tpu.vector_load %arg10[%get3A_940, %get3A_941] {strides = array<i32>} : memref<8x768xf32, #tpu.memory_space<vmem>>, vector<16xf32>,
          %mul3A_943 = vector.broadcast %squeeze3A_675 : f32 to vector<16xf32>
          %mul3A_944 = arith.mulf %mul3A_943, %get3A_942 : vector<16xf32>
          %add3A_945 = arith.addf %while3A_665, %mul3A_944 : vector<16xf32>
          %get3A_946 = arith.index_cast %while3A_620 : i32 to index
          %get3A_947 = arith.constant 720 : index
          %get3A_948 = tpu.vector_load %arg10[%get3A_946, %get3A_947] {strides = array<i32>} : memref<8x768xf32, #tpu.memory_space<vmem>>, vector<16xf32>,
          %mul3A_949 = vector.broadcast %squeeze3A_675 : f32 to vector<16xf32>
          %mul3A_950 = arith.mulf %mul3A_949, %get3A_948 : vector<16xf32>
          %add3A_951 = arith.addf %while3A_666, %mul3A_950 : vector<16xf32>
          %get3A_952 = arith.index_cast %while3A_620 : i32 to index
          %get3A_953 = arith.constant 736 : index
          %get3A_954 = tpu.vector_load %arg10[%get3A_952, %get3A_953] {strides = array<i32>} : memref<8x768xf32, #tpu.memory_space<vmem>>, vector<16xf32>,
          %mul3A_955 = vector.broadcast %squeeze3A_675 : f32 to vector<16xf32>
          %mul3A_956 = arith.mulf %mul3A_955, %get3A_954 : vector<16xf32>
          %add3A_957 = arith.addf %while3A_667, %mul3A_956 : vector<16xf32>
          %get3A_958 = arith.index_cast %while3A_620 : i32 to index
          %get3A_959 = arith.constant 752 : index
          %get3A_960 = tpu.vector_load %arg10[%get3A_958, %get3A_959] {strides = array<i32>} : memref<8x768xf32, #tpu.memory_space<vmem>>, vector<16xf32>,
          %mul3A_961 = vector.broadcast %squeeze3A_675 : f32 to vector<16xf32>
          %mul3A_962 = arith.mulf %mul3A_961, %get3A_960 : vector<16xf32>
          %add3A_963 = arith.addf %while3A_668, %mul3A_962 : vector<16xf32>
          scf.yield %add3A_681, %add3A_687, %add3A_693, %add3A_699, %add3A_705, %add3A_711, %add3A_717, %add3A_723, %add3A_729, %add3A_735, %add3A_741, %add3A_747, %add3A_753, %add3A_759, %add3A_765, %add3A_771, %add3A_777, %add3A_783, %add3A_789, %add3A_795, %add3A_801, %add3A_807, %add3A_813, %add3A_819, %add3A_825, %add3A_831, %add3A_837, %add3A_843, %add3A_849, %add3A_855, %add3A_861, %add3A_867, %add3A_873, %add3A_879, %add3A_885, %add3A_891, %add3A_897, %add3A_903, %add3A_909, %add3A_915, %add3A_921, %add3A_927, %add3A_933, %add3A_939, %add3A_945, %add3A_951, %add3A_957, %add3A_963 : vector<16xf32>, vector<16xf32>, vector<16xf32>, vector<16xf32>, vector<16xf32>, vector<16xf32>, vector<16xf32>, vector<16xf32>, vector<16xf32>, vector<16xf32>, vector<16xf32>, vector<16xf32>, vector<16xf32>, vector<16xf32>, vector<16xf32>, vector<16xf32>, vector<16xf32>, vector<16xf32>, vector<16xf32>, vector<16xf32>, vector<16xf32>, vector<16xf32>, vector<16xf32>, vector<16xf32>, vector<16xf32>, vector<16xf32>, vector<16xf32>, vector<16xf32>, vector<16xf32>, vector<16xf32>, vector<16xf32>, vector<16xf32>, vector<16xf32>, vector<16xf32>, vector<16xf32>, vector<16xf32>, vector<16xf32>, vector<16xf32>, vector<16xf32>, vector<16xf32>, vector<16xf32>, vector<16xf32>, vector<16xf32>, vector<16xf32>, vector<16xf32>, vector<16xf32>, vector<16xf32>, vector<16xf32>
        }
        %while3A_618 = arith.constant 1 : i32
        %while3A_619:48 = scf.for %while3A_620 = %while3A_615 to %while3A_611 step %while3A_618 iter_args(%while3A_621 = %while3A_617#0, %while3A_622 = %while3A_617#1, %while3A_623 = %while3A_617#2, %while3A_624 = %while3A_617#3, %while3A_625 = %while3A_617#4, %while3A_626 = %while3A_617#5, %while3A_627 = %while3A_617#6, %while3A_628 = %while3A_617#7, %while3A_629 = %while3A_617#8, %while3A_630 = %while3A_617#9, %while3A_631 = %while3A_617#10, %while3A_632 = %while3A_617#11, %while3A_633 = %while3A_617#12, %while3A_634 = %while3A_617#13, %while3A_635 = %while3A_617#14, %while3A_636 = %while3A_617#15, %while3A_637 = %while3A_617#16, %while3A_638 = %while3A_617#17, %while3A_639 = %while3A_617#18, %while3A_640 = %while3A_617#19, %while3A_641 = %while3A_617#20, %while3A_642 = %while3A_617#21, %while3A_643 = %while3A_617#22, %while3A_644 = %while3A_617#23, %while3A_645 = %while3A_617#24, %while3A_646 = %while3A_617#25, %while3A_647 = %while3A_617#26, %while3A_648 = %while3A_617#27, %while3A_649 = %while3A_617#28, %while3A_650 = %while3A_617#29, %while3A_651 = %while3A_617#30, %while3A_652 = %while3A_617#31, %while3A_653 = %while3A_617#32, %while3A_654 = %while3A_617#33, %while3A_655 = %while3A_617#34, %while3A_656 = %while3A_617#35, %while3A_657 = %while3A_617#36, %while3A_658 = %while3A_617#37, %while3A_659 = %while3A_617#38, %while3A_660 = %while3A_617#39, %while3A_661 = %while3A_617#40, %while3A_662 = %while3A_617#41, %while3A_663 = %while3A_617#42, %while3A_664 = %while3A_617#43, %while3A_665 = %while3A_617#44, %while3A_666 = %while3A_617#45, %while3A_667 = %while3A_617#46, %while3A_668 = %while3A_617#47) -> (vector<16xf32>, vector<16xf32>, vector<16xf32>, vector<16xf32>, vector<16xf32>, vector<16xf32>, vector<16xf32>, vector<16xf32>, vector<16xf32>, vector<16xf32>, vector<16xf32>, vector<16xf32>, vector<16xf32>, vector<16xf32>, vector<16xf32>, vector<16xf32>, vector<16xf32>, vector<16xf32>, vector<16xf32>, vector<16xf32>, vector<16xf32>, vector<16xf32>, vector<16xf32>, vector<16xf32>, vector<16xf32>, vector<16xf32>, vector<16xf32>, vector<16xf32>, vector<16xf32>, vector<16xf32>, vector<16xf32>, vector<16xf32>, vector<16xf32>, vector<16xf32>, vector<16xf32>, vector<16xf32>, vector<16xf32>, vector<16xf32>, vector<16xf32>, vector<16xf32>, vector<16xf32>, vector<16xf32>, vector<16xf32>, vector<16xf32>, vector<16xf32>, vector<16xf32>, vector<16xf32>, vector<16xf32>)  : i32 {
          %mul3A_669 = arith.constant 8 : i32
          %mul3A_670 = arith.muli %while3A_537, %mul3A_669 : i32
          %add3A_671 = arith.addi %mul3A_670, %while3A_620 : i32
          %get3A_672 = arith.index_cast %add3A_671 : i32 to index
          %get3A_673 = tpu.vector_load %arg8[%get3A_672] {strides = array<i32>} : memref<1040xf32, #tpu.memory_space<vmem>>, vector<16xf32>,
          %slice3A_674 = vector.extract_strided_slice %get3A_673 {offsets = [0], sizes = [1], strides = [1]} : vector<16xf32> to vector<1xf32>
          %squeeze3A_675 = vector.extract %slice3A_674[0] : f32 from vector<1xf32>
          %get3A_676 = arith.index_cast %while3A_620 : i32 to index
          %get3A_677 = arith.constant 0 : index
          %get3A_678 = tpu.vector_load %arg10[%get3A_676, %get3A_677] {strides = array<i32>} : memref<8x768xf32, #tpu.memory_space<vmem>>, vector<16xf32>,
          %mul3A_679 = vector.broadcast %squeeze3A_675 : f32 to vector<16xf32>
          %mul3A_680 = arith.mulf %mul3A_679, %get3A_678 : vector<16xf32>
          %add3A_681 = arith.addf %while3A_621, %mul3A_680 : vector<16xf32>
          %get3A_682 = arith.index_cast %while3A_620 : i32 to index
          %get3A_683 = arith.constant 16 : index
          %get3A_684 = tpu.vector_load %arg10[%get3A_682, %get3A_683] {strides = array<i32>} : memref<8x768xf32, #tpu.memory_space<vmem>>, vector<16xf32>,
          %mul3A_685 = vector.broadcast %squeeze3A_675 : f32 to vector<16xf32>
          %mul3A_686 = arith.mulf %mul3A_685, %get3A_684 : vector<16xf32>
          %add3A_687 = arith.addf %while3A_622, %mul3A_686 : vector<16xf32>
          %get3A_688 = arith.index_cast %while3A_620 : i32 to index
          %get3A_689 = arith.constant 32 : index
          %get3A_690 = tpu.vector_load %arg10[%get3A_688, %get3A_689] {strides = array<i32>} : memref<8x768xf32, #tpu.memory_space<vmem>>, vector<16xf32>,
          %mul3A_691 = vector.broadcast %squeeze3A_675 : f32 to vector<16xf32>
          %mul3A_692 = arith.mulf %mul3A_691, %get3A_690 : vector<16xf32>
          %add3A_693 = arith.addf %while3A_623, %mul3A_692 : vector<16xf32>
          %get3A_694 = arith.index_cast %while3A_620 : i32 to index
          %get3A_695 = arith.constant 48 : index
          %get3A_696 = tpu.vector_load %arg10[%get3A_694, %get3A_695] {strides = array<i32>} : memref<8x768xf32, #tpu.memory_space<vmem>>, vector<16xf32>,
          %mul3A_697 = vector.broadcast %squeeze3A_675 : f32 to vector<16xf32>
          %mul3A_698 = arith.mulf %mul3A_697, %get3A_696 : vector<16xf32>
          %add3A_699 = arith.addf %while3A_624, %mul3A_698 : vector<16xf32>
          %get3A_700 = arith.index_cast %while3A_620 : i32 to index
          %get3A_701 = arith.constant 64 : index
          %get3A_702 = tpu.vector_load %arg10[%get3A_700, %get3A_701] {strides = array<i32>} : memref<8x768xf32, #tpu.memory_space<vmem>>, vector<16xf32>,
          %mul3A_703 = vector.broadcast %squeeze3A_675 : f32 to vector<16xf32>
          %mul3A_704 = arith.mulf %mul3A_703, %get3A_702 : vector<16xf32>
          %add3A_705 = arith.addf %while3A_625, %mul3A_704 : vector<16xf32>
          %get3A_706 = arith.index_cast %while3A_620 : i32 to index
          %get3A_707 = arith.constant 80 : index
          %get3A_708 = tpu.vector_load %arg10[%get3A_706, %get3A_707] {strides = array<i32>} : memref<8x768xf32, #tpu.memory_space<vmem>>, vector<16xf32>,
          %mul3A_709 = vector.broadcast %squeeze3A_675 : f32 to vector<16xf32>
          %mul3A_710 = arith.mulf %mul3A_709, %get3A_708 : vector<16xf32>
          %add3A_711 = arith.addf %while3A_626, %mul3A_710 : vector<16xf32>
          %get3A_712 = arith.index_cast %while3A_620 : i32 to index
          %get3A_713 = arith.constant 96 : index
          %get3A_714 = tpu.vector_load %arg10[%get3A_712, %get3A_713] {strides = array<i32>} : memref<8x768xf32, #tpu.memory_space<vmem>>, vector<16xf32>,
          %mul3A_715 = vector.broadcast %squeeze3A_675 : f32 to vector<16xf32>
          %mul3A_716 = arith.mulf %mul3A_715, %get3A_714 : vector<16xf32>
          %add3A_717 = arith.addf %while3A_627, %mul3A_716 : vector<16xf32>
          %get3A_718 = arith.index_cast %while3A_620 : i32 to index
          %get3A_719 = arith.constant 112 : index
          %get3A_720 = tpu.vector_load %arg10[%get3A_718, %get3A_719] {strides = array<i32>} : memref<8x768xf32, #tpu.memory_space<vmem>>, vector<16xf32>,
          %mul3A_721 = vector.broadcast %squeeze3A_675 : f32 to vector<16xf32>
          %mul3A_722 = arith.mulf %mul3A_721, %get3A_720 : vector<16xf32>
          %add3A_723 = arith.addf %while3A_628, %mul3A_722 : vector<16xf32>
          %get3A_724 = arith.index_cast %while3A_620 : i32 to index
          %get3A_725 = arith.constant 128 : index
          %get3A_726 = tpu.vector_load %arg10[%get3A_724, %get3A_725] {strides = array<i32>} : memref<8x768xf32, #tpu.memory_space<vmem>>, vector<16xf32>,
          %mul3A_727 = vector.broadcast %squeeze3A_675 : f32 to vector<16xf32>
          %mul3A_728 = arith.mulf %mul3A_727, %get3A_726 : vector<16xf32>
          %add3A_729 = arith.addf %while3A_629, %mul3A_728 : vector<16xf32>
          %get3A_730 = arith.index_cast %while3A_620 : i32 to index
          %get3A_731 = arith.constant 144 : index
          %get3A_732 = tpu.vector_load %arg10[%get3A_730, %get3A_731] {strides = array<i32>} : memref<8x768xf32, #tpu.memory_space<vmem>>, vector<16xf32>,
          %mul3A_733 = vector.broadcast %squeeze3A_675 : f32 to vector<16xf32>
          %mul3A_734 = arith.mulf %mul3A_733, %get3A_732 : vector<16xf32>
          %add3A_735 = arith.addf %while3A_630, %mul3A_734 : vector<16xf32>
          %get3A_736 = arith.index_cast %while3A_620 : i32 to index
          %get3A_737 = arith.constant 160 : index
          %get3A_738 = tpu.vector_load %arg10[%get3A_736, %get3A_737] {strides = array<i32>} : memref<8x768xf32, #tpu.memory_space<vmem>>, vector<16xf32>,
          %mul3A_739 = vector.broadcast %squeeze3A_675 : f32 to vector<16xf32>
          %mul3A_740 = arith.mulf %mul3A_739, %get3A_738 : vector<16xf32>
          %add3A_741 = arith.addf %while3A_631, %mul3A_740 : vector<16xf32>
          %get3A_742 = arith.index_cast %while3A_620 : i32 to index
          %get3A_743 = arith.constant 176 : index
          %get3A_744 = tpu.vector_load %arg10[%get3A_742, %get3A_743] {strides = array<i32>} : memref<8x768xf32, #tpu.memory_space<vmem>>, vector<16xf32>,
          %mul3A_745 = vector.broadcast %squeeze3A_675 : f32 to vector<16xf32>
          %mul3A_746 = arith.mulf %mul3A_745, %get3A_744 : vector<16xf32>
          %add3A_747 = arith.addf %while3A_632, %mul3A_746 : vector<16xf32>
          %get3A_748 = arith.index_cast %while3A_620 : i32 to index
          %get3A_749 = arith.constant 192 : index
          %get3A_750 = tpu.vector_load %arg10[%get3A_748, %get3A_749] {strides = array<i32>} : memref<8x768xf32, #tpu.memory_space<vmem>>, vector<16xf32>,
          %mul3A_751 = vector.broadcast %squeeze3A_675 : f32 to vector<16xf32>
          %mul3A_752 = arith.mulf %mul3A_751, %get3A_750 : vector<16xf32>
          %add3A_753 = arith.addf %while3A_633, %mul3A_752 : vector<16xf32>
          %get3A_754 = arith.index_cast %while3A_620 : i32 to index
          %get3A_755 = arith.constant 208 : index
          %get3A_756 = tpu.vector_load %arg10[%get3A_754, %get3A_755] {strides = array<i32>} : memref<8x768xf32, #tpu.memory_space<vmem>>, vector<16xf32>,
          %mul3A_757 = vector.broadcast %squeeze3A_675 : f32 to vector<16xf32>
          %mul3A_758 = arith.mulf %mul3A_757, %get3A_756 : vector<16xf32>
          %add3A_759 = arith.addf %while3A_634, %mul3A_758 : vector<16xf32>
          %get3A_760 = arith.index_cast %while3A_620 : i32 to index
          %get3A_761 = arith.constant 224 : index
          %get3A_762 = tpu.vector_load %arg10[%get3A_760, %get3A_761] {strides = array<i32>} : memref<8x768xf32, #tpu.memory_space<vmem>>, vector<16xf32>,
          %mul3A_763 = vector.broadcast %squeeze3A_675 : f32 to vector<16xf32>
          %mul3A_764 = arith.mulf %mul3A_763, %get3A_762 : vector<16xf32>
          %add3A_765 = arith.addf %while3A_635, %mul3A_764 : vector<16xf32>
          %get3A_766 = arith.index_cast %while3A_620 : i32 to index
          %get3A_767 = arith.constant 240 : index
          %get3A_768 = tpu.vector_load %arg10[%get3A_766, %get3A_767] {strides = array<i32>} : memref<8x768xf32, #tpu.memory_space<vmem>>, vector<16xf32>,
          %mul3A_769 = vector.broadcast %squeeze3A_675 : f32 to vector<16xf32>
          %mul3A_770 = arith.mulf %mul3A_769, %get3A_768 : vector<16xf32>
          %add3A_771 = arith.addf %while3A_636, %mul3A_770 : vector<16xf32>
          %get3A_772 = arith.index_cast %while3A_620 : i32 to index
          %get3A_773 = arith.constant 256 : index
          %get3A_774 = tpu.vector_load %arg10[%get3A_772, %get3A_773] {strides = array<i32>} : memref<8x768xf32, #tpu.memory_space<vmem>>, vector<16xf32>,
          %mul3A_775 = vector.broadcast %squeeze3A_675 : f32 to vector<16xf32>
          %mul3A_776 = arith.mulf %mul3A_775, %get3A_774 : vector<16xf32>
          %add3A_777 = arith.addf %while3A_637, %mul3A_776 : vector<16xf32>
          %get3A_778 = arith.index_cast %while3A_620 : i32 to index
          %get3A_779 = arith.constant 272 : index
          %get3A_780 = tpu.vector_load %arg10[%get3A_778, %get3A_779] {strides = array<i32>} : memref<8x768xf32, #tpu.memory_space<vmem>>, vector<16xf32>,
          %mul3A_781 = vector.broadcast %squeeze3A_675 : f32 to vector<16xf32>
          %mul3A_782 = arith.mulf %mul3A_781, %get3A_780 : vector<16xf32>
          %add3A_783 = arith.addf %while3A_638, %mul3A_782 : vector<16xf32>
          %get3A_784 = arith.index_cast %while3A_620 : i32 to index
          %get3A_785 = arith.constant 288 : index
          %get3A_786 = tpu.vector_load %arg10[%get3A_784, %get3A_785] {strides = array<i32>} : memref<8x768xf32, #tpu.memory_space<vmem>>, vector<16xf32>,
          %mul3A_787 = vector.broadcast %squeeze3A_675 : f32 to vector<16xf32>
          %mul3A_788 = arith.mulf %mul3A_787, %get3A_786 : vector<16xf32>
          %add3A_789 = arith.addf %while3A_639, %mul3A_788 : vector<16xf32>
          %get3A_790 = arith.index_cast %while3A_620 : i32 to index
          %get3A_791 = arith.constant 304 : index
          %get3A_792 = tpu.vector_load %arg10[%get3A_790, %get3A_791] {strides = array<i32>} : memref<8x768xf32, #tpu.memory_space<vmem>>, vector<16xf32>,
          %mul3A_793 = vector.broadcast %squeeze3A_675 : f32 to vector<16xf32>
          %mul3A_794 = arith.mulf %mul3A_793, %get3A_792 : vector<16xf32>
          %add3A_795 = arith.addf %while3A_640, %mul3A_794 : vector<16xf32>
          %get3A_796 = arith.index_cast %while3A_620 : i32 to index
          %get3A_797 = arith.constant 320 : index
          %get3A_798 = tpu.vector_load %arg10[%get3A_796, %get3A_797] {strides = array<i32>} : memref<8x768xf32, #tpu.memory_space<vmem>>, vector<16xf32>,
          %mul3A_799 = vector.broadcast %squeeze3A_675 : f32 to vector<16xf32>
          %mul3A_800 = arith.mulf %mul3A_799, %get3A_798 : vector<16xf32>
          %add3A_801 = arith.addf %while3A_641, %mul3A_800 : vector<16xf32>
          %get3A_802 = arith.index_cast %while3A_620 : i32 to index
          %get3A_803 = arith.constant 336 : index
          %get3A_804 = tpu.vector_load %arg10[%get3A_802, %get3A_803] {strides = array<i32>} : memref<8x768xf32, #tpu.memory_space<vmem>>, vector<16xf32>,
          %mul3A_805 = vector.broadcast %squeeze3A_675 : f32 to vector<16xf32>
          %mul3A_806 = arith.mulf %mul3A_805, %get3A_804 : vector<16xf32>
          %add3A_807 = arith.addf %while3A_642, %mul3A_806 : vector<16xf32>
          %get3A_808 = arith.index_cast %while3A_620 : i32 to index
          %get3A_809 = arith.constant 352 : index
          %get3A_810 = tpu.vector_load %arg10[%get3A_808, %get3A_809] {strides = array<i32>} : memref<8x768xf32, #tpu.memory_space<vmem>>, vector<16xf32>,
          %mul3A_811 = vector.broadcast %squeeze3A_675 : f32 to vector<16xf32>
          %mul3A_812 = arith.mulf %mul3A_811, %get3A_810 : vector<16xf32>
          %add3A_813 = arith.addf %while3A_643, %mul3A_812 : vector<16xf32>
          %get3A_814 = arith.index_cast %while3A_620 : i32 to index
          %get3A_815 = arith.constant 368 : index
          %get3A_816 = tpu.vector_load %arg10[%get3A_814, %get3A_815] {strides = array<i32>} : memref<8x768xf32, #tpu.memory_space<vmem>>, vector<16xf32>,
          %mul3A_817 = vector.broadcast %squeeze3A_675 : f32 to vector<16xf32>
          %mul3A_818 = arith.mulf %mul3A_817, %get3A_816 : vector<16xf32>
          %add3A_819 = arith.addf %while3A_644, %mul3A_818 : vector<16xf32>
          %get3A_820 = arith.index_cast %while3A_620 : i32 to index
          %get3A_821 = arith.constant 384 : index
          %get3A_822 = tpu.vector_load %arg10[%get3A_820, %get3A_821] {strides = array<i32>} : memref<8x768xf32, #tpu.memory_space<vmem>>, vector<16xf32>,
          %mul3A_823 = vector.broadcast %squeeze3A_675 : f32 to vector<16xf32>
          %mul3A_824 = arith.mulf %mul3A_823, %get3A_822 : vector<16xf32>
          %add3A_825 = arith.addf %while3A_645, %mul3A_824 : vector<16xf32>
          %get3A_826 = arith.index_cast %while3A_620 : i32 to index
          %get3A_827 = arith.constant 400 : index
          %get3A_828 = tpu.vector_load %arg10[%get3A_826, %get3A_827] {strides = array<i32>} : memref<8x768xf32, #tpu.memory_space<vmem>>, vector<16xf32>,
          %mul3A_829 = vector.broadcast %squeeze3A_675 : f32 to vector<16xf32>
          %mul3A_830 = arith.mulf %mul3A_829, %get3A_828 : vector<16xf32>
          %add3A_831 = arith.addf %while3A_646, %mul3A_830 : vector<16xf32>
          %get3A_832 = arith.index_cast %while3A_620 : i32 to index
          %get3A_833 = arith.constant 416 : index
          %get3A_834 = tpu.vector_load %arg10[%get3A_832, %get3A_833] {strides = array<i32>} : memref<8x768xf32, #tpu.memory_space<vmem>>, vector<16xf32>,
          %mul3A_835 = vector.broadcast %squeeze3A_675 : f32 to vector<16xf32>
          %mul3A_836 = arith.mulf %mul3A_835, %get3A_834 : vector<16xf32>
          %add3A_837 = arith.addf %while3A_647, %mul3A_836 : vector<16xf32>
          %get3A_838 = arith.index_cast %while3A_620 : i32 to index
          %get3A_839 = arith.constant 432 : index
          %get3A_840 = tpu.vector_load %arg10[%get3A_838, %get3A_839] {strides = array<i32>} : memref<8x768xf32, #tpu.memory_space<vmem>>, vector<16xf32>,
          %mul3A_841 = vector.broadcast %squeeze3A_675 : f32 to vector<16xf32>
          %mul3A_842 = arith.mulf %mul3A_841, %get3A_840 : vector<16xf32>
          %add3A_843 = arith.addf %while3A_648, %mul3A_842 : vector<16xf32>
          %get3A_844 = arith.index_cast %while3A_620 : i32 to index
          %get3A_845 = arith.constant 448 : index
          %get3A_846 = tpu.vector_load %arg10[%get3A_844, %get3A_845] {strides = array<i32>} : memref<8x768xf32, #tpu.memory_space<vmem>>, vector<16xf32>,
          %mul3A_847 = vector.broadcast %squeeze3A_675 : f32 to vector<16xf32>
          %mul3A_848 = arith.mulf %mul3A_847, %get3A_846 : vector<16xf32>
          %add3A_849 = arith.addf %while3A_649, %mul3A_848 : vector<16xf32>
          %get3A_850 = arith.index_cast %while3A_620 : i32 to index
          %get3A_851 = arith.constant 464 : index
          %get3A_852 = tpu.vector_load %arg10[%get3A_850, %get3A_851] {strides = array<i32>} : memref<8x768xf32, #tpu.memory_space<vmem>>, vector<16xf32>,
          %mul3A_853 = vector.broadcast %squeeze3A_675 : f32 to vector<16xf32>
          %mul3A_854 = arith.mulf %mul3A_853, %get3A_852 : vector<16xf32>
          %add3A_855 = arith.addf %while3A_650, %mul3A_854 : vector<16xf32>
          %get3A_856 = arith.index_cast %while3A_620 : i32 to index
          %get3A_857 = arith.constant 480 : index
          %get3A_858 = tpu.vector_load %arg10[%get3A_856, %get3A_857] {strides = array<i32>} : memref<8x768xf32, #tpu.memory_space<vmem>>, vector<16xf32>,
          %mul3A_859 = vector.broadcast %squeeze3A_675 : f32 to vector<16xf32>
          %mul3A_860 = arith.mulf %mul3A_859, %get3A_858 : vector<16xf32>
          %add3A_861 = arith.addf %while3A_651, %mul3A_860 : vector<16xf32>
          %get3A_862 = arith.index_cast %while3A_620 : i32 to index
          %get3A_863 = arith.constant 496 : index
          %get3A_864 = tpu.vector_load %arg10[%get3A_862, %get3A_863] {strides = array<i32>} : memref<8x768xf32, #tpu.memory_space<vmem>>, vector<16xf32>,
          %mul3A_865 = vector.broadcast %squeeze3A_675 : f32 to vector<16xf32>
          %mul3A_866 = arith.mulf %mul3A_865, %get3A_864 : vector<16xf32>
          %add3A_867 = arith.addf %while3A_652, %mul3A_866 : vector<16xf32>
          %get3A_868 = arith.index_cast %while3A_620 : i32 to index
          %get3A_869 = arith.constant 512 : index
          %get3A_870 = tpu.vector_load %arg10[%get3A_868, %get3A_869] {strides = array<i32>} : memref<8x768xf32, #tpu.memory_space<vmem>>, vector<16xf32>,
          %mul3A_871 = vector.broadcast %squeeze3A_675 : f32 to vector<16xf32>
          %mul3A_872 = arith.mulf %mul3A_871, %get3A_870 : vector<16xf32>
          %add3A_873 = arith.addf %while3A_653, %mul3A_872 : vector<16xf32>
          %get3A_874 = arith.index_cast %while3A_620 : i32 to index
          %get3A_875 = arith.constant 528 : index
          %get3A_876 = tpu.vector_load %arg10[%get3A_874, %get3A_875] {strides = array<i32>} : memref<8x768xf32, #tpu.memory_space<vmem>>, vector<16xf32>,
          %mul3A_877 = vector.broadcast %squeeze3A_675 : f32 to vector<16xf32>
          %mul3A_878 = arith.mulf %mul3A_877, %get3A_876 : vector<16xf32>
          %add3A_879 = arith.addf %while3A_654, %mul3A_878 : vector<16xf32>
          %get3A_880 = arith.index_cast %while3A_620 : i32 to index
          %get3A_881 = arith.constant 544 : index
          %get3A_882 = tpu.vector_load %arg10[%get3A_880, %get3A_881] {strides = array<i32>} : memref<8x768xf32, #tpu.memory_space<vmem>>, vector<16xf32>,
          %mul3A_883 = vector.broadcast %squeeze3A_675 : f32 to vector<16xf32>
          %mul3A_884 = arith.mulf %mul3A_883, %get3A_882 : vector<16xf32>
          %add3A_885 = arith.addf %while3A_655, %mul3A_884 : vector<16xf32>
          %get3A_886 = arith.index_cast %while3A_620 : i32 to index
          %get3A_887 = arith.constant 560 : index
          %get3A_888 = tpu.vector_load %arg10[%get3A_886, %get3A_887] {strides = array<i32>} : memref<8x768xf32, #tpu.memory_space<vmem>>, vector<16xf32>,
          %mul3A_889 = vector.broadcast %squeeze3A_675 : f32 to vector<16xf32>
          %mul3A_890 = arith.mulf %mul3A_889, %get3A_888 : vector<16xf32>
          %add3A_891 = arith.addf %while3A_656, %mul3A_890 : vector<16xf32>
          %get3A_892 = arith.index_cast %while3A_620 : i32 to index
          %get3A_893 = arith.constant 576 : index
          %get3A_894 = tpu.vector_load %arg10[%get3A_892, %get3A_893] {strides = array<i32>} : memref<8x768xf32, #tpu.memory_space<vmem>>, vector<16xf32>,
          %mul3A_895 = vector.broadcast %squeeze3A_675 : f32 to vector<16xf32>
          %mul3A_896 = arith.mulf %mul3A_895, %get3A_894 : vector<16xf32>
          %add3A_897 = arith.addf %while3A_657, %mul3A_896 : vector<16xf32>
          %get3A_898 = arith.index_cast %while3A_620 : i32 to index
          %get3A_899 = arith.constant 592 : index
          %get3A_900 = tpu.vector_load %arg10[%get3A_898, %get3A_899] {strides = array<i32>} : memref<8x768xf32, #tpu.memory_space<vmem>>, vector<16xf32>,
          %mul3A_901 = vector.broadcast %squeeze3A_675 : f32 to vector<16xf32>
          %mul3A_902 = arith.mulf %mul3A_901, %get3A_900 : vector<16xf32>
          %add3A_903 = arith.addf %while3A_658, %mul3A_902 : vector<16xf32>
          %get3A_904 = arith.index_cast %while3A_620 : i32 to index
          %get3A_905 = arith.constant 608 : index
          %get3A_906 = tpu.vector_load %arg10[%get3A_904, %get3A_905] {strides = array<i32>} : memref<8x768xf32, #tpu.memory_space<vmem>>, vector<16xf32>,
          %mul3A_907 = vector.broadcast %squeeze3A_675 : f32 to vector<16xf32>
          %mul3A_908 = arith.mulf %mul3A_907, %get3A_906 : vector<16xf32>
          %add3A_909 = arith.addf %while3A_659, %mul3A_908 : vector<16xf32>
          %get3A_910 = arith.index_cast %while3A_620 : i32 to index
          %get3A_911 = arith.constant 624 : index
          %get3A_912 = tpu.vector_load %arg10[%get3A_910, %get3A_911] {strides = array<i32>} : memref<8x768xf32, #tpu.memory_space<vmem>>, vector<16xf32>,
          %mul3A_913 = vector.broadcast %squeeze3A_675 : f32 to vector<16xf32>
          %mul3A_914 = arith.mulf %mul3A_913, %get3A_912 : vector<16xf32>
          %add3A_915 = arith.addf %while3A_660, %mul3A_914 : vector<16xf32>
          %get3A_916 = arith.index_cast %while3A_620 : i32 to index
          %get3A_917 = arith.constant 640 : index
          %get3A_918 = tpu.vector_load %arg10[%get3A_916, %get3A_917] {strides = array<i32>} : memref<8x768xf32, #tpu.memory_space<vmem>>, vector<16xf32>,
          %mul3A_919 = vector.broadcast %squeeze3A_675 : f32 to vector<16xf32>
          %mul3A_920 = arith.mulf %mul3A_919, %get3A_918 : vector<16xf32>
          %add3A_921 = arith.addf %while3A_661, %mul3A_920 : vector<16xf32>
          %get3A_922 = arith.index_cast %while3A_620 : i32 to index
          %get3A_923 = arith.constant 656 : index
          %get3A_924 = tpu.vector_load %arg10[%get3A_922, %get3A_923] {strides = array<i32>} : memref<8x768xf32, #tpu.memory_space<vmem>>, vector<16xf32>,
          %mul3A_925 = vector.broadcast %squeeze3A_675 : f32 to vector<16xf32>
          %mul3A_926 = arith.mulf %mul3A_925, %get3A_924 : vector<16xf32>
          %add3A_927 = arith.addf %while3A_662, %mul3A_926 : vector<16xf32>
          %get3A_928 = arith.index_cast %while3A_620 : i32 to index
          %get3A_929 = arith.constant 672 : index
          %get3A_930 = tpu.vector_load %arg10[%get3A_928, %get3A_929] {strides = array<i32>} : memref<8x768xf32, #tpu.memory_space<vmem>>, vector<16xf32>,
          %mul3A_931 = vector.broadcast %squeeze3A_675 : f32 to vector<16xf32>
          %mul3A_932 = arith.mulf %mul3A_931, %get3A_930 : vector<16xf32>
          %add3A_933 = arith.addf %while3A_663, %mul3A_932 : vector<16xf32>
          %get3A_934 = arith.index_cast %while3A_620 : i32 to index
          %get3A_935 = arith.constant 688 : index
          %get3A_936 = tpu.vector_load %arg10[%get3A_934, %get3A_935] {strides = array<i32>} : memref<8x768xf32, #tpu.memory_space<vmem>>, vector<16xf32>,
          %mul3A_937 = vector.broadcast %squeeze3A_675 : f32 to vector<16xf32>
          %mul3A_938 = arith.mulf %mul3A_937, %get3A_936 : vector<16xf32>
          %add3A_939 = arith.addf %while3A_664, %mul3A_938 : vector<16xf32>
          %get3A_940 = arith.index_cast %while3A_620 : i32 to index
          %get3A_941 = arith.constant 704 : index
          %get3A_942 = tpu.vector_load %arg10[%get3A_940, %get3A_941] {strides = array<i32>} : memref<8x768xf32, #tpu.memory_space<vmem>>, vector<16xf32>,
          %mul3A_943 = vector.broadcast %squeeze3A_675 : f32 to vector<16xf32>
          %mul3A_944 = arith.mulf %mul3A_943, %get3A_942 : vector<16xf32>
          %add3A_945 = arith.addf %while3A_665, %mul3A_944 : vector<16xf32>
          %get3A_946 = arith.index_cast %while3A_620 : i32 to index
          %get3A_947 = arith.constant 720 : index
          %get3A_948 = tpu.vector_load %arg10[%get3A_946, %get3A_947] {strides = array<i32>} : memref<8x768xf32, #tpu.memory_space<vmem>>, vector<16xf32>,
          %mul3A_949 = vector.broadcast %squeeze3A_675 : f32 to vector<16xf32>
          %mul3A_950 = arith.mulf %mul3A_949, %get3A_948 : vector<16xf32>
          %add3A_951 = arith.addf %while3A_666, %mul3A_950 : vector<16xf32>
          %get3A_952 = arith.index_cast %while3A_620 : i32 to index
          %get3A_953 = arith.constant 736 : index
          %get3A_954 = tpu.vector_load %arg10[%get3A_952, %get3A_953] {strides = array<i32>} : memref<8x768xf32, #tpu.memory_space<vmem>>, vector<16xf32>,
          %mul3A_955 = vector.broadcast %squeeze3A_675 : f32 to vector<16xf32>
          %mul3A_956 = arith.mulf %mul3A_955, %get3A_954 : vector<16xf32>
          %add3A_957 = arith.addf %while3A_667, %mul3A_956 : vector<16xf32>
          %get3A_958 = arith.index_cast %while3A_620 : i32 to index
          %get3A_959 = arith.constant 752 : index
          %get3A_960 = tpu.vector_load %arg10[%get3A_958, %get3A_959] {strides = array<i32>} : memref<8x768xf32, #tpu.memory_space<vmem>>, vector<16xf32>,
          %mul3A_961 = vector.broadcast %squeeze3A_675 : f32 to vector<16xf32>
          %mul3A_962 = arith.mulf %mul3A_961, %get3A_960 : vector<16xf32>
          %add3A_963 = arith.addf %while3A_668, %mul3A_962 : vector<16xf32>
          scf.yield %add3A_681, %add3A_687, %add3A_693, %add3A_699, %add3A_705, %add3A_711, %add3A_717, %add3A_723, %add3A_729, %add3A_735, %add3A_741, %add3A_747, %add3A_753, %add3A_759, %add3A_765, %add3A_771, %add3A_777, %add3A_783, %add3A_789, %add3A_795, %add3A_801, %add3A_807, %add3A_813, %add3A_819, %add3A_825, %add3A_831, %add3A_837, %add3A_843, %add3A_849, %add3A_855, %add3A_861, %add3A_867, %add3A_873, %add3A_879, %add3A_885, %add3A_891, %add3A_897, %add3A_903, %add3A_909, %add3A_915, %add3A_921, %add3A_927, %add3A_933, %add3A_939, %add3A_945, %add3A_951, %add3A_957, %add3A_963 : vector<16xf32>, vector<16xf32>, vector<16xf32>, vector<16xf32>, vector<16xf32>, vector<16xf32>, vector<16xf32>, vector<16xf32>, vector<16xf32>, vector<16xf32>, vector<16xf32>, vector<16xf32>, vector<16xf32>, vector<16xf32>, vector<16xf32>, vector<16xf32>, vector<16xf32>, vector<16xf32>, vector<16xf32>, vector<16xf32>, vector<16xf32>, vector<16xf32>, vector<16xf32>, vector<16xf32>, vector<16xf32>, vector<16xf32>, vector<16xf32>, vector<16xf32>, vector<16xf32>, vector<16xf32>, vector<16xf32>, vector<16xf32>, vector<16xf32>, vector<16xf32>, vector<16xf32>, vector<16xf32>, vector<16xf32>, vector<16xf32>, vector<16xf32>, vector<16xf32>, vector<16xf32>, vector<16xf32>, vector<16xf32>, vector<16xf32>, vector<16xf32>, vector<16xf32>, vector<16xf32>, vector<16xf32>
        }
        scf.yield %while3A_619#0, %while3A_619#1, %while3A_619#2, %while3A_619#3, %while3A_619#4, %while3A_619#5, %while3A_619#6, %while3A_619#7, %while3A_619#8, %while3A_619#9, %while3A_619#10, %while3A_619#11, %while3A_619#12, %while3A_619#13, %while3A_619#14, %while3A_619#15, %while3A_619#16, %while3A_619#17, %while3A_619#18, %while3A_619#19, %while3A_619#20, %while3A_619#21, %while3A_619#22, %while3A_619#23, %while3A_619#24, %while3A_619#25, %while3A_619#26, %while3A_619#27, %while3A_619#28, %while3A_619#29, %while3A_619#30, %while3A_619#31, %while3A_619#32, %while3A_619#33, %while3A_619#34, %while3A_619#35, %while3A_619#36, %while3A_619#37, %while3A_619#38, %while3A_619#39, %while3A_619#40, %while3A_619#41, %while3A_619#42, %while3A_619#43, %while3A_619#44, %while3A_619#45, %while3A_619#46, %while3A_619#47 : vector<16xf32>, vector<16xf32>, vector<16xf32>, vector<16xf32>, vector<16xf32>, vector<16xf32>, vector<16xf32>, vector<16xf32>, vector<16xf32>, vector<16xf32>, vector<16xf32>, vector<16xf32>, vector<16xf32>, vector<16xf32>, vector<16xf32>, vector<16xf32>, vector<16xf32>, vector<16xf32>, vector<16xf32>, vector<16xf32>, vector<16xf32>, vector<16xf32>, vector<16xf32>, vector<16xf32>, vector<16xf32>, vector<16xf32>, vector<16xf32>, vector<16xf32>, vector<16xf32>, vector<16xf32>, vector<16xf32>, vector<16xf32>, vector<16xf32>, vector<16xf32>, vector<16xf32>, vector<16xf32>, vector<16xf32>, vector<16xf32>, vector<16xf32>, vector<16xf32>, vector<16xf32>, vector<16xf32>, vector<16xf32>, vector<16xf32>, vector<16xf32>, vector<16xf32>, vector<16xf32>, vector<16xf32>
      } else {
        %mul3A_604 = arith.constant 8 : i32
        %mul3A_605 = arith.muli %while3A_537, %mul3A_604 : i32
        %dma_wait3A = tpu.memref_slice %arg7[%mul3A_605] : memref<1040xi32, #tpu.memory_space<vmem>> -> memref<8xi32, #tpu.memory_space<vmem>>
        %dma_wait3A_606 = arith.constant 0 : i32
        %dma_wait3A_607 = arith.constant 0 : i32
        %dma_wait3A_608 = tpu.memref_slice %arg2[%dma_wait3A_606, %dma_wait3A_607] : memref<32768x768xf32, #tpu.memory_space<hbm>> -> memref<32768x768xf32, #tpu.memory_space<hbm>>
        tpu.wait_indirect_dma semaphore(%arg14 : memref<!tpu.dma_semaphore, #tpu.memory_space<semaphore_mem>>) src(%dma_wait3A_608 : memref<32768x768xf32, #tpu.memory_space<hbm>>) dst(%arg11 : memref<8x768xf32, #tpu.memory_space<vmem>>)
        %while3A_609 = arith.constant 0 : i32
        %while3A_610 = arith.subi %min3A_597, %while3A_609 : i32
        %while3A_611 = arith.addi %while3A_609, %while3A_610 : i32
        %while3A_612 = arith.constant 1 : i32
        %while3A_613 = arith.divsi %while3A_610, %while3A_612 : i32
        %while3A_614 = arith.muli %while3A_613, %while3A_612 : i32
        %while3A_615 = arith.addi %while3A_609, %while3A_614 : i32
        %while3A_616 = arith.constant 1 : i32
        %while3A_617:48 = scf.for %while3A_620 = %while3A_609 to %while3A_615 step %while3A_616 iter_args(%while3A_621 = %while3A_538, %while3A_622 = %while3A_539, %while3A_623 = %while3A_540, %while3A_624 = %while3A_541, %while3A_625 = %while3A_542, %while3A_626 = %while3A_543, %while3A_627 = %while3A_544, %while3A_628 = %while3A_545, %while3A_629 = %while3A_546, %while3A_630 = %while3A_547, %while3A_631 = %while3A_548, %while3A_632 = %while3A_549, %while3A_633 = %while3A_550, %while3A_634 = %while3A_551, %while3A_635 = %while3A_552, %while3A_636 = %while3A_553, %while3A_637 = %while3A_554, %while3A_638 = %while3A_555, %while3A_639 = %while3A_556, %while3A_640 = %while3A_557, %while3A_641 = %while3A_558, %while3A_642 = %while3A_559, %while3A_643 = %while3A_560, %while3A_644 = %while3A_561, %while3A_645 = %while3A_562, %while3A_646 = %while3A_563, %while3A_647 = %while3A_564, %while3A_648 = %while3A_565, %while3A_649 = %while3A_566, %while3A_650 = %while3A_567, %while3A_651 = %while3A_568, %while3A_652 = %while3A_569, %while3A_653 = %while3A_570, %while3A_654 = %while3A_571, %while3A_655 = %while3A_572, %while3A_656 = %while3A_573, %while3A_657 = %while3A_574, %while3A_658 = %while3A_575, %while3A_659 = %while3A_576, %while3A_660 = %while3A_577, %while3A_661 = %while3A_578, %while3A_662 = %while3A_579, %while3A_663 = %while3A_580, %while3A_664 = %while3A_581, %while3A_665 = %while3A_582, %while3A_666 = %while3A_583, %while3A_667 = %while3A_584, %while3A_668 = %while3A_585) -> (vector<16xf32>, vector<16xf32>, vector<16xf32>, vector<16xf32>, vector<16xf32>, vector<16xf32>, vector<16xf32>, vector<16xf32>, vector<16xf32>, vector<16xf32>, vector<16xf32>, vector<16xf32>, vector<16xf32>, vector<16xf32>, vector<16xf32>, vector<16xf32>, vector<16xf32>, vector<16xf32>, vector<16xf32>, vector<16xf32>, vector<16xf32>, vector<16xf32>, vector<16xf32>, vector<16xf32>, vector<16xf32>, vector<16xf32>, vector<16xf32>, vector<16xf32>, vector<16xf32>, vector<16xf32>, vector<16xf32>, vector<16xf32>, vector<16xf32>, vector<16xf32>, vector<16xf32>, vector<16xf32>, vector<16xf32>, vector<16xf32>, vector<16xf32>, vector<16xf32>, vector<16xf32>, vector<16xf32>, vector<16xf32>, vector<16xf32>, vector<16xf32>, vector<16xf32>, vector<16xf32>, vector<16xf32>)  : i32 {
          %mul3A_669 = arith.constant 8 : i32
          %mul3A_670 = arith.muli %while3A_537, %mul3A_669 : i32
          %add3A_671 = arith.addi %mul3A_670, %while3A_620 : i32
          %get3A_672 = arith.index_cast %add3A_671 : i32 to index
          %get3A_673 = tpu.vector_load %arg8[%get3A_672] {strides = array<i32>} : memref<1040xf32, #tpu.memory_space<vmem>>, vector<16xf32>,
          %slice3A_674 = vector.extract_strided_slice %get3A_673 {offsets = [0], sizes = [1], strides = [1]} : vector<16xf32> to vector<1xf32>
          %squeeze3A_675 = vector.extract %slice3A_674[0] : f32 from vector<1xf32>
          %get3A_676 = arith.index_cast %while3A_620 : i32 to index
          %get3A_677 = arith.constant 0 : index
          %get3A_678 = tpu.vector_load %arg11[%get3A_676, %get3A_677] {strides = array<i32>} : memref<8x768xf32, #tpu.memory_space<vmem>>, vector<16xf32>,
          %mul3A_679 = vector.broadcast %squeeze3A_675 : f32 to vector<16xf32>
          %mul3A_680 = arith.mulf %mul3A_679, %get3A_678 : vector<16xf32>
          %add3A_681 = arith.addf %while3A_621, %mul3A_680 : vector<16xf32>
          %get3A_682 = arith.index_cast %while3A_620 : i32 to index
          %get3A_683 = arith.constant 16 : index
          %get3A_684 = tpu.vector_load %arg11[%get3A_682, %get3A_683] {strides = array<i32>} : memref<8x768xf32, #tpu.memory_space<vmem>>, vector<16xf32>,
          %mul3A_685 = vector.broadcast %squeeze3A_675 : f32 to vector<16xf32>
          %mul3A_686 = arith.mulf %mul3A_685, %get3A_684 : vector<16xf32>
          %add3A_687 = arith.addf %while3A_622, %mul3A_686 : vector<16xf32>
          %get3A_688 = arith.index_cast %while3A_620 : i32 to index
          %get3A_689 = arith.constant 32 : index
          %get3A_690 = tpu.vector_load %arg11[%get3A_688, %get3A_689] {strides = array<i32>} : memref<8x768xf32, #tpu.memory_space<vmem>>, vector<16xf32>,
          %mul3A_691 = vector.broadcast %squeeze3A_675 : f32 to vector<16xf32>
          %mul3A_692 = arith.mulf %mul3A_691, %get3A_690 : vector<16xf32>
          %add3A_693 = arith.addf %while3A_623, %mul3A_692 : vector<16xf32>
          %get3A_694 = arith.index_cast %while3A_620 : i32 to index
          %get3A_695 = arith.constant 48 : index
          %get3A_696 = tpu.vector_load %arg11[%get3A_694, %get3A_695] {strides = array<i32>} : memref<8x768xf32, #tpu.memory_space<vmem>>, vector<16xf32>,
          %mul3A_697 = vector.broadcast %squeeze3A_675 : f32 to vector<16xf32>
          %mul3A_698 = arith.mulf %mul3A_697, %get3A_696 : vector<16xf32>
          %add3A_699 = arith.addf %while3A_624, %mul3A_698 : vector<16xf32>
          %get3A_700 = arith.index_cast %while3A_620 : i32 to index
          %get3A_701 = arith.constant 64 : index
          %get3A_702 = tpu.vector_load %arg11[%get3A_700, %get3A_701] {strides = array<i32>} : memref<8x768xf32, #tpu.memory_space<vmem>>, vector<16xf32>,
          %mul3A_703 = vector.broadcast %squeeze3A_675 : f32 to vector<16xf32>
          %mul3A_704 = arith.mulf %mul3A_703, %get3A_702 : vector<16xf32>
          %add3A_705 = arith.addf %while3A_625, %mul3A_704 : vector<16xf32>
          %get3A_706 = arith.index_cast %while3A_620 : i32 to index
          %get3A_707 = arith.constant 80 : index
          %get3A_708 = tpu.vector_load %arg11[%get3A_706, %get3A_707] {strides = array<i32>} : memref<8x768xf32, #tpu.memory_space<vmem>>, vector<16xf32>,
          %mul3A_709 = vector.broadcast %squeeze3A_675 : f32 to vector<16xf32>
          %mul3A_710 = arith.mulf %mul3A_709, %get3A_708 : vector<16xf32>
          %add3A_711 = arith.addf %while3A_626, %mul3A_710 : vector<16xf32>
          %get3A_712 = arith.index_cast %while3A_620 : i32 to index
          %get3A_713 = arith.constant 96 : index
          %get3A_714 = tpu.vector_load %arg11[%get3A_712, %get3A_713] {strides = array<i32>} : memref<8x768xf32, #tpu.memory_space<vmem>>, vector<16xf32>,
          %mul3A_715 = vector.broadcast %squeeze3A_675 : f32 to vector<16xf32>
          %mul3A_716 = arith.mulf %mul3A_715, %get3A_714 : vector<16xf32>
          %add3A_717 = arith.addf %while3A_627, %mul3A_716 : vector<16xf32>
          %get3A_718 = arith.index_cast %while3A_620 : i32 to index
          %get3A_719 = arith.constant 112 : index
          %get3A_720 = tpu.vector_load %arg11[%get3A_718, %get3A_719] {strides = array<i32>} : memref<8x768xf32, #tpu.memory_space<vmem>>, vector<16xf32>,
          %mul3A_721 = vector.broadcast %squeeze3A_675 : f32 to vector<16xf32>
          %mul3A_722 = arith.mulf %mul3A_721, %get3A_720 : vector<16xf32>
          %add3A_723 = arith.addf %while3A_628, %mul3A_722 : vector<16xf32>
          %get3A_724 = arith.index_cast %while3A_620 : i32 to index
          %get3A_725 = arith.constant 128 : index
          %get3A_726 = tpu.vector_load %arg11[%get3A_724, %get3A_725] {strides = array<i32>} : memref<8x768xf32, #tpu.memory_space<vmem>>, vector<16xf32>,
          %mul3A_727 = vector.broadcast %squeeze3A_675 : f32 to vector<16xf32>
          %mul3A_728 = arith.mulf %mul3A_727, %get3A_726 : vector<16xf32>
          %add3A_729 = arith.addf %while3A_629, %mul3A_728 : vector<16xf32>
          %get3A_730 = arith.index_cast %while3A_620 : i32 to index
          %get3A_731 = arith.constant 144 : index
          %get3A_732 = tpu.vector_load %arg11[%get3A_730, %get3A_731] {strides = array<i32>} : memref<8x768xf32, #tpu.memory_space<vmem>>, vector<16xf32>,
          %mul3A_733 = vector.broadcast %squeeze3A_675 : f32 to vector<16xf32>
          %mul3A_734 = arith.mulf %mul3A_733, %get3A_732 : vector<16xf32>
          %add3A_735 = arith.addf %while3A_630, %mul3A_734 : vector<16xf32>
          %get3A_736 = arith.index_cast %while3A_620 : i32 to index
          %get3A_737 = arith.constant 160 : index
          %get3A_738 = tpu.vector_load %arg11[%get3A_736, %get3A_737] {strides = array<i32>} : memref<8x768xf32, #tpu.memory_space<vmem>>, vector<16xf32>,
          %mul3A_739 = vector.broadcast %squeeze3A_675 : f32 to vector<16xf32>
          %mul3A_740 = arith.mulf %mul3A_739, %get3A_738 : vector<16xf32>
          %add3A_741 = arith.addf %while3A_631, %mul3A_740 : vector<16xf32>
          %get3A_742 = arith.index_cast %while3A_620 : i32 to index
          %get3A_743 = arith.constant 176 : index
          %get3A_744 = tpu.vector_load %arg11[%get3A_742, %get3A_743] {strides = array<i32>} : memref<8x768xf32, #tpu.memory_space<vmem>>, vector<16xf32>,
          %mul3A_745 = vector.broadcast %squeeze3A_675 : f32 to vector<16xf32>
          %mul3A_746 = arith.mulf %mul3A_745, %get3A_744 : vector<16xf32>
          %add3A_747 = arith.addf %while3A_632, %mul3A_746 : vector<16xf32>
          %get3A_748 = arith.index_cast %while3A_620 : i32 to index
          %get3A_749 = arith.constant 192 : index
          %get3A_750 = tpu.vector_load %arg11[%get3A_748, %get3A_749] {strides = array<i32>} : memref<8x768xf32, #tpu.memory_space<vmem>>, vector<16xf32>,
          %mul3A_751 = vector.broadcast %squeeze3A_675 : f32 to vector<16xf32>
          %mul3A_752 = arith.mulf %mul3A_751, %get3A_750 : vector<16xf32>
          %add3A_753 = arith.addf %while3A_633, %mul3A_752 : vector<16xf32>
          %get3A_754 = arith.index_cast %while3A_620 : i32 to index
          %get3A_755 = arith.constant 208 : index
          %get3A_756 = tpu.vector_load %arg11[%get3A_754, %get3A_755] {strides = array<i32>} : memref<8x768xf32, #tpu.memory_space<vmem>>, vector<16xf32>,
          %mul3A_757 = vector.broadcast %squeeze3A_675 : f32 to vector<16xf32>
          %mul3A_758 = arith.mulf %mul3A_757, %get3A_756 : vector<16xf32>
          %add3A_759 = arith.addf %while3A_634, %mul3A_758 : vector<16xf32>
          %get3A_760 = arith.index_cast %while3A_620 : i32 to index
          %get3A_761 = arith.constant 224 : index
          %get3A_762 = tpu.vector_load %arg11[%get3A_760, %get3A_761] {strides = array<i32>} : memref<8x768xf32, #tpu.memory_space<vmem>>, vector<16xf32>,
          %mul3A_763 = vector.broadcast %squeeze3A_675 : f32 to vector<16xf32>
          %mul3A_764 = arith.mulf %mul3A_763, %get3A_762 : vector<16xf32>
          %add3A_765 = arith.addf %while3A_635, %mul3A_764 : vector<16xf32>
          %get3A_766 = arith.index_cast %while3A_620 : i32 to index
          %get3A_767 = arith.constant 240 : index
          %get3A_768 = tpu.vector_load %arg11[%get3A_766, %get3A_767] {strides = array<i32>} : memref<8x768xf32, #tpu.memory_space<vmem>>, vector<16xf32>,
          %mul3A_769 = vector.broadcast %squeeze3A_675 : f32 to vector<16xf32>
          %mul3A_770 = arith.mulf %mul3A_769, %get3A_768 : vector<16xf32>
          %add3A_771 = arith.addf %while3A_636, %mul3A_770 : vector<16xf32>
          %get3A_772 = arith.index_cast %while3A_620 : i32 to index
          %get3A_773 = arith.constant 256 : index
          %get3A_774 = tpu.vector_load %arg11[%get3A_772, %get3A_773] {strides = array<i32>} : memref<8x768xf32, #tpu.memory_space<vmem>>, vector<16xf32>,
          %mul3A_775 = vector.broadcast %squeeze3A_675 : f32 to vector<16xf32>
          %mul3A_776 = arith.mulf %mul3A_775, %get3A_774 : vector<16xf32>
          %add3A_777 = arith.addf %while3A_637, %mul3A_776 : vector<16xf32>
          %get3A_778 = arith.index_cast %while3A_620 : i32 to index
          %get3A_779 = arith.constant 272 : index
          %get3A_780 = tpu.vector_load %arg11[%get3A_778, %get3A_779] {strides = array<i32>} : memref<8x768xf32, #tpu.memory_space<vmem>>, vector<16xf32>,
          %mul3A_781 = vector.broadcast %squeeze3A_675 : f32 to vector<16xf32>
          %mul3A_782 = arith.mulf %mul3A_781, %get3A_780 : vector<16xf32>
          %add3A_783 = arith.addf %while3A_638, %mul3A_782 : vector<16xf32>
          %get3A_784 = arith.index_cast %while3A_620 : i32 to index
          %get3A_785 = arith.constant 288 : index
          %get3A_786 = tpu.vector_load %arg11[%get3A_784, %get3A_785] {strides = array<i32>} : memref<8x768xf32, #tpu.memory_space<vmem>>, vector<16xf32>,
          %mul3A_787 = vector.broadcast %squeeze3A_675 : f32 to vector<16xf32>
          %mul3A_788 = arith.mulf %mul3A_787, %get3A_786 : vector<16xf32>
          %add3A_789 = arith.addf %while3A_639, %mul3A_788 : vector<16xf32>
          %get3A_790 = arith.index_cast %while3A_620 : i32 to index
          %get3A_791 = arith.constant 304 : index
          %get3A_792 = tpu.vector_load %arg11[%get3A_790, %get3A_791] {strides = array<i32>} : memref<8x768xf32, #tpu.memory_space<vmem>>, vector<16xf32>,
          %mul3A_793 = vector.broadcast %squeeze3A_675 : f32 to vector<16xf32>
          %mul3A_794 = arith.mulf %mul3A_793, %get3A_792 : vector<16xf32>
          %add3A_795 = arith.addf %while3A_640, %mul3A_794 : vector<16xf32>
          %get3A_796 = arith.index_cast %while3A_620 : i32 to index
          %get3A_797 = arith.constant 320 : index
          %get3A_798 = tpu.vector_load %arg11[%get3A_796, %get3A_797] {strides = array<i32>} : memref<8x768xf32, #tpu.memory_space<vmem>>, vector<16xf32>,
          %mul3A_799 = vector.broadcast %squeeze3A_675 : f32 to vector<16xf32>
          %mul3A_800 = arith.mulf %mul3A_799, %get3A_798 : vector<16xf32>
          %add3A_801 = arith.addf %while3A_641, %mul3A_800 : vector<16xf32>
          %get3A_802 = arith.index_cast %while3A_620 : i32 to index
          %get3A_803 = arith.constant 336 : index
          %get3A_804 = tpu.vector_load %arg11[%get3A_802, %get3A_803] {strides = array<i32>} : memref<8x768xf32, #tpu.memory_space<vmem>>, vector<16xf32>,
          %mul3A_805 = vector.broadcast %squeeze3A_675 : f32 to vector<16xf32>
          %mul3A_806 = arith.mulf %mul3A_805, %get3A_804 : vector<16xf32>
          %add3A_807 = arith.addf %while3A_642, %mul3A_806 : vector<16xf32>
          %get3A_808 = arith.index_cast %while3A_620 : i32 to index
          %get3A_809 = arith.constant 352 : index
          %get3A_810 = tpu.vector_load %arg11[%get3A_808, %get3A_809] {strides = array<i32>} : memref<8x768xf32, #tpu.memory_space<vmem>>, vector<16xf32>,
          %mul3A_811 = vector.broadcast %squeeze3A_675 : f32 to vector<16xf32>
          %mul3A_812 = arith.mulf %mul3A_811, %get3A_810 : vector<16xf32>
          %add3A_813 = arith.addf %while3A_643, %mul3A_812 : vector<16xf32>
          %get3A_814 = arith.index_cast %while3A_620 : i32 to index
          %get3A_815 = arith.constant 368 : index
          %get3A_816 = tpu.vector_load %arg11[%get3A_814, %get3A_815] {strides = array<i32>} : memref<8x768xf32, #tpu.memory_space<vmem>>, vector<16xf32>,
          %mul3A_817 = vector.broadcast %squeeze3A_675 : f32 to vector<16xf32>
          %mul3A_818 = arith.mulf %mul3A_817, %get3A_816 : vector<16xf32>
          %add3A_819 = arith.addf %while3A_644, %mul3A_818 : vector<16xf32>
          %get3A_820 = arith.index_cast %while3A_620 : i32 to index
          %get3A_821 = arith.constant 384 : index
          %get3A_822 = tpu.vector_load %arg11[%get3A_820, %get3A_821] {strides = array<i32>} : memref<8x768xf32, #tpu.memory_space<vmem>>, vector<16xf32>,
          %mul3A_823 = vector.broadcast %squeeze3A_675 : f32 to vector<16xf32>
          %mul3A_824 = arith.mulf %mul3A_823, %get3A_822 : vector<16xf32>
          %add3A_825 = arith.addf %while3A_645, %mul3A_824 : vector<16xf32>
          %get3A_826 = arith.index_cast %while3A_620 : i32 to index
          %get3A_827 = arith.constant 400 : index
          %get3A_828 = tpu.vector_load %arg11[%get3A_826, %get3A_827] {strides = array<i32>} : memref<8x768xf32, #tpu.memory_space<vmem>>, vector<16xf32>,
          %mul3A_829 = vector.broadcast %squeeze3A_675 : f32 to vector<16xf32>
          %mul3A_830 = arith.mulf %mul3A_829, %get3A_828 : vector<16xf32>
          %add3A_831 = arith.addf %while3A_646, %mul3A_830 : vector<16xf32>
          %get3A_832 = arith.index_cast %while3A_620 : i32 to index
          %get3A_833 = arith.constant 416 : index
          %get3A_834 = tpu.vector_load %arg11[%get3A_832, %get3A_833] {strides = array<i32>} : memref<8x768xf32, #tpu.memory_space<vmem>>, vector<16xf32>,
          %mul3A_835 = vector.broadcast %squeeze3A_675 : f32 to vector<16xf32>
          %mul3A_836 = arith.mulf %mul3A_835, %get3A_834 : vector<16xf32>
          %add3A_837 = arith.addf %while3A_647, %mul3A_836 : vector<16xf32>
          %get3A_838 = arith.index_cast %while3A_620 : i32 to index
          %get3A_839 = arith.constant 432 : index
          %get3A_840 = tpu.vector_load %arg11[%get3A_838, %get3A_839] {strides = array<i32>} : memref<8x768xf32, #tpu.memory_space<vmem>>, vector<16xf32>,
          %mul3A_841 = vector.broadcast %squeeze3A_675 : f32 to vector<16xf32>
          %mul3A_842 = arith.mulf %mul3A_841, %get3A_840 : vector<16xf32>
          %add3A_843 = arith.addf %while3A_648, %mul3A_842 : vector<16xf32>
          %get3A_844 = arith.index_cast %while3A_620 : i32 to index
          %get3A_845 = arith.constant 448 : index
          %get3A_846 = tpu.vector_load %arg11[%get3A_844, %get3A_845] {strides = array<i32>} : memref<8x768xf32, #tpu.memory_space<vmem>>, vector<16xf32>,
          %mul3A_847 = vector.broadcast %squeeze3A_675 : f32 to vector<16xf32>
          %mul3A_848 = arith.mulf %mul3A_847, %get3A_846 : vector<16xf32>
          %add3A_849 = arith.addf %while3A_649, %mul3A_848 : vector<16xf32>
          %get3A_850 = arith.index_cast %while3A_620 : i32 to index
          %get3A_851 = arith.constant 464 : index
          %get3A_852 = tpu.vector_load %arg11[%get3A_850, %get3A_851] {strides = array<i32>} : memref<8x768xf32, #tpu.memory_space<vmem>>, vector<16xf32>,
          %mul3A_853 = vector.broadcast %squeeze3A_675 : f32 to vector<16xf32>
          %mul3A_854 = arith.mulf %mul3A_853, %get3A_852 : vector<16xf32>
          %add3A_855 = arith.addf %while3A_650, %mul3A_854 : vector<16xf32>
          %get3A_856 = arith.index_cast %while3A_620 : i32 to index
          %get3A_857 = arith.constant 480 : index
          %get3A_858 = tpu.vector_load %arg11[%get3A_856, %get3A_857] {strides = array<i32>} : memref<8x768xf32, #tpu.memory_space<vmem>>, vector<16xf32>,
          %mul3A_859 = vector.broadcast %squeeze3A_675 : f32 to vector<16xf32>
          %mul3A_860 = arith.mulf %mul3A_859, %get3A_858 : vector<16xf32>
          %add3A_861 = arith.addf %while3A_651, %mul3A_860 : vector<16xf32>
          %get3A_862 = arith.index_cast %while3A_620 : i32 to index
          %get3A_863 = arith.constant 496 : index
          %get3A_864 = tpu.vector_load %arg11[%get3A_862, %get3A_863] {strides = array<i32>} : memref<8x768xf32, #tpu.memory_space<vmem>>, vector<16xf32>,
          %mul3A_865 = vector.broadcast %squeeze3A_675 : f32 to vector<16xf32>
          %mul3A_866 = arith.mulf %mul3A_865, %get3A_864 : vector<16xf32>
          %add3A_867 = arith.addf %while3A_652, %mul3A_866 : vector<16xf32>
          %get3A_868 = arith.index_cast %while3A_620 : i32 to index
          %get3A_869 = arith.constant 512 : index
          %get3A_870 = tpu.vector_load %arg11[%get3A_868, %get3A_869] {strides = array<i32>} : memref<8x768xf32, #tpu.memory_space<vmem>>, vector<16xf32>,
          %mul3A_871 = vector.broadcast %squeeze3A_675 : f32 to vector<16xf32>
          %mul3A_872 = arith.mulf %mul3A_871, %get3A_870 : vector<16xf32>
          %add3A_873 = arith.addf %while3A_653, %mul3A_872 : vector<16xf32>
          %get3A_874 = arith.index_cast %while3A_620 : i32 to index
          %get3A_875 = arith.constant 528 : index
          %get3A_876 = tpu.vector_load %arg11[%get3A_874, %get3A_875] {strides = array<i32>} : memref<8x768xf32, #tpu.memory_space<vmem>>, vector<16xf32>,
          %mul3A_877 = vector.broadcast %squeeze3A_675 : f32 to vector<16xf32>
          %mul3A_878 = arith.mulf %mul3A_877, %get3A_876 : vector<16xf32>
          %add3A_879 = arith.addf %while3A_654, %mul3A_878 : vector<16xf32>
          %get3A_880 = arith.index_cast %while3A_620 : i32 to index
          %get3A_881 = arith.constant 544 : index
          %get3A_882 = tpu.vector_load %arg11[%get3A_880, %get3A_881] {strides = array<i32>} : memref<8x768xf32, #tpu.memory_space<vmem>>, vector<16xf32>,
          %mul3A_883 = vector.broadcast %squeeze3A_675 : f32 to vector<16xf32>
          %mul3A_884 = arith.mulf %mul3A_883, %get3A_882 : vector<16xf32>
          %add3A_885 = arith.addf %while3A_655, %mul3A_884 : vector<16xf32>
          %get3A_886 = arith.index_cast %while3A_620 : i32 to index
          %get3A_887 = arith.constant 560 : index
          %get3A_888 = tpu.vector_load %arg11[%get3A_886, %get3A_887] {strides = array<i32>} : memref<8x768xf32, #tpu.memory_space<vmem>>, vector<16xf32>,
          %mul3A_889 = vector.broadcast %squeeze3A_675 : f32 to vector<16xf32>
          %mul3A_890 = arith.mulf %mul3A_889, %get3A_888 : vector<16xf32>
          %add3A_891 = arith.addf %while3A_656, %mul3A_890 : vector<16xf32>
          %get3A_892 = arith.index_cast %while3A_620 : i32 to index
          %get3A_893 = arith.constant 576 : index
          %get3A_894 = tpu.vector_load %arg11[%get3A_892, %get3A_893] {strides = array<i32>} : memref<8x768xf32, #tpu.memory_space<vmem>>, vector<16xf32>,
          %mul3A_895 = vector.broadcast %squeeze3A_675 : f32 to vector<16xf32>
          %mul3A_896 = arith.mulf %mul3A_895, %get3A_894 : vector<16xf32>
          %add3A_897 = arith.addf %while3A_657, %mul3A_896 : vector<16xf32>
          %get3A_898 = arith.index_cast %while3A_620 : i32 to index
          %get3A_899 = arith.constant 592 : index
          %get3A_900 = tpu.vector_load %arg11[%get3A_898, %get3A_899] {strides = array<i32>} : memref<8x768xf32, #tpu.memory_space<vmem>>, vector<16xf32>,
          %mul3A_901 = vector.broadcast %squeeze3A_675 : f32 to vector<16xf32>
          %mul3A_902 = arith.mulf %mul3A_901, %get3A_900 : vector<16xf32>
          %add3A_903 = arith.addf %while3A_658, %mul3A_902 : vector<16xf32>
          %get3A_904 = arith.index_cast %while3A_620 : i32 to index
          %get3A_905 = arith.constant 608 : index
          %get3A_906 = tpu.vector_load %arg11[%get3A_904, %get3A_905] {strides = array<i32>} : memref<8x768xf32, #tpu.memory_space<vmem>>, vector<16xf32>,
          %mul3A_907 = vector.broadcast %squeeze3A_675 : f32 to vector<16xf32>
          %mul3A_908 = arith.mulf %mul3A_907, %get3A_906 : vector<16xf32>
          %add3A_909 = arith.addf %while3A_659, %mul3A_908 : vector<16xf32>
          %get3A_910 = arith.index_cast %while3A_620 : i32 to index
          %get3A_911 = arith.constant 624 : index
          %get3A_912 = tpu.vector_load %arg11[%get3A_910, %get3A_911] {strides = array<i32>} : memref<8x768xf32, #tpu.memory_space<vmem>>, vector<16xf32>,
          %mul3A_913 = vector.broadcast %squeeze3A_675 : f32 to vector<16xf32>
          %mul3A_914 = arith.mulf %mul3A_913, %get3A_912 : vector<16xf32>
          %add3A_915 = arith.addf %while3A_660, %mul3A_914 : vector<16xf32>
          %get3A_916 = arith.index_cast %while3A_620 : i32 to index
          %get3A_917 = arith.constant 640 : index
          %get3A_918 = tpu.vector_load %arg11[%get3A_916, %get3A_917] {strides = array<i32>} : memref<8x768xf32, #tpu.memory_space<vmem>>, vector<16xf32>,
          %mul3A_919 = vector.broadcast %squeeze3A_675 : f32 to vector<16xf32>
          %mul3A_920 = arith.mulf %mul3A_919, %get3A_918 : vector<16xf32>
          %add3A_921 = arith.addf %while3A_661, %mul3A_920 : vector<16xf32>
          %get3A_922 = arith.index_cast %while3A_620 : i32 to index
          %get3A_923 = arith.constant 656 : index
          %get3A_924 = tpu.vector_load %arg11[%get3A_922, %get3A_923] {strides = array<i32>} : memref<8x768xf32, #tpu.memory_space<vmem>>, vector<16xf32>,
          %mul3A_925 = vector.broadcast %squeeze3A_675 : f32 to vector<16xf32>
          %mul3A_926 = arith.mulf %mul3A_925, %get3A_924 : vector<16xf32>
          %add3A_927 = arith.addf %while3A_662, %mul3A_926 : vector<16xf32>
          %get3A_928 = arith.index_cast %while3A_620 : i32 to index
          %get3A_929 = arith.constant 672 : index
          %get3A_930 = tpu.vector_load %arg11[%get3A_928, %get3A_929] {strides = array<i32>} : memref<8x768xf32, #tpu.memory_space<vmem>>, vector<16xf32>,
          %mul3A_931 = vector.broadcast %squeeze3A_675 : f32 to vector<16xf32>
          %mul3A_932 = arith.mulf %mul3A_931, %get3A_930 : vector<16xf32>
          %add3A_933 = arith.addf %while3A_663, %mul3A_932 : vector<16xf32>
          %get3A_934 = arith.index_cast %while3A_620 : i32 to index
          %get3A_935 = arith.constant 688 : index
          %get3A_936 = tpu.vector_load %arg11[%get3A_934, %get3A_935] {strides = array<i32>} : memref<8x768xf32, #tpu.memory_space<vmem>>, vector<16xf32>,
          %mul3A_937 = vector.broadcast %squeeze3A_675 : f32 to vector<16xf32>
          %mul3A_938 = arith.mulf %mul3A_937, %get3A_936 : vector<16xf32>
          %add3A_939 = arith.addf %while3A_664, %mul3A_938 : vector<16xf32>
          %get3A_940 = arith.index_cast %while3A_620 : i32 to index
          %get3A_941 = arith.constant 704 : index
          %get3A_942 = tpu.vector_load %arg11[%get3A_940, %get3A_941] {strides = array<i32>} : memref<8x768xf32, #tpu.memory_space<vmem>>, vector<16xf32>,
          %mul3A_943 = vector.broadcast %squeeze3A_675 : f32 to vector<16xf32>
          %mul3A_944 = arith.mulf %mul3A_943, %get3A_942 : vector<16xf32>
          %add3A_945 = arith.addf %while3A_665, %mul3A_944 : vector<16xf32>
          %get3A_946 = arith.index_cast %while3A_620 : i32 to index
          %get3A_947 = arith.constant 720 : index
          %get3A_948 = tpu.vector_load %arg11[%get3A_946, %get3A_947] {strides = array<i32>} : memref<8x768xf32, #tpu.memory_space<vmem>>, vector<16xf32>,
          %mul3A_949 = vector.broadcast %squeeze3A_675 : f32 to vector<16xf32>
          %mul3A_950 = arith.mulf %mul3A_949, %get3A_948 : vector<16xf32>
          %add3A_951 = arith.addf %while3A_666, %mul3A_950 : vector<16xf32>
          %get3A_952 = arith.index_cast %while3A_620 : i32 to index
          %get3A_953 = arith.constant 736 : index
          %get3A_954 = tpu.vector_load %arg11[%get3A_952, %get3A_953] {strides = array<i32>} : memref<8x768xf32, #tpu.memory_space<vmem>>, vector<16xf32>,
          %mul3A_955 = vector.broadcast %squeeze3A_675 : f32 to vector<16xf32>
          %mul3A_956 = arith.mulf %mul3A_955, %get3A_954 : vector<16xf32>
          %add3A_957 = arith.addf %while3A_667, %mul3A_956 : vector<16xf32>
          %get3A_958 = arith.index_cast %while3A_620 : i32 to index
          %get3A_959 = arith.constant 752 : index
          %get3A_960 = tpu.vector_load %arg11[%get3A_958, %get3A_959] {strides = array<i32>} : memref<8x768xf32, #tpu.memory_space<vmem>>, vector<16xf32>,
          %mul3A_961 = vector.broadcast %squeeze3A_675 : f32 to vector<16xf32>
          %mul3A_962 = arith.mulf %mul3A_961, %get3A_960 : vector<16xf32>
          %add3A_963 = arith.addf %while3A_668, %mul3A_962 : vector<16xf32>
          scf.yield %add3A_681, %add3A_687, %add3A_693, %add3A_699, %add3A_705, %add3A_711, %add3A_717, %add3A_723, %add3A_729, %add3A_735, %add3A_741, %add3A_747, %add3A_753, %add3A_759, %add3A_765, %add3A_771, %add3A_777, %add3A_783, %add3A_789, %add3A_795, %add3A_801, %add3A_807, %add3A_813, %add3A_819, %add3A_825, %add3A_831, %add3A_837, %add3A_843, %add3A_849, %add3A_855, %add3A_861, %add3A_867, %add3A_873, %add3A_879, %add3A_885, %add3A_891, %add3A_897, %add3A_903, %add3A_909, %add3A_915, %add3A_921, %add3A_927, %add3A_933, %add3A_939, %add3A_945, %add3A_951, %add3A_957, %add3A_963 : vector<16xf32>, vector<16xf32>, vector<16xf32>, vector<16xf32>, vector<16xf32>, vector<16xf32>, vector<16xf32>, vector<16xf32>, vector<16xf32>, vector<16xf32>, vector<16xf32>, vector<16xf32>, vector<16xf32>, vector<16xf32>, vector<16xf32>, vector<16xf32>, vector<16xf32>, vector<16xf32>, vector<16xf32>, vector<16xf32>, vector<16xf32>, vector<16xf32>, vector<16xf32>, vector<16xf32>, vector<16xf32>, vector<16xf32>, vector<16xf32>, vector<16xf32>, vector<16xf32>, vector<16xf32>, vector<16xf32>, vector<16xf32>, vector<16xf32>, vector<16xf32>, vector<16xf32>, vector<16xf32>, vector<16xf32>, vector<16xf32>, vector<16xf32>, vector<16xf32>, vector<16xf32>, vector<16xf32>, vector<16xf32>, vector<16xf32>, vector<16xf32>, vector<16xf32>, vector<16xf32>, vector<16xf32>
        }
        %while3A_618 = arith.constant 1 : i32
        %while3A_619:48 = scf.for %while3A_620 = %while3A_615 to %while3A_611 step %while3A_618 iter_args(%while3A_621 = %while3A_617#0, %while3A_622 = %while3A_617#1, %while3A_623 = %while3A_617#2, %while3A_624 = %while3A_617#3, %while3A_625 = %while3A_617#4, %while3A_626 = %while3A_617#5, %while3A_627 = %while3A_617#6, %while3A_628 = %while3A_617#7, %while3A_629 = %while3A_617#8, %while3A_630 = %while3A_617#9, %while3A_631 = %while3A_617#10, %while3A_632 = %while3A_617#11, %while3A_633 = %while3A_617#12, %while3A_634 = %while3A_617#13, %while3A_635 = %while3A_617#14, %while3A_636 = %while3A_617#15, %while3A_637 = %while3A_617#16, %while3A_638 = %while3A_617#17, %while3A_639 = %while3A_617#18, %while3A_640 = %while3A_617#19, %while3A_641 = %while3A_617#20, %while3A_642 = %while3A_617#21, %while3A_643 = %while3A_617#22, %while3A_644 = %while3A_617#23, %while3A_645 = %while3A_617#24, %while3A_646 = %while3A_617#25, %while3A_647 = %while3A_617#26, %while3A_648 = %while3A_617#27, %while3A_649 = %while3A_617#28, %while3A_650 = %while3A_617#29, %while3A_651 = %while3A_617#30, %while3A_652 = %while3A_617#31, %while3A_653 = %while3A_617#32, %while3A_654 = %while3A_617#33, %while3A_655 = %while3A_617#34, %while3A_656 = %while3A_617#35, %while3A_657 = %while3A_617#36, %while3A_658 = %while3A_617#37, %while3A_659 = %while3A_617#38, %while3A_660 = %while3A_617#39, %while3A_661 = %while3A_617#40, %while3A_662 = %while3A_617#41, %while3A_663 = %while3A_617#42, %while3A_664 = %while3A_617#43, %while3A_665 = %while3A_617#44, %while3A_666 = %while3A_617#45, %while3A_667 = %while3A_617#46, %while3A_668 = %while3A_617#47) -> (vector<16xf32>, vector<16xf32>, vector<16xf32>, vector<16xf32>, vector<16xf32>, vector<16xf32>, vector<16xf32>, vector<16xf32>, vector<16xf32>, vector<16xf32>, vector<16xf32>, vector<16xf32>, vector<16xf32>, vector<16xf32>, vector<16xf32>, vector<16xf32>, vector<16xf32>, vector<16xf32>, vector<16xf32>, vector<16xf32>, vector<16xf32>, vector<16xf32>, vector<16xf32>, vector<16xf32>, vector<16xf32>, vector<16xf32>, vector<16xf32>, vector<16xf32>, vector<16xf32>, vector<16xf32>, vector<16xf32>, vector<16xf32>, vector<16xf32>, vector<16xf32>, vector<16xf32>, vector<16xf32>, vector<16xf32>, vector<16xf32>, vector<16xf32>, vector<16xf32>, vector<16xf32>, vector<16xf32>, vector<16xf32>, vector<16xf32>, vector<16xf32>, vector<16xf32>, vector<16xf32>, vector<16xf32>)  : i32 {
          %mul3A_669 = arith.constant 8 : i32
          %mul3A_670 = arith.muli %while3A_537, %mul3A_669 : i32
          %add3A_671 = arith.addi %mul3A_670, %while3A_620 : i32
          %get3A_672 = arith.index_cast %add3A_671 : i32 to index
          %get3A_673 = tpu.vector_load %arg8[%get3A_672] {strides = array<i32>} : memref<1040xf32, #tpu.memory_space<vmem>>, vector<16xf32>,
          %slice3A_674 = vector.extract_strided_slice %get3A_673 {offsets = [0], sizes = [1], strides = [1]} : vector<16xf32> to vector<1xf32>
          %squeeze3A_675 = vector.extract %slice3A_674[0] : f32 from vector<1xf32>
          %get3A_676 = arith.index_cast %while3A_620 : i32 to index
          %get3A_677 = arith.constant 0 : index
          %get3A_678 = tpu.vector_load %arg11[%get3A_676, %get3A_677] {strides = array<i32>} : memref<8x768xf32, #tpu.memory_space<vmem>>, vector<16xf32>,
          %mul3A_679 = vector.broadcast %squeeze3A_675 : f32 to vector<16xf32>
          %mul3A_680 = arith.mulf %mul3A_679, %get3A_678 : vector<16xf32>
          %add3A_681 = arith.addf %while3A_621, %mul3A_680 : vector<16xf32>
          %get3A_682 = arith.index_cast %while3A_620 : i32 to index
          %get3A_683 = arith.constant 16 : index
          %get3A_684 = tpu.vector_load %arg11[%get3A_682, %get3A_683] {strides = array<i32>} : memref<8x768xf32, #tpu.memory_space<vmem>>, vector<16xf32>,
          %mul3A_685 = vector.broadcast %squeeze3A_675 : f32 to vector<16xf32>
          %mul3A_686 = arith.mulf %mul3A_685, %get3A_684 : vector<16xf32>
          %add3A_687 = arith.addf %while3A_622, %mul3A_686 : vector<16xf32>
          %get3A_688 = arith.index_cast %while3A_620 : i32 to index
          %get3A_689 = arith.constant 32 : index
          %get3A_690 = tpu.vector_load %arg11[%get3A_688, %get3A_689] {strides = array<i32>} : memref<8x768xf32, #tpu.memory_space<vmem>>, vector<16xf32>,
          %mul3A_691 = vector.broadcast %squeeze3A_675 : f32 to vector<16xf32>
          %mul3A_692 = arith.mulf %mul3A_691, %get3A_690 : vector<16xf32>
          %add3A_693 = arith.addf %while3A_623, %mul3A_692 : vector<16xf32>
          %get3A_694 = arith.index_cast %while3A_620 : i32 to index
          %get3A_695 = arith.constant 48 : index
          %get3A_696 = tpu.vector_load %arg11[%get3A_694, %get3A_695] {strides = array<i32>} : memref<8x768xf32, #tpu.memory_space<vmem>>, vector<16xf32>,
          %mul3A_697 = vector.broadcast %squeeze3A_675 : f32 to vector<16xf32>
          %mul3A_698 = arith.mulf %mul3A_697, %get3A_696 : vector<16xf32>
          %add3A_699 = arith.addf %while3A_624, %mul3A_698 : vector<16xf32>
          %get3A_700 = arith.index_cast %while3A_620 : i32 to index
          %get3A_701 = arith.constant 64 : index
          %get3A_702 = tpu.vector_load %arg11[%get3A_700, %get3A_701] {strides = array<i32>} : memref<8x768xf32, #tpu.memory_space<vmem>>, vector<16xf32>,
          %mul3A_703 = vector.broadcast %squeeze3A_675 : f32 to vector<16xf32>
          %mul3A_704 = arith.mulf %mul3A_703, %get3A_702 : vector<16xf32>
          %add3A_705 = arith.addf %while3A_625, %mul3A_704 : vector<16xf32>
          %get3A_706 = arith.index_cast %while3A_620 : i32 to index
          %get3A_707 = arith.constant 80 : index
          %get3A_708 = tpu.vector_load %arg11[%get3A_706, %get3A_707] {strides = array<i32>} : memref<8x768xf32, #tpu.memory_space<vmem>>, vector<16xf32>,
          %mul3A_709 = vector.broadcast %squeeze3A_675 : f32 to vector<16xf32>
          %mul3A_710 = arith.mulf %mul3A_709, %get3A_708 : vector<16xf32>
          %add3A_711 = arith.addf %while3A_626, %mul3A_710 : vector<16xf32>
          %get3A_712 = arith.index_cast %while3A_620 : i32 to index
          %get3A_713 = arith.constant 96 : index
          %get3A_714 = tpu.vector_load %arg11[%get3A_712, %get3A_713] {strides = array<i32>} : memref<8x768xf32, #tpu.memory_space<vmem>>, vector<16xf32>,
          %mul3A_715 = vector.broadcast %squeeze3A_675 : f32 to vector<16xf32>
          %mul3A_716 = arith.mulf %mul3A_715, %get3A_714 : vector<16xf32>
          %add3A_717 = arith.addf %while3A_627, %mul3A_716 : vector<16xf32>
          %get3A_718 = arith.index_cast %while3A_620 : i32 to index
          %get3A_719 = arith.constant 112 : index
          %get3A_720 = tpu.vector_load %arg11[%get3A_718, %get3A_719] {strides = array<i32>} : memref<8x768xf32, #tpu.memory_space<vmem>>, vector<16xf32>,
          %mul3A_721 = vector.broadcast %squeeze3A_675 : f32 to vector<16xf32>
          %mul3A_722 = arith.mulf %mul3A_721, %get3A_720 : vector<16xf32>
          %add3A_723 = arith.addf %while3A_628, %mul3A_722 : vector<16xf32>
          %get3A_724 = arith.index_cast %while3A_620 : i32 to index
          %get3A_725 = arith.constant 128 : index
          %get3A_726 = tpu.vector_load %arg11[%get3A_724, %get3A_725] {strides = array<i32>} : memref<8x768xf32, #tpu.memory_space<vmem>>, vector<16xf32>,
          %mul3A_727 = vector.broadcast %squeeze3A_675 : f32 to vector<16xf32>
          %mul3A_728 = arith.mulf %mul3A_727, %get3A_726 : vector<16xf32>
          %add3A_729 = arith.addf %while3A_629, %mul3A_728 : vector<16xf32>
          %get3A_730 = arith.index_cast %while3A_620 : i32 to index
          %get3A_731 = arith.constant 144 : index
          %get3A_732 = tpu.vector_load %arg11[%get3A_730, %get3A_731] {strides = array<i32>} : memref<8x768xf32, #tpu.memory_space<vmem>>, vector<16xf32>,
          %mul3A_733 = vector.broadcast %squeeze3A_675 : f32 to vector<16xf32>
          %mul3A_734 = arith.mulf %mul3A_733, %get3A_732 : vector<16xf32>
          %add3A_735 = arith.addf %while3A_630, %mul3A_734 : vector<16xf32>
          %get3A_736 = arith.index_cast %while3A_620 : i32 to index
          %get3A_737 = arith.constant 160 : index
          %get3A_738 = tpu.vector_load %arg11[%get3A_736, %get3A_737] {strides = array<i32>} : memref<8x768xf32, #tpu.memory_space<vmem>>, vector<16xf32>,
          %mul3A_739 = vector.broadcast %squeeze3A_675 : f32 to vector<16xf32>
          %mul3A_740 = arith.mulf %mul3A_739, %get3A_738 : vector<16xf32>
          %add3A_741 = arith.addf %while3A_631, %mul3A_740 : vector<16xf32>
          %get3A_742 = arith.index_cast %while3A_620 : i32 to index
          %get3A_743 = arith.constant 176 : index
          %get3A_744 = tpu.vector_load %arg11[%get3A_742, %get3A_743] {strides = array<i32>} : memref<8x768xf32, #tpu.memory_space<vmem>>, vector<16xf32>,
          %mul3A_745 = vector.broadcast %squeeze3A_675 : f32 to vector<16xf32>
          %mul3A_746 = arith.mulf %mul3A_745, %get3A_744 : vector<16xf32>
          %add3A_747 = arith.addf %while3A_632, %mul3A_746 : vector<16xf32>
          %get3A_748 = arith.index_cast %while3A_620 : i32 to index
          %get3A_749 = arith.constant 192 : index
          %get3A_750 = tpu.vector_load %arg11[%get3A_748, %get3A_749] {strides = array<i32>} : memref<8x768xf32, #tpu.memory_space<vmem>>, vector<16xf32>,
          %mul3A_751 = vector.broadcast %squeeze3A_675 : f32 to vector<16xf32>
          %mul3A_752 = arith.mulf %mul3A_751, %get3A_750 : vector<16xf32>
          %add3A_753 = arith.addf %while3A_633, %mul3A_752 : vector<16xf32>
          %get3A_754 = arith.index_cast %while3A_620 : i32 to index
          %get3A_755 = arith.constant 208 : index
          %get3A_756 = tpu.vector_load %arg11[%get3A_754, %get3A_755] {strides = array<i32>} : memref<8x768xf32, #tpu.memory_space<vmem>>, vector<16xf32>,
          %mul3A_757 = vector.broadcast %squeeze3A_675 : f32 to vector<16xf32>
          %mul3A_758 = arith.mulf %mul3A_757, %get3A_756 : vector<16xf32>
          %add3A_759 = arith.addf %while3A_634, %mul3A_758 : vector<16xf32>
          %get3A_760 = arith.index_cast %while3A_620 : i32 to index
          %get3A_761 = arith.constant 224 : index
          %get3A_762 = tpu.vector_load %arg11[%get3A_760, %get3A_761] {strides = array<i32>} : memref<8x768xf32, #tpu.memory_space<vmem>>, vector<16xf32>,
          %mul3A_763 = vector.broadcast %squeeze3A_675 : f32 to vector<16xf32>
          %mul3A_764 = arith.mulf %mul3A_763, %get3A_762 : vector<16xf32>
          %add3A_765 = arith.addf %while3A_635, %mul3A_764 : vector<16xf32>
          %get3A_766 = arith.index_cast %while3A_620 : i32 to index
          %get3A_767 = arith.constant 240 : index
          %get3A_768 = tpu.vector_load %arg11[%get3A_766, %get3A_767] {strides = array<i32>} : memref<8x768xf32, #tpu.memory_space<vmem>>, vector<16xf32>,
          %mul3A_769 = vector.broadcast %squeeze3A_675 : f32 to vector<16xf32>
          %mul3A_770 = arith.mulf %mul3A_769, %get3A_768 : vector<16xf32>
          %add3A_771 = arith.addf %while3A_636, %mul3A_770 : vector<16xf32>
          %get3A_772 = arith.index_cast %while3A_620 : i32 to index
          %get3A_773 = arith.constant 256 : index
          %get3A_774 = tpu.vector_load %arg11[%get3A_772, %get3A_773] {strides = array<i32>} : memref<8x768xf32, #tpu.memory_space<vmem>>, vector<16xf32>,
          %mul3A_775 = vector.broadcast %squeeze3A_675 : f32 to vector<16xf32>
          %mul3A_776 = arith.mulf %mul3A_775, %get3A_774 : vector<16xf32>
          %add3A_777 = arith.addf %while3A_637, %mul3A_776 : vector<16xf32>
          %get3A_778 = arith.index_cast %while3A_620 : i32 to index
          %get3A_779 = arith.constant 272 : index
          %get3A_780 = tpu.vector_load %arg11[%get3A_778, %get3A_779] {strides = array<i32>} : memref<8x768xf32, #tpu.memory_space<vmem>>, vector<16xf32>,
          %mul3A_781 = vector.broadcast %squeeze3A_675 : f32 to vector<16xf32>
          %mul3A_782 = arith.mulf %mul3A_781, %get3A_780 : vector<16xf32>
          %add3A_783 = arith.addf %while3A_638, %mul3A_782 : vector<16xf32>
          %get3A_784 = arith.index_cast %while3A_620 : i32 to index
          %get3A_785 = arith.constant 288 : index
          %get3A_786 = tpu.vector_load %arg11[%get3A_784, %get3A_785] {strides = array<i32>} : memref<8x768xf32, #tpu.memory_space<vmem>>, vector<16xf32>,
          %mul3A_787 = vector.broadcast %squeeze3A_675 : f32 to vector<16xf32>
          %mul3A_788 = arith.mulf %mul3A_787, %get3A_786 : vector<16xf32>
          %add3A_789 = arith.addf %while3A_639, %mul3A_788 : vector<16xf32>
          %get3A_790 = arith.index_cast %while3A_620 : i32 to index
          %get3A_791 = arith.constant 304 : index
          %get3A_792 = tpu.vector_load %arg11[%get3A_790, %get3A_791] {strides = array<i32>} : memref<8x768xf32, #tpu.memory_space<vmem>>, vector<16xf32>,
          %mul3A_793 = vector.broadcast %squeeze3A_675 : f32 to vector<16xf32>
          %mul3A_794 = arith.mulf %mul3A_793, %get3A_792 : vector<16xf32>
          %add3A_795 = arith.addf %while3A_640, %mul3A_794 : vector<16xf32>
          %get3A_796 = arith.index_cast %while3A_620 : i32 to index
          %get3A_797 = arith.constant 320 : index
          %get3A_798 = tpu.vector_load %arg11[%get3A_796, %get3A_797] {strides = array<i32>} : memref<8x768xf32, #tpu.memory_space<vmem>>, vector<16xf32>,
          %mul3A_799 = vector.broadcast %squeeze3A_675 : f32 to vector<16xf32>
          %mul3A_800 = arith.mulf %mul3A_799, %get3A_798 : vector<16xf32>
          %add3A_801 = arith.addf %while3A_641, %mul3A_800 : vector<16xf32>
          %get3A_802 = arith.index_cast %while3A_620 : i32 to index
          %get3A_803 = arith.constant 336 : index
          %get3A_804 = tpu.vector_load %arg11[%get3A_802, %get3A_803] {strides = array<i32>} : memref<8x768xf32, #tpu.memory_space<vmem>>, vector<16xf32>,
          %mul3A_805 = vector.broadcast %squeeze3A_675 : f32 to vector<16xf32>
          %mul3A_806 = arith.mulf %mul3A_805, %get3A_804 : vector<16xf32>
          %add3A_807 = arith.addf %while3A_642, %mul3A_806 : vector<16xf32>
          %get3A_808 = arith.index_cast %while3A_620 : i32 to index
          %get3A_809 = arith.constant 352 : index
          %get3A_810 = tpu.vector_load %arg11[%get3A_808, %get3A_809] {strides = array<i32>} : memref<8x768xf32, #tpu.memory_space<vmem>>, vector<16xf32>,
          %mul3A_811 = vector.broadcast %squeeze3A_675 : f32 to vector<16xf32>
          %mul3A_812 = arith.mulf %mul3A_811, %get3A_810 : vector<16xf32>
          %add3A_813 = arith.addf %while3A_643, %mul3A_812 : vector<16xf32>
          %get3A_814 = arith.index_cast %while3A_620 : i32 to index
          %get3A_815 = arith.constant 368 : index
          %get3A_816 = tpu.vector_load %arg11[%get3A_814, %get3A_815] {strides = array<i32>} : memref<8x768xf32, #tpu.memory_space<vmem>>, vector<16xf32>,
          %mul3A_817 = vector.broadcast %squeeze3A_675 : f32 to vector<16xf32>
          %mul3A_818 = arith.mulf %mul3A_817, %get3A_816 : vector<16xf32>
          %add3A_819 = arith.addf %while3A_644, %mul3A_818 : vector<16xf32>
          %get3A_820 = arith.index_cast %while3A_620 : i32 to index
          %get3A_821 = arith.constant 384 : index
          %get3A_822 = tpu.vector_load %arg11[%get3A_820, %get3A_821] {strides = array<i32>} : memref<8x768xf32, #tpu.memory_space<vmem>>, vector<16xf32>,
          %mul3A_823 = vector.broadcast %squeeze3A_675 : f32 to vector<16xf32>
          %mul3A_824 = arith.mulf %mul3A_823, %get3A_822 : vector<16xf32>
          %add3A_825 = arith.addf %while3A_645, %mul3A_824 : vector<16xf32>
          %get3A_826 = arith.index_cast %while3A_620 : i32 to index
          %get3A_827 = arith.constant 400 : index
          %get3A_828 = tpu.vector_load %arg11[%get3A_826, %get3A_827] {strides = array<i32>} : memref<8x768xf32, #tpu.memory_space<vmem>>, vector<16xf32>,
          %mul3A_829 = vector.broadcast %squeeze3A_675 : f32 to vector<16xf32>
          %mul3A_830 = arith.mulf %mul3A_829, %get3A_828 : vector<16xf32>
          %add3A_831 = arith.addf %while3A_646, %mul3A_830 : vector<16xf32>
          %get3A_832 = arith.index_cast %while3A_620 : i32 to index
          %get3A_833 = arith.constant 416 : index
          %get3A_834 = tpu.vector_load %arg11[%get3A_832, %get3A_833] {strides = array<i32>} : memref<8x768xf32, #tpu.memory_space<vmem>>, vector<16xf32>,
          %mul3A_835 = vector.broadcast %squeeze3A_675 : f32 to vector<16xf32>
          %mul3A_836 = arith.mulf %mul3A_835, %get3A_834 : vector<16xf32>
          %add3A_837 = arith.addf %while3A_647, %mul3A_836 : vector<16xf32>
          %get3A_838 = arith.index_cast %while3A_620 : i32 to index
          %get3A_839 = arith.constant 432 : index
          %get3A_840 = tpu.vector_load %arg11[%get3A_838, %get3A_839] {strides = array<i32>} : memref<8x768xf32, #tpu.memory_space<vmem>>, vector<16xf32>,
          %mul3A_841 = vector.broadcast %squeeze3A_675 : f32 to vector<16xf32>
          %mul3A_842 = arith.mulf %mul3A_841, %get3A_840 : vector<16xf32>
          %add3A_843 = arith.addf %while3A_648, %mul3A_842 : vector<16xf32>
          %get3A_844 = arith.index_cast %while3A_620 : i32 to index
          %get3A_845 = arith.constant 448 : index
          %get3A_846 = tpu.vector_load %arg11[%get3A_844, %get3A_845] {strides = array<i32>} : memref<8x768xf32, #tpu.memory_space<vmem>>, vector<16xf32>,
          %mul3A_847 = vector.broadcast %squeeze3A_675 : f32 to vector<16xf32>
          %mul3A_848 = arith.mulf %mul3A_847, %get3A_846 : vector<16xf32>
          %add3A_849 = arith.addf %while3A_649, %mul3A_848 : vector<16xf32>
          %get3A_850 = arith.index_cast %while3A_620 : i32 to index
          %get3A_851 = arith.constant 464 : index
          %get3A_852 = tpu.vector_load %arg11[%get3A_850, %get3A_851] {strides = array<i32>} : memref<8x768xf32, #tpu.memory_space<vmem>>, vector<16xf32>,
          %mul3A_853 = vector.broadcast %squeeze3A_675 : f32 to vector<16xf32>
          %mul3A_854 = arith.mulf %mul3A_853, %get3A_852 : vector<16xf32>
          %add3A_855 = arith.addf %while3A_650, %mul3A_854 : vector<16xf32>
          %get3A_856 = arith.index_cast %while3A_620 : i32 to index
          %get3A_857 = arith.constant 480 : index
          %get3A_858 = tpu.vector_load %arg11[%get3A_856, %get3A_857] {strides = array<i32>} : memref<8x768xf32, #tpu.memory_space<vmem>>, vector<16xf32>,
          %mul3A_859 = vector.broadcast %squeeze3A_675 : f32 to vector<16xf32>
          %mul3A_860 = arith.mulf %mul3A_859, %get3A_858 : vector<16xf32>
          %add3A_861 = arith.addf %while3A_651, %mul3A_860 : vector<16xf32>
          %get3A_862 = arith.index_cast %while3A_620 : i32 to index
          %get3A_863 = arith.constant 496 : index
          %get3A_864 = tpu.vector_load %arg11[%get3A_862, %get3A_863] {strides = array<i32>} : memref<8x768xf32, #tpu.memory_space<vmem>>, vector<16xf32>,
          %mul3A_865 = vector.broadcast %squeeze3A_675 : f32 to vector<16xf32>
          %mul3A_866 = arith.mulf %mul3A_865, %get3A_864 : vector<16xf32>
          %add3A_867 = arith.addf %while3A_652, %mul3A_866 : vector<16xf32>
          %get3A_868 = arith.index_cast %while3A_620 : i32 to index
          %get3A_869 = arith.constant 512 : index
          %get3A_870 = tpu.vector_load %arg11[%get3A_868, %get3A_869] {strides = array<i32>} : memref<8x768xf32, #tpu.memory_space<vmem>>, vector<16xf32>,
          %mul3A_871 = vector.broadcast %squeeze3A_675 : f32 to vector<16xf32>
          %mul3A_872 = arith.mulf %mul3A_871, %get3A_870 : vector<16xf32>
          %add3A_873 = arith.addf %while3A_653, %mul3A_872 : vector<16xf32>
          %get3A_874 = arith.index_cast %while3A_620 : i32 to index
          %get3A_875 = arith.constant 528 : index
          %get3A_876 = tpu.vector_load %arg11[%get3A_874, %get3A_875] {strides = array<i32>} : memref<8x768xf32, #tpu.memory_space<vmem>>, vector<16xf32>,
          %mul3A_877 = vector.broadcast %squeeze3A_675 : f32 to vector<16xf32>
          %mul3A_878 = arith.mulf %mul3A_877, %get3A_876 : vector<16xf32>
          %add3A_879 = arith.addf %while3A_654, %mul3A_878 : vector<16xf32>
          %get3A_880 = arith.index_cast %while3A_620 : i32 to index
          %get3A_881 = arith.constant 544 : index
          %get3A_882 = tpu.vector_load %arg11[%get3A_880, %get3A_881] {strides = array<i32>} : memref<8x768xf32, #tpu.memory_space<vmem>>, vector<16xf32>,
          %mul3A_883 = vector.broadcast %squeeze3A_675 : f32 to vector<16xf32>
          %mul3A_884 = arith.mulf %mul3A_883, %get3A_882 : vector<16xf32>
          %add3A_885 = arith.addf %while3A_655, %mul3A_884 : vector<16xf32>
          %get3A_886 = arith.index_cast %while3A_620 : i32 to index
          %get3A_887 = arith.constant 560 : index
          %get3A_888 = tpu.vector_load %arg11[%get3A_886, %get3A_887] {strides = array<i32>} : memref<8x768xf32, #tpu.memory_space<vmem>>, vector<16xf32>,
          %mul3A_889 = vector.broadcast %squeeze3A_675 : f32 to vector<16xf32>
          %mul3A_890 = arith.mulf %mul3A_889, %get3A_888 : vector<16xf32>
          %add3A_891 = arith.addf %while3A_656, %mul3A_890 : vector<16xf32>
          %get3A_892 = arith.index_cast %while3A_620 : i32 to index
          %get3A_893 = arith.constant 576 : index
          %get3A_894 = tpu.vector_load %arg11[%get3A_892, %get3A_893] {strides = array<i32>} : memref<8x768xf32, #tpu.memory_space<vmem>>, vector<16xf32>,
          %mul3A_895 = vector.broadcast %squeeze3A_675 : f32 to vector<16xf32>
          %mul3A_896 = arith.mulf %mul3A_895, %get3A_894 : vector<16xf32>
          %add3A_897 = arith.addf %while3A_657, %mul3A_896 : vector<16xf32>
          %get3A_898 = arith.index_cast %while3A_620 : i32 to index
          %get3A_899 = arith.constant 592 : index
          %get3A_900 = tpu.vector_load %arg11[%get3A_898, %get3A_899] {strides = array<i32>} : memref<8x768xf32, #tpu.memory_space<vmem>>, vector<16xf32>,
          %mul3A_901 = vector.broadcast %squeeze3A_675 : f32 to vector<16xf32>
          %mul3A_902 = arith.mulf %mul3A_901, %get3A_900 : vector<16xf32>
          %add3A_903 = arith.addf %while3A_658, %mul3A_902 : vector<16xf32>
          %get3A_904 = arith.index_cast %while3A_620 : i32 to index
          %get3A_905 = arith.constant 608 : index
          %get3A_906 = tpu.vector_load %arg11[%get3A_904, %get3A_905] {strides = array<i32>} : memref<8x768xf32, #tpu.memory_space<vmem>>, vector<16xf32>,
          %mul3A_907 = vector.broadcast %squeeze3A_675 : f32 to vector<16xf32>
          %mul3A_908 = arith.mulf %mul3A_907, %get3A_906 : vector<16xf32>
          %add3A_909 = arith.addf %while3A_659, %mul3A_908 : vector<16xf32>
          %get3A_910 = arith.index_cast %while3A_620 : i32 to index
          %get3A_911 = arith.constant 624 : index
          %get3A_912 = tpu.vector_load %arg11[%get3A_910, %get3A_911] {strides = array<i32>} : memref<8x768xf32, #tpu.memory_space<vmem>>, vector<16xf32>,
          %mul3A_913 = vector.broadcast %squeeze3A_675 : f32 to vector<16xf32>
          %mul3A_914 = arith.mulf %mul3A_913, %get3A_912 : vector<16xf32>
          %add3A_915 = arith.addf %while3A_660, %mul3A_914 : vector<16xf32>
          %get3A_916 = arith.index_cast %while3A_620 : i32 to index
          %get3A_917 = arith.constant 640 : index
          %get3A_918 = tpu.vector_load %arg11[%get3A_916, %get3A_917] {strides = array<i32>} : memref<8x768xf32, #tpu.memory_space<vmem>>, vector<16xf32>,
          %mul3A_919 = vector.broadcast %squeeze3A_675 : f32 to vector<16xf32>
          %mul3A_920 = arith.mulf %mul3A_919, %get3A_918 : vector<16xf32>
          %add3A_921 = arith.addf %while3A_661, %mul3A_920 : vector<16xf32>
          %get3A_922 = arith.index_cast %while3A_620 : i32 to index
          %get3A_923 = arith.constant 656 : index
          %get3A_924 = tpu.vector_load %arg11[%get3A_922, %get3A_923] {strides = array<i32>} : memref<8x768xf32, #tpu.memory_space<vmem>>, vector<16xf32>,
          %mul3A_925 = vector.broadcast %squeeze3A_675 : f32 to vector<16xf32>
          %mul3A_926 = arith.mulf %mul3A_925, %get3A_924 : vector<16xf32>
          %add3A_927 = arith.addf %while3A_662, %mul3A_926 : vector<16xf32>
          %get3A_928 = arith.index_cast %while3A_620 : i32 to index
          %get3A_929 = arith.constant 672 : index
          %get3A_930 = tpu.vector_load %arg11[%get3A_928, %get3A_929] {strides = array<i32>} : memref<8x768xf32, #tpu.memory_space<vmem>>, vector<16xf32>,
          %mul3A_931 = vector.broadcast %squeeze3A_675 : f32 to vector<16xf32>
          %mul3A_932 = arith.mulf %mul3A_931, %get3A_930 : vector<16xf32>
          %add3A_933 = arith.addf %while3A_663, %mul3A_932 : vector<16xf32>
          %get3A_934 = arith.index_cast %while3A_620 : i32 to index
          %get3A_935 = arith.constant 688 : index
          %get3A_936 = tpu.vector_load %arg11[%get3A_934, %get3A_935] {strides = array<i32>} : memref<8x768xf32, #tpu.memory_space<vmem>>, vector<16xf32>,
          %mul3A_937 = vector.broadcast %squeeze3A_675 : f32 to vector<16xf32>
          %mul3A_938 = arith.mulf %mul3A_937, %get3A_936 : vector<16xf32>
          %add3A_939 = arith.addf %while3A_664, %mul3A_938 : vector<16xf32>
          %get3A_940 = arith.index_cast %while3A_620 : i32 to index
          %get3A_941 = arith.constant 704 : index
          %get3A_942 = tpu.vector_load %arg11[%get3A_940, %get3A_941] {strides = array<i32>} : memref<8x768xf32, #tpu.memory_space<vmem>>, vector<16xf32>,
          %mul3A_943 = vector.broadcast %squeeze3A_675 : f32 to vector<16xf32>
          %mul3A_944 = arith.mulf %mul3A_943, %get3A_942 : vector<16xf32>
          %add3A_945 = arith.addf %while3A_665, %mul3A_944 : vector<16xf32>
          %get3A_946 = arith.index_cast %while3A_620 : i32 to index
          %get3A_947 = arith.constant 720 : index
          %get3A_948 = tpu.vector_load %arg11[%get3A_946, %get3A_947] {strides = array<i32>} : memref<8x768xf32, #tpu.memory_space<vmem>>, vector<16xf32>,
          %mul3A_949 = vector.broadcast %squeeze3A_675 : f32 to vector<16xf32>
          %mul3A_950 = arith.mulf %mul3A_949, %get3A_948 : vector<16xf32>
          %add3A_951 = arith.addf %while3A_666, %mul3A_950 : vector<16xf32>
          %get3A_952 = arith.index_cast %while3A_620 : i32 to index
          %get3A_953 = arith.constant 736 : index
          %get3A_954 = tpu.vector_load %arg11[%get3A_952, %get3A_953] {strides = array<i32>} : memref<8x768xf32, #tpu.memory_space<vmem>>, vector<16xf32>,
          %mul3A_955 = vector.broadcast %squeeze3A_675 : f32 to vector<16xf32>
          %mul3A_956 = arith.mulf %mul3A_955, %get3A_954 : vector<16xf32>
          %add3A_957 = arith.addf %while3A_667, %mul3A_956 : vector<16xf32>
          %get3A_958 = arith.index_cast %while3A_620 : i32 to index
          %get3A_959 = arith.constant 752 : index
          %get3A_960 = tpu.vector_load %arg11[%get3A_958, %get3A_959] {strides = array<i32>} : memref<8x768xf32, #tpu.memory_space<vmem>>, vector<16xf32>,
          %mul3A_961 = vector.broadcast %squeeze3A_675 : f32 to vector<16xf32>
          %mul3A_962 = arith.mulf %mul3A_961, %get3A_960 : vector<16xf32>
          %add3A_963 = arith.addf %while3A_668, %mul3A_962 : vector<16xf32>
          scf.yield %add3A_681, %add3A_687, %add3A_693, %add3A_699, %add3A_705, %add3A_711, %add3A_717, %add3A_723, %add3A_729, %add3A_735, %add3A_741, %add3A_747, %add3A_753, %add3A_759, %add3A_765, %add3A_771, %add3A_777, %add3A_783, %add3A_789, %add3A_795, %add3A_801, %add3A_807, %add3A_813, %add3A_819, %add3A_825, %add3A_831, %add3A_837, %add3A_843, %add3A_849, %add3A_855, %add3A_861, %add3A_867, %add3A_873, %add3A_879, %add3A_885, %add3A_891, %add3A_897, %add3A_903, %add3A_909, %add3A_915, %add3A_921, %add3A_927, %add3A_933, %add3A_939, %add3A_945, %add3A_951, %add3A_957, %add3A_963 : vector<16xf32>, vector<16xf32>, vector<16xf32>, vector<16xf32>, vector<16xf32>, vector<16xf32>, vector<16xf32>, vector<16xf32>, vector<16xf32>, vector<16xf32>, vector<16xf32>, vector<16xf32>, vector<16xf32>, vector<16xf32>, vector<16xf32>, vector<16xf32>, vector<16xf32>, vector<16xf32>, vector<16xf32>, vector<16xf32>, vector<16xf32>, vector<16xf32>, vector<16xf32>, vector<16xf32>, vector<16xf32>, vector<16xf32>, vector<16xf32>, vector<16xf32>, vector<16xf32>, vector<16xf32>, vector<16xf32>, vector<16xf32>, vector<16xf32>, vector<16xf32>, vector<16xf32>, vector<16xf32>, vector<16xf32>, vector<16xf32>, vector<16xf32>, vector<16xf32>, vector<16xf32>, vector<16xf32>, vector<16xf32>, vector<16xf32>, vector<16xf32>, vector<16xf32>, vector<16xf32>, vector<16xf32>
        }
        scf.yield %while3A_619#0, %while3A_619#1, %while3A_619#2, %while3A_619#3, %while3A_619#4, %while3A_619#5, %while3A_619#6, %while3A_619#7, %while3A_619#8, %while3A_619#9, %while3A_619#10, %while3A_619#11, %while3A_619#12, %while3A_619#13, %while3A_619#14, %while3A_619#15, %while3A_619#16, %while3A_619#17, %while3A_619#18, %while3A_619#19, %while3A_619#20, %while3A_619#21, %while3A_619#22, %while3A_619#23, %while3A_619#24, %while3A_619#25, %while3A_619#26, %while3A_619#27, %while3A_619#28, %while3A_619#29, %while3A_619#30, %while3A_619#31, %while3A_619#32, %while3A_619#33, %while3A_619#34, %while3A_619#35, %while3A_619#36, %while3A_619#37, %while3A_619#38, %while3A_619#39, %while3A_619#40, %while3A_619#41, %while3A_619#42, %while3A_619#43, %while3A_619#44, %while3A_619#45, %while3A_619#46, %while3A_619#47 : vector<16xf32>, vector<16xf32>, vector<16xf32>, vector<16xf32>, vector<16xf32>, vector<16xf32>, vector<16xf32>, vector<16xf32>, vector<16xf32>, vector<16xf32>, vector<16xf32>, vector<16xf32>, vector<16xf32>, vector<16xf32>, vector<16xf32>, vector<16xf32>, vector<16xf32>, vector<16xf32>, vector<16xf32>, vector<16xf32>, vector<16xf32>, vector<16xf32>, vector<16xf32>, vector<16xf32>, vector<16xf32>, vector<16xf32>, vector<16xf32>, vector<16xf32>, vector<16xf32>, vector<16xf32>, vector<16xf32>, vector<16xf32>, vector<16xf32>, vector<16xf32>, vector<16xf32>, vector<16xf32>, vector<16xf32>, vector<16xf32>, vector<16xf32>, vector<16xf32>, vector<16xf32>, vector<16xf32>, vector<16xf32>, vector<16xf32>, vector<16xf32>, vector<16xf32>, vector<16xf32>, vector<16xf32>
      }
      scf.yield %cond3A_603#0, %cond3A_603#1, %cond3A_603#2, %cond3A_603#3, %cond3A_603#4, %cond3A_603#5, %cond3A_603#6, %cond3A_603#7, %cond3A_603#8, %cond3A_603#9, %cond3A_603#10, %cond3A_603#11, %cond3A_603#12, %cond3A_603#13, %cond3A_603#14, %cond3A_603#15, %cond3A_603#16, %cond3A_603#17, %cond3A_603#18, %cond3A_603#19, %cond3A_603#20, %cond3A_603#21, %cond3A_603#22, %cond3A_603#23, %cond3A_603#24, %cond3A_603#25, %cond3A_603#26, %cond3A_603#27, %cond3A_603#28, %cond3A_603#29, %cond3A_603#30, %cond3A_603#31, %cond3A_603#32, %cond3A_603#33, %cond3A_603#34, %cond3A_603#35, %cond3A_603#36, %cond3A_603#37, %cond3A_603#38, %cond3A_603#39, %cond3A_603#40, %cond3A_603#41, %cond3A_603#42, %cond3A_603#43, %cond3A_603#44, %cond3A_603#45, %cond3A_603#46, %cond3A_603#47 : vector<16xf32>, vector<16xf32>, vector<16xf32>, vector<16xf32>, vector<16xf32>, vector<16xf32>, vector<16xf32>, vector<16xf32>, vector<16xf32>, vector<16xf32>, vector<16xf32>, vector<16xf32>, vector<16xf32>, vector<16xf32>, vector<16xf32>, vector<16xf32>, vector<16xf32>, vector<16xf32>, vector<16xf32>, vector<16xf32>, vector<16xf32>, vector<16xf32>, vector<16xf32>, vector<16xf32>, vector<16xf32>, vector<16xf32>, vector<16xf32>, vector<16xf32>, vector<16xf32>, vector<16xf32>, vector<16xf32>, vector<16xf32>, vector<16xf32>, vector<16xf32>, vector<16xf32>, vector<16xf32>, vector<16xf32>, vector<16xf32>, vector<16xf32>, vector<16xf32>, vector<16xf32>, vector<16xf32>, vector<16xf32>, vector<16xf32>, vector<16xf32>, vector<16xf32>, vector<16xf32>, vector<16xf32>
    }
    %swap3A_345 = arith.constant 0 : i32
    %swap3A_346 = arith.index_cast %swap3A_345 : i32 to index
    %swap3A_347 = arith.constant 0 : index
    %swap3A_348 = tpu.vector_load %arg9[%swap3A_346, %swap3A_347] {strides = array<i32>} : memref<1x768xf32, #tpu.memory_space<vmem>>, vector<16xf32>,
    tpu.vector_store %arg9[%swap3A_346, %swap3A_347], %while3A_344#0 {strides = array<i32>} : memref<1x768xf32, #tpu.memory_space<vmem>>, vector<16xf32>,
    %swap3A_349 = arith.constant 0 : i32
    %swap3A_350 = arith.index_cast %swap3A_349 : i32 to index
    %swap3A_351 = arith.constant 16 : index
    %swap3A_352 = tpu.vector_load %arg9[%swap3A_350, %swap3A_351] {strides = array<i32>} : memref<1x768xf32, #tpu.memory_space<vmem>>, vector<16xf32>,
    tpu.vector_store %arg9[%swap3A_350, %swap3A_351], %while3A_344#1 {strides = array<i32>} : memref<1x768xf32, #tpu.memory_space<vmem>>, vector<16xf32>,
    %swap3A_353 = arith.constant 0 : i32
    %swap3A_354 = arith.index_cast %swap3A_353 : i32 to index
    %swap3A_355 = arith.constant 32 : index
    %swap3A_356 = tpu.vector_load %arg9[%swap3A_354, %swap3A_355] {strides = array<i32>} : memref<1x768xf32, #tpu.memory_space<vmem>>, vector<16xf32>,
    tpu.vector_store %arg9[%swap3A_354, %swap3A_355], %while3A_344#2 {strides = array<i32>} : memref<1x768xf32, #tpu.memory_space<vmem>>, vector<16xf32>,
    %swap3A_357 = arith.constant 0 : i32
    %swap3A_358 = arith.index_cast %swap3A_357 : i32 to index
    %swap3A_359 = arith.constant 48 : index
    %swap3A_360 = tpu.vector_load %arg9[%swap3A_358, %swap3A_359] {strides = array<i32>} : memref<1x768xf32, #tpu.memory_space<vmem>>, vector<16xf32>,
    tpu.vector_store %arg9[%swap3A_358, %swap3A_359], %while3A_344#3 {strides = array<i32>} : memref<1x768xf32, #tpu.memory_space<vmem>>, vector<16xf32>,
    %swap3A_361 = arith.constant 0 : i32
    %swap3A_362 = arith.index_cast %swap3A_361 : i32 to index
    %swap3A_363 = arith.constant 64 : index
    %swap3A_364 = tpu.vector_load %arg9[%swap3A_362, %swap3A_363] {strides = array<i32>} : memref<1x768xf32, #tpu.memory_space<vmem>>, vector<16xf32>,
    tpu.vector_store %arg9[%swap3A_362, %swap3A_363], %while3A_344#4 {strides = array<i32>} : memref<1x768xf32, #tpu.memory_space<vmem>>, vector<16xf32>,
    %swap3A_365 = arith.constant 0 : i32
    %swap3A_366 = arith.index_cast %swap3A_365 : i32 to index
    %swap3A_367 = arith.constant 80 : index
    %swap3A_368 = tpu.vector_load %arg9[%swap3A_366, %swap3A_367] {strides = array<i32>} : memref<1x768xf32, #tpu.memory_space<vmem>>, vector<16xf32>,
    tpu.vector_store %arg9[%swap3A_366, %swap3A_367], %while3A_344#5 {strides = array<i32>} : memref<1x768xf32, #tpu.memory_space<vmem>>, vector<16xf32>,
    %swap3A_369 = arith.constant 0 : i32
    %swap3A_370 = arith.index_cast %swap3A_369 : i32 to index
    %swap3A_371 = arith.constant 96 : index
    %swap3A_372 = tpu.vector_load %arg9[%swap3A_370, %swap3A_371] {strides = array<i32>} : memref<1x768xf32, #tpu.memory_space<vmem>>, vector<16xf32>,
    tpu.vector_store %arg9[%swap3A_370, %swap3A_371], %while3A_344#6 {strides = array<i32>} : memref<1x768xf32, #tpu.memory_space<vmem>>, vector<16xf32>,
    %swap3A_373 = arith.constant 0 : i32
    %swap3A_374 = arith.index_cast %swap3A_373 : i32 to index
    %swap3A_375 = arith.constant 112 : index
    %swap3A_376 = tpu.vector_load %arg9[%swap3A_374, %swap3A_375] {strides = array<i32>} : memref<1x768xf32, #tpu.memory_space<vmem>>, vector<16xf32>,
    tpu.vector_store %arg9[%swap3A_374, %swap3A_375], %while3A_344#7 {strides = array<i32>} : memref<1x768xf32, #tpu.memory_space<vmem>>, vector<16xf32>,
    %swap3A_377 = arith.constant 0 : i32
    %swap3A_378 = arith.index_cast %swap3A_377 : i32 to index
    %swap3A_379 = arith.constant 128 : index
    %swap3A_380 = tpu.vector_load %arg9[%swap3A_378, %swap3A_379] {strides = array<i32>} : memref<1x768xf32, #tpu.memory_space<vmem>>, vector<16xf32>,
    tpu.vector_store %arg9[%swap3A_378, %swap3A_379], %while3A_344#8 {strides = array<i32>} : memref<1x768xf32, #tpu.memory_space<vmem>>, vector<16xf32>,
    %swap3A_381 = arith.constant 0 : i32
    %swap3A_382 = arith.index_cast %swap3A_381 : i32 to index
    %swap3A_383 = arith.constant 144 : index
    %swap3A_384 = tpu.vector_load %arg9[%swap3A_382, %swap3A_383] {strides = array<i32>} : memref<1x768xf32, #tpu.memory_space<vmem>>, vector<16xf32>,
    tpu.vector_store %arg9[%swap3A_382, %swap3A_383], %while3A_344#9 {strides = array<i32>} : memref<1x768xf32, #tpu.memory_space<vmem>>, vector<16xf32>,
    %swap3A_385 = arith.constant 0 : i32
    %swap3A_386 = arith.index_cast %swap3A_385 : i32 to index
    %swap3A_387 = arith.constant 160 : index
    %swap3A_388 = tpu.vector_load %arg9[%swap3A_386, %swap3A_387] {strides = array<i32>} : memref<1x768xf32, #tpu.memory_space<vmem>>, vector<16xf32>,
    tpu.vector_store %arg9[%swap3A_386, %swap3A_387], %while3A_344#10 {strides = array<i32>} : memref<1x768xf32, #tpu.memory_space<vmem>>, vector<16xf32>,
    %swap3A_389 = arith.constant 0 : i32
    %swap3A_390 = arith.index_cast %swap3A_389 : i32 to index
    %swap3A_391 = arith.constant 176 : index
    %swap3A_392 = tpu.vector_load %arg9[%swap3A_390, %swap3A_391] {strides = array<i32>} : memref<1x768xf32, #tpu.memory_space<vmem>>, vector<16xf32>,
    tpu.vector_store %arg9[%swap3A_390, %swap3A_391], %while3A_344#11 {strides = array<i32>} : memref<1x768xf32, #tpu.memory_space<vmem>>, vector<16xf32>,
    %swap3A_393 = arith.constant 0 : i32
    %swap3A_394 = arith.index_cast %swap3A_393 : i32 to index
    %swap3A_395 = arith.constant 192 : index
    %swap3A_396 = tpu.vector_load %arg9[%swap3A_394, %swap3A_395] {strides = array<i32>} : memref<1x768xf32, #tpu.memory_space<vmem>>, vector<16xf32>,
    tpu.vector_store %arg9[%swap3A_394, %swap3A_395], %while3A_344#12 {strides = array<i32>} : memref<1x768xf32, #tpu.memory_space<vmem>>, vector<16xf32>,
    %swap3A_397 = arith.constant 0 : i32
    %swap3A_398 = arith.index_cast %swap3A_397 : i32 to index
    %swap3A_399 = arith.constant 208 : index
    %swap3A_400 = tpu.vector_load %arg9[%swap3A_398, %swap3A_399] {strides = array<i32>} : memref<1x768xf32, #tpu.memory_space<vmem>>, vector<16xf32>,
    tpu.vector_store %arg9[%swap3A_398, %swap3A_399], %while3A_344#13 {strides = array<i32>} : memref<1x768xf32, #tpu.memory_space<vmem>>, vector<16xf32>,
    %swap3A_401 = arith.constant 0 : i32
    %swap3A_402 = arith.index_cast %swap3A_401 : i32 to index
    %swap3A_403 = arith.constant 224 : index
    %swap3A_404 = tpu.vector_load %arg9[%swap3A_402, %swap3A_403] {strides = array<i32>} : memref<1x768xf32, #tpu.memory_space<vmem>>, vector<16xf32>,
    tpu.vector_store %arg9[%swap3A_402, %swap3A_403], %while3A_344#14 {strides = array<i32>} : memref<1x768xf32, #tpu.memory_space<vmem>>, vector<16xf32>,
    %swap3A_405 = arith.constant 0 : i32
    %swap3A_406 = arith.index_cast %swap3A_405 : i32 to index
    %swap3A_407 = arith.constant 240 : index
    %swap3A_408 = tpu.vector_load %arg9[%swap3A_406, %swap3A_407] {strides = array<i32>} : memref<1x768xf32, #tpu.memory_space<vmem>>, vector<16xf32>,
    tpu.vector_store %arg9[%swap3A_406, %swap3A_407], %while3A_344#15 {strides = array<i32>} : memref<1x768xf32, #tpu.memory_space<vmem>>, vector<16xf32>,
    %swap3A_409 = arith.constant 0 : i32
    %swap3A_410 = arith.index_cast %swap3A_409 : i32 to index
    %swap3A_411 = arith.constant 256 : index
    %swap3A_412 = tpu.vector_load %arg9[%swap3A_410, %swap3A_411] {strides = array<i32>} : memref<1x768xf32, #tpu.memory_space<vmem>>, vector<16xf32>,
    tpu.vector_store %arg9[%swap3A_410, %swap3A_411], %while3A_344#16 {strides = array<i32>} : memref<1x768xf32, #tpu.memory_space<vmem>>, vector<16xf32>,
    %swap3A_413 = arith.constant 0 : i32
    %swap3A_414 = arith.index_cast %swap3A_413 : i32 to index
    %swap3A_415 = arith.constant 272 : index
    %swap3A_416 = tpu.vector_load %arg9[%swap3A_414, %swap3A_415] {strides = array<i32>} : memref<1x768xf32, #tpu.memory_space<vmem>>, vector<16xf32>,
    tpu.vector_store %arg9[%swap3A_414, %swap3A_415], %while3A_344#17 {strides = array<i32>} : memref<1x768xf32, #tpu.memory_space<vmem>>, vector<16xf32>,
    %swap3A_417 = arith.constant 0 : i32
    %swap3A_418 = arith.index_cast %swap3A_417 : i32 to index
    %swap3A_419 = arith.constant 288 : index
    %swap3A_420 = tpu.vector_load %arg9[%swap3A_418, %swap3A_419] {strides = array<i32>} : memref<1x768xf32, #tpu.memory_space<vmem>>, vector<16xf32>,
    tpu.vector_store %arg9[%swap3A_418, %swap3A_419], %while3A_344#18 {strides = array<i32>} : memref<1x768xf32, #tpu.memory_space<vmem>>, vector<16xf32>,
    %swap3A_421 = arith.constant 0 : i32
    %swap3A_422 = arith.index_cast %swap3A_421 : i32 to index
    %swap3A_423 = arith.constant 304 : index
    %swap3A_424 = tpu.vector_load %arg9[%swap3A_422, %swap3A_423] {strides = array<i32>} : memref<1x768xf32, #tpu.memory_space<vmem>>, vector<16xf32>,
    tpu.vector_store %arg9[%swap3A_422, %swap3A_423], %while3A_344#19 {strides = array<i32>} : memref<1x768xf32, #tpu.memory_space<vmem>>, vector<16xf32>,
    %swap3A_425 = arith.constant 0 : i32
    %swap3A_426 = arith.index_cast %swap3A_425 : i32 to index
    %swap3A_427 = arith.constant 320 : index
    %swap3A_428 = tpu.vector_load %arg9[%swap3A_426, %swap3A_427] {strides = array<i32>} : memref<1x768xf32, #tpu.memory_space<vmem>>, vector<16xf32>,
    tpu.vector_store %arg9[%swap3A_426, %swap3A_427], %while3A_344#20 {strides = array<i32>} : memref<1x768xf32, #tpu.memory_space<vmem>>, vector<16xf32>,
    %swap3A_429 = arith.constant 0 : i32
    %swap3A_430 = arith.index_cast %swap3A_429 : i32 to index
    %swap3A_431 = arith.constant 336 : index
    %swap3A_432 = tpu.vector_load %arg9[%swap3A_430, %swap3A_431] {strides = array<i32>} : memref<1x768xf32, #tpu.memory_space<vmem>>, vector<16xf32>,
    tpu.vector_store %arg9[%swap3A_430, %swap3A_431], %while3A_344#21 {strides = array<i32>} : memref<1x768xf32, #tpu.memory_space<vmem>>, vector<16xf32>,
    %swap3A_433 = arith.constant 0 : i32
    %swap3A_434 = arith.index_cast %swap3A_433 : i32 to index
    %swap3A_435 = arith.constant 352 : index
    %swap3A_436 = tpu.vector_load %arg9[%swap3A_434, %swap3A_435] {strides = array<i32>} : memref<1x768xf32, #tpu.memory_space<vmem>>, vector<16xf32>,
    tpu.vector_store %arg9[%swap3A_434, %swap3A_435], %while3A_344#22 {strides = array<i32>} : memref<1x768xf32, #tpu.memory_space<vmem>>, vector<16xf32>,
    %swap3A_437 = arith.constant 0 : i32
    %swap3A_438 = arith.index_cast %swap3A_437 : i32 to index
    %swap3A_439 = arith.constant 368 : index
    %swap3A_440 = tpu.vector_load %arg9[%swap3A_438, %swap3A_439] {strides = array<i32>} : memref<1x768xf32, #tpu.memory_space<vmem>>, vector<16xf32>,
    tpu.vector_store %arg9[%swap3A_438, %swap3A_439], %while3A_344#23 {strides = array<i32>} : memref<1x768xf32, #tpu.memory_space<vmem>>, vector<16xf32>,
    %swap3A_441 = arith.constant 0 : i32
    %swap3A_442 = arith.index_cast %swap3A_441 : i32 to index
    %swap3A_443 = arith.constant 384 : index
    %swap3A_444 = tpu.vector_load %arg9[%swap3A_442, %swap3A_443] {strides = array<i32>} : memref<1x768xf32, #tpu.memory_space<vmem>>, vector<16xf32>,
    tpu.vector_store %arg9[%swap3A_442, %swap3A_443], %while3A_344#24 {strides = array<i32>} : memref<1x768xf32, #tpu.memory_space<vmem>>, vector<16xf32>,
    %swap3A_445 = arith.constant 0 : i32
    %swap3A_446 = arith.index_cast %swap3A_445 : i32 to index
    %swap3A_447 = arith.constant 400 : index
    %swap3A_448 = tpu.vector_load %arg9[%swap3A_446, %swap3A_447] {strides = array<i32>} : memref<1x768xf32, #tpu.memory_space<vmem>>, vector<16xf32>,
    tpu.vector_store %arg9[%swap3A_446, %swap3A_447], %while3A_344#25 {strides = array<i32>} : memref<1x768xf32, #tpu.memory_space<vmem>>, vector<16xf32>,
    %swap3A_449 = arith.constant 0 : i32
    %swap3A_450 = arith.index_cast %swap3A_449 : i32 to index
    %swap3A_451 = arith.constant 416 : index
    %swap3A_452 = tpu.vector_load %arg9[%swap3A_450, %swap3A_451] {strides = array<i32>} : memref<1x768xf32, #tpu.memory_space<vmem>>, vector<16xf32>,
    tpu.vector_store %arg9[%swap3A_450, %swap3A_451], %while3A_344#26 {strides = array<i32>} : memref<1x768xf32, #tpu.memory_space<vmem>>, vector<16xf32>,
    %swap3A_453 = arith.constant 0 : i32
    %swap3A_454 = arith.index_cast %swap3A_453 : i32 to index
    %swap3A_455 = arith.constant 432 : index
    %swap3A_456 = tpu.vector_load %arg9[%swap3A_454, %swap3A_455] {strides = array<i32>} : memref<1x768xf32, #tpu.memory_space<vmem>>, vector<16xf32>,
    tpu.vector_store %arg9[%swap3A_454, %swap3A_455], %while3A_344#27 {strides = array<i32>} : memref<1x768xf32, #tpu.memory_space<vmem>>, vector<16xf32>,
    %swap3A_457 = arith.constant 0 : i32
    %swap3A_458 = arith.index_cast %swap3A_457 : i32 to index
    %swap3A_459 = arith.constant 448 : index
    %swap3A_460 = tpu.vector_load %arg9[%swap3A_458, %swap3A_459] {strides = array<i32>} : memref<1x768xf32, #tpu.memory_space<vmem>>, vector<16xf32>,
    tpu.vector_store %arg9[%swap3A_458, %swap3A_459], %while3A_344#28 {strides = array<i32>} : memref<1x768xf32, #tpu.memory_space<vmem>>, vector<16xf32>,
    %swap3A_461 = arith.constant 0 : i32
    %swap3A_462 = arith.index_cast %swap3A_461 : i32 to index
    %swap3A_463 = arith.constant 464 : index
    %swap3A_464 = tpu.vector_load %arg9[%swap3A_462, %swap3A_463] {strides = array<i32>} : memref<1x768xf32, #tpu.memory_space<vmem>>, vector<16xf32>,
    tpu.vector_store %arg9[%swap3A_462, %swap3A_463], %while3A_344#29 {strides = array<i32>} : memref<1x768xf32, #tpu.memory_space<vmem>>, vector<16xf32>,
    %swap3A_465 = arith.constant 0 : i32
    %swap3A_466 = arith.index_cast %swap3A_465 : i32 to index
    %swap3A_467 = arith.constant 480 : index
    %swap3A_468 = tpu.vector_load %arg9[%swap3A_466, %swap3A_467] {strides = array<i32>} : memref<1x768xf32, #tpu.memory_space<vmem>>, vector<16xf32>,
    tpu.vector_store %arg9[%swap3A_466, %swap3A_467], %while3A_344#30 {strides = array<i32>} : memref<1x768xf32, #tpu.memory_space<vmem>>, vector<16xf32>,
    %swap3A_469 = arith.constant 0 : i32
    %swap3A_470 = arith.index_cast %swap3A_469 : i32 to index
    %swap3A_471 = arith.constant 496 : index
    %swap3A_472 = tpu.vector_load %arg9[%swap3A_470, %swap3A_471] {strides = array<i32>} : memref<1x768xf32, #tpu.memory_space<vmem>>, vector<16xf32>,
    tpu.vector_store %arg9[%swap3A_470, %swap3A_471], %while3A_344#31 {strides = array<i32>} : memref<1x768xf32, #tpu.memory_space<vmem>>, vector<16xf32>,
    %swap3A_473 = arith.constant 0 : i32
    %swap3A_474 = arith.index_cast %swap3A_473 : i32 to index
    %swap3A_475 = arith.constant 512 : index
    %swap3A_476 = tpu.vector_load %arg9[%swap3A_474, %swap3A_475] {strides = array<i32>} : memref<1x768xf32, #tpu.memory_space<vmem>>, vector<16xf32>,
    tpu.vector_store %arg9[%swap3A_474, %swap3A_475], %while3A_344#32 {strides = array<i32>} : memref<1x768xf32, #tpu.memory_space<vmem>>, vector<16xf32>,
    %swap3A_477 = arith.constant 0 : i32
    %swap3A_478 = arith.index_cast %swap3A_477 : i32 to index
    %swap3A_479 = arith.constant 528 : index
    %swap3A_480 = tpu.vector_load %arg9[%swap3A_478, %swap3A_479] {strides = array<i32>} : memref<1x768xf32, #tpu.memory_space<vmem>>, vector<16xf32>,
    tpu.vector_store %arg9[%swap3A_478, %swap3A_479], %while3A_344#33 {strides = array<i32>} : memref<1x768xf32, #tpu.memory_space<vmem>>, vector<16xf32>,
    %swap3A_481 = arith.constant 0 : i32
    %swap3A_482 = arith.index_cast %swap3A_481 : i32 to index
    %swap3A_483 = arith.constant 544 : index
    %swap3A_484 = tpu.vector_load %arg9[%swap3A_482, %swap3A_483] {strides = array<i32>} : memref<1x768xf32, #tpu.memory_space<vmem>>, vector<16xf32>,
    tpu.vector_store %arg9[%swap3A_482, %swap3A_483], %while3A_344#34 {strides = array<i32>} : memref<1x768xf32, #tpu.memory_space<vmem>>, vector<16xf32>,
    %swap3A_485 = arith.constant 0 : i32
    %swap3A_486 = arith.index_cast %swap3A_485 : i32 to index
    %swap3A_487 = arith.constant 560 : index
    %swap3A_488 = tpu.vector_load %arg9[%swap3A_486, %swap3A_487] {strides = array<i32>} : memref<1x768xf32, #tpu.memory_space<vmem>>, vector<16xf32>,
    tpu.vector_store %arg9[%swap3A_486, %swap3A_487], %while3A_344#35 {strides = array<i32>} : memref<1x768xf32, #tpu.memory_space<vmem>>, vector<16xf32>,
    %swap3A_489 = arith.constant 0 : i32
    %swap3A_490 = arith.index_cast %swap3A_489 : i32 to index
    %swap3A_491 = arith.constant 576 : index
    %swap3A_492 = tpu.vector_load %arg9[%swap3A_490, %swap3A_491] {strides = array<i32>} : memref<1x768xf32, #tpu.memory_space<vmem>>, vector<16xf32>,
    tpu.vector_store %arg9[%swap3A_490, %swap3A_491], %while3A_344#36 {strides = array<i32>} : memref<1x768xf32, #tpu.memory_space<vmem>>, vector<16xf32>,
    %swap3A_493 = arith.constant 0 : i32
    %swap3A_494 = arith.index_cast %swap3A_493 : i32 to index
    %swap3A_495 = arith.constant 592 : index
    %swap3A_496 = tpu.vector_load %arg9[%swap3A_494, %swap3A_495] {strides = array<i32>} : memref<1x768xf32, #tpu.memory_space<vmem>>, vector<16xf32>,
    tpu.vector_store %arg9[%swap3A_494, %swap3A_495], %while3A_344#37 {strides = array<i32>} : memref<1x768xf32, #tpu.memory_space<vmem>>, vector<16xf32>,
    %swap3A_497 = arith.constant 0 : i32
    %swap3A_498 = arith.index_cast %swap3A_497 : i32 to index
    %swap3A_499 = arith.constant 608 : index
    %swap3A_500 = tpu.vector_load %arg9[%swap3A_498, %swap3A_499] {strides = array<i32>} : memref<1x768xf32, #tpu.memory_space<vmem>>, vector<16xf32>,
    tpu.vector_store %arg9[%swap3A_498, %swap3A_499], %while3A_344#38 {strides = array<i32>} : memref<1x768xf32, #tpu.memory_space<vmem>>, vector<16xf32>,
    %swap3A_501 = arith.constant 0 : i32
    %swap3A_502 = arith.index_cast %swap3A_501 : i32 to index
    %swap3A_503 = arith.constant 624 : index
    %swap3A_504 = tpu.vector_load %arg9[%swap3A_502, %swap3A_503] {strides = array<i32>} : memref<1x768xf32, #tpu.memory_space<vmem>>, vector<16xf32>,
    tpu.vector_store %arg9[%swap3A_502, %swap3A_503], %while3A_344#39 {strides = array<i32>} : memref<1x768xf32, #tpu.memory_space<vmem>>, vector<16xf32>,
    %swap3A_505 = arith.constant 0 : i32
    %swap3A_506 = arith.index_cast %swap3A_505 : i32 to index
    %swap3A_507 = arith.constant 640 : index
    %swap3A_508 = tpu.vector_load %arg9[%swap3A_506, %swap3A_507] {strides = array<i32>} : memref<1x768xf32, #tpu.memory_space<vmem>>, vector<16xf32>,
    tpu.vector_store %arg9[%swap3A_506, %swap3A_507], %while3A_344#40 {strides = array<i32>} : memref<1x768xf32, #tpu.memory_space<vmem>>, vector<16xf32>,
    %swap3A_509 = arith.constant 0 : i32
    %swap3A_510 = arith.index_cast %swap3A_509 : i32 to index
    %swap3A_511 = arith.constant 656 : index
    %swap3A_512 = tpu.vector_load %arg9[%swap3A_510, %swap3A_511] {strides = array<i32>} : memref<1x768xf32, #tpu.memory_space<vmem>>, vector<16xf32>,
    tpu.vector_store %arg9[%swap3A_510, %swap3A_511], %while3A_344#41 {strides = array<i32>} : memref<1x768xf32, #tpu.memory_space<vmem>>, vector<16xf32>,
    %swap3A_513 = arith.constant 0 : i32
    %swap3A_514 = arith.index_cast %swap3A_513 : i32 to index
    %swap3A_515 = arith.constant 672 : index
    %swap3A_516 = tpu.vector_load %arg9[%swap3A_514, %swap3A_515] {strides = array<i32>} : memref<1x768xf32, #tpu.memory_space<vmem>>, vector<16xf32>,
    tpu.vector_store %arg9[%swap3A_514, %swap3A_515], %while3A_344#42 {strides = array<i32>} : memref<1x768xf32, #tpu.memory_space<vmem>>, vector<16xf32>,
    %swap3A_517 = arith.constant 0 : i32
    %swap3A_518 = arith.index_cast %swap3A_517 : i32 to index
    %swap3A_519 = arith.constant 688 : index
    %swap3A_520 = tpu.vector_load %arg9[%swap3A_518, %swap3A_519] {strides = array<i32>} : memref<1x768xf32, #tpu.memory_space<vmem>>, vector<16xf32>,
    tpu.vector_store %arg9[%swap3A_518, %swap3A_519], %while3A_344#43 {strides = array<i32>} : memref<1x768xf32, #tpu.memory_space<vmem>>, vector<16xf32>,
    %swap3A_521 = arith.constant 0 : i32
    %swap3A_522 = arith.index_cast %swap3A_521 : i32 to index
    %swap3A_523 = arith.constant 704 : index
    %swap3A_524 = tpu.vector_load %arg9[%swap3A_522, %swap3A_523] {strides = array<i32>} : memref<1x768xf32, #tpu.memory_space<vmem>>, vector<16xf32>,
    tpu.vector_store %arg9[%swap3A_522, %swap3A_523], %while3A_344#44 {strides = array<i32>} : memref<1x768xf32, #tpu.memory_space<vmem>>, vector<16xf32>,
    %swap3A_525 = arith.constant 0 : i32
    %swap3A_526 = arith.index_cast %swap3A_525 : i32 to index
    %swap3A_527 = arith.constant 720 : index
    %swap3A_528 = tpu.vector_load %arg9[%swap3A_526, %swap3A_527] {strides = array<i32>} : memref<1x768xf32, #tpu.memory_space<vmem>>, vector<16xf32>,
    tpu.vector_store %arg9[%swap3A_526, %swap3A_527], %while3A_344#45 {strides = array<i32>} : memref<1x768xf32, #tpu.memory_space<vmem>>, vector<16xf32>,
    %swap3A_529 = arith.constant 0 : i32
    %swap3A_530 = arith.index_cast %swap3A_529 : i32 to index
    %swap3A_531 = arith.constant 736 : index
    %swap3A_532 = tpu.vector_load %arg9[%swap3A_530, %swap3A_531] {strides = array<i32>} : memref<1x768xf32, #tpu.memory_space<vmem>>, vector<16xf32>,
    tpu.vector_store %arg9[%swap3A_530, %swap3A_531], %while3A_344#46 {strides = array<i32>} : memref<1x768xf32, #tpu.memory_space<vmem>>, vector<16xf32>,
    %swap3A_533 = arith.constant 0 : i32
    %swap3A_534 = arith.index_cast %swap3A_533 : i32 to index
    %swap3A_535 = arith.constant 752 : index
    %swap3A_536 = tpu.vector_load %arg9[%swap3A_534, %swap3A_535] {strides = array<i32>} : memref<1x768xf32, #tpu.memory_space<vmem>>, vector<16xf32>,
    tpu.vector_store %arg9[%swap3A_534, %swap3A_535], %while3A_344#47 {strides = array<i32>} : memref<1x768xf32, #tpu.memory_space<vmem>>, vector<16xf32>,
    "tpu.region"() ({
      %run_scoped3A = tpu.sem_alloc : memref<!tpu.dma_semaphore, #tpu.memory_space<semaphore_mem>>
      %dma_start3A = arith.constant 0 : i32
      %dma_start3A_537 = tpu.memref_slice %arg5[%add3A, %dma_start3A] : memref<32x768xf32, #tpu.memory_space<hbm>> -> memref<1x768xf32, #tpu.memory_space<hbm>>
      %dma_start3A_538 = arith.constant 0 : i32
      %dma_start3A_539 = tpu.memref_slice %arg5[%add3A, %dma_start3A_538] : memref<32x768xf32, #tpu.memory_space<hbm>> -> memref<1x768xf32, #tpu.memory_space<hbm>>
      tpu.enqueue_dma source(%arg9 : memref<1x768xf32, #tpu.memory_space<vmem>>) target(%dma_start3A_539 : memref<1x768xf32, #tpu.memory_space<hbm>>) target_semaphore(%run_scoped3A : memref<!tpu.dma_semaphore, #tpu.memory_space<semaphore_mem>>)
      %dma_wait3A = arith.constant 0 : i32
      %dma_wait3A_540 = tpu.memref_slice %arg5[%add3A, %dma_wait3A] : memref<32x768xf32, #tpu.memory_space<hbm>> -> memref<1x768xf32, #tpu.memory_space<hbm>>
      %dma_wait3A_541 = arith.constant 0 : i32
      %dma_wait3A_542 = tpu.memref_slice %arg5[%add3A, %dma_wait3A_541] : memref<32x768xf32, #tpu.memory_space<hbm>> -> memref<1x768xf32, #tpu.memory_space<hbm>>
      tpu.wait_dma2 semaphore(%run_scoped3A : memref<!tpu.dma_semaphore, #tpu.memory_space<semaphore_mem>>) src(%arg9 : memref<1x768xf32, #tpu.memory_space<vmem>>) dst(%dma_wait3A_542 : memref<1x768xf32, #tpu.memory_space<hbm>>)
      tpu.yield
    }) : () -> ()
    return
  }
}

module attributes {stable_mosaic.version = 14 : i64} {
  func.func @_k4_body(%arg0: memref<2x4xf32, #tpu.memory_space<smem>>, %arg1: memref<4x1x768xf32, #tpu.memory_space<vmem>>, %arg2: memref<32x768xf32, #tpu.memory_space<vmem>>, %arg3: memref<4x1x768xf32, #tpu.memory_space<vmem>>) attributes {dimension_semantics = [], scalar_prefetch = 0 : i64, scratch_operands = 0 : i64, tpu.core_type = #tpu.core_type<tc>} {
    %get3A = arith.constant 1 : index
    %get3A_0 = arith.constant 0 : index
    %get3A_1 = memref.load %arg0[%get3A, %get3A_0] : memref<2x4xf32, #tpu.memory_space<smem>>
    %get3A_2 = arith.constant 0 : index
    %get3A_3 = arith.constant 0 : index
    %get3A_4 = vector.load %arg2[%get3A_2, %get3A_3] : memref<32x768xf32, #tpu.memory_space<vmem>>, vector<8x768xf32>
    %reduce_sum3A = arith.constant dense<0.000000e+00> : vector<768xf32>
    %reduce_sum3A_5 = vector.multi_reduction <add>, %get3A_4, %reduce_sum3A [0] : vector<8x768xf32> to vector<768xf32>
    %broadcast_in_dim3A = vector.shape_cast %reduce_sum3A_5 : vector<768xf32> to vector<1x768xf32>
    %get3A_6 = arith.constant 0 : index
    %get3A_7 = arith.constant 0 : index
    %get3A_8 = arith.constant 0 : index
    %get3A_9 = vector.load %arg1[%get3A_6, %get3A_7, %get3A_8] : memref<4x1x768xf32, #tpu.memory_space<vmem>>, vector<1x1x768xf32>
    %get3A_10 = vector.shape_cast %get3A_9 : vector<1x1x768xf32> to vector<1x768xf32>
    %mul3A = arith.constant 5.000000e-01 : f32
    %mul3A_11 = vector.broadcast %mul3A : f32 to vector<1x768xf32>
    %mul3A_12 = arith.mulf %mul3A_11, %broadcast_in_dim3A : vector<1x768xf32>
    %add3A = arith.addf %get3A_10, %mul3A_12 : vector<1x768xf32>
    %mul3A_13 = vector.broadcast %get3A_1 : f32 to vector<1x768xf32>
    %mul3A_14 = arith.mulf %add3A, %mul3A_13 : vector<1x768xf32>
    %swap3A = arith.constant 0 : index
    %swap3A_15 = arith.constant 0 : index
    %swap3A_16 = arith.constant 0 : index
    %swap3A_17 = vector.load %arg3[%swap3A, %swap3A_15, %swap3A_16] : memref<4x1x768xf32, #tpu.memory_space<vmem>>, vector<1x1x768xf32>
    %swap3A_18 = vector.shape_cast %swap3A_17 : vector<1x1x768xf32> to vector<1x768xf32>
    %swap3A_19 = vector.shape_cast %mul3A_14 : vector<1x768xf32> to vector<1x1x768xf32>
    tpu.vector_store %arg3[%swap3A, %swap3A_15, %swap3A_16], %swap3A_19 {strides = array<i32>} : memref<4x1x768xf32, #tpu.memory_space<vmem>>, vector<1x1x768xf32>,
    %get3A_20 = arith.constant 1 : index
    %get3A_21 = arith.constant 1 : index
    %get3A_22 = memref.load %arg0[%get3A_20, %get3A_21] : memref<2x4xf32, #tpu.memory_space<smem>>
    %get3A_23 = arith.constant 8 : index
    %get3A_24 = arith.constant 0 : index
    %get3A_25 = vector.load %arg2[%get3A_23, %get3A_24] : memref<32x768xf32, #tpu.memory_space<vmem>>, vector<8x768xf32>
    %reduce_sum3A_26 = arith.constant dense<0.000000e+00> : vector<768xf32>
    %reduce_sum3A_27 = vector.multi_reduction <add>, %get3A_25, %reduce_sum3A_26 [0] : vector<8x768xf32> to vector<768xf32>
    %broadcast_in_dim3A_28 = vector.shape_cast %reduce_sum3A_27 : vector<768xf32> to vector<1x768xf32>
    %get3A_29 = arith.constant 1 : index
    %get3A_30 = arith.constant 0 : index
    %get3A_31 = arith.constant 0 : index
    %get3A_32 = vector.load %arg1[%get3A_29, %get3A_30, %get3A_31] : memref<4x1x768xf32, #tpu.memory_space<vmem>>, vector<1x1x768xf32>
    %get3A_33 = vector.shape_cast %get3A_32 : vector<1x1x768xf32> to vector<1x768xf32>
    %mul3A_34 = arith.constant 5.000000e-01 : f32
    %mul3A_35 = vector.broadcast %mul3A_34 : f32 to vector<1x768xf32>
    %mul3A_36 = arith.mulf %mul3A_35, %broadcast_in_dim3A_28 : vector<1x768xf32>
    %add3A_37 = arith.addf %get3A_33, %mul3A_36 : vector<1x768xf32>
    %mul3A_38 = vector.broadcast %get3A_22 : f32 to vector<1x768xf32>
    %mul3A_39 = arith.mulf %add3A_37, %mul3A_38 : vector<1x768xf32>
    %swap3A_40 = arith.constant 1 : index
    %swap3A_41 = arith.constant 0 : index
    %swap3A_42 = arith.constant 0 : index
    %swap3A_43 = vector.load %arg3[%swap3A_40, %swap3A_41, %swap3A_42] : memref<4x1x768xf32, #tpu.memory_space<vmem>>, vector<1x1x768xf32>
    %swap3A_44 = vector.shape_cast %swap3A_43 : vector<1x1x768xf32> to vector<1x768xf32>
    %swap3A_45 = vector.shape_cast %mul3A_39 : vector<1x768xf32> to vector<1x1x768xf32>
    tpu.vector_store %arg3[%swap3A_40, %swap3A_41, %swap3A_42], %swap3A_45 {strides = array<i32>} : memref<4x1x768xf32, #tpu.memory_space<vmem>>, vector<1x1x768xf32>,
    %get3A_46 = arith.constant 1 : index
    %get3A_47 = arith.constant 2 : index
    %get3A_48 = memref.load %arg0[%get3A_46, %get3A_47] : memref<2x4xf32, #tpu.memory_space<smem>>
    %get3A_49 = arith.constant 16 : index
    %get3A_50 = arith.constant 0 : index
    %get3A_51 = vector.load %arg2[%get3A_49, %get3A_50] : memref<32x768xf32, #tpu.memory_space<vmem>>, vector<8x768xf32>
    %reduce_sum3A_52 = arith.constant dense<0.000000e+00> : vector<768xf32>
    %reduce_sum3A_53 = vector.multi_reduction <add>, %get3A_51, %reduce_sum3A_52 [0] : vector<8x768xf32> to vector<768xf32>
    %broadcast_in_dim3A_54 = vector.shape_cast %reduce_sum3A_53 : vector<768xf32> to vector<1x768xf32>
    %get3A_55 = arith.constant 2 : index
    %get3A_56 = arith.constant 0 : index
    %get3A_57 = arith.constant 0 : index
    %get3A_58 = vector.load %arg1[%get3A_55, %get3A_56, %get3A_57] : memref<4x1x768xf32, #tpu.memory_space<vmem>>, vector<1x1x768xf32>
    %get3A_59 = vector.shape_cast %get3A_58 : vector<1x1x768xf32> to vector<1x768xf32>
    %mul3A_60 = arith.constant 5.000000e-01 : f32
    %mul3A_61 = vector.broadcast %mul3A_60 : f32 to vector<1x768xf32>
    %mul3A_62 = arith.mulf %mul3A_61, %broadcast_in_dim3A_54 : vector<1x768xf32>
    %add3A_63 = arith.addf %get3A_59, %mul3A_62 : vector<1x768xf32>
    %mul3A_64 = vector.broadcast %get3A_48 : f32 to vector<1x768xf32>
    %mul3A_65 = arith.mulf %add3A_63, %mul3A_64 : vector<1x768xf32>
    %swap3A_66 = arith.constant 2 : index
    %swap3A_67 = arith.constant 0 : index
    %swap3A_68 = arith.constant 0 : index
    %swap3A_69 = vector.load %arg3[%swap3A_66, %swap3A_67, %swap3A_68] : memref<4x1x768xf32, #tpu.memory_space<vmem>>, vector<1x1x768xf32>
    %swap3A_70 = vector.shape_cast %swap3A_69 : vector<1x1x768xf32> to vector<1x768xf32>
    %swap3A_71 = vector.shape_cast %mul3A_65 : vector<1x768xf32> to vector<1x1x768xf32>
    tpu.vector_store %arg3[%swap3A_66, %swap3A_67, %swap3A_68], %swap3A_71 {strides = array<i32>} : memref<4x1x768xf32, #tpu.memory_space<vmem>>, vector<1x1x768xf32>,
    %get3A_72 = arith.constant 1 : index
    %get3A_73 = arith.constant 3 : index
    %get3A_74 = memref.load %arg0[%get3A_72, %get3A_73] : memref<2x4xf32, #tpu.memory_space<smem>>
    %get3A_75 = arith.constant 24 : index
    %get3A_76 = arith.constant 0 : index
    %get3A_77 = vector.load %arg2[%get3A_75, %get3A_76] : memref<32x768xf32, #tpu.memory_space<vmem>>, vector<8x768xf32>
    %reduce_sum3A_78 = arith.constant dense<0.000000e+00> : vector<768xf32>
    %reduce_sum3A_79 = vector.multi_reduction <add>, %get3A_77, %reduce_sum3A_78 [0] : vector<8x768xf32> to vector<768xf32>
    %broadcast_in_dim3A_80 = vector.shape_cast %reduce_sum3A_79 : vector<768xf32> to vector<1x768xf32>
    %get3A_81 = arith.constant 3 : index
    %get3A_82 = arith.constant 0 : index
    %get3A_83 = arith.constant 0 : index
    %get3A_84 = vector.load %arg1[%get3A_81, %get3A_82, %get3A_83] : memref<4x1x768xf32, #tpu.memory_space<vmem>>, vector<1x1x768xf32>
    %get3A_85 = vector.shape_cast %get3A_84 : vector<1x1x768xf32> to vector<1x768xf32>
    %mul3A_86 = arith.constant 5.000000e-01 : f32
    %mul3A_87 = vector.broadcast %mul3A_86 : f32 to vector<1x768xf32>
    %mul3A_88 = arith.mulf %mul3A_87, %broadcast_in_dim3A_80 : vector<1x768xf32>
    %add3A_89 = arith.addf %get3A_85, %mul3A_88 : vector<1x768xf32>
    %mul3A_90 = vector.broadcast %get3A_74 : f32 to vector<1x768xf32>
    %mul3A_91 = arith.mulf %add3A_89, %mul3A_90 : vector<1x768xf32>
    %swap3A_92 = arith.constant 3 : index
    %swap3A_93 = arith.constant 0 : index
    %swap3A_94 = arith.constant 0 : index
    %swap3A_95 = vector.load %arg3[%swap3A_92, %swap3A_93, %swap3A_94] : memref<4x1x768xf32, #tpu.memory_space<vmem>>, vector<1x1x768xf32>
    %swap3A_96 = vector.shape_cast %swap3A_95 : vector<1x1x768xf32> to vector<1x768xf32>
    %swap3A_97 = vector.shape_cast %mul3A_91 : vector<1x768xf32> to vector<1x1x768xf32>
    tpu.vector_store %arg3[%swap3A_92, %swap3A_93, %swap3A_94], %swap3A_97 {strides = array<i32>} : memref<4x1x768xf32, #tpu.memory_space<vmem>>, vector<1x1x768xf32>,
    return
  }
}

module attributes {stable_mosaic.version = 14 : i64} {
  func.func @_k1_body(%arg0: i32, %arg1: i32, %arg2: memref<1x4096x768xf32, #tpu.memory_space<vmem>>, %arg3: memref<1x768xf32, #tpu.memory_space<vmem>>, %arg4: memref<1xf32, #tpu.memory_space<smem>>, %arg5: memref<1x1x4096xf32, #tpu.memory_space<vmem>>, %arg6: memref<1x1x768xf32, #tpu.memory_space<vmem>>, %arg7: memref<2x4xf32, #tpu.memory_space<smem>>, %arg8: memref<8x4096xf32, #tpu.memory_space<vmem>>) attributes {dimension_semantics = [#tpu.dimension_semantics<arbitrary>, #tpu.dimension_semantics<arbitrary>], iteration_bounds = array<i64: 4, 2>, scalar_prefetch = 0 : i64, scratch_operands = 1 : i64, tpu.core_type = #tpu.core_type<tc>, window_params = [{transform_indices = @transform_0, window_bounds = array<i64: 1, 4096, 768>}, {pipeline_mode = #tpu.pipeline_mode<synchronous>, transform_indices = @transform_1, window_bounds = array<i64: 1, 768>}, {transform_indices = @transform_2, window_bounds = array<i64: 1>}, {transform_indices = @transform_3, window_bounds = array<i64: 1, 1, 4096>}, {transform_indices = @transform_4, window_bounds = array<i64: 1, 1, 768>}, {transform_indices = @transform_5, window_bounds = array<i64: 2, 4>}]} {
    %get3A = arith.constant 0 : index
    %get3A_0 = arith.constant 0 : index
    %get3A_1 = arith.constant 0 : index
    %get3A_2 = vector.load %arg2[%get3A, %get3A_0, %get3A_1] : memref<1x4096x768xf32, #tpu.memory_space<vmem>>, vector<1x4096x768xf32>
    %get3A_3 = vector.shape_cast %get3A_2 : vector<1x4096x768xf32> to vector<4096x768xf32>
    %get3A_4 = arith.constant 0 : index
    %get3A_5 = arith.constant 0 : index
    %get3A_6 = vector.load %arg3[%get3A_4, %get3A_5] : memref<1x768xf32, #tpu.memory_space<vmem>>, vector<1x768xf32>
    %dot_general3A = arith.constant dense<0.000000e+00> : vector<1x4096xf32>
    %dot_general3A_7 = tpu.matmul %get3A_6, %get3A_3, %dot_general3A {dimension_numbers = #tpu.dot_dimension_numbers<[1], [1], [0], [0], [0, 0, 1, 0], [], []>, transpose_lhs_hint = false} : vector<1x768xf32>, vector<4096x768xf32>, vector<1x4096xf32> -> vector<1x4096xf32>
    %get3A_8 = arith.constant 0 : index
    %get3A_9 = memref.load %arg4[%get3A_8] : memref<1xf32, #tpu.memory_space<smem>>
    %add3A = vector.broadcast %get3A_9 : f32 to vector<1x4096xf32>
    %add3A_10 = arith.addf %dot_general3A_7, %add3A : vector<1x4096xf32>
    %tanh3A = math.tanh %add3A_10 : vector<1x4096xf32>
    %exp3A = math.exp %tanh3A : vector<1x4096xf32>
    %swap3A = arith.constant 0 : index
    %swap3A_11 = arith.constant 0 : index
    %swap3A_12 = arith.constant 0 : index
    %swap3A_13 = vector.load %arg5[%swap3A, %swap3A_11, %swap3A_12] : memref<1x1x4096xf32, #tpu.memory_space<vmem>>, vector<1x1x4096xf32>
    %swap3A_14 = vector.shape_cast %swap3A_13 : vector<1x1x4096xf32> to vector<1x4096xf32>
    %swap3A_15 = vector.shape_cast %exp3A : vector<1x4096xf32> to vector<1x1x4096xf32>
    tpu.vector_store %arg5[%swap3A, %swap3A_11, %swap3A_12], %swap3A_15 {strides = array<i32>} : memref<1x1x4096xf32, #tpu.memory_space<vmem>>, vector<1x1x4096xf32>,
    %mul3A = arith.constant 2 : i32
    %mul3A_16 = arith.muli %arg0, %mul3A : i32
    %add3A_17 = arith.addi %mul3A_16, %arg1 : i32
    %swap3A_18 = arith.index_cast %add3A_17 : i32 to index
    %swap3A_19 = arith.constant 0 : index
    %swap3A_20 = vector.load %arg8[%swap3A_18, %swap3A_19] : memref<8x4096xf32, #tpu.memory_space<vmem>>, vector<1x4096xf32>
    tpu.vector_store %arg8[%swap3A_18, %swap3A_19], %exp3A {strides = array<i32>} : memref<8x4096xf32, #tpu.memory_space<vmem>>, vector<1x4096xf32>,
    %dot_general3A_21 = arith.constant dense<0.000000e+00> : vector<1x768xf32>
    %dot_general3A_22 = tpu.matmul %exp3A, %get3A_3, %dot_general3A_21 {dimension_numbers = #tpu.dot_dimension_numbers<[1], [0], [0], [1], [0, 0, 1, 1], [], []>, transpose_lhs_hint = false} : vector<1x4096xf32>, vector<4096x768xf32>, vector<1x768xf32> -> vector<1x768xf32>
    %eq3A = arith.constant 0 : i32
    %eq3A_23 = arith.cmpi eq, %arg1, %eq3A : i32
    %convert_element_type3A = arith.extui %eq3A_23 : i1 to i32
    %cond3A = arith.constant 0 : i32
    %cond3A_24 = arith.cmpi ne, %convert_element_type3A, %cond3A : i32
    scf.if %cond3A_24 {
      %swap3A_36 = arith.constant 0 : index
      %swap3A_37 = arith.constant 0 : index
      %swap3A_38 = arith.constant 0 : index
      %swap3A_39 = vector.load %arg6[%swap3A_36, %swap3A_37, %swap3A_38] : memref<1x1x768xf32, #tpu.memory_space<vmem>>, vector<1x1x768xf32>
      %swap3A_40 = vector.shape_cast %swap3A_39 : vector<1x1x768xf32> to vector<1x768xf32>
      %swap3A_41 = vector.shape_cast %dot_general3A_22 : vector<1x768xf32> to vector<1x1x768xf32>
      tpu.vector_store %arg6[%swap3A_36, %swap3A_37, %swap3A_38], %swap3A_41 {strides = array<i32>} : memref<1x1x768xf32, #tpu.memory_space<vmem>>, vector<1x1x768xf32>,
    } else {
    }
    %ne3A = arith.constant 0 : i32
    %ne3A_25 = arith.cmpi ne, %arg1, %ne3A : i32
    %convert_element_type3A_26 = arith.extui %ne3A_25 : i1 to i32
    %cond3A_27 = arith.constant 0 : i32
    %cond3A_28 = arith.cmpi ne, %convert_element_type3A_26, %cond3A_27 : i32
    scf.if %cond3A_28 {
      %get3A_36 = arith.constant 0 : index
      %get3A_37 = arith.constant 0 : index
      %get3A_38 = arith.constant 0 : index
      %get3A_39 = vector.load %arg6[%get3A_36, %get3A_37, %get3A_38] : memref<1x1x768xf32, #tpu.memory_space<vmem>>, vector<1x1x768xf32>
      %get3A_40 = vector.shape_cast %get3A_39 : vector<1x1x768xf32> to vector<1x768xf32>
      %add3A_41 = arith.addf %get3A_40, %dot_general3A_22 : vector<1x768xf32>
      %swap3A_42 = arith.constant 0 : index
      %swap3A_43 = arith.constant 0 : index
      %swap3A_44 = arith.constant 0 : index
      %swap3A_45 = vector.load %arg6[%swap3A_42, %swap3A_43, %swap3A_44] : memref<1x1x768xf32, #tpu.memory_space<vmem>>, vector<1x1x768xf32>
      %swap3A_46 = vector.shape_cast %swap3A_45 : vector<1x1x768xf32> to vector<1x768xf32>
      %swap3A_47 = vector.shape_cast %add3A_41 : vector<1x768xf32> to vector<1x1x768xf32>
      tpu.vector_store %arg6[%swap3A_42, %swap3A_43, %swap3A_44], %swap3A_47 {strides = array<i32>} : memref<1x1x768xf32, #tpu.memory_space<vmem>>, vector<1x1x768xf32>,
    } else {
    }
    %eq3A_29 = arith.constant 3 : i32
    %eq3A_30 = arith.cmpi eq, %arg0, %eq3A_29 : i32
    %eq3A_31 = arith.constant 1 : i32
    %eq3A_32 = arith.cmpi eq, %arg1, %eq3A_31 : i32
    %and3A = arith.andi %eq3A_30, %eq3A_32 : i1
    %convert_element_type3A_33 = arith.extui %and3A : i1 to i32
    %cond3A_34 = arith.constant 0 : i32
    %cond3A_35 = arith.cmpi ne, %convert_element_type3A_33, %cond3A_34 : i32
    scf.if %cond3A_35 {
      %get3A_36 = arith.constant 0 : index
      %get3A_37 = arith.constant 0 : index
      %get3A_38 = vector.load %arg8[%get3A_36, %get3A_37] : memref<8x4096xf32, #tpu.memory_space<vmem>>, vector<8x4096xf32>
      %reshape3A = vector.shape_cast %get3A_38 : vector<8x4096xf32> to vector<4x2x4096xf32>
      %bitcast_convert_type3A = tpu.bitcast %reshape3A : vector<4x2x4096xf32> -> vector<4x2x4096xi32>
      %reduce_sum3A = arith.constant dense<0.000000e+00> : vector<4xf32>
      %reduce_sum3A_39 = vector.multi_reduction <add>, %reshape3A, %reduce_sum3A [1, 2] : vector<4x2x4096xf32> to vector<4xf32>
      %broadcast_in_dim3A = vector.shape_cast %reduce_sum3A_39 : vector<4xf32> to vector<4x1x1xf32>
      %broadcast_in_dim3A_40 = arith.constant 0 : i32
      %broadcast_in_dim3A_41 = vector.broadcast %broadcast_in_dim3A_40 : i32 to vector<4x1x1xi32>
      %broadcast_in_dim3A_42 = arith.constant 2139095040 : i32
      %broadcast_in_dim3A_43 = vector.broadcast %broadcast_in_dim3A_42 : i32 to vector<4x1x1xi32>
      %scan3A = arith.constant 0 : i32
      %scan3A_44 = arith.constant 31 : i32
      %scan3A_45 = arith.addi %scan3A, %scan3A_44 : i32
      %scan3A_46 = arith.constant 1 : i32
      %scan3A_47:2 = scf.for %scan3A_94 = %scan3A to %scan3A_45 step %scan3A_46 iter_args(%scan3A_95 = %broadcast_in_dim3A_41, %scan3A_96 = %broadcast_in_dim3A_43) -> (vector<4x1x1xi32>, vector<4x1x1xi32>)  : i32 {
        %sub3A = arith.subi %scan3A_96, %scan3A_95 : vector<4x1x1xi32>
        %jit3A = arith.constant 2 : i32
        %div3A_97 = vector.broadcast %jit3A : i32 to vector<4x1x1xi32>
        %div3A_98 = arith.divsi %sub3A, %div3A_97 : vector<4x1x1xi32>
        %sign3A = arith.constant 0 : i32
        %sign3A_99 = vector.broadcast %sign3A : i32 to vector<4x1x1xi32>
        %sign3A_100 = arith.cmpi sgt, %sub3A, %sign3A_99 : vector<4x1x1xi32>
        %sign3A_101 = arith.extui %sign3A_100 : vector<4x1x1xi1> to vector<4x1x1xi32>
        %sign3A_102 = arith.constant 0 : i32
        %sign3A_103 = vector.broadcast %sign3A_102 : i32 to vector<4x1x1xi32>
        %sign3A_104 = arith.cmpi slt, %sub3A, %sign3A_103 : vector<4x1x1xi32>
        %sign3A_105 = arith.extui %sign3A_104 : vector<4x1x1xi1> to vector<4x1x1xi32>
        %sign3A_106 = arith.subi %sign3A_101, %sign3A_105 : vector<4x1x1xi32>
        %sign3A_107 = arith.constant 0 : i32
        %sign3A_108 = arith.cmpi sgt, %jit3A, %sign3A_107 : i32
        %sign3A_109 = arith.extui %sign3A_108 : i1 to i32
        %sign3A_110 = arith.constant 0 : i32
        %sign3A_111 = arith.cmpi slt, %jit3A, %sign3A_110 : i32
        %sign3A_112 = arith.extui %sign3A_111 : i1 to i32
        %sign3A_113 = arith.subi %sign3A_109, %sign3A_112 : i32
        %ne3A_114 = vector.broadcast %sign3A_113 : i32 to vector<4x1x1xi32>
        %ne3A_115 = arith.cmpi ne, %sign3A_106, %ne3A_114 : vector<4x1x1xi32>
        %rem3A = vector.broadcast %jit3A : i32 to vector<4x1x1xi32>
        %rem3A_116 = arith.remsi %sub3A, %rem3A : vector<4x1x1xi32>
        %ne3A_117 = arith.constant 0 : i32
        %ne3A_118 = vector.broadcast %ne3A_117 : i32 to vector<4x1x1xi32>
        %ne3A_119 = arith.cmpi ne, %rem3A_116, %ne3A_118 : vector<4x1x1xi32>
        %and3A_120 = arith.andi %ne3A_115, %ne3A_119 : vector<4x1x1xi1>
        %sub3A_121 = arith.constant 1 : i32
        %sub3A_122 = vector.broadcast %sub3A_121 : i32 to vector<4x1x1xi32>
        %sub3A_123 = arith.subi %div3A_98, %sub3A_122 : vector<4x1x1xi32>
        %select_n3A = arith.select %and3A_120, %sub3A_123, %div3A_98 : vector<4x1x1xi1>, vector<4x1x1xi32>
        %add3A_124 = arith.addi %scan3A_95, %select_n3A : vector<4x1x1xi32>
        %ge3A = vector.broadcast %add3A_124 : vector<4x1x1xi32> to vector<4x2x4096xi32>
        %ge3A_125 = arith.cmpi sge, %bitcast_convert_type3A, %ge3A : vector<4x2x4096xi32>
        %jit3A_126 = arith.constant 1 : i32
        %jit3A_127 = arith.constant 0 : i32
        %broadcast_in_dim3A_128 = vector.broadcast %jit3A_126 : i32 to vector<4x2x4096xi32>
        %broadcast_in_dim3A_129 = vector.broadcast %jit3A_127 : i32 to vector<4x2x4096xi32>
        %select_n3A_130 = arith.select %ge3A_125, %broadcast_in_dim3A_128, %broadcast_in_dim3A_129 : vector<4x2x4096xi1>, vector<4x2x4096xi32>
        %reduce_sum3A_131 = arith.constant dense<0> : vector<4xi32>
        %reduce_sum3A_132 = vector.multi_reduction <add>, %select_n3A_130, %reduce_sum3A_131 [1, 2] : vector<4x2x4096xi32> to vector<4xi32>
        %broadcast_in_dim3A_133 = vector.shape_cast %reduce_sum3A_132 : vector<4xi32> to vector<4x1x1xi32>
        %ge3A_134 = arith.constant 819 : i32
        %ge3A_135 = vector.broadcast %ge3A_134 : i32 to vector<4x1x1xi32>
        %ge3A_136 = arith.cmpi sge, %broadcast_in_dim3A_133, %ge3A_135 : vector<4x1x1xi32>
        %select_n3A_137 = arith.select %ge3A_136, %add3A_124, %scan3A_95 : vector<4x1x1xi1>, vector<4x1x1xi32>
        %select_n3A_138 = arith.select %ge3A_136, %scan3A_96, %add3A_124 : vector<4x1x1xi1>, vector<4x1x1xi32>
        scf.yield %select_n3A_137, %select_n3A_138 : vector<4x1x1xi32>, vector<4x1x1xi32>
      }
      %bitcast_convert_type3A_48 = tpu.bitcast %scan3A_47#0 : vector<4x1x1xi32> -> vector<4x1x1xf32>
      %slice3A = vector.extract_strided_slice %bitcast_convert_type3A_48 {offsets = [0, 0, 0], sizes = [1, 1, 1], strides = [1, 1, 1]} : vector<4x1x1xf32> to vector<1x1x1xf32>
      %squeeze3A = vector.extract %slice3A[0, 0, 0] : f32 from vector<1x1x1xf32>
      %swap3A_49 = arith.constant 0 : index
      %swap3A_50 = arith.constant 0 : index
      %swap3A_51 = memref.load %arg7[%swap3A_49, %swap3A_50] : memref<2x4xf32, #tpu.memory_space<smem>>
      memref.store %squeeze3A, %arg7[%swap3A_49, %swap3A_50] : memref<2x4xf32, #tpu.memory_space<smem>>
      %slice3A_52 = vector.extract_strided_slice %broadcast_in_dim3A {offsets = [0, 0, 0], sizes = [1, 1, 1], strides = [1, 1, 1]} : vector<4x1x1xf32> to vector<1x1x1xf32>
      %squeeze3A_53 = vector.extract %slice3A_52[0, 0, 0] : f32 from vector<1x1x1xf32>
      %div3A = arith.constant 1.000000e+00 : f32
      %div3A_54 = arith.divf %div3A, %squeeze3A_53 : f32
      %swap3A_55 = arith.constant 1 : index
      %swap3A_56 = arith.constant 0 : index
      %swap3A_57 = memref.load %arg7[%swap3A_55, %swap3A_56] : memref<2x4xf32, #tpu.memory_space<smem>>
      memref.store %div3A_54, %arg7[%swap3A_55, %swap3A_56] : memref<2x4xf32, #tpu.memory_space<smem>>
      %slice3A_58 = vector.extract_strided_slice %bitcast_convert_type3A_48 {offsets = [1, 0, 0], sizes = [1, 1, 1], strides = [1, 1, 1]} : vector<4x1x1xf32> to vector<1x1x1xf32>
      %squeeze3A_59 = vector.extract %slice3A_58[0, 0, 0] : f32 from vector<1x1x1xf32>
      %swap3A_60 = arith.constant 0 : index
      %swap3A_61 = arith.constant 1 : index
      %swap3A_62 = memref.load %arg7[%swap3A_60, %swap3A_61] : memref<2x4xf32, #tpu.memory_space<smem>>
      memref.store %squeeze3A_59, %arg7[%swap3A_60, %swap3A_61] : memref<2x4xf32, #tpu.memory_space<smem>>
      %slice3A_63 = vector.extract_strided_slice %broadcast_in_dim3A {offsets = [1, 0, 0], sizes = [1, 1, 1], strides = [1, 1, 1]} : vector<4x1x1xf32> to vector<1x1x1xf32>
      %squeeze3A_64 = vector.extract %slice3A_63[0, 0, 0] : f32 from vector<1x1x1xf32>
      %div3A_65 = arith.constant 1.000000e+00 : f32
      %div3A_66 = arith.divf %div3A_65, %squeeze3A_64 : f32
      %swap3A_67 = arith.constant 1 : index
      %swap3A_68 = arith.constant 1 : index
      %swap3A_69 = memref.load %arg7[%swap3A_67, %swap3A_68] : memref<2x4xf32, #tpu.memory_space<smem>>
      memref.store %div3A_66, %arg7[%swap3A_67, %swap3A_68] : memref<2x4xf32, #tpu.memory_space<smem>>
      %slice3A_70 = vector.extract_strided_slice %bitcast_convert_type3A_48 {offsets = [2, 0, 0], sizes = [1, 1, 1], strides = [1, 1, 1]} : vector<4x1x1xf32> to vector<1x1x1xf32>
      %squeeze3A_71 = vector.extract %slice3A_70[0, 0, 0] : f32 from vector<1x1x1xf32>
      %swap3A_72 = arith.constant 0 : index
      %swap3A_73 = arith.constant 2 : index
      %swap3A_74 = memref.load %arg7[%swap3A_72, %swap3A_73] : memref<2x4xf32, #tpu.memory_space<smem>>
      memref.store %squeeze3A_71, %arg7[%swap3A_72, %swap3A_73] : memref<2x4xf32, #tpu.memory_space<smem>>
      %slice3A_75 = vector.extract_strided_slice %broadcast_in_dim3A {offsets = [2, 0, 0], sizes = [1, 1, 1], strides = [1, 1, 1]} : vector<4x1x1xf32> to vector<1x1x1xf32>
      %squeeze3A_76 = vector.extract %slice3A_75[0, 0, 0] : f32 from vector<1x1x1xf32>
      %div3A_77 = arith.constant 1.000000e+00 : f32
      %div3A_78 = arith.divf %div3A_77, %squeeze3A_76 : f32
      %swap3A_79 = arith.constant 1 : index
      %swap3A_80 = arith.constant 2 : index
      %swap3A_81 = memref.load %arg7[%swap3A_79, %swap3A_80] : memref<2x4xf32, #tpu.memory_space<smem>>
      memref.store %div3A_78, %arg7[%swap3A_79, %swap3A_80] : memref<2x4xf32, #tpu.memory_space<smem>>
      %slice3A_82 = vector.extract_strided_slice %bitcast_convert_type3A_48 {offsets = [3, 0, 0], sizes = [1, 1, 1], strides = [1, 1, 1]} : vector<4x1x1xf32> to vector<1x1x1xf32>
      %squeeze3A_83 = vector.extract %slice3A_82[0, 0, 0] : f32 from vector<1x1x1xf32>
      %swap3A_84 = arith.constant 0 : index
      %swap3A_85 = arith.constant 3 : index
      %swap3A_86 = memref.load %arg7[%swap3A_84, %swap3A_85] : memref<2x4xf32, #tpu.memory_space<smem>>
      memref.store %squeeze3A_83, %arg7[%swap3A_84, %swap3A_85] : memref<2x4xf32, #tpu.memory_space<smem>>
      %slice3A_87 = vector.extract_strided_slice %broadcast_in_dim3A {offsets = [3, 0, 0], sizes = [1, 1, 1], strides = [1, 1, 1]} : vector<4x1x1xf32> to vector<1x1x1xf32>
      %squeeze3A_88 = vector.extract %slice3A_87[0, 0, 0] : f32 from vector<1x1x1xf32>
      %div3A_89 = arith.constant 1.000000e+00 : f32
      %div3A_90 = arith.divf %div3A_89, %squeeze3A_88 : f32
      %swap3A_91 = arith.constant 1 : index
      %swap3A_92 = arith.constant 3 : index
      %swap3A_93 = memref.load %arg7[%swap3A_91, %swap3A_92] : memref<2x4xf32, #tpu.memory_space<smem>>
      memref.store %div3A_90, %arg7[%swap3A_91, %swap3A_92] : memref<2x4xf32, #tpu.memory_space<smem>>
    } else {
    }
    return
  }
  func.func @transform_0(%arg0: i32, %arg1: i32) -> (i32, i32, i32) {
    %c0_i32 = arith.constant 0 : i32
    %c0_i32_0 = arith.constant 0 : i32
    return %arg0, %arg1, %c0_i32 : i32, i32, i32
  }
  func.func @transform_1(%arg0: i32, %arg1: i32) -> (i32, i32) {
    %c0_i32 = arith.constant 0 : i32
    %c0_i32_0 = arith.constant 0 : i32
    %c0_i32_1 = arith.constant 0 : i32
    return %c0_i32, %c0_i32_0 : i32, i32
  }
  func.func @transform_2(%arg0: i32, %arg1: i32) -> i32 {
    %c0_i32 = arith.constant 0 : i32
    %c0_i32_0 = arith.constant 0 : i32
    return %c0_i32 : i32
  }
  func.func @transform_3(%arg0: i32, %arg1: i32) -> (i32, i32, i32) {
    %c0_i32 = arith.constant 0 : i32
    %c0_i32_0 = arith.constant 0 : i32
    return %arg0, %c0_i32, %arg1 : i32, i32, i32
  }
  func.func @transform_4(%arg0: i32, %arg1: i32) -> (i32, i32, i32) {
    %c0_i32 = arith.constant 0 : i32
    %c0_i32_0 = arith.constant 0 : i32
    %c0_i32_1 = arith.constant 0 : i32
    return %arg0, %c0_i32, %c0_i32_0 : i32, i32, i32
  }
  func.func @transform_5(%arg0: i32, %arg1: i32) -> (i32, i32) {
    %c0_i32 = arith.constant 0 : i32
    %c0_i32_0 = arith.constant 0 : i32
    %c0_i32_1 = arith.constant 0 : i32
    return %c0_i32, %c0_i32_0 : i32, i32
  }
}

</mosaic_0001>

<sc_bundles>
// kernel: kernel.5.cloned.1.call-start
scs
__scs_entry_jumppad:
0x0: {  	(pc) =	sbr.rel $0x88, $3  }
0x1: {  	(tag) =	ssettag $0x0;
	lr =	simm.s32 $0x1  }
0x2: {  	[smem:$0x3F9E] =	sst lr;
	_ =	strace $0xD0000000  }
0x3: {  	_ = 	snop  }
0x4: {  	_ = 	snop  }
0x5: {  	_ = 	snop  }
0x6: {  	_ = 	snop  }
0x7: {  	_ = 	snop  }
__scs_overlays_trampoline_lowered:
0x8: {  	[smem:$0x3FAD] =	sst s0  }
0x9: {  	[smem:$0x3FAE] =	sst s1  }
0xa: {  	[smem:$0x3FAF] =	sst s2  }
0xb: {  	[smem:$0x3FB0] =	sst s3  }
0xc: {  	[smem:$0x3FB1] =	sst s4  }
0xd: {  	[smem:$0x3FB2] =	sst s5  }
0xe: {  	[smem:$0x3FB3] =	sst s6  }
0xf: {  	[smem:$0x3FB4] =	sst s7  }
0x10: {  	[smem:$0x3FB5] =	sst s8  }
0x11: {  	[smem:$0x3FB6] =	sst s9;
	s0 =	simm.s32 @!p0 $0x0  }
0x12: {  	s1 =	sld [smem:$0x3F9C];
	s0 =	simm.s32 @p0 $0x1  }
0x13: {  	[smem:$0x3FB7] =	sst s0;
	s0 =	simm.s32 @!p1 $0x0  }
0x14: {  	s2 =	sld [smem:$0x3F9B];
	s0 =	simm.s32 @p1 $0x1  }
0x15: {  	[smem:$0x3FB8] =	sst s0;
	s0 =	simm.s32 @!p2 $0x0  }
0x16: {  	s3 =	sld [smem:$0x3FDB];
	s0 =	simm.s32 @p2 $0x1  }
0x17: {  	s4 =	simm.s32 $0x1BF5;
	[smem:$0x3FBA] =	sst s0  }
0x18: {  	s0 =	sld [smem:$0x3F9D];
	_ =	swait.ge [sflag:s4], $0x0  }
0x19: {  	s7 =	sld [smem:$0x3F9E]  }
0x1a: {  	s8 =	sadd.s32 $0xFFFFE003, lr  }
0x1b: {  	s9 =	sadd.s32 $0xFFFFFEF7, lr;
	s5 =	simm.s32 $0xFFFFFFFF;
	p2 =	slt.u32 s8, $0xFFFFF086  }
0x1c: {  	p1 =	slt.u32 s9, $0xF7A;
	s5 =	simm.s32 @!p2 $0x0  }
0x1d: {  	s5 =	simm.s32 @p1 $0x1;
	p0 =	seq.s32 s7, s2  }
0x1e: {  	s7 =	smul.u32 @!p0 $0xF7A, s2;
	p2 =	seq.s32 @!p0 s5, $0x0  }
0x1f: {  	s9 =	smul.u32 $0xF7A, s1;
	s8 =	simm.s32 @!p0 $0x1BF5;
	p2 =	por !p2, p0  }
0x20: {  	[sflag:s8] =	ssyncset.s32 @!p0 $0xFFFFF086;
	s6 =	sadd.s32 @!p0 s3, s7;
	s7 =	simm.s32 @!p0 $0x108  }
0x21: {  	s3 =	sadd.s32 s3, s9;
	s6 =	sadd.s32 @!p0 $0x88, s6;
	s7 =	simm.s32 @p2 $0x1082  }
0x22: {  	[simem:s7], [sflag:s8] =	dma.local @!p0 [hbm:s6], $0xF7A  }
0x23: {  	s9 =	sor.u32 $0xD0000000, s2;
	s6 =	simm.s32 $0x108;
	_ =	swait.ge @!p0 [sflag:s8], $0x0  }
0x24: {  	s3 =	sadd.s32 $0x88, s3;
	s6 =	simm.s32 @!p1 $0x1082;
	[sflag:s4] =	ssyncset.s32 $0xFFFFF086  }
0x25: {  	[simem:s6], [sflag:s4] =	dma.local [hbm:s3], $0xF7A  }
0x26: {  	[smem:$0x3F9E] =	sst s1;
	(tag) =	ssettag s2;
	_ =	strace s9  }
0x27: {  	s1 =	sld [smem:$0x3FAE]  }
0x28: {  	s2 =	sld [smem:$0x3FAF]  }
0x29: {  	s4 =	sld [smem:$0x3FB1]  }
0x2a: {  	p0 =	seq.s32 s5, $0x0;
	s5 =	sld [smem:$0x3FB2]  }
0x2b: {  	s6 =	sld [smem:$0x3FB3]  }
0x2c: {  	s7 =	sld [smem:$0x3FB4]  }
0x2d: {  	s3 =	simm.s32 $0x108;
	s8 =	sld [smem:$0x3FB5]  }
0x2e: {  	s3 =	simm.s32 @!p0 $0x1082;
	s9 =	sld [smem:$0x3FB6]  }
0x2f: {  	lr =	sadd.s32 s0, s3;
	s0 =	sld [smem:$0x3FAD]  }
0x30: {  	s3 =	sld [smem:$0x3FB0]  }
0x31: {  	[smem:$0x3FB9] =	sst s10  }
0x32: {  	s10 =	sld [smem:$0x3FB7];
	_ =	sdelay $0x3  }
0x33: {  	p0 =	seq.s32 s10, $0x1;
	s10 =	sld [smem:$0x3FB9];
	_ =	sdelay $0x3  }
0x34: {  	[smem:$0x3FB9] =	sst s10  }
0x35: {  	s10 =	sld [smem:$0x3FB8];
	_ =	sdelay $0x3  }
0x36: {  	p1 =	seq.s32 s10, $0x1;
	s10 =	sld [smem:$0x3FB9];
	_ =	sdelay $0x3  }
0x37: {  	[smem:$0x3FB9] =	sst s10  }
0x38: {  	s10 =	sld [smem:$0x3FBA]  }
0x39: {  	_ = 	snop;
	(pc) =	sbr.ind lr, $3  }
0x3a: {  	_ = 	snop  }
0x3b: {  	_ = 	snop  }
0x3c: {  	p2 =	seq.s32 s10, $0x1;
	s10 =	sld [smem:$0x3FB9]  }
0x3d: {  	_ =	shalt  }
0x3e: {  	_ =	shalt  }
0x3f: {  	_ =	shalt  }
0x40: {  	_ =	shalt  }
0x41: {  	_ =	shalt  }
0x42: {  	_ =	shalt  }
0x43: {  	_ =	shalt  }
0x44: {  	_ =	shalt  }
0x45: {  	_ =	shalt  }
0x46: {  	_ =	shalt  }
0x47: {  	_ =	shalt  }
0x48: {  	_ =	shalt  }
0x49: {  	_ =	shalt  }
0x4a: {  	_ =	shalt  }
0x4b: {  	_ =	shalt  }
0x4c: {  	_ =	shalt  }
0x4d: {  	_ =	shalt  }
0x4e: {  	_ =	shalt  }
0x4f: {  	_ =	shalt  }
0x50: {  	_ =	shalt  }
0x51: {  	_ =	shalt  }
0x52: {  	_ =	shalt  }
0x53: {  	_ =	shalt  }
0x54: {  	_ =	shalt  }
0x55: {  	_ =	shalt  }
0x56: {  	_ =	shalt  }
0x57: {  	_ =	shalt  }
0x58: {  	_ =	shalt  }
0x59: {  	_ =	shalt  }
0x5a: {  	_ =	shalt  }
0x5b: {  	_ =	shalt  }
0x5c: {  	_ =	shalt  }
0x5d: {  	_ =	shalt  }
0x5e: {  	_ =	shalt  }
0x5f: {  	_ =	shalt  }
0x60: {  	_ =	shalt  }
0x61: {  	_ =	shalt  }
0x62: {  	_ =	shalt  }
0x63: {  	_ =	shalt  }
0x64: {  	_ =	shalt  }
0x65: {  	_ =	shalt  }
0x66: {  	_ =	shalt  }
0x67: {  	_ =	shalt  }
0x68: {  	_ =	shalt  }
0x69: {  	_ =	shalt  }
0x6a: {  	_ =	shalt  }
0x6b: {  	_ =	shalt  }
0x6c: {  	_ =	shalt  }
0x6d: {  	_ =	shalt  }
0x6e: {  	_ =	shalt  }
0x6f: {  	_ =	shalt  }
0x70: {  	_ =	shalt  }
0x71: {  	_ =	shalt  }
0x72: {  	_ =	shalt  }
0x73: {  	_ =	shalt  }
0x74: {  	_ =	shalt  }
0x75: {  	_ =	shalt  }
0x76: {  	_ =	shalt  }
0x77: {  	_ =	shalt  }
0x78: {  	_ =	shalt  }
0x79: {  	_ =	shalt  }
0x7a: {  	_ =	shalt  }
0x7b: {  	_ =	shalt  }
0x7c: {  	_ =	shalt  }
0x7d: {  	_ =	shalt  }
0x7e: {  	_ =	shalt  }
0x7f: {  	_ =	shalt  }
0x80: {  	_ =	shalt  }
0x81: {  	_ =	shalt  }
0x82: {  	_ =	shalt  }
0x83: {  	_ =	shalt  }
0x84: {  	_ =	shalt  }
0x85: {  	_ =	shalt  }
0x86: {  	_ =	shalt  }
0x87: {  	_ =	shalt  }
.Lfunc_end0:
.L_simem_size_0:
called_computation_lowered:
.L_overlay_start_0:
0x88: {  	s2 =	sld [smem:$0x3FD9]  }
0x89: {  	s3 =	sld [smem:$0x3FFE];
	_ =	sdelay $0x1  }
0x8a: {  	s1 =	srdreg.scid  }
0x8b: {  	s0 =	sand.u32 $0x1, s1  }
0x8c: {  	s17 =	sshll.u32 s0, $0xA;
	s2 =	sadd.s32 s3, s2  }
0x8d: {  	s2 =	sadd.s32 s2, s17  }
0x8e: {  	[smem:$0x3FC5] =	sst s2  }
0x8f: {  	_ = 	snop  }
0x90: {  	s2 =	sld [smem:$0x3FC9]  }
0x91: {  	s18 =	sld [smem:$0x3FD0];
	(tm) =	ssettm $0x1  }
0x92: {  	s4 =	sld [smem:$0x3FFB];
	_ =	sdelay $0x3  }
0x93: {  	_ =	strace s4  }
0x94: {  	s4 =	sld [smem:$0x3FFC];
	_ =	sdelay $0x3  }
0x95: {  	_ =	strace s4  }
0x96: {  	s4 =	sld [smem:$0x3FFD];
	_ =	sdelay $0x3  }
0x97: {  	_ =	strace s4  }
0x98: {  	_ =	strace $0x8FFFFFFF  }
0x99: {  	s19 =	sld [smem:$0x3FDB];
	_ =	sdelay $0x1  }
0x9a: {  	s5 =	simm.s32 $_scs_section_size  }
0x9b: {  	s6 =	simm.s32 $_size__tile_overlayer_lowered;
	s7 =	simm.s32 $_tile_overlayer_lowered  }
0x9c: {  	s22 =	simm.s32 $0x1BFF;
	s21 =	sshll.u32 s7, $0x1;
	s4 =	sadd.s32 s5, s19  }
0x9d: {  	s8 =	simm.s32 $0x0;
	s20 =	sshll.u32 s6, $0x1;
	s6 =	sadd.s32 s21, s4  }
0x9e: {  	[timem:s8], [sflag:s22] =	dma.local [hbm:s6], s20  }
0x9f: {  	_ =	swait.ge [sflag:s22], s20  }
0xa0: {  	s5 =	ssub.s32 $0x0, s20;
	[sflag:s22] =	ssyncset.done $0x0  }
0xa1: {  	[sflag:s22] =	ssyncadd.s32 s5;
	_ =	sdelay $0x1  }
0xa2: {  	s23 =	simm.s32 $0x1B8B  }
0xa3: {  	_ =	swait.ge [sflag:s23], $0x1  }
0xa4: {  	[sflag:s23] =	ssyncset.done $0x0  }
0xa5: {  	s25 =	simm.s32 $0x1B8E;
	s24 =	sld [smem:$0x3FFE];
	[sflag:s23] =	ssyncadd.s32 $0xFFFFFFFF  }
0xa6: {  	s26 =	simm.s32 $execute0_lowered;
	[smem:$0x3FD2] =	sst s25  }
0xa7: {  	s6 =	sshll.u32 s26, $0x1;
	_ =	strace $0x80000046;
	[dreg:$0x1] =	wrdreg $0xFFFFFFFF  }
0xa8: {  	s28 =	simm.s32 $_size_execute0_lowered;
	s4 =	sadd.s32 s4, s6;
	[dreg:$0x0] =	wrdreg $0x0  }
0xa9: {  	s6 =	sshll.u32 s28, $0x1;
	[dreg:$0x2] =	wrdreg s4  }
0xaa: {  	[dreg:$0x3] =	wrdreg s6  }
0xab: {  	[dreg:$0x4] =	wrdreg $0xC0  }
0xac: {  	_ =	task [dreg:s8], $0x5FFFF  }
0xad: {  	[dreg:$0x1] =	wrdreg $0xFFFFFFFF  }
0xae: {  	[dreg:$0x0] =	wrdreg $0x60  }
0xaf: {  	[dreg:$0x2] =	wrdreg s2  }
0xb0: {  	[dreg:$0x3] =	wrdreg s24  }
0xb1: {  	[dreg:$0x4] =	wrdreg s18  }
0xb2: {  	[dreg:$0x5] =	wrdreg $0x9  }
0xb3: {  	_ =	task.clear_ibuf [dreg:s8], $0x6FFFF;
	_ =	strace $0x90000046  }
0xb4: {  	s29 =	simm.s32 $0x9;
	_ =	strace $0x80000048  }
0xb5: {  	_ =	swait.ge [sflag:s29], $0x1  }
0xb6: {  	[sflag:s29] =	ssyncadd.s32 $0xFFFFFFFF  }
0xb7: {  	_ =	strace $0x90000048  }
0xb8: {  	_ =	sfence  }
0xb9: {  	s30 =	sld [smem:$0x0];
	_ =	sdelay $0x2  }
0xba: {  	s31 =	sshll.u32 s1, $0xD;
	s1 =	sshrl.u32 s1, $0x2  }
0xbb: {  	s3 =	sand.u32 $0x4000, s31;
	s1 =	sadd.s32 s1, s30  }
0xbc: {  	s0 =	sor.u32 s3, s0;
	s1 =	sshll.u32 s1, $0x11  }
0xbd: {  	s0 =	sor.u32 s1, s0  }
0xbe: {  	s0 =	sadd.s32 $0x8F2B, s0  }
0xbf: {  	[sflag:s0] =	ssyncadd.remote.s32 $0x1  }
0xc0: {  	_ =	sfence.sel $0xFFFF  }
0xc1: {  	[dreg:$0x0] =	wrdreg $0xFFFFFFFF;
	(pc) =	sbr.abs _section_cstart, $3  }
0xc2: {  	[dreg:$0x1] =	wrdreg $0xFFFFFFFF  }
0xc3: {  	_ =	task.clear_ibuf [dreg:s8], $0x2FFFF;
	_ =	strace $0x9FFFFFFF  }
0xc4: {  	(tm) =	ssettm $0x7FFFFFFF  }
0xc5: {  	_ =	shalt  }
tec
execute0_lowered:
.L_overlay_start_1:
0x0: {  	(tag) =	ssettag $0x1  }
0x1: {  	s0 =	srdreg.scid  }
0x2: {  	s1 =	rddreg [dreg:$0x0];
	s9 =	stileid.u32  }
0x3: {  	s3 =	rddreg [dreg:$0x1];
	s4 =	simm.s32 $0x0;
	s6 =	simm.s32 $0x1  }
0x4: {  	s13 =	simm.s32 $0x3;
	s15 =	simm.s32 $0x400;
	s16 =	simm.s32 $0x880  }
0x5: {  	s17 =	simm.s32 $0x1000;
	s18 =	simm.s32 $0x1800;
	s19 =	simm.s32 $0x2000  }
0x6: {  	s20 =	simm.s32 $0x2800;
	s21 =	simm.s32 $0x3000;
	s0 =	sand.u32 $0x1, s0  }
0x7: {  	s22 =	simm.s32 $0x3800;
	s23 =	simm.s32 $0x2;
	s2 =	sshll.u32 s0, $0x4  }
0x8: {  	s26 =	simm.s32 $0x0;
	s5 =	sand.u32 $0x7, s9;
	s2 =	sor.u32 s9, s2  }
0x9: {  	[smem:$0x7FF] =	sst s4;
	p1 =	sne.s32 s5, $0x0;
	p0 =	seq.s32 s2, $0x0  }
0xa: {  	s10 =	sadd.s32 $0x200, s1;
	_ =	strace $0x80000047;
	p0 =	por !p1, !p0  }
0xb: {  	s7 =	sshll.u32 s5, $0xA;
	s0 =	ssub.s32 $0x2, s0;
	p0 =	por !p0, !p0  }
0xc: {  	s9 =	sshll.u32 s9, $0x7;
	s2 =	sshrl.u32 s2, $0x3;
	s6 =	simm.s32 @!p0 $0x0  }
0xd: {  	s31 =	sshrl.u32 s0, $0x1;
	s5 =	ssub.s32 s2, s6;
	s2 =	smul.u32 $0x1800, s2  }
.Ltmp0:
0xe: {  	v0 =	vlaneseq.u32;
	s28 =	sand.u32 $0x380, s9;
	s8 =	sshll.u32 s5, $0xD;
	(pc) =	sbr.rel .LBB2_1-.Ltmp0, $4  }
0xf: {  	v4 =	vshrl.u32 v0, $0x3;
	v2 =	vand.u32 $0x7, v0;
	s0 =	ssub.s32 s0, s31;
	s7 =	sor.u32 s7, s8;
	s2 =	sor.u32 s28, s2  }
0x10: {  	[tilespmem:$0x1FFE0] =	vst v2;
	v2 =	vmul.u32 $0x8, v4;
	s9 =	sadd.s32 $0x100, s1;
	s29 =	sshrl.u32 s7, $0x3;
	s2 =	sshrl.u32 s2, $0x3  }
0x11: {  	s12 =	smax.u32 s0, $0x1;
	s30 =	sadd.s32 s29, s3;
	s2 =	sadd.s32 s2, s3  }
0x12: {  	v1 =	vimm.s32 $0x0;
	vm0 =	vmmov $0xffff;
	[tilespmem:$0x1FFF0] =	vst v2;
	s6 =	simm.s32 $0x1;
	s8 =	sadd.s32 $0xE00, s30;
	s11 =	sadd.s32 $0x1E00, s2  }
.LBB2_4:
0x13: {  	v52 =	vimm.f32 $0.0e+00;
	v51 =	vimm.f32 $0.0e+00;
	v50 =	vimm.f32 $0.0e+00  }
0x14: {  	v49 =	vimm.f32 $0.0e+00;
	v48 =	vimm.f32 $0.0e+00;
	v47 =	vimm.f32 $0.0e+00  }
0x15: {  	v46 =	vimm.f32 $0.0e+00;
	v45 =	vimm.f32 $0.0e+00;
	v44 =	vimm.f32 $0.0e+00  }
0x16: {  	v43 =	vimm.f32 $0.0e+00;
	v42 =	vimm.f32 $0.0e+00;
	v41 =	vimm.f32 $0.0e+00  }
0x17: {  	v40 =	vimm.f32 $0.0e+00;
	v39 =	vimm.f32 $0.0e+00;
	v38 =	vimm.f32 $0.0e+00  }
0x18: {  	v37 =	vimm.f32 $0.0e+00;
	v36 =	vimm.f32 $0.0e+00;
	v35 =	vimm.f32 $0.0e+00  }
0x19: {  	v34 =	vimm.f32 $0.0e+00;
	v33 =	vimm.f32 $0.0e+00;
	v32 =	vimm.f32 $0.0e+00  }
0x1a: {  	v31 =	vimm.f32 $0.0e+00;
	v30 =	vimm.f32 $0.0e+00;
	v29 =	vimm.f32 $0.0e+00  }
0x1b: {  	v28 =	vimm.f32 $0.0e+00;
	v27 =	vimm.f32 $0.0e+00;
	v26 =	vimm.f32 $0.0e+00  }
0x1c: {  	v25 =	vimm.f32 $0.0e+00;
	v24 =	vimm.f32 $0.0e+00;
	v23 =	vimm.f32 $0.0e+00  }
0x1d: {  	v22 =	vimm.f32 $0.0e+00;
	v21 =	vimm.f32 $0.0e+00;
	v20 =	vimm.f32 $0.0e+00  }
0x1e: {  	v19 =	vimm.f32 $0.0e+00;
	v18 =	vimm.f32 $0.0e+00;
	v17 =	vimm.f32 $0.0e+00  }
0x1f: {  	v16 =	vimm.f32 $0.0e+00;
	v15 =	vimm.f32 $0.0e+00;
	v14 =	vimm.f32 $0.0e+00  }
0x20: {  	v13 =	vimm.f32 $0.0e+00;
	v12 =	vimm.f32 $0.0e+00;
	v11 =	vimm.f32 $0.0e+00  }
0x21: {  	v10 =	vimm.f32 $0.0e+00;
	v9 =	vimm.f32 $0.0e+00;
	v8 =	vimm.f32 $0.0e+00  }
0x22: {  	v7 =	vimm.f32 $0.0e+00;
	v6 =	vimm.f32 $0.0e+00;
	v5 =	vimm.f32 $0.0e+00  }
.LBB2_20:
0x23: {  	[tilespmem:$0xD00] =	vst v52  }
0x24: {  	[tilespmem:$0xD10] =	vst v51  }
0x25: {  	[tilespmem:$0xD20] =	vst v50  }
0x26: {  	[tilespmem:$0xD30] =	vst v49  }
0x27: {  	[tilespmem:$0xD40] =	vst v48  }
0x28: {  	[tilespmem:$0xD50] =	vst v47  }
0x29: {  	[tilespmem:$0xD60] =	vst v46  }
0x2a: {  	[tilespmem:$0xD70] =	vst v45  }
0x2b: {  	[tilespmem:$0xD80] =	vst v44  }
0x2c: {  	[tilespmem:$0xD90] =	vst v43  }
0x2d: {  	[tilespmem:$0xDA0] =	vst v42  }
0x2e: {  	[tilespmem:$0xDB0] =	vst v41  }
0x2f: {  	[tilespmem:$0xDC0] =	vst v40  }
0x30: {  	[tilespmem:$0xDD0] =	vst v39  }
0x31: {  	[tilespmem:$0xDE0] =	vst v38  }
0x32: {  	[tilespmem:$0xDF0] =	vst v37  }
0x33: {  	[tilespmem:$0xE00] =	vst v36  }
0x34: {  	[tilespmem:$0xE10] =	vst v35  }
0x35: {  	[tilespmem:$0xE20] =	vst v34  }
0x36: {  	[tilespmem:$0xE30] =	vst v33  }
0x37: {  	[tilespmem:$0xE40] =	vst v32  }
0x38: {  	[tilespmem:$0xE50] =	vst v31  }
0x39: {  	[tilespmem:$0xE60] =	vst v30  }
0x3a: {  	[tilespmem:$0xE70] =	vst v29  }
0x3b: {  	[tilespmem:$0xE80] =	vst v28  }
0x3c: {  	[tilespmem:$0xE90] =	vst v27  }
0x3d: {  	[tilespmem:$0xEA0] =	vst v26  }
0x3e: {  	[tilespmem:$0xEB0] =	vst v25  }
0x3f: {  	[tilespmem:$0xEC0] =	vst v24  }
0x40: {  	[tilespmem:$0xED0] =	vst v23  }
0x41: {  	[tilespmem:$0xEE0] =	vst v22  }
0x42: {  	[tilespmem:$0xEF0] =	vst v21  }
0x43: {  	[tilespmem:$0xF00] =	vst v20  }
0x44: {  	[tilespmem:$0xF10] =	vst v19  }
0x45: {  	[tilespmem:$0xF20] =	vst v18  }
0x46: {  	[tilespmem:$0xF30] =	vst v17  }
0x47: {  	[tilespmem:$0xF40] =	vst v16  }
0x48: {  	[tilespmem:$0xF50] =	vst v15  }
0x49: {  	[tilespmem:$0xF60] =	vst v14  }
0x4a: {  	[tilespmem:$0xF70] =	vst v13  }
0x4b: {  	[tilespmem:$0xF80] =	vst v12  }
0x4c: {  	[tilespmem:$0xF90] =	vst v11  }
0x4d: {  	[tilespmem:$0xFA0] =	vst v10  }
0x4e: {  	[tilespmem:$0xFB0] =	vst v9  }
0x4f: {  	[tilespmem:$0xFC0] =	vst v8  }
0x50: {  	[tilespmem:$0xFD0] =	vst v7;
	s26 =	sadd.s32 $0x1, s26  }
0x51: {  	[tilespmem:$0xFE0] =	vst v6;
	p0 =	sne.s32 s26, s12  }
.Ltmp1:
0x52: {  	[tilespmem:$0xFF0] =	vst v5;
	s0 =	simm.s32 $0x80;
	s2 =	simm.s32 $0xD00;
	(pc) =	sbr.rel @!p0 .LBB2_21-.Ltmp1, $4  }
0x53: {  	[hbm4b:s11+s0] =	stream.strided.scatter [tilespmem:s2], [sflag:$0x3], $0x300, s15, s0, $0x38;
	[tilespmem:$0x4080] =	vst v63  }
0x54: {  	_ =	swait.ge [sflag:s13], $0x300  }
0x55: {  	[sflag:s13] =	ssyncset.done $0x0  }
0x56: {  	[sflag:s13] =	ssyncadd.s32 $0xFFFFFD00  }
.LBB2_1:
0x57: {  	[tilespmem:s4], [sflag:$0x3] =	stream.linear.gather [hbm4b:s8+s4], $0x400, $0x38;
	[tilespmem:$0x4080] =	vst v63  }
0x58: {  	_ =	swait.ge [sflag:s13], $0x400  }
0x59: {  	[sflag:s13] =	ssyncset.done $0x0  }
0x5a: {  	[sflag:s13] =	ssyncadd.s32 $0xFFFFFC00  }
0x5b: {  	s2 =	simm.s32 $0x4000;
	s0 =	rddreg [dreg:$0x2]  }
0x5c: {  	[tilespmem:s2], [sflag:$0x3] =	stream.linear.gather [hbm4b:s0+s4], $0x20, $0x38;
	[tilespmem:$0x4080] =	vst v63  }
0x5d: {  	_ =	swait.ge [sflag:s13], $0x20  }
0x5e: {  	[sflag:s13] =	ssyncset.done $0x0  }
0x5f: {  	[sflag:s13] =	ssyncadd.s32 $0xFFFFFFE0  }
0x60: {  	v2 =	vimm.f32 $0.0e+00;
	v5 =	vld.msk [tilespmem:s5+$0x4000 ss:$0x0], $0xffff;
	[tilespmem:$0x400] =	vst v1  }
0x61: {  	[tilespmem:$0x880] =	vst v2  }
0x62: {  	[tilespmem:$0x410] =	vst v1  }
0x63: {  	[tilespmem:$0x890] =	vst v2  }
0x64: {  	[tilespmem:$0x420] =	vst v1  }
0x65: {  	[tilespmem:$0x8A0] =	vst v2  }
0x66: {  	[tilespmem:$0x430] =	vst v1  }
0x67: {  	[tilespmem:$0x8B0] =	vst v2  }
0x68: {  	[tilespmem:$0x440] =	vst v1  }
0x69: {  	[tilespmem:$0x8C0] =	vst v2  }
0x6a: {  	[tilespmem:$0x450] =	vst v1  }
0x6b: {  	[tilespmem:$0x8D0] =	vst v2  }
0x6c: {  	[tilespmem:$0x460] =	vst v1  }
0x6d: {  	[tilespmem:$0x8E0] =	vst v2  }
0x6e: {  	[tilespmem:$0x470] =	vst v1  }
0x6f: {  	[tilespmem:$0x8F0] =	vst v2  }
0x70: {  	[tilespmem:$0x480] =	vst v1  }
0x71: {  	[tilespmem:$0x900] =	vst v2  }
0x72: {  	[tilespmem:$0x490] =	vst v1  }
0x73: {  	[tilespmem:$0x910] =	vst v2  }
0x74: {  	[tilespmem:$0x4A0] =	vst v1  }
0x75: {  	[tilespmem:$0x920] =	vst v2  }
0x76: {  	[tilespmem:$0x4B0] =	vst v1  }
0x77: {  	[tilespmem:$0x930] =	vst v2  }
0x78: {  	[tilespmem:$0x4C0] =	vst v1  }
0x79: {  	[tilespmem:$0x940] =	vst v2  }
0x7a: {  	[tilespmem:$0x4D0] =	vst v1  }
0x7b: {  	[tilespmem:$0x950] =	vst v2  }
0x7c: {  	[tilespmem:$0x4E0] =	vst v1  }
0x7d: {  	[tilespmem:$0x960] =	vst v2  }
0x7e: {  	[tilespmem:$0x4F0] =	vst v1  }
0x7f: {  	[tilespmem:$0x970] =	vst v2  }
0x80: {  	[tilespmem:$0x500] =	vst v1  }
0x81: {  	[tilespmem:$0x980] =	vst v2  }
0x82: {  	[tilespmem:$0x510] =	vst v1  }
0x83: {  	[tilespmem:$0x990] =	vst v2  }
0x84: {  	[tilespmem:$0x520] =	vst v1  }
0x85: {  	[tilespmem:$0x9A0] =	vst v2  }
0x86: {  	[tilespmem:$0x530] =	vst v1  }
0x87: {  	[tilespmem:$0x9B0] =	vst v2  }
0x88: {  	[tilespmem:$0x540] =	vst v1  }
0x89: {  	[tilespmem:$0x9C0] =	vst v2  }
0x8a: {  	[tilespmem:$0x550] =	vst v1  }
0x8b: {  	[tilespmem:$0x9D0] =	vst v2  }
0x8c: {  	[tilespmem:$0x560] =	vst v1  }
0x8d: {  	[tilespmem:$0x9E0] =	vst v2  }
0x8e: {  	[tilespmem:$0x570] =	vst v1  }
0x8f: {  	[tilespmem:$0x9F0] =	vst v2  }
0x90: {  	[tilespmem:$0x580] =	vst v1  }
0x91: {  	[tilespmem:$0xA00] =	vst v2  }
0x92: {  	[tilespmem:$0x590] =	vst v1  }
0x93: {  	[tilespmem:$0xA10] =	vst v2  }
0x94: {  	[tilespmem:$0x5A0] =	vst v1  }
0x95: {  	[tilespmem:$0xA20] =	vst v2  }
0x96: {  	[tilespmem:$0x5B0] =	vst v1  }
0x97: {  	[tilespmem:$0xA30] =	vst v2  }
0x98: {  	[tilespmem:$0x5C0] =	vst v1  }
0x99: {  	[tilespmem:$0xA40] =	vst v2  }
0x9a: {  	[tilespmem:$0x5D0] =	vst v1  }
0x9b: {  	[tilespmem:$0xA50] =	vst v2  }
0x9c: {  	[tilespmem:$0x5E0] =	vst v1  }
0x9d: {  	[tilespmem:$0xA60] =	vst v2  }
0x9e: {  	[tilespmem:$0x5F0] =	vst v1  }
0x9f: {  	[tilespmem:$0xA70] =	vst v2  }
0xa0: {  	[tilespmem:$0x600] =	vst v1  }
0xa1: {  	[tilespmem:$0xA80] =	vst v2  }
0xa2: {  	[tilespmem:$0x610] =	vst v1  }
0xa3: {  	[tilespmem:$0xA90] =	vst v2  }
0xa4: {  	[tilespmem:$0x620] =	vst v1  }
0xa5: {  	[tilespmem:$0xAA0] =	vst v2  }
0xa6: {  	[tilespmem:$0x630] =	vst v1  }
0xa7: {  	[tilespmem:$0xAB0] =	vst v2  }
0xa8: {  	[tilespmem:$0x640] =	vst v1  }
0xa9: {  	[tilespmem:$0xAC0] =	vst v2  }
0xaa: {  	[tilespmem:$0x650] =	vst v1  }
0xab: {  	[tilespmem:$0xAD0] =	vst v2  }
0xac: {  	[tilespmem:$0x660] =	vst v1  }
0xad: {  	[tilespmem:$0xAE0] =	vst v2  }
0xae: {  	[tilespmem:$0x670] =	vst v1  }
0xaf: {  	[tilespmem:$0xAF0] =	vst v2  }
0xb0: {  	[tilespmem:$0x680] =	vst v1  }
0xb1: {  	[tilespmem:$0xB00] =	vst v2  }
0xb2: {  	[tilespmem:$0x690] =	vst v1  }
0xb3: {  	[tilespmem:$0xB10] =	vst v2  }
0xb4: {  	[tilespmem:$0x6A0] =	vst v1  }
0xb5: {  	[tilespmem:$0xB20] =	vst v2  }
0xb6: {  	[tilespmem:$0x6B0] =	vst v1  }
0xb7: {  	[tilespmem:$0xB30] =	vst v2  }
0xb8: {  	[tilespmem:$0x6C0] =	vst v1  }
0xb9: {  	[tilespmem:$0xB40] =	vst v2  }
0xba: {  	[tilespmem:$0x6D0] =	vst v1  }
0xbb: {  	[tilespmem:$0xB50] =	vst v2  }
0xbc: {  	[tilespmem:$0x6E0] =	vst v1  }
0xbd: {  	[tilespmem:$0xB60] =	vst v2  }
0xbe: {  	[tilespmem:$0x6F0] =	vst v1  }
0xbf: {  	[tilespmem:$0xB70] =	vst v2  }
0xc0: {  	[tilespmem:$0x700] =	vst v1  }
0xc1: {  	[tilespmem:$0xB80] =	vst v2  }
0xc2: {  	[tilespmem:$0x710] =	vst v1  }
0xc3: {  	[tilespmem:$0xB90] =	vst v2  }
0xc4: {  	[tilespmem:$0x720] =	vst v1  }
0xc5: {  	[tilespmem:$0xBA0] =	vst v2  }
0xc6: {  	[tilespmem:$0x730] =	vst v1  }
0xc7: {  	[tilespmem:$0xBB0] =	vst v2  }
0xc8: {  	[tilespmem:$0x740] =	vst v1  }
0xc9: {  	[tilespmem:$0xBC0] =	vst v2  }
0xca: {  	[tilespmem:$0x750] =	vst v1  }
0xcb: {  	[tilespmem:$0xBD0] =	vst v2  }
0xcc: {  	[tilespmem:$0x760] =	vst v1  }
0xcd: {  	[tilespmem:$0xBE0] =	vst v2  }
0xce: {  	[tilespmem:$0x770] =	vst v1  }
0xcf: {  	[tilespmem:$0xBF0] =	vst v2  }
0xd0: {  	[tilespmem:$0x780] =	vst v1  }
0xd1: {  	[tilespmem:$0xC00] =	vst v2  }
0xd2: {  	[tilespmem:$0x790] =	vst v1  }
0xd3: {  	[tilespmem:$0xC10] =	vst v2  }
0xd4: {  	[tilespmem:$0x7A0] =	vst v1  }
0xd5: {  	[tilespmem:$0xC20] =	vst v2  }
0xd6: {  	[tilespmem:$0x7B0] =	vst v1  }
0xd7: {  	[tilespmem:$0xC30] =	vst v2  }
0xd8: {  	[tilespmem:$0x7C0] =	vst v1  }
0xd9: {  	[tilespmem:$0xC40] =	vst v2  }
0xda: {  	[tilespmem:$0x7D0] =	vst v1  }
0xdb: {  	[tilespmem:$0xC50] =	vst v2  }
0xdc: {  	[tilespmem:$0x7E0] =	vst v1  }
0xdd: {  	[tilespmem:$0xC60] =	vst v2  }
0xde: {  	[tilespmem:$0x7F0] =	vst v1  }
0xdf: {  	[tilespmem:$0xC70] =	vst v2  }
0xe0: {  	[tilespmem:$0x800] =	vst v1  }
0xe1: {  	s31 =	simm.s32 $0x0;
	[tilespmem:$0xC80] =	vst v2  }
0xe2: {  	v6 =	vld [tilespmem:s31+$0x0];
	_ =	sdelay $0x4  }
0xe3: {  	vm1 =	vge.f32 v6, v5  }
0xe4: {  	v7 =	vsel vm1, $0x1, v1  }
0xe5: {  	(xrf0) =	vadd.scan.msk.s32 $0xffff, v7;
	_ =	sdelay $0x5  }
0xe6: {  	v8, _, _ =	vpop (xrf0)  }
0xe7: {  	v9 =	vxor.u32 $0x80000000, v8  }
0xe8: {  	v7 =	vmov s4;
	(xrf0) =	vmax.scan.msk.u32 $0xffff, v9  }
0xe9: {  	v7 =	vadd.s32 $0xFFFFFFFF, v7  }
0xea: {  	v7 =	vbroadcast v7, $0x0;
	_ =	sdelay $0x1  }
0xeb: {  	v7 =	vadd.s32 v8, v7;
	_ =	sdelay $0x1  }
0xec: {  	v9, _, _ =	vpop (xrf0)  }
0xed: {  	(v2sf) =	vpush v9, $0xF  }
0xee: {  	v63 =	vor.u32 s7, v0  }
0xef: {  	s14 =	simm.s32 $0x10;
	[tilespmem:v7+s15+$0x0] =	vst.idx.msk vm1, v63  }
0xf0: {  	s3 =	simm.s32 $0x80;
	s2 =	simm.s32 $0x0;
	s0 =	smov.u32 s7;
	[tilespmem:v7+s16+$0x0] =	vst.idx.msk vm1, v6  }
.LBB2_2:
0xf1: {  	p0 =	sne.s32 s3, $0xFC0;
	v6 =	vld [tilespmem:s14+$0x0];
	_ =	sdelay $0x4  }
0xf2: {  	vm1 =	vge.f32 v6, v5  }
0xf3: {  	v7 =	vsel vm1, $0x1, v1  }
0xf4: {  	(xrf0) =	vadd.scan.msk.s32 $0xffff, v7;
	_ =	sdelay $0x3  }
0xf5: {  	s14 =	spop (v2sf)  }
0xf6: {  	s2 =	sadd.s32 s14, s2  }
0xf7: {  	v7, _, _ =	vpop (xrf0);
	s2 =	sadd.s32 $0x80000000, s2  }
0xf8: {  	v8 =	vmov s2;
	v9 =	vxor.u32 $0x80000000, v7  }
0xf9: {  	v8 =	vadd.s32 $0xFFFFFFFF, v8;
	(xrf0) =	vmax.scan.msk.u32 $0xffff, v9  }
0xfa: {  	v8 =	vbroadcast v8, $0x0;
	_ =	sdelay $0x1  }
0xfb: {  	v7 =	vadd.s32 v7, v8;
	_ =	sdelay $0x2  }
.Ltmp2:
0xfc: {  	s0 =	sadd.s32 $0x10, s0;
	v8, _, _ =	vpop (xrf0);
	(pc) =	sbr.rel @p0 .LBB2_2-.Ltmp2, $4  }
0xfd: {  	v9 =	vor.u32 s0, v0;
	(v2sf) =	vpush v8, $0xF  }
0xfe: {  	[tilespmem:v7+s15+$0x0] =	vst.idx.msk vm1, v9  }
0xff: {  	[tilespmem:v7+s16+$0x0] =	vst.idx.msk vm1, v6  }
0x100: {  	s14 =	sshra.s32 s3, $0x2;
	s3 =	sadd.s32 $0x40, s3  }
0x101: {  	v6 =	vld [tilespmem:s14+$0x0];
	_ =	sdelay $0x4  }
0x102: {  	vm1 =	vge.f32 v6, v5  }
0x103: {  	v5 =	vsel vm1, $0x1, v1  }
0x104: {  	(xrf0) =	vadd.scan.msk.s32 $0xffff, v5;
	_ =	sdelay $0x5  }
0x105: {  	v5, _, _ =	vpop (xrf0)  }
0x106: {  	v7 =	vxor.u32 $0x80000000, v5  }
0x107: {  	(xrf0) =	vmax.scan.msk.u32 $0xffff, v7;
	_ =	sdelay $0x5  }
0x108: {  	v7, _, _ =	vpop (xrf0)  }
0x109: {  	(v2sf) =	vpush v7, $0xF;
	_ =	sdelay $0xc  }
0x10a: {  	s3 =	spop (v2sf)  }
0x10b: {  	s2 =	sadd.s32 s3, s2  }
0x10c: {  	s2 =	sadd.s32 $0x80000000, s2;
	s25 =	spop (v2sf)  }
0x10d: {  	v62 =	vmov s2;
	s2 =	sadd.s32 s25, s2  }
0x10e: {  	s28 =	sadd.s32 $0x80000000, s2  }
0x10f: {  	s2 =	sadd.s32 $0x7, s28  }
0x110: {  	s30 =	sand.u32 $0x7, s2  }
0x111: {  	s31 =	sshra.s32 s2, $0x1F;
	p1 =	slt.s32 s2, $0x1;
	p0 =	sne.s32 s30, $0x0  }
0x112: {  	v7 =	vadd.s32 $0xFFFFFFFF, v62;
	s3 =	sshrl.u32 s31, $0x1D;
	p0 =	por !p1, !p0  }
0x113: {  	v7 =	vbroadcast v7, $0x0;
	s2 =	sadd.s32 s3, s2;
	s3 =	simm.s32 $0x1;
	p0 =	por !p0, !p0  }
0x114: {  	s2 =	sshra.s32 s2, $0x3;
	s3 =	simm.s32 @!p0 $0x0  }
0x115: {  	v5 =	vadd.s32 v5, v7;
	s29 =	ssub.s32 s2, s3  }
0x116: {  	p0 =	slt.s32 s29, $0x1  }
.Ltmp3:
0x117: {  	_ = 	snop;
	(pc) =	sbr.rel @p0 .LBB2_4-.Ltmp3, $4  }
0x118: {  	s0 =	sadd.s32 $0x10, s0  }
0x119: {  	v63 =	vor.u32 s0, v0  }
0x11a: {  	[tilespmem:v5+s15+$0x0] =	vst.idx.msk vm1, v63  }
0x11b: {  	[tilespmem:v5+s16+$0x0] =	vst.idx.msk vm1, v6  }
0x11c: {  	v5 =	vld.msk [tilespmem:$0x400], $0xff;
	_ =	sdelay $0x3  }
0x11d: {  	v2 =	vld [tilespmem:$0x1FFE0]  }
0x11e: {  	v6 =	vshrl.u32 v5, $0x3  }
0x11f: {  	v6 =	vmul.u32 $0x30, v6  }
0x120: {  	v5 =	vand.u32 $0x7, v5  }
0x121: {  	v7 =	vimm.f32 $0.0e+00;
	v8 =	vimm.f32 $0.0e+00;
	v5 =	vor.u32 v5, v6  }
0x122: {  	v9 =	vimm.f32 $0.0e+00;
	v10 =	vimm.f32 $0.0e+00;
	v5 =	vperm.xlane v5, v2;
	v2 =	vld [tilespmem:$0x1FFF0]  }
0x123: {  	v11 =	vimm.f32 $0.0e+00;
	v12 =	vimm.f32 $0.0e+00;
	v13 =	vimm.f32 $0.0e+00  }
0x124: {  	v14 =	vimm.f32 $0.0e+00;
	v15 =	vimm.f32 $0.0e+00;
	v16 =	vimm.f32 $0.0e+00  }
0x125: {  	v17 =	vimm.f32 $0.0e+00;
	v18 =	vimm.f32 $0.0e+00;
	v19 =	vimm.f32 $0.0e+00  }
0x126: {  	v20 =	vimm.f32 $0.0e+00;
	v21 =	vimm.f32 $0.0e+00;
	v22 =	vimm.f32 $0.0e+00  }
0x127: {  	v23 =	vimm.f32 $0.0e+00;
	v24 =	vimm.f32 $0.0e+00;
	v44 =	vadd.s32 v2, v5  }
0x128: {  	v25 =	vimm.f32 $0.0e+00;
	v26 =	vimm.f32 $0.0e+00;
	v27 =	vimm.f32 $0.0e+00  }
0x129: {  	v28 =	vimm.f32 $0.0e+00;
	v29 =	vimm.f32 $0.0e+00;
	v30 =	vimm.f32 $0.0e+00  }
0x12a: {  	v31 =	vimm.f32 $0.0e+00;
	v32 =	vimm.f32 $0.0e+00;
	v33 =	vimm.f32 $0.0e+00  }
0x12b: {  	s30 =	simm.s32 $0x0;
	v34 =	vimm.f32 $0.0e+00;
	v35 =	vimm.f32 $0.0e+00;
	v36 =	vimm.f32 $0.0e+00  }
0x12c: {  	v37 =	vimm.f32 $0.0e+00;
	v38 =	vimm.f32 $0.0e+00;
	v39 =	vimm.f32 $0.0e+00;
	[tilespmem:s17], [sflag:$0x1] =	stream.indirect_vreg.gather [hbm4b:s1+s30], $0x80, v44, vm0, $0xb8;
	[tilespmem:$0x4080] =	vst v63  }
.Ltmp4:
0x12d: {  	v40 =	vimm.f32 $0.0e+00;
	v41 =	vimm.f32 $0.0e+00;
	v42 =	vimm.f32 $0.0e+00;
	(pc) =	sbr.rel .LBB2_6-.Ltmp4, $4  }
0x12e: {  	v43 =	vimm.f32 $0.0e+00;
	v45 =	vimm.f32 $0.0e+00;
	v46 =	vimm.f32 $0.0e+00  }
0x12f: {  	v47 =	vimm.f32 $0.0e+00;
	v48 =	vimm.f32 $0.0e+00;
	v49 =	vimm.f32 $0.0e+00;
	[tilespmem:s18], [sflag:$0x1] =	stream.indirect_vreg.gather [hbm4b:s9+s30], $0x80, v44, vm0, $0xb8;
	[tilespmem:$0x4080] =	vst v63  }
0x130: {  	s24 =	simm.s32 $0x880;
	v50 =	vimm.f32 $0.0e+00;
	v51 =	vimm.f32 $0.0e+00;
	v52 =	vimm.f32 $0.0e+00  }
0x131: {  	v6 =	vimm.f32 $0.0e+00;
	v5 =	vimm.f32 $0.0e+00;
	[tilespmem:s19], [sflag:$0x1] =	stream.indirect_vreg.gather [hbm4b:s10+s30], $0x80, v44, vm0, $0xb8;
	v44 =	vimm.f32 $0.0e+00;
	[tilespmem:$0x4080] =	vst v63  }
.LBB2_18:
0x132: {  	v2 =	vld [tilespmem:s0+$0x1430]  }
0x133: {  	v3 =	vld [tilespmem:s0+$0x1440]  }
0x134: {  	v4 =	vld [tilespmem:s0+$0x1450]  }
0x135: {  	v55 =	vmul.f32 v55, v53;
	v61 =	vld [tilespmem:s0+$0x1460]  }
0x136: {  	v16 =	vadd.f32 v60, v16;
	v54 =	vmul.f32 v54, v53;
	v57 =	vmul.f32 v57, v53  }
0x137: {  	v60 =	vmul.f32 v58, v53;
	v15 =	vadd.f32 v59, v15;
	v14 =	vadd.f32 v55, v14  }
0x138: {  	v62 =	vmul.f32 v56, v53;
	v13 =	vadd.f32 v54, v13;
	v12 =	vadd.f32 v57, v12  }
0x139: {  	v11 =	vadd.f32 v60, v11;
	v2 =	vmul.f32 v2, v53;
	v3 =	vmul.f32 v3, v53  }
0x13a: {  	v10 =	vadd.f32 v62, v10;
	v4 =	vmul.f32 v4, v53;
	v63 =	vmul.f32 v61, v53  }
0x13b: {  	v9 =	vadd.f32 v2, v9;
	v8 =	vadd.f32 v3, v8  }
0x13c: {  	v7 =	vadd.f32 v4, v7;
	v6 =	vadd.f32 v63, v6  }
.LBB2_19:
0x13d: {  	p0 =	sne.s32 s30, s29  }
.Ltmp5:
0x13e: {  	_ = 	snop;
	(pc) =	sbr.rel @!p0 .LBB2_20-.Ltmp5, $2  }
0x13f: {  	_ =	sdelay $0x2  }
0x140: {  	s24 =	sadd.s32 $0x8, s24  }
.LBB2_6:
0x141: {  	s0 =	smov.u32 s30;
	s30 =	sadd.s32 $0x1, s30  }
0x142: {  	p1 =	sge.s32 s30, s29  }
.Ltmp6:
0x143: {  	_ = 	snop;
	(pc) =	sbr.rel @p1 .LBB2_9-.Ltmp6, $3  }
0x144: {  	_ =	sdelay $0x1  }
0x145: {  	s2 =	sand.u32 $0x1, s0  }
0x146: {  	p0 =	sne.s32 s2, $0x0  }
0x147: {  	s2 =	sshll.u32 s30, $0x5  }
0x148: {  	s2 =	sshra.s32 s2, $0x2  }
0x149: {  	v53 =	vld.msk [tilespmem:s2+$0x400], $0xff;
	_ =	sdelay $0x3  }
0x14a: {  	v2 =	vld [tilespmem:$0x1FFE0]  }
0x14b: {  	v54 =	vshrl.u32 v53, $0x3  }
0x14c: {  	v54 =	vmul.u32 $0x30, v54  }
0x14d: {  	v53 =	vand.u32 $0x7, v53  }
0x14e: {  	v53 =	vor.u32 v53, v54  }
0x14f: {  	v53 =	vperm.xlane v53, v2;
	v2 =	vld [tilespmem:$0x1FFF0]  }
.Ltmp7:
0x150: {  	_ = 	snop;
	(pc) =	sbr.rel @p0 .LBB2_14-.Ltmp7, $4  }
0x151: {  	s0 =	sshll.u32 s0, $0x3  }
0x152: {  	s2 =	ssub.s32 s28, s0  }
0x153: {  	p1 =	slt.s32 s2, $0x8  }
0x154: {  	s2 =	simm.s32 @!p1 $0x8;
	v53 =	vadd.s32 v2, v53  }
0x155: {  	_ =	sdelay $0x3  }
0x156: {  	[tilespmem:s20], [sflag:$0x2] =	stream.indirect_vreg.gather [hbm4b:s1+s4], $0x80, v53, vm0, $0xb8;
	[tilespmem:$0x4080] =	vst v63  }
.Ltmp8:
0x157: {  	_ = 	snop;
	(pc) =	sbr.rel .LBB2_10-.Ltmp8, $4  }
0x158: {  	_ = 	snop  }
0x159: {  	[tilespmem:s21], [sflag:$0x2] =	stream.indirect_vreg.gather [hbm4b:s9+s4], $0x80, v53, vm0, $0xb8;
	[tilespmem:$0x4080] =	vst v63  }
0x15a: {  	_ = 	snop  }
0x15b: {  	[tilespmem:s22], [sflag:$0x2] =	stream.indirect_vreg.gather [hbm4b:s10+s4], $0x80, v53, vm0, $0xb8;
	[tilespmem:$0x4080] =	vst v63  }
.LBB2_9:
.Ltmp9:
0x15c: {  	(pc) =	sbr.rel @p0 .LBB2_15-.Ltmp9, $4  }
0x15d: {  	s0 =	sshll.u32 s0, $0x3  }
0x15e: {  	s2 =	ssub.s32 s28, s0  }
0x15f: {  	p1 =	slt.s32 s2, $0x8  }
0x160: {  	s2 =	simm.s32 @!p1 $0x8  }
.LBB2_10:
0x161: {  	p0 =	slt.s32 s2, $0x1  }
.Ltmp10:
0x162: {  	_ = 	snop;
	(pc) =	sbr.rel @p0 .LBB2_19-.Ltmp10, $4  }
0x163: {  	_ = 	snop  }
0x164: {  	_ =	swait.ge [sflag:s6], $0x1800  }
0x165: {  	[sflag:s6] =	ssyncset.done $0x0  }
0x166: {  	[sflag:s6] =	ssyncadd.s32 $0xFFFFE800  }
0x167: {  	s0 =	simm.s32 $0x0  }
0x168: {  	s0 =	smul.u32 $0x6000, s0;
	_ =	sdelay $0x1  }
0x169: {  	s0 =	sshra.s32 s0, $0x2  }
0x16a: {  	s0 =	sadd.s32 $0x1000, s0  }
0x16b: {  	v2 =	vld [tilespmem:s0+$0x430];
	_ =	sdelay $0x4  }
0x16c: {  	[tilespmem:$0x1FF60] =	vst v2;
	v2 =	vld [tilespmem:s0+$0x440];
	_ =	sdelay $0x4  }
0x16d: {  	[tilespmem:$0x1FF70] =	vst v2;
	v2 =	vld [tilespmem:s0+$0x450];
	_ =	sdelay $0x4  }
0x16e: {  	[tilespmem:$0x1FF80] =	vst v2;
	v2 =	vld [tilespmem:s0+$0x460];
	_ =	sdelay $0x4  }
0x16f: {  	[tilespmem:$0x1FF90] =	vst v2;
	v2 =	vld [tilespmem:s0+$0x470];
	_ =	sdelay $0x4  }
0x170: {  	[tilespmem:$0x1FFA0] =	vst v2;
	v2 =	vld [tilespmem:s0+$0x800];
	_ =	sdelay $0x1  }
0x171: {  	v53 =	vld.msk [tilespmem:s24+$0x0 ss:$0x0], $0xffff  }
0x172: {  	v54 =	vld [tilespmem:s0+$0x1470]  }
0x173: {  	v55 =	vld [tilespmem:s0+$0x0]  }
0x174: {  	[tilespmem:$0x1FFB0] =	vst v2;
	v2 =	vld [tilespmem:s0+$0x810]  }
0x175: {  	v56 =	vld [tilespmem:s0+$0x10]  }
0x176: {  	v57 =	vld [tilespmem:s0+$0x20]  }
0x177: {  	v58 =	vld [tilespmem:s0+$0x30]  }
0x178: {  	v3 =	vld [tilespmem:s0+$0x410]  }
0x179: {  	[tilespmem:$0x1FFC0] =	vst v2;
	v2 =	vld [tilespmem:s0+$0x820]  }
0x17a: {  	v59 =	vld [tilespmem:s0+$0x40]  }
0x17b: {  	v60 =	vld [tilespmem:s0+$0x50]  }
0x17c: {  	v4 =	vld [tilespmem:s0+$0x420]  }
0x17d: {  	v61 =	vld [tilespmem:s0+$0x60];
	v3 =	vmul.f32 v3, v53  }
0x17e: {  	[tilespmem:$0x1FFD0] =	vst v2;
	v2 =	vld [tilespmem:$0x1FF60]  }
0x17f: {  	v43 =	vadd.f32 v3, v43;
	v3 =	vld [tilespmem:$0x1FF70]  }
0x180: {  	v62 =	vld [tilespmem:s0+$0x70];
	v55 =	vmul.f32 v55, v53  }
0x181: {  	v63 =	vld [tilespmem:s0+$0x400];
	v54 =	vmul.f32 v54, v53;
	v4 =	vmul.f32 v4, v53  }
0x182: {  	v52 =	vadd.f32 v55, v52;
	v55 =	vmul.f32 v58, v53;
	v58 =	vmul.f32 v59, v53;
	v59 =	vld [tilespmem:s0+$0x830]  }
0x183: {  	v5 =	vadd.f32 v54, v5;
	v54 =	vmul.f32 v57, v53;
	v57 =	vld [tilespmem:s0+$0x840];
	v2 =	vmul.f32 v2, v53  }
0x184: {  	v42 =	vadd.f32 v4, v42;
	v3 =	vmul.f32 v3, v53;
	v4 =	vld [tilespmem:$0x1FF90]  }
0x185: {  	v56 =	vmul.f32 v56, v53;
	v41 =	vadd.f32 v2, v41;
	v2 =	vld [tilespmem:$0x1FF80]  }
0x186: {  	v60 =	vmul.f32 v60, v53;
	v40 =	vadd.f32 v3, v40;
	v3 =	vld [tilespmem:$0x1FFA0]  }
0x187: {  	v51 =	vadd.f32 v56, v51;
	v56 =	vld [tilespmem:s0+$0xC00]  }
0x188: {  	v47 =	vadd.f32 v60, v47;
	v48 =	vadd.f32 v58, v48;
	v58 =	vld [tilespmem:s0+$0x850]  }
0x189: {  	v60 =	vmul.f32 v63, v53;
	v49 =	vadd.f32 v55, v49;
	v55 =	vmul.f32 v61, v53;
	v61 =	vld [tilespmem:s0+$0x860]  }
0x18a: {  	v50 =	vadd.f32 v54, v50;
	v54 =	vmul.f32 v62, v53;
	v62 =	vld [tilespmem:s0+$0xC20];
	v2 =	vmul.f32 v2, v53  }
0x18b: {  	v44 =	vadd.f32 v60, v44;
	v60 =	vmul.f32 v4, v53;
	v3 =	vmul.f32 v3, v53;
	v4 =	vld [tilespmem:$0x1FFB0]  }
0x18c: {  	v39 =	vadd.f32 v2, v39;
	v2 =	vld [tilespmem:$0x1FFC0]  }
0x18d: {  	v37 =	vadd.f32 v3, v37;
	v3 =	vld [tilespmem:$0x1FFD0]  }
0x18e: {  	v46 =	vadd.f32 v55, v46;
	v55 =	vld [tilespmem:s0+$0x870];
	v57 =	vmul.f32 v57, v53  }
0x18f: {  	v45 =	vadd.f32 v54, v45;
	v54 =	vld [tilespmem:s0+$0xC10]  }
0x190: {  	v32 =	vadd.f32 v57, v32;
	v57 =	vld [tilespmem:s0+$0x1020]  }
0x191: {  	v38 =	vadd.f32 v60, v38;
	v60 =	vld [tilespmem:s0+$0xC40];
	v63 =	vmul.f32 v4, v53;
	v2 =	vmul.f32 v2, v53  }
0x192: {  	v4 =	vld [tilespmem:s0+$0xC30];
	v3 =	vmul.f32 v3, v53  }
0x193: {  	v36 =	vadd.f32 v63, v36;
	v63 =	vld [tilespmem:s0+$0xC50];
	v35 =	vadd.f32 v2, v35;
	v2 =	vmul.f32 v59, v53  }
0x194: {  	v34 =	vadd.f32 v3, v34;
	v3 =	vmul.f32 v58, v53;
	v58 =	vmul.f32 v61, v53;
	v61 =	vld [tilespmem:s0+$0xC70]  }
0x195: {  	v59 =	vld [tilespmem:s0+$0xC60];
	v33 =	vadd.f32 v2, v33;
	v2 =	vmul.f32 v55, v53  }
0x196: {  	v62 =	vmul.f32 v62, v53;
	v31 =	vadd.f32 v3, v31;
	v3 =	vmul.f32 v56, v53;
	v55 =	vld [tilespmem:s0+$0x1000]  }
0x197: {  	v30 =	vadd.f32 v58, v30;
	v56 =	vld [tilespmem:s0+$0x1010];
	v29 =	vadd.f32 v2, v29;
	v2 =	vmul.f32 v54, v53  }
0x198: {  	v58 =	vld [tilespmem:s0+$0x1030];
	v28 =	vadd.f32 v3, v28;
	v3 =	vmul.f32 v4, v53;
	v4 =	vmul.f32 v60, v53  }
0x199: {  	v26 =	vadd.f32 v62, v26;
	v60 =	vld [tilespmem:s0+$0x1040];
	v27 =	vadd.f32 v2, v27;
	v2 =	vmul.f32 v63, v53  }
0x19a: {  	p0 =	seq.s32 s2, $0x1;
	v25 =	vadd.f32 v3, v25;
	v24 =	vadd.f32 v4, v24;
	v4 =	vld [tilespmem:s0+$0x1050];
	v3 =	vmul.f32 v59, v53  }
.Ltmp11:
0x19b: {  	v62 =	vmul.f32 v55, v53;
	v55 =	vld [tilespmem:s0+$0x1060];
	v23 =	vadd.f32 v2, v23;
	v2 =	vmul.f32 v61, v53;
	(pc) =	sbr.rel @p0 .LBB2_13-.Ltmp11, $4  }
0x19c: {  	v54 =	vld [tilespmem:s0+$0x1070];
	v63 =	vmul.f32 v57, v53;
	v22 =	vadd.f32 v3, v22  }
0x19d: {  	v57 =	vld [tilespmem:s0+$0x1400];
	v3 =	vmul.f32 v56, v53;
	v21 =	vadd.f32 v2, v21;
	v2 =	vmul.f32 v58, v53  }
0x19e: {  	v60 =	vmul.f32 v60, v53;
	v18 =	vadd.f32 v63, v18;
	v20 =	vadd.f32 v62, v20;
	v58 =	vld [tilespmem:s0+$0x1410]  }
0x19f: {  	s3 =	simm.s32 $0x1000;
	s14 =	simm.s32 $0x1;
	s31 =	smov.u32 s24;
	v59 =	vmul.f32 v4, v53;
	v56 =	vld [tilespmem:s0+$0x1420];
	v19 =	vadd.f32 v3, v19;
	v17 =	vadd.f32 v2, v17  }
.LBB2_12:
0x1a0: {  	s25 =	sshrl.u32 s14, $0x3;
	s14 =	sadd.s32 $0x1, s14;
	v16 =	vadd.f32 v60, v16;
	v2 =	vmul.f32 v55, v53;
	v3 =	vld [tilespmem:s0+$0x1430]  }
0x1a1: {  	s25 =	smul.u32 $0x6000, s25;
	p0 =	seq.s32 s2, s14;
	v15 =	vadd.f32 v59, v15;
	v4 =	vmul.f32 v54, v53;
	v54 =	vld [tilespmem:s0+$0x1440]  }
0x1a2: {  	v14 =	vadd.f32 v2, v14;
	v2 =	vmul.f32 v57, v53;
	v55 =	vld [tilespmem:s0+$0x1450]  }
0x1a3: {  	s3 =	sadd.s32 $0x80, s3;
	s31 =	sadd.s32 $0x1, s31;
	s25 =	sshra.s32 s25, $0x2;
	v13 =	vadd.f32 v4, v13;
	v4 =	vmul.f32 v58, v53;
	v57 =	vld [tilespmem:s0+$0x1460]  }
0x1a4: {  	s0 =	sadd.s32 s25, s3;
	v58 =	vld.msk [tilespmem:s31+$0x0 ss:$0x0], $0xffff;
	v12 =	vadd.f32 v2, v12;
	v2 =	vmul.f32 v56, v53  }
0x1a5: {  	v56 =	vld [tilespmem:s0+$0x1470];
	v11 =	vadd.f32 v4, v11;
	v3 =	vmul.f32 v3, v53  }
0x1a6: {  	v4 =	vld [tilespmem:s0+$0x0];
	v10 =	vadd.f32 v2, v10;
	v2 =	vmul.f32 v54, v53  }
0x1a7: {  	v54 =	vld [tilespmem:s0+$0x10];
	v9 =	vadd.f32 v3, v9;
	v3 =	vmul.f32 v55, v53  }
0x1a8: {  	v55 =	vld [tilespmem:s0+$0x20];
	v8 =	vadd.f32 v2, v8;
	v2 =	vmul.f32 v57, v53  }
0x1a9: {  	v57 =	vld [tilespmem:s0+$0x30];
	v7 =	vadd.f32 v3, v7  }
0x1aa: {  	v53 =	vmov v58;
	v3 =	vld [tilespmem:s0+$0x40];
	v56 =	vmul.f32 v56, v58;
	v6 =	vadd.f32 v2, v6  }
0x1ab: {  	v2 =	vmul.f32 v4, v53;
	v4 =	vld [tilespmem:s0+$0x50]  }
0x1ac: {  	v54 =	vmul.f32 v54, v53;
	v58 =	vld [tilespmem:s0+$0x60];
	v5 =	vadd.f32 v56, v5  }
0x1ad: {  	v52 =	vadd.f32 v2, v52;
	v2 =	vmul.f32 v55, v53;
	v55 =	vld [tilespmem:s0+$0x70]  }
0x1ae: {  	v51 =	vadd.f32 v54, v51;
	v54 =	vmul.f32 v57, v53;
	v56 =	vld [tilespmem:s0+$0x400]  }
0x1af: {  	v50 =	vadd.f32 v2, v50;
	v2 =	vmul.f32 v3, v53;
	v3 =	vld [tilespmem:s0+$0x410]  }
0x1b0: {  	v49 =	vadd.f32 v54, v49;
	v4 =	vmul.f32 v4, v53;
	v54 =	vld [tilespmem:s0+$0x420]  }
0x1b1: {  	v48 =	vadd.f32 v2, v48;
	v2 =	vmul.f32 v58, v53;
	v57 =	vld [tilespmem:s0+$0x430]  }
0x1b2: {  	v47 =	vadd.f32 v4, v47;
	v4 =	vmul.f32 v55, v53;
	v55 =	vld [tilespmem:s0+$0x440]  }
0x1b3: {  	v46 =	vadd.f32 v2, v46;
	v2 =	vmul.f32 v56, v53;
	v56 =	vld [tilespmem:s0+$0x450]  }
0x1b4: {  	v45 =	vadd.f32 v4, v45;
	v3 =	vmul.f32 v3, v53;
	v4 =	vld [tilespmem:s0+$0x460]  }
0x1b5: {  	v44 =	vadd.f32 v2, v44;
	v2 =	vmul.f32 v54, v53;
	v54 =	vld [tilespmem:s0+$0x470]  }
0x1b6: {  	v43 =	vadd.f32 v3, v43;
	v3 =	vmul.f32 v57, v53;
	v57 =	vld [tilespmem:s0+$0x800]  }
0x1b7: {  	v42 =	vadd.f32 v2, v42;
	v2 =	vmul.f32 v55, v53;
	v55 =	vld [tilespmem:s0+$0x810]  }
0x1b8: {  	v41 =	vadd.f32 v3, v41;
	v3 =	vmul.f32 v56, v53;
	v56 =	vld [tilespmem:s0+$0x820]  }
0x1b9: {  	v40 =	vadd.f32 v2, v40;
	v2 =	vmul.f32 v4, v53;
	v4 =	vld [tilespmem:s0+$0x830]  }
0x1ba: {  	v39 =	vadd.f32 v3, v39;
	v3 =	vmul.f32 v54, v53;
	v54 =	vld [tilespmem:s0+$0x840]  }
0x1bb: {  	v38 =	vadd.f32 v2, v38;
	v2 =	vmul.f32 v57, v53;
	v57 =	vld [tilespmem:s0+$0x850]  }
0x1bc: {  	v37 =	vadd.f32 v3, v37;
	v3 =	vmul.f32 v55, v53;
	v55 =	vld [tilespmem:s0+$0x860]  }
0x1bd: {  	v36 =	vadd.f32 v2, v36;
	v2 =	vmul.f32 v56, v53;
	v56 =	vld [tilespmem:s0+$0x870]  }
0x1be: {  	v35 =	vadd.f32 v3, v35;
	v3 =	vmul.f32 v4, v53;
	v4 =	vld [tilespmem:s0+$0xC00]  }
0x1bf: {  	v34 =	vadd.f32 v2, v34;
	v2 =	vmul.f32 v54, v53;
	v54 =	vld [tilespmem:s0+$0xC10]  }
0x1c0: {  	v33 =	vadd.f32 v3, v33;
	v3 =	vmul.f32 v57, v53;
	v57 =	vld [tilespmem:s0+$0xC20]  }
0x1c1: {  	v32 =	vadd.f32 v2, v32;
	v2 =	vmul.f32 v55, v53;
	v55 =	vld [tilespmem:s0+$0xC30]  }
0x1c2: {  	v31 =	vadd.f32 v3, v31;
	v3 =	vmul.f32 v56, v53;
	v56 =	vld [tilespmem:s0+$0xC40]  }
0x1c3: {  	v30 =	vadd.f32 v2, v30;
	v2 =	vmul.f32 v4, v53;
	v4 =	vld [tilespmem:s0+$0xC50]  }
0x1c4: {  	v29 =	vadd.f32 v3, v29;
	v3 =	vmul.f32 v54, v53;
	v54 =	vld [tilespmem:s0+$0xC60]  }
0x1c5: {  	v28 =	vadd.f32 v2, v28;
	v2 =	vmul.f32 v57, v53;
	v57 =	vld [tilespmem:s0+$0xC70]  }
0x1c6: {  	v27 =	vadd.f32 v3, v27;
	v3 =	vmul.f32 v55, v53;
	v55 =	vld [tilespmem:s0+$0x1000]  }
0x1c7: {  	v26 =	vadd.f32 v2, v26;
	v2 =	vmul.f32 v56, v53;
	v56 =	vld [tilespmem:s0+$0x1010]  }
0x1c8: {  	v25 =	vadd.f32 v3, v25;
	v3 =	vmul.f32 v4, v53;
	v4 =	vld [tilespmem:s0+$0x1020]  }
0x1c9: {  	v24 =	vadd.f32 v2, v24;
	v2 =	vmul.f32 v54, v53;
	v58 =	vld [tilespmem:s0+$0x1030]  }
0x1ca: {  	v23 =	vadd.f32 v3, v23;
	v3 =	vmul.f32 v57, v53;
	v59 =	vld [tilespmem:s0+$0x1040]  }
0x1cb: {  	v22 =	vadd.f32 v2, v22;
	v2 =	vmul.f32 v55, v53;
	v61 =	vld [tilespmem:s0+$0x1050]  }
.Ltmp12:
0x1cc: {  	v21 =	vadd.f32 v3, v21;
	v3 =	vmul.f32 v56, v53;
	v55 =	vld [tilespmem:s0+$0x1060];
	(pc) =	sbr.rel @!p0 .LBB2_12-.Ltmp12, $4  }
0x1cd: {  	v20 =	vadd.f32 v2, v20;
	v2 =	vmul.f32 v4, v53;
	v54 =	vld [tilespmem:s0+$0x1070]  }
0x1ce: {  	v19 =	vadd.f32 v3, v19;
	v3 =	vmul.f32 v58, v53;
	v57 =	vld [tilespmem:s0+$0x1400]  }
0x1cf: {  	v18 =	vadd.f32 v2, v18;
	v60 =	vmul.f32 v59, v53;
	v58 =	vld [tilespmem:s0+$0x1410]  }
0x1d0: {  	v17 =	vadd.f32 v3, v17;
	v59 =	vmul.f32 v61, v53;
	v56 =	vld [tilespmem:s0+$0x1420]  }
.LBB2_13:
0x1d1: {  	v2 =	vld [tilespmem:s0+$0x1430]  }
0x1d2: {  	v3 =	vld [tilespmem:s0+$0x1440]  }
0x1d3: {  	v4 =	vld [tilespmem:s0+$0x1450]  }
0x1d4: {  	v55 =	vmul.f32 v55, v53;
	v61 =	vld [tilespmem:s0+$0x1460]  }
0x1d5: {  	v16 =	vadd.f32 v60, v16;
	v54 =	vmul.f32 v54, v53;
	v57 =	vmul.f32 v57, v53  }
0x1d6: {  	v15 =	vadd.f32 v59, v15;
	v14 =	vadd.f32 v55, v14;
	v60 =	vmul.f32 v58, v53  }
.Ltmp13:
0x1d7: {  	v13 =	vadd.f32 v54, v13;
	v12 =	vadd.f32 v57, v12;
	v62 =	vmul.f32 v56, v53;
	(pc) =	sbr.rel .LBB2_19-.Ltmp13, $4  }
0x1d8: {  	v11 =	vadd.f32 v60, v11;
	v2 =	vmul.f32 v2, v53;
	v3 =	vmul.f32 v3, v53  }
0x1d9: {  	v4 =	vmul.f32 v4, v53;
	v63 =	vmul.f32 v61, v53;
	v10 =	vadd.f32 v62, v10  }
0x1da: {  	v9 =	vadd.f32 v2, v9;
	v8 =	vadd.f32 v3, v8  }
0x1db: {  	v7 =	vadd.f32 v4, v7;
	v6 =	vadd.f32 v63, v6  }
.LBB2_14:
0x1dc: {  	_ =	sdelay $0x3  }
0x1dd: {  	[tilespmem:s17], [sflag:$0x1] =	stream.indirect_vreg.gather [hbm4b:s1+s4], $0x80, v53, vm0, $0xb8;
	[tilespmem:$0x4080] =	vst v63  }
0x1de: {  	_ = 	snop  }
0x1df: {  	[tilespmem:s18], [sflag:$0x1] =	stream.indirect_vreg.gather [hbm4b:s9+s4], $0x80, v53, vm0, $0xb8;
	[tilespmem:$0x4080] =	vst v63  }
0x1e0: {  	_ = 	snop  }
0x1e1: {  	[tilespmem:s19], [sflag:$0x1] =	stream.indirect_vreg.gather [hbm4b:s10+s4], $0x80, v53, vm0, $0xb8;
	[tilespmem:$0x4080] =	vst v63  }
.LBB2_15:
0x1e2: {  	p0 =	slt.s32 s2, $0x1  }
.Ltmp14:
0x1e3: {  	_ = 	snop;
	(pc) =	sbr.rel @p0 .LBB2_19-.Ltmp14, $4  }
0x1e4: {  	_ = 	snop  }
0x1e5: {  	_ =	swait.ge [sflag:s23], $0x1800  }
0x1e6: {  	[sflag:s23] =	ssyncset.done $0x0  }
0x1e7: {  	[sflag:s23] =	ssyncadd.s32 $0xFFFFE800  }
0x1e8: {  	s0 =	simm.s32 $0x0  }
0x1e9: {  	s0 =	smul.u32 $0x6000, s0;
	_ =	sdelay $0x1  }
0x1ea: {  	s0 =	sshra.s32 s0, $0x2  }
0x1eb: {  	s0 =	sadd.s32 $0x2800, s0  }
0x1ec: {  	v63 =	vld [tilespmem:s0+$0x430];
	_ =	sdelay $0x4  }
0x1ed: {  	[tilespmem:$0x1FEE0] =	vst v63;
	v63 =	vld [tilespmem:s0+$0x440];
	_ =	sdelay $0x3  }
0x1ee: {  	v53 =	vld.msk [tilespmem:s24+$0x0 ss:$0x0], $0xffff  }
0x1ef: {  	[tilespmem:$0x1FEF0] =	vst v63;
	v63 =	vld [tilespmem:s0+$0x450]  }
0x1f0: {  	v2 =	vld [tilespmem:s0+$0x1470]  }
0x1f1: {  	v3 =	vld [tilespmem:s0+$0x0]  }
0x1f2: {  	v54 =	vld [tilespmem:s0+$0x20]  }
0x1f3: {  	v57 =	vld [tilespmem:s0+$0x50]  }
0x1f4: {  	[tilespmem:$0x1FF00] =	vst v63;
	v63 =	vld [tilespmem:s0+$0x460]  }
0x1f5: {  	v55 =	vld [tilespmem:s0+$0x30];
	v2 =	vmul.f32 v2, v53  }
0x1f6: {  	v59 =	vld [tilespmem:s0+$0x70]  }
0x1f7: {  	v58 =	vld [tilespmem:s0+$0x60];
	v5 =	vadd.f32 v2, v5;
	v2 =	vmul.f32 v54, v53  }
0x1f8: {  	v61 =	vld [tilespmem:s0+$0x410];
	v3 =	vmul.f32 v3, v53  }
0x1f9: {  	v50 =	vadd.f32 v2, v50;
	v2 =	vmul.f32 v57, v53;
	[tilespmem:$0x1FF10] =	vst v63;
	v63 =	vld [tilespmem:s0+$0x470]  }
0x1fa: {  	v4 =	vld [tilespmem:s0+$0x10];
	v52 =	vadd.f32 v3, v52;
	v3 =	vmul.f32 v55, v53  }
0x1fb: {  	v56 =	vld [tilespmem:s0+$0x40];
	v47 =	vadd.f32 v2, v47;
	v2 =	vmul.f32 v59, v53  }
0x1fc: {  	v60 =	vld [tilespmem:s0+$0x400];
	v49 =	vadd.f32 v3, v49;
	v3 =	vmul.f32 v58, v53  }
0x1fd: {  	v45 =	vadd.f32 v2, v45;
	v2 =	vld [tilespmem:$0x1FEE0]  }
0x1fe: {  	v46 =	vadd.f32 v3, v46;
	v3 =	vmul.f32 v61, v53;
	[tilespmem:$0x1FF20] =	vst v63;
	v63 =	vld [tilespmem:s0+$0x800]  }
0x1ff: {  	v62 =	vld [tilespmem:s0+$0x420]  }
0x200: {  	v43 =	vadd.f32 v3, v43;
	v3 =	vld [tilespmem:$0x1FEF0]  }
0x201: {  	v54 =	vld [tilespmem:s0+$0x840]  }
0x202: {  	v55 =	vld [tilespmem:s0+$0x850];
	v2 =	vmul.f32 v2, v53  }
0x203: {  	[tilespmem:$0x1FF30] =	vst v63;
	v63 =	vld [tilespmem:s0+$0x810]  }
0x204: {  	v4 =	vmul.f32 v4, v53;
	v41 =	vadd.f32 v2, v41;
	v2 =	vld [tilespmem:$0x1FF00]  }
0x205: {  	v58 =	vld [tilespmem:s0+$0x860];
	v3 =	vmul.f32 v3, v53  }
0x206: {  	v51 =	vadd.f32 v4, v51;
	v4 =	vld [tilespmem:$0x1FF10]  }
0x207: {  	v40 =	vadd.f32 v3, v40;
	v3 =	vld [tilespmem:$0x1FF20]  }
0x208: {  	v57 =	vmul.f32 v60, v53;
	[tilespmem:$0x1FF40] =	vst v63;
	v63 =	vld [tilespmem:s0+$0x820]  }
0x209: {  	v60 =	vld [tilespmem:s0+$0x870];
	v2 =	vmul.f32 v2, v53  }
0x20a: {  	v44 =	vadd.f32 v57, v44;
	v57 =	vld [tilespmem:s0+$0xC00]  }
0x20b: {  	v39 =	vadd.f32 v2, v39;
	v2 =	vld [tilespmem:$0x1FF40]  }
0x20c: {  	v61 =	vmul.f32 v4, v53;
	v3 =	vmul.f32 v3, v53;
	v4 =	vld [tilespmem:$0x1FF30]  }
0x20d: {  	[tilespmem:$0x1FF50] =	vst v63;
	v63 =	vmul.f32 v56, v53;
	v56 =	vld [tilespmem:s0+$0x830]  }
0x20e: {  	v59 =	vmul.f32 v62, v53;
	v37 =	vadd.f32 v3, v37;
	v3 =	vld [tilespmem:$0x1FF50]  }
0x20f: {  	v62 =	vld [tilespmem:s0+$0xC20];
	v54 =	vmul.f32 v54, v53  }
0x210: {  	v42 =	vadd.f32 v59, v42;
	v59 =	vld [tilespmem:s0+$0xC10];
	v2 =	vmul.f32 v2, v53  }
0x211: {  	v32 =	vadd.f32 v54, v32;
	v54 =	vld [tilespmem:s0+$0x1000];
	v48 =	vadd.f32 v63, v48;
	v63 =	vmul.f32 v4, v53  }
0x212: {  	v38 =	vadd.f32 v61, v38;
	v61 =	vld [tilespmem:s0+$0xC40];
	v35 =	vadd.f32 v2, v35;
	v2 =	vmul.f32 v56, v53  }
0x213: {  	v36 =	vadd.f32 v63, v36;
	v63 =	vld [tilespmem:s0+$0xC50];
	v3 =	vmul.f32 v3, v53  }
0x214: {  	v4 =	vld [tilespmem:s0+$0xC30];
	v33 =	vadd.f32 v2, v33;
	v2 =	vmul.f32 v60, v53  }
0x215: {  	v56 =	vld [tilespmem:s0+$0xC60];
	v34 =	vadd.f32 v3, v34;
	v3 =	vmul.f32 v55, v53  }
0x216: {  	v55 =	vmul.f32 v58, v53;
	v58 =	vld [tilespmem:s0+$0xC70];
	v29 =	vadd.f32 v2, v29;
	v2 =	vmul.f32 v59, v53  }
0x217: {  	v60 =	vld [tilespmem:s0+$0x1030];
	v31 =	vadd.f32 v3, v31;
	v3 =	vmul.f32 v57, v53  }
0x218: {  	v59 =	vld [tilespmem:s0+$0x1020];
	v27 =	vadd.f32 v2, v27;
	v2 =	vmul.f32 v63, v53  }
0x219: {  	v57 =	vld [tilespmem:s0+$0x1010];
	v28 =	vadd.f32 v3, v28;
	v3 =	vmul.f32 v4, v53;
	v4 =	vmul.f32 v61, v53  }
0x21a: {  	v30 =	vadd.f32 v55, v30;
	v55 =	vmul.f32 v62, v53;
	v61 =	vld [tilespmem:s0+$0x1040]  }
0x21b: {  	p0 =	sne.s32 s2, $0x1;
	v23 =	vadd.f32 v2, v23;
	v2 =	vmul.f32 v58, v53;
	v24 =	vadd.f32 v4, v24;
	v4 =	vld [tilespmem:s0+$0x1050]  }
.Ltmp15:
0x21c: {  	v26 =	vadd.f32 v55, v26;
	v55 =	vld [tilespmem:s0+$0x1060];
	v25 =	vadd.f32 v3, v25;
	v3 =	vmul.f32 v56, v53;
	(pc) =	sbr.rel @!p0 .LBB2_18-.Ltmp15, $4  }
0x21d: {  	v62 =	vmul.f32 v54, v53;
	v54 =	vld [tilespmem:s0+$0x1070];
	v63 =	vmul.f32 v59, v53;
	v21 =	vadd.f32 v2, v21  }
0x21e: {  	v2 =	vmul.f32 v60, v53;
	v22 =	vadd.f32 v3, v22;
	v3 =	vmul.f32 v57, v53;
	v57 =	vld [tilespmem:s0+$0x1400]  }
0x21f: {  	v20 =	vadd.f32 v62, v20;
	v58 =	vld [tilespmem:s0+$0x1410];
	v18 =	vadd.f32 v63, v18;
	v60 =	vmul.f32 v61, v53  }
0x220: {  	s3 =	simm.s32 $0x2800;
	s14 =	simm.s32 $0x1;
	s31 =	smov.u32 s24;
	v56 =	vld [tilespmem:s0+$0x1420];
	v17 =	vadd.f32 v2, v17;
	v19 =	vadd.f32 v3, v19;
	v59 =	vmul.f32 v4, v53  }
.LBB2_17:
0x221: {  	s25 =	sshrl.u32 s14, $0x3;
	s14 =	sadd.s32 $0x1, s14;
	v16 =	vadd.f32 v60, v16;
	v2 =	vmul.f32 v55, v53;
	v3 =	vld [tilespmem:s0+$0x1430]  }
0x222: {  	v15 =	vadd.f32 v59, v15;
	v4 =	vmul.f32 v54, v53;
	s25 =	smul.u32 $0x6000, s25;
	p0 =	sne.s32 s2, s14;
	v54 =	vld [tilespmem:s0+$0x1440]  }
0x223: {  	v14 =	vadd.f32 v2, v14;
	v2 =	vmul.f32 v57, v53;
	v55 =	vld [tilespmem:s0+$0x1450]  }
0x224: {  	s3 =	sadd.s32 $0x80, s3;
	s31 =	sadd.s32 $0x1, s31;
	v13 =	vadd.f32 v4, v13;
	v4 =	vmul.f32 v58, v53;
	s25 =	sshra.s32 s25, $0x2;
	v57 =	vld [tilespmem:s0+$0x1460]  }
0x225: {  	s0 =	sadd.s32 s25, s3;
	v58 =	vld.msk [tilespmem:s31+$0x0 ss:$0x0], $0xffff;
	v12 =	vadd.f32 v2, v12;
	v2 =	vmul.f32 v56, v53  }
0x226: {  	v11 =	vadd.f32 v4, v11;
	v56 =	vld [tilespmem:s0+$0x1470];
	v3 =	vmul.f32 v3, v53  }
0x227: {  	v4 =	vld [tilespmem:s0+$0x0];
	v10 =	vadd.f32 v2, v10;
	v2 =	vmul.f32 v54, v53  }
0x228: {  	v54 =	vld [tilespmem:s0+$0x10];
	v9 =	vadd.f32 v3, v9;
	v3 =	vmul.f32 v55, v53  }
0x229: {  	v55 =	vld [tilespmem:s0+$0x20];
	v8 =	vadd.f32 v2, v8;
	v2 =	vmul.f32 v57, v53  }
0x22a: {  	v57 =	vld [tilespmem:s0+$0x30];
	v7 =	vadd.f32 v3, v7  }
0x22b: {  	v53 =	vmov v58;
	v3 =	vld [tilespmem:s0+$0x40];
	v56 =	vmul.f32 v56, v58;
	v6 =	vadd.f32 v2, v6  }
0x22c: {  	v2 =	vmul.f32 v4, v53;
	v4 =	vld [tilespmem:s0+$0x50]  }
0x22d: {  	v54 =	vmul.f32 v54, v53;
	v58 =	vld [tilespmem:s0+$0x60];
	v5 =	vadd.f32 v56, v5  }
0x22e: {  	v52 =	vadd.f32 v2, v52;
	v2 =	vmul.f32 v55, v53;
	v55 =	vld [tilespmem:s0+$0x70]  }
0x22f: {  	v51 =	vadd.f32 v54, v51;
	v54 =	vmul.f32 v57, v53;
	v56 =	vld [tilespmem:s0+$0x400]  }
0x230: {  	v50 =	vadd.f32 v2, v50;
	v2 =	vmul.f32 v3, v53;
	v3 =	vld [tilespmem:s0+$0x410]  }
0x231: {  	v49 =	vadd.f32 v54, v49;
	v4 =	vmul.f32 v4, v53;
	v54 =	vld [tilespmem:s0+$0x420]  }
0x232: {  	v48 =	vadd.f32 v2, v48;
	v2 =	vmul.f32 v58, v53;
	v57 =	vld [tilespmem:s0+$0x430]  }
0x233: {  	v47 =	vadd.f32 v4, v47;
	v4 =	vmul.f32 v55, v53;
	v55 =	vld [tilespmem:s0+$0x440]  }
0x234: {  	v46 =	vadd.f32 v2, v46;
	v2 =	vmul.f32 v56, v53;
	v56 =	vld [tilespmem:s0+$0x450]  }
0x235: {  	v45 =	vadd.f32 v4, v45;
	v3 =	vmul.f32 v3, v53;
	v4 =	vld [tilespmem:s0+$0x460]  }
0x236: {  	v44 =	vadd.f32 v2, v44;
	v2 =	vmul.f32 v54, v53;
	v54 =	vld [tilespmem:s0+$0x470]  }
0x237: {  	v43 =	vadd.f32 v3, v43;
	v3 =	vmul.f32 v57, v53;
	v57 =	vld [tilespmem:s0+$0x800]  }
0x238: {  	v42 =	vadd.f32 v2, v42;
	v2 =	vmul.f32 v55, v53;
	v55 =	vld [tilespmem:s0+$0x810]  }
0x239: {  	v41 =	vadd.f32 v3, v41;
	v3 =	vmul.f32 v56, v53;
	v56 =	vld [tilespmem:s0+$0x820]  }
0x23a: {  	v40 =	vadd.f32 v2, v40;
	v2 =	vmul.f32 v4, v53;
	v4 =	vld [tilespmem:s0+$0x830]  }
0x23b: {  	v39 =	vadd.f32 v3, v39;
	v3 =	vmul.f32 v54, v53;
	v54 =	vld [tilespmem:s0+$0x840]  }
0x23c: {  	v38 =	vadd.f32 v2, v38;
	v2 =	vmul.f32 v57, v53;
	v57 =	vld [tilespmem:s0+$0x850]  }
0x23d: {  	v37 =	vadd.f32 v3, v37;
	v3 =	vmul.f32 v55, v53;
	v55 =	vld [tilespmem:s0+$0x860]  }
0x23e: {  	v36 =	vadd.f32 v2, v36;
	v2 =	vmul.f32 v56, v53;
	v56 =	vld [tilespmem:s0+$0x870]  }
0x23f: {  	v35 =	vadd.f32 v3, v35;
	v3 =	vmul.f32 v4, v53;
	v4 =	vld [tilespmem:s0+$0xC00]  }
0x240: {  	v34 =	vadd.f32 v2, v34;
	v2 =	vmul.f32 v54, v53;
	v54 =	vld [tilespmem:s0+$0xC10]  }
0x241: {  	v33 =	vadd.f32 v3, v33;
	v3 =	vmul.f32 v57, v53;
	v57 =	vld [tilespmem:s0+$0xC20]  }
0x242: {  	v32 =	vadd.f32 v2, v32;
	v2 =	vmul.f32 v55, v53;
	v55 =	vld [tilespmem:s0+$0xC30]  }
0x243: {  	v31 =	vadd.f32 v3, v31;
	v3 =	vmul.f32 v56, v53;
	v56 =	vld [tilespmem:s0+$0xC40]  }
0x244: {  	v30 =	vadd.f32 v2, v30;
	v2 =	vmul.f32 v4, v53;
	v4 =	vld [tilespmem:s0+$0xC50]  }
0x245: {  	v29 =	vadd.f32 v3, v29;
	v3 =	vmul.f32 v54, v53;
	v54 =	vld [tilespmem:s0+$0xC60]  }
0x246: {  	v28 =	vadd.f32 v2, v28;
	v2 =	vmul.f32 v57, v53;
	v57 =	vld [tilespmem:s0+$0xC70]  }
0x247: {  	v27 =	vadd.f32 v3, v27;
	v3 =	vmul.f32 v55, v53;
	v55 =	vld [tilespmem:s0+$0x1000]  }
0x248: {  	v26 =	vadd.f32 v2, v26;
	v2 =	vmul.f32 v56, v53;
	v56 =	vld [tilespmem:s0+$0x1010]  }
0x249: {  	v25 =	vadd.f32 v3, v25;
	v3 =	vmul.f32 v4, v53;
	v4 =	vld [tilespmem:s0+$0x1020]  }
0x24a: {  	v24 =	vadd.f32 v2, v24;
	v2 =	vmul.f32 v54, v53;
	v58 =	vld [tilespmem:s0+$0x1030]  }
0x24b: {  	v23 =	vadd.f32 v3, v23;
	v3 =	vmul.f32 v57, v53;
	v59 =	vld [tilespmem:s0+$0x1040]  }
0x24c: {  	v22 =	vadd.f32 v2, v22;
	v2 =	vmul.f32 v55, v53;
	v61 =	vld [tilespmem:s0+$0x1050]  }
.Ltmp16:
0x24d: {  	v21 =	vadd.f32 v3, v21;
	v3 =	vmul.f32 v56, v53;
	v55 =	vld [tilespmem:s0+$0x1060];
	(pc) =	sbr.rel @p0 .LBB2_17-.Ltmp16, $4  }
0x24e: {  	v20 =	vadd.f32 v2, v20;
	v2 =	vmul.f32 v4, v53;
	v54 =	vld [tilespmem:s0+$0x1070]  }
0x24f: {  	v19 =	vadd.f32 v3, v19;
	v3 =	vmul.f32 v58, v53;
	v57 =	vld [tilespmem:s0+$0x1400]  }
0x250: {  	v18 =	vadd.f32 v2, v18;
	v60 =	vmul.f32 v59, v53;
	v58 =	vld [tilespmem:s0+$0x1410]  }
0x251: {  	v17 =	vadd.f32 v3, v17;
	v59 =	vmul.f32 v61, v53;
	v56 =	vld [tilespmem:s0+$0x1420]  }
.Ltmp17:
0x252: {  	_ = 	snop;
	(pc) =	sbr.rel .LBB2_18-.Ltmp17, $1  }
0x253: {  	_ =	sdelay $0x3  }
.LBB2_21:
0x254: {  	_ =	sfence.sel $0x180000  }
0x255: {  	[bflag:$0x0] =	sbarrier.arrive $0xFFFF  }
0x256: {  	_ =	strace $0x90000047  }
0x257: {  	s0 =	stileid.u32;
	[bflag:$0x2] =	sbarrier.arrive $0xFFFF  }
0x258: {  	p0 =	sne.s32 s0, $0x0;
	s0 =	rddreg [dreg:$0x3]  }
0x259: {  	s0 =	sadd.s32 @!p0 $0x100000, s0  }
0x25a: {  	[sflag:s0] =	ssyncadd.tile.s32 @!p0 $0x1;
	_ =	shalt  }
.Lfunc_end2:
_tile_overlayer_lowered:
.L_overlay_start_2:
0x25b: {  	(tag) =	ssettag $0x2  }
0x25c: {  	s0 =	rddreg [dreg:$0x0];
	s2 =	stileid.u32  }
0x25d: {  	s1 =	rddreg [dreg:$0x1];
	p0 =	sne.s32 s2, $0x0  }
0x25e: {  	s3 =	rddreg [dreg:$0x2];
	[bflag:$0x3] =	sbarrier.arrive $0xFFFF;
	s2 =	simm.s32 @!p0 $0x1C03  }
0x25f: {  	[timem:s3], [sflag:s2] =	dma.local @!p0 [hbm:s0], s1  }
0x260: {  	s0 =	simm.s32 @!p0 $0x3  }
0x261: {  	_ =	swait.ge @!p0 [sflag:s0], s1  }
0x262: {  	s1 =	ssub.s32 @!p0 $0x0, s1;
	[sflag:s0] =	ssyncset.done @!p0 $0x0  }
0x263: {  	[sflag:s0] =	ssyncadd.s32 @!p0 s1  }
0x264: {  	[bflag:$0x3] =	sbarrier.arrive $0xFFFF  }
0x265: {  	_ =	shalt  }

</sc_bundles>
